<compile_context>
chip_gen: v7x
topology: tpu7x:2x2x1
jax: 0.10.2.dev20260603
libtpu: 0.0.44.dev20260713+nightly
codegen_flags: <defaults>
</compile_context>

<pallas_src>
import functools

import jax
import jax.numpy as jnp
from jax import lax
from jax.experimental import pallas as pl
from jax.experimental.pallas import tpu as pltpu
from jax.experimental.pallas import tpu_sc as plsc

N = 3200000
NSEG = 16
L = 16
NC, NS = 2, 16
NW = NC * NS
ROWS_W = N // NW
FLAT_W = ROWS_W * 3
CHUNK = 60000
NCHUNK = FLAT_W // CHUNK
GROUP = 3 * L
NEGF = float("-inf")


def _sc_partials(pos_flat, batch):
    mesh = plsc.VectorSubcoreMesh(core_axis_name="c", subcore_axis_name="s")

    @functools.partial(
        pl.kernel,
        mesh=mesh,
        out_type=jax.ShapeDtypeStruct((NW, NSEG * 3, L), jnp.float32),
        scratch_types=[
            pltpu.VMEM((CHUNK,), jnp.float32),
            pltpu.VMEM((NSEG * 3, L), jnp.float32),
            pltpu.VMEM((L,), jnp.int32),
            pltpu.VMEM((L,), jnp.int32),
            pltpu.VMEM((2 * L,), jnp.int32),
            pltpu.SemaphoreType.DMA,
        ],
    )
    def seg_max_kernel(pos_hbm, batch_hbm, out_hbm, buf, accv, idxb, valb,
                       endb, sem):
        cid = lax.axis_index("c")
        sid = lax.axis_index("s")
        wid = sid * NC + cid
        r0 = wid * ROWS_W
        r1 = r0 + ROWS_W
        lanes = lax.iota(jnp.int32, L)
        neg = jnp.full((L,), NEGF, jnp.float32)

        targets = lanes + 1
        lo0 = jnp.full((L,), r0, jnp.int32)
        hi0 = jnp.full((L,), r1, jnp.int32)

        def bs_body(_, carry):
            lo, hi = carry
            active = lo < hi
            mid = lo + lax.shift_right_logical(hi - lo, 1)
            idxb[...] = jnp.minimum(mid, N - 1)
            pltpu.async_copy(batch_hbm.at[idxb], valb, sem).wait()
            v = valb[...]
            ge = v >= targets
            lt = v < targets
            hi = jnp.where(active & ge, mid, hi)
            lo = jnp.where(active & lt, mid + 1, lo)
            return lo, hi

        ends, _ = lax.fori_loop(0, 17, bs_body, (lo0, hi0))
        endb[pl.ds(0, L)] = ends
        endb[pl.ds(L, L)] = jnp.full((L,), r1, jnp.int32)

        bnd = [r0]
        for s in range(NSEG):
            bnd.append(endb[pl.ds(s, L)][0])

        for i in range(NSEG * 3):
            accv[i] = neg

        wf0 = r0 * 3

        def chunk_body(c, _):
            chunk_lo = pl.multiple_of(wf0 + c * CHUNK, 8)
            pltpu.sync_copy(pos_hbm.at[pl.ds(chunk_lo, CHUNK)], buf)
            for s in range(NSEG):
                a = jnp.maximum(bnd[s] * 3, chunk_lo)
                e = jnp.minimum(bnd[s + 1] * 3, chunk_lo + CHUNK)

                @pl.when(a < e)
                def _():
                    g0 = (a - chunk_lo) // GROUP
                    g1 = (e - chunk_lo + (GROUP - 1)) // GROUP

                    def g_body(g, acc):
                        base = chunk_lo + g * GROUP
                        off = g * GROUP
                        new = []
                        for p in range(3):
                            v = buf[pl.ds(off + p * L, L)]
                            fl = base + p * L + lanes
                            m = (fl >= a) & (fl < e)
                            new.append(
                                jnp.maximum(acc[p], jnp.where(m, v, neg)))
                        return tuple(new)

                    acc = lax.fori_loop(g0, g1, g_body, (neg, neg, neg))
                    for p in range(3):
                        accv[3 * s + p] = jnp.maximum(accv[3 * s + p], acc[p])
            return 0

        lax.fori_loop(0, NCHUNK, chunk_body, 0)

        pltpu.sync_copy(accv, out_hbm.at[wid])

    return seg_max_kernel(pos_flat, batch)


def _merge_body(x_ref, o_ref):
    x = x_ref[...].reshape(NW, NSEG, 3, L)
    p_idx = lax.broadcasted_iota(jnp.int32, (NW, NSEG, 3, L), 2)
    l_idx = lax.broadcasted_iota(jnp.int32, (NW, NSEG, 3, L), 3)
    pat = (L * p_idx + l_idx) % 3
    cols = []
    for d in range(3):
        cols.append(jnp.max(jnp.where(pat == d, x, NEGF), axis=(0, 2, 3)))
    o_ref[...] = jnp.stack(cols, axis=1)


def _tc_merge(partials):
    return pl.pallas_call(
        _merge_body,
        out_shape=jax.ShapeDtypeStruct((NSEG, 3), jnp.float32),
    )(partials)


def kernel(pos, batch, W, b):
    partials = _sc_partials(pos.reshape(-1), batch)
    x = _tc_merge(partials)
    new_pos = jnp.zeros((NSEG, 6), dtype=pos.dtype)
    new_batch = jnp.arange(NSEG, dtype=jnp.int64)
    return (x, new_pos, new_batch)

# --- scband reference (transcript-rebuilt; emitter-appended) ---
"""Pipeline reference for scband-global-samodule-pointnet3-4037269258397 (READ-ONLY COPY).

The authoritative reference and input builder live on the scoring server;
editing this copy changes nothing except your own understanding.
"""

import jax, jax.numpy as jnp
import numpy as np

N = 3200000
D = 3
H = 64
NUM_SEGMENTS = 16

def setup_inputs(seed: int = 0) -> dict:
    key = jax.random.key(seed)
    k1, k2, k3 = jax.random.split(key, 3)
    pos = jax.random.normal(k1, (N, D), dtype=jnp.float32)
    batch = jnp.sort(jax.random.randint(k2, (N,), 0, NUM_SEGMENTS, dtype=jnp.int64))
    # learned params of self.nn = Linear(3, 64) + ReLU
    W = jax.random.normal(k3, (D, H), dtype=jnp.float32) * 0.1
    b = jnp.zeros((H,), dtype=jnp.float32)
    return {"pos": pos, "batch": batch, "W": W, "b": b}

def reference(pos, batch, W, b):
    # x = self.nn(pos)  -- computed faithfully, then overwritten (as in the original module)
    h = jax.nn.relu(pos @ W + b)
    del h
    # x = global_max_pool(pos, batch)  -> segment max over batch ids
    x = jax.ops.segment_max(pos, batch, num_segments=NUM_SEGMENTS)
    # pos = pos.new_zeros((x.size(0), 6))
    new_pos = jnp.zeros((x.shape[0], 6), dtype=pos.dtype)
    # batch = torch.arange(x.size(0))
    new_batch = jnp.arange(x.shape[0], dtype=jnp.int64)
    return (x, new_pos, new_batch)

if __name__ == "__main__":
    import jax
    _d = setup_inputs()
    print(jax.jit(kernel)(*tuple(_d.values())))

</pallas_src>

<mosaic_0001>
#map = affine_map<(d0, d1) -> (0)>
#map1 = affine_map<(d0, d1) -> (0, 0, 0)>
module attributes {stable_mosaic.version = 14 : i64} {
  func.func @seg_max_kernel(%arg0: i32, %arg1: i32, %arg2: memref<9600000xf32, #tpu.memory_space<hbm>>, %arg3: memref<3200000xi32, #tpu.memory_space<hbm>>, %arg4: memref<32x48x16xf32, #tpu.memory_space<hbm>>, %arg5: memref<60000xf32, #tpu.memory_space<vmem>>, %arg6: memref<48x16xf32, #tpu.memory_space<vmem>>, %arg7: memref<16xi32, #tpu.memory_space<vmem>>, %arg8: memref<16xi32, #tpu.memory_space<vmem>>, %arg9: memref<32xi32, #tpu.memory_space<vmem>>, %arg10: memref<!tpu.dma_semaphore, #tpu.memory_space<semaphore_mem>>) attributes {dimension_semantics = [#tpu.dimension_semantics<core_parallel>, #tpu.dimension_semantics<subcore_parallel>], iteration_bounds = array<i64: 2, 16>, scalar_prefetch = 0 : i64, scratch_operands = 6 : i64, tpu.core_type = #tpu.core_type<sc_vector_subcore>, window_params = [{transform_indices = #map}, {transform_indices = #map}, {transform_indices = #map1}]} {
    %mul3A = arith.constant 2 : i32
    %mul3A_0 = arith.muli %arg1, %mul3A : i32
    %add3A = arith.addi %mul3A_0, %arg0 : i32
    %mul3A_1 = arith.constant 100000 : i32
    %mul3A_2 = arith.muli %add3A, %mul3A_1 : i32
    %add3A_3 = arith.constant 100000 : i32
    %add3A_4 = arith.addi %mul3A_2, %add3A_3 : i32
    %iota3A = tpu.iota {dimensions = array<i32: 0>} : vector<16xi32>
    %broadcast_in_dim3A = arith.constant 0xFF800000 : f32
    %broadcast_in_dim3A_5 = vector.broadcast %broadcast_in_dim3A : f32 to vector<16xf32>
    %add3A_6 = arith.constant 1 : i32
    %add3A_7 = vector.broadcast %add3A_6 : i32 to vector<16xi32>
    %add3A_8 = arith.addi %iota3A, %add3A_7 : vector<16xi32>
    %broadcast_in_dim3A_9 = vector.broadcast %mul3A_2 : i32 to vector<16xi32>
    %broadcast_in_dim3A_10 = vector.broadcast %add3A_4 : i32 to vector<16xi32>
    %scan3A = arith.constant 0 : i32
    %scan3A_11 = arith.constant 17 : i32
    %scan3A_12 = arith.addi %scan3A, %scan3A_11 : i32
    %scan3A_13 = arith.constant 1 : i32
    %scan3A_14:2 = scf.for %scan3A_398 = %scan3A to %scan3A_12 step %scan3A_13 iter_args(%scan3A_399 = %broadcast_in_dim3A_9, %scan3A_400 = %broadcast_in_dim3A_10) -> (vector<16xi32>, vector<16xi32>)  : i32 {
      %lt3A = arith.cmpi slt, %scan3A_399, %scan3A_400 : vector<16xi32>
      %sub3A = arith.subi %scan3A_400, %scan3A_399 : vector<16xi32>
      %shift_right_logical3A = arith.constant 1 : i32
      %shift_right_logical3A_401 = vector.broadcast %shift_right_logical3A : i32 to vector<16xi32>
      %shift_right_logical3A_402 = arith.shrui %sub3A, %shift_right_logical3A_401 : vector<16xi32>
      %add3A_403 = arith.addi %scan3A_399, %shift_right_logical3A_402 : vector<16xi32>
      %min3A = arith.constant 3199999 : i32
      %min3A_404 = vector.broadcast %min3A : i32 to vector<16xi32>
      %min3A_405 = arith.minsi %add3A_403, %min3A_404 : vector<16xi32>
      %swap3A_406 = arith.constant 0 : index
      %swap3A_407 = tpu.vector_load %arg7[%swap3A_406] {strides = array<i32>} : memref<16xi32, #tpu.memory_space<vmem>>, vector<16xi32>,
      %swap3A_408 = vector.shape_cast %swap3A_407 : vector<16xi32> to vector<16xi32>
      %swap3A_409 = vector.shape_cast %min3A_405 : vector<16xi32> to vector<16xi32>
      tpu.vector_store %arg7[%swap3A_406], %swap3A_409 {strides = array<i32>} : memref<16xi32, #tpu.memory_space<vmem>>, vector<16xi32>,
      %dma_start3A = arith.constant 0 : i32
      %dma_start3A_410 = tpu.memref_slice %arg3[%dma_start3A] : memref<3200000xi32, #tpu.memory_space<hbm>> -> memref<3200000xi32, #tpu.memory_space<hbm>>
      tpu.enqueue_indirect_dma source(%dma_start3A_410 : memref<3200000xi32, #tpu.memory_space<hbm>>) target(%arg8 : memref<16xi32, #tpu.memory_space<vmem>>) offsets(%arg7 : memref<16xi32, #tpu.memory_space<vmem>>) semaphore(%arg10 : memref<!tpu.dma_semaphore, #tpu.memory_space<semaphore_mem>>)
      %dma_wait3A = arith.constant 0 : i32
      %dma_wait3A_411 = tpu.memref_slice %arg3[%dma_wait3A] : memref<3200000xi32, #tpu.memory_space<hbm>> -> memref<3200000xi32, #tpu.memory_space<hbm>>
      tpu.wait_indirect_dma semaphore(%arg10 : memref<!tpu.dma_semaphore, #tpu.memory_space<semaphore_mem>>) src(%dma_wait3A_411 : memref<3200000xi32, #tpu.memory_space<hbm>>) dst(%arg8 : memref<16xi32, #tpu.memory_space<vmem>>)
      %get3A_412 = arith.constant 0 : index
      %get3A_413 = tpu.vector_load %arg8[%get3A_412] {strides = array<i32>} : memref<16xi32, #tpu.memory_space<vmem>>, vector<16xi32>,
      %get3A_414 = vector.shape_cast %get3A_413 : vector<16xi32> to vector<16xi32>
      %ge3A = arith.cmpi sge, %get3A_414, %add3A_8 : vector<16xi32>
      %lt3A_415 = arith.cmpi slt, %get3A_414, %add3A_8 : vector<16xi32>
      %and3A = arith.andi %lt3A, %ge3A : vector<16xi1>
      %select_n3A = arith.select %and3A, %add3A_403, %scan3A_400 : vector<16xi1>, vector<16xi32>
      %and3A_416 = arith.andi %lt3A, %lt3A_415 : vector<16xi1>
      %add3A_417 = arith.constant 1 : i32
      %add3A_418 = vector.broadcast %add3A_417 : i32 to vector<16xi32>
      %add3A_419 = arith.addi %add3A_403, %add3A_418 : vector<16xi32>
      %select_n3A_420 = arith.select %and3A_416, %add3A_419, %scan3A_399 : vector<16xi1>, vector<16xi32>
      scf.yield %select_n3A_420, %select_n3A : vector<16xi32>, vector<16xi32>
    }
    %scan3A_15 = arith.constant 17 : i32
    %swap3A = arith.constant 0 : index
    %swap3A_16 = tpu.vector_load %arg9[%swap3A] {strides = array<i32>} : memref<32xi32, #tpu.memory_space<vmem>>, vector<16xi32>,
    %swap3A_17 = vector.shape_cast %swap3A_16 : vector<16xi32> to vector<16xi32>
    %swap3A_18 = vector.shape_cast %scan3A_14#0 : vector<16xi32> to vector<16xi32>
    tpu.vector_store %arg9[%swap3A], %swap3A_18 {strides = array<i32>} : memref<32xi32, #tpu.memory_space<vmem>>, vector<16xi32>,
    %broadcast_in_dim3A_19 = vector.broadcast %add3A_4 : i32 to vector<16xi32>
    %swap3A_20 = arith.constant 16 : index
    %swap3A_21 = tpu.vector_load %arg9[%swap3A_20] {strides = array<i32>} : memref<32xi32, #tpu.memory_space<vmem>>, vector<16xi32>,
    %swap3A_22 = vector.shape_cast %swap3A_21 : vector<16xi32> to vector<16xi32>
    %swap3A_23 = vector.shape_cast %broadcast_in_dim3A_19 : vector<16xi32> to vector<16xi32>
    tpu.vector_store %arg9[%swap3A_20], %swap3A_23 {strides = array<i32>} : memref<32xi32, #tpu.memory_space<vmem>>, vector<16xi32>,
    %get3A = arith.constant 0 : index
    %get3A_24 = tpu.vector_load %arg9[%get3A] {strides = array<i32>} : memref<32xi32, #tpu.memory_space<vmem>>, vector<16xi32>,
    %get3A_25 = vector.shape_cast %get3A_24 : vector<16xi32> to vector<16xi32>
    %slice3A = vector.extract_strided_slice %get3A_25 {offsets = [0], sizes = [1], strides = [1]} : vector<16xi32> to vector<1xi32>
    %squeeze3A = vector.extract %slice3A[0] : i32 from vector<1xi32>
    %get3A_26 = arith.constant 1 : index
    %get3A_27 = tpu.vector_load %arg9[%get3A_26] {strides = array<i32>} : memref<32xi32, #tpu.memory_space<vmem>>, vector<16xi32>,
    %get3A_28 = vector.shape_cast %get3A_27 : vector<16xi32> to vector<16xi32>
    %slice3A_29 = vector.extract_strided_slice %get3A_28 {offsets = [0], sizes = [1], strides = [1]} : vector<16xi32> to vector<1xi32>
    %squeeze3A_30 = vector.extract %slice3A_29[0] : i32 from vector<1xi32>
    %get3A_31 = arith.constant 2 : index
    %get3A_32 = tpu.vector_load %arg9[%get3A_31] {strides = array<i32>} : memref<32xi32, #tpu.memory_space<vmem>>, vector<16xi32>,
    %get3A_33 = vector.shape_cast %get3A_32 : vector<16xi32> to vector<16xi32>
    %slice3A_34 = vector.extract_strided_slice %get3A_33 {offsets = [0], sizes = [1], strides = [1]} : vector<16xi32> to vector<1xi32>
    %squeeze3A_35 = vector.extract %slice3A_34[0] : i32 from vector<1xi32>
    %get3A_36 = arith.constant 3 : index
    %get3A_37 = tpu.vector_load %arg9[%get3A_36] {strides = array<i32>} : memref<32xi32, #tpu.memory_space<vmem>>, vector<16xi32>,
    %get3A_38 = vector.shape_cast %get3A_37 : vector<16xi32> to vector<16xi32>
    %slice3A_39 = vector.extract_strided_slice %get3A_38 {offsets = [0], sizes = [1], strides = [1]} : vector<16xi32> to vector<1xi32>
    %squeeze3A_40 = vector.extract %slice3A_39[0] : i32 from vector<1xi32>
    %get3A_41 = arith.constant 4 : index
    %get3A_42 = tpu.vector_load %arg9[%get3A_41] {strides = array<i32>} : memref<32xi32, #tpu.memory_space<vmem>>, vector<16xi32>,
    %get3A_43 = vector.shape_cast %get3A_42 : vector<16xi32> to vector<16xi32>
    %slice3A_44 = vector.extract_strided_slice %get3A_43 {offsets = [0], sizes = [1], strides = [1]} : vector<16xi32> to vector<1xi32>
    %squeeze3A_45 = vector.extract %slice3A_44[0] : i32 from vector<1xi32>
    %get3A_46 = arith.constant 5 : index
    %get3A_47 = tpu.vector_load %arg9[%get3A_46] {strides = array<i32>} : memref<32xi32, #tpu.memory_space<vmem>>, vector<16xi32>,
    %get3A_48 = vector.shape_cast %get3A_47 : vector<16xi32> to vector<16xi32>
    %slice3A_49 = vector.extract_strided_slice %get3A_48 {offsets = [0], sizes = [1], strides = [1]} : vector<16xi32> to vector<1xi32>
    %squeeze3A_50 = vector.extract %slice3A_49[0] : i32 from vector<1xi32>
    %get3A_51 = arith.constant 6 : index
    %get3A_52 = tpu.vector_load %arg9[%get3A_51] {strides = array<i32>} : memref<32xi32, #tpu.memory_space<vmem>>, vector<16xi32>,
    %get3A_53 = vector.shape_cast %get3A_52 : vector<16xi32> to vector<16xi32>
    %slice3A_54 = vector.extract_strided_slice %get3A_53 {offsets = [0], sizes = [1], strides = [1]} : vector<16xi32> to vector<1xi32>
    %squeeze3A_55 = vector.extract %slice3A_54[0] : i32 from vector<1xi32>
    %get3A_56 = arith.constant 7 : index
    %get3A_57 = tpu.vector_load %arg9[%get3A_56] {strides = array<i32>} : memref<32xi32, #tpu.memory_space<vmem>>, vector<16xi32>,
    %get3A_58 = vector.shape_cast %get3A_57 : vector<16xi32> to vector<16xi32>
    %slice3A_59 = vector.extract_strided_slice %get3A_58 {offsets = [0], sizes = [1], strides = [1]} : vector<16xi32> to vector<1xi32>
    %squeeze3A_60 = vector.extract %slice3A_59[0] : i32 from vector<1xi32>
    %get3A_61 = arith.constant 8 : index
    %get3A_62 = tpu.vector_load %arg9[%get3A_61] {strides = array<i32>} : memref<32xi32, #tpu.memory_space<vmem>>, vector<16xi32>,
    %get3A_63 = vector.shape_cast %get3A_62 : vector<16xi32> to vector<16xi32>
    %slice3A_64 = vector.extract_strided_slice %get3A_63 {offsets = [0], sizes = [1], strides = [1]} : vector<16xi32> to vector<1xi32>
    %squeeze3A_65 = vector.extract %slice3A_64[0] : i32 from vector<1xi32>
    %get3A_66 = arith.constant 9 : index
    %get3A_67 = tpu.vector_load %arg9[%get3A_66] {strides = array<i32>} : memref<32xi32, #tpu.memory_space<vmem>>, vector<16xi32>,
    %get3A_68 = vector.shape_cast %get3A_67 : vector<16xi32> to vector<16xi32>
    %slice3A_69 = vector.extract_strided_slice %get3A_68 {offsets = [0], sizes = [1], strides = [1]} : vector<16xi32> to vector<1xi32>
    %squeeze3A_70 = vector.extract %slice3A_69[0] : i32 from vector<1xi32>
    %get3A_71 = arith.constant 10 : index
    %get3A_72 = tpu.vector_load %arg9[%get3A_71] {strides = array<i32>} : memref<32xi32, #tpu.memory_space<vmem>>, vector<16xi32>,
    %get3A_73 = vector.shape_cast %get3A_72 : vector<16xi32> to vector<16xi32>
    %slice3A_74 = vector.extract_strided_slice %get3A_73 {offsets = [0], sizes = [1], strides = [1]} : vector<16xi32> to vector<1xi32>
    %squeeze3A_75 = vector.extract %slice3A_74[0] : i32 from vector<1xi32>
    %get3A_76 = arith.constant 11 : index
    %get3A_77 = tpu.vector_load %arg9[%get3A_76] {strides = array<i32>} : memref<32xi32, #tpu.memory_space<vmem>>, vector<16xi32>,
    %get3A_78 = vector.shape_cast %get3A_77 : vector<16xi32> to vector<16xi32>
    %slice3A_79 = vector.extract_strided_slice %get3A_78 {offsets = [0], sizes = [1], strides = [1]} : vector<16xi32> to vector<1xi32>
    %squeeze3A_80 = vector.extract %slice3A_79[0] : i32 from vector<1xi32>
    %get3A_81 = arith.constant 12 : index
    %get3A_82 = tpu.vector_load %arg9[%get3A_81] {strides = array<i32>} : memref<32xi32, #tpu.memory_space<vmem>>, vector<16xi32>,
    %get3A_83 = vector.shape_cast %get3A_82 : vector<16xi32> to vector<16xi32>
    %slice3A_84 = vector.extract_strided_slice %get3A_83 {offsets = [0], sizes = [1], strides = [1]} : vector<16xi32> to vector<1xi32>
    %squeeze3A_85 = vector.extract %slice3A_84[0] : i32 from vector<1xi32>
    %get3A_86 = arith.constant 13 : index
    %get3A_87 = tpu.vector_load %arg9[%get3A_86] {strides = array<i32>} : memref<32xi32, #tpu.memory_space<vmem>>, vector<16xi32>,
    %get3A_88 = vector.shape_cast %get3A_87 : vector<16xi32> to vector<16xi32>
    %slice3A_89 = vector.extract_strided_slice %get3A_88 {offsets = [0], sizes = [1], strides = [1]} : vector<16xi32> to vector<1xi32>
    %squeeze3A_90 = vector.extract %slice3A_89[0] : i32 from vector<1xi32>
    %get3A_91 = arith.constant 14 : index
    %get3A_92 = tpu.vector_load %arg9[%get3A_91] {strides = array<i32>} : memref<32xi32, #tpu.memory_space<vmem>>, vector<16xi32>,
    %get3A_93 = vector.shape_cast %get3A_92 : vector<16xi32> to vector<16xi32>
    %slice3A_94 = vector.extract_strided_slice %get3A_93 {offsets = [0], sizes = [1], strides = [1]} : vector<16xi32> to vector<1xi32>
    %squeeze3A_95 = vector.extract %slice3A_94[0] : i32 from vector<1xi32>
    %get3A_96 = arith.constant 15 : index
    %get3A_97 = tpu.vector_load %arg9[%get3A_96] {strides = array<i32>} : memref<32xi32, #tpu.memory_space<vmem>>, vector<16xi32>,
    %get3A_98 = vector.shape_cast %get3A_97 : vector<16xi32> to vector<16xi32>
    %slice3A_99 = vector.extract_strided_slice %get3A_98 {offsets = [0], sizes = [1], strides = [1]} : vector<16xi32> to vector<1xi32>
    %squeeze3A_100 = vector.extract %slice3A_99[0] : i32 from vector<1xi32>
    %swap3A_101 = arith.constant 0 : i32
    %swap3A_102 = arith.index_cast %swap3A_101 : i32 to index
    %swap3A_103 = arith.constant 0 : index
    %swap3A_104 = tpu.vector_load %arg6[%swap3A_102, %swap3A_103] {strides = array<i32>} : memref<48x16xf32, #tpu.memory_space<vmem>>, vector<1x16xf32>,
    %swap3A_105 = vector.shape_cast %swap3A_104 : vector<1x16xf32> to vector<16xf32>
    %swap3A_106 = vector.shape_cast %broadcast_in_dim3A_5 : vector<16xf32> to vector<1x16xf32>
    tpu.vector_store %arg6[%swap3A_102, %swap3A_103], %swap3A_106 {strides = array<i32>} : memref<48x16xf32, #tpu.memory_space<vmem>>, vector<1x16xf32>,
    %swap3A_107 = arith.constant 1 : i32
    %swap3A_108 = arith.index_cast %swap3A_107 : i32 to index
    %swap3A_109 = arith.constant 0 : index
    %swap3A_110 = tpu.vector_load %arg6[%swap3A_108, %swap3A_109] {strides = array<i32>} : memref<48x16xf32, #tpu.memory_space<vmem>>, vector<1x16xf32>,
    %swap3A_111 = vector.shape_cast %swap3A_110 : vector<1x16xf32> to vector<16xf32>
    %swap3A_112 = vector.shape_cast %broadcast_in_dim3A_5 : vector<16xf32> to vector<1x16xf32>
    tpu.vector_store %arg6[%swap3A_108, %swap3A_109], %swap3A_112 {strides = array<i32>} : memref<48x16xf32, #tpu.memory_space<vmem>>, vector<1x16xf32>,
    %swap3A_113 = arith.constant 2 : i32
    %swap3A_114 = arith.index_cast %swap3A_113 : i32 to index
    %swap3A_115 = arith.constant 0 : index
    %swap3A_116 = tpu.vector_load %arg6[%swap3A_114, %swap3A_115] {strides = array<i32>} : memref<48x16xf32, #tpu.memory_space<vmem>>, vector<1x16xf32>,
    %swap3A_117 = vector.shape_cast %swap3A_116 : vector<1x16xf32> to vector<16xf32>
    %swap3A_118 = vector.shape_cast %broadcast_in_dim3A_5 : vector<16xf32> to vector<1x16xf32>
    tpu.vector_store %arg6[%swap3A_114, %swap3A_115], %swap3A_118 {strides = array<i32>} : memref<48x16xf32, #tpu.memory_space<vmem>>, vector<1x16xf32>,
    %swap3A_119 = arith.constant 3 : i32
    %swap3A_120 = arith.index_cast %swap3A_119 : i32 to index
    %swap3A_121 = arith.constant 0 : index
    %swap3A_122 = tpu.vector_load %arg6[%swap3A_120, %swap3A_121] {strides = array<i32>} : memref<48x16xf32, #tpu.memory_space<vmem>>, vector<1x16xf32>,
    %swap3A_123 = vector.shape_cast %swap3A_122 : vector<1x16xf32> to vector<16xf32>
    %swap3A_124 = vector.shape_cast %broadcast_in_dim3A_5 : vector<16xf32> to vector<1x16xf32>
    tpu.vector_store %arg6[%swap3A_120, %swap3A_121], %swap3A_124 {strides = array<i32>} : memref<48x16xf32, #tpu.memory_space<vmem>>, vector<1x16xf32>,
    %swap3A_125 = arith.constant 4 : i32
    %swap3A_126 = arith.index_cast %swap3A_125 : i32 to index
    %swap3A_127 = arith.constant 0 : index
    %swap3A_128 = tpu.vector_load %arg6[%swap3A_126, %swap3A_127] {strides = array<i32>} : memref<48x16xf32, #tpu.memory_space<vmem>>, vector<1x16xf32>,
    %swap3A_129 = vector.shape_cast %swap3A_128 : vector<1x16xf32> to vector<16xf32>
    %swap3A_130 = vector.shape_cast %broadcast_in_dim3A_5 : vector<16xf32> to vector<1x16xf32>
    tpu.vector_store %arg6[%swap3A_126, %swap3A_127], %swap3A_130 {strides = array<i32>} : memref<48x16xf32, #tpu.memory_space<vmem>>, vector<1x16xf32>,
    %swap3A_131 = arith.constant 5 : i32
    %swap3A_132 = arith.index_cast %swap3A_131 : i32 to index
    %swap3A_133 = arith.constant 0 : index
    %swap3A_134 = tpu.vector_load %arg6[%swap3A_132, %swap3A_133] {strides = array<i32>} : memref<48x16xf32, #tpu.memory_space<vmem>>, vector<1x16xf32>,
    %swap3A_135 = vector.shape_cast %swap3A_134 : vector<1x16xf32> to vector<16xf32>
    %swap3A_136 = vector.shape_cast %broadcast_in_dim3A_5 : vector<16xf32> to vector<1x16xf32>
    tpu.vector_store %arg6[%swap3A_132, %swap3A_133], %swap3A_136 {strides = array<i32>} : memref<48x16xf32, #tpu.memory_space<vmem>>, vector<1x16xf32>,
    %swap3A_137 = arith.constant 6 : i32
    %swap3A_138 = arith.index_cast %swap3A_137 : i32 to index
    %swap3A_139 = arith.constant 0 : index
    %swap3A_140 = tpu.vector_load %arg6[%swap3A_138, %swap3A_139] {strides = array<i32>} : memref<48x16xf32, #tpu.memory_space<vmem>>, vector<1x16xf32>,
    %swap3A_141 = vector.shape_cast %swap3A_140 : vector<1x16xf32> to vector<16xf32>
    %swap3A_142 = vector.shape_cast %broadcast_in_dim3A_5 : vector<16xf32> to vector<1x16xf32>
    tpu.vector_store %arg6[%swap3A_138, %swap3A_139], %swap3A_142 {strides = array<i32>} : memref<48x16xf32, #tpu.memory_space<vmem>>, vector<1x16xf32>,
    %swap3A_143 = arith.constant 7 : i32
    %swap3A_144 = arith.index_cast %swap3A_143 : i32 to index
    %swap3A_145 = arith.constant 0 : index
    %swap3A_146 = tpu.vector_load %arg6[%swap3A_144, %swap3A_145] {strides = array<i32>} : memref<48x16xf32, #tpu.memory_space<vmem>>, vector<1x16xf32>,
    %swap3A_147 = vector.shape_cast %swap3A_146 : vector<1x16xf32> to vector<16xf32>
    %swap3A_148 = vector.shape_cast %broadcast_in_dim3A_5 : vector<16xf32> to vector<1x16xf32>
    tpu.vector_store %arg6[%swap3A_144, %swap3A_145], %swap3A_148 {strides = array<i32>} : memref<48x16xf32, #tpu.memory_space<vmem>>, vector<1x16xf32>,
    %swap3A_149 = arith.constant 8 : i32
    %swap3A_150 = arith.index_cast %swap3A_149 : i32 to index
    %swap3A_151 = arith.constant 0 : index
    %swap3A_152 = tpu.vector_load %arg6[%swap3A_150, %swap3A_151] {strides = array<i32>} : memref<48x16xf32, #tpu.memory_space<vmem>>, vector<1x16xf32>,
    %swap3A_153 = vector.shape_cast %swap3A_152 : vector<1x16xf32> to vector<16xf32>
    %swap3A_154 = vector.shape_cast %broadcast_in_dim3A_5 : vector<16xf32> to vector<1x16xf32>
    tpu.vector_store %arg6[%swap3A_150, %swap3A_151], %swap3A_154 {strides = array<i32>} : memref<48x16xf32, #tpu.memory_space<vmem>>, vector<1x16xf32>,
    %swap3A_155 = arith.constant 9 : i32
    %swap3A_156 = arith.index_cast %swap3A_155 : i32 to index
    %swap3A_157 = arith.constant 0 : index
    %swap3A_158 = tpu.vector_load %arg6[%swap3A_156, %swap3A_157] {strides = array<i32>} : memref<48x16xf32, #tpu.memory_space<vmem>>, vector<1x16xf32>,
    %swap3A_159 = vector.shape_cast %swap3A_158 : vector<1x16xf32> to vector<16xf32>
    %swap3A_160 = vector.shape_cast %broadcast_in_dim3A_5 : vector<16xf32> to vector<1x16xf32>
    tpu.vector_store %arg6[%swap3A_156, %swap3A_157], %swap3A_160 {strides = array<i32>} : memref<48x16xf32, #tpu.memory_space<vmem>>, vector<1x16xf32>,
    %swap3A_161 = arith.constant 10 : i32
    %swap3A_162 = arith.index_cast %swap3A_161 : i32 to index
    %swap3A_163 = arith.constant 0 : index
    %swap3A_164 = tpu.vector_load %arg6[%swap3A_162, %swap3A_163] {strides = array<i32>} : memref<48x16xf32, #tpu.memory_space<vmem>>, vector<1x16xf32>,
    %swap3A_165 = vector.shape_cast %swap3A_164 : vector<1x16xf32> to vector<16xf32>
    %swap3A_166 = vector.shape_cast %broadcast_in_dim3A_5 : vector<16xf32> to vector<1x16xf32>
    tpu.vector_store %arg6[%swap3A_162, %swap3A_163], %swap3A_166 {strides = array<i32>} : memref<48x16xf32, #tpu.memory_space<vmem>>, vector<1x16xf32>,
    %swap3A_167 = arith.constant 11 : i32
    %swap3A_168 = arith.index_cast %swap3A_167 : i32 to index
    %swap3A_169 = arith.constant 0 : index
    %swap3A_170 = tpu.vector_load %arg6[%swap3A_168, %swap3A_169] {strides = array<i32>} : memref<48x16xf32, #tpu.memory_space<vmem>>, vector<1x16xf32>,
    %swap3A_171 = vector.shape_cast %swap3A_170 : vector<1x16xf32> to vector<16xf32>
    %swap3A_172 = vector.shape_cast %broadcast_in_dim3A_5 : vector<16xf32> to vector<1x16xf32>
    tpu.vector_store %arg6[%swap3A_168, %swap3A_169], %swap3A_172 {strides = array<i32>} : memref<48x16xf32, #tpu.memory_space<vmem>>, vector<1x16xf32>,
    %swap3A_173 = arith.constant 12 : i32
    %swap3A_174 = arith.index_cast %swap3A_173 : i32 to index
    %swap3A_175 = arith.constant 0 : index
    %swap3A_176 = tpu.vector_load %arg6[%swap3A_174, %swap3A_175] {strides = array<i32>} : memref<48x16xf32, #tpu.memory_space<vmem>>, vector<1x16xf32>,
    %swap3A_177 = vector.shape_cast %swap3A_176 : vector<1x16xf32> to vector<16xf32>
    %swap3A_178 = vector.shape_cast %broadcast_in_dim3A_5 : vector<16xf32> to vector<1x16xf32>
    tpu.vector_store %arg6[%swap3A_174, %swap3A_175], %swap3A_178 {strides = array<i32>} : memref<48x16xf32, #tpu.memory_space<vmem>>, vector<1x16xf32>,
    %swap3A_179 = arith.constant 13 : i32
    %swap3A_180 = arith.index_cast %swap3A_179 : i32 to index
    %swap3A_181 = arith.constant 0 : index
    %swap3A_182 = tpu.vector_load %arg6[%swap3A_180, %swap3A_181] {strides = array<i32>} : memref<48x16xf32, #tpu.memory_space<vmem>>, vector<1x16xf32>,
    %swap3A_183 = vector.shape_cast %swap3A_182 : vector<1x16xf32> to vector<16xf32>
    %swap3A_184 = vector.shape_cast %broadcast_in_dim3A_5 : vector<16xf32> to vector<1x16xf32>
    tpu.vector_store %arg6[%swap3A_180, %swap3A_181], %swap3A_184 {strides = array<i32>} : memref<48x16xf32, #tpu.memory_space<vmem>>, vector<1x16xf32>,
    %swap3A_185 = arith.constant 14 : i32
    %swap3A_186 = arith.index_cast %swap3A_185 : i32 to index
    %swap3A_187 = arith.constant 0 : index
    %swap3A_188 = tpu.vector_load %arg6[%swap3A_186, %swap3A_187] {strides = array<i32>} : memref<48x16xf32, #tpu.memory_space<vmem>>, vector<1x16xf32>,
    %swap3A_189 = vector.shape_cast %swap3A_188 : vector<1x16xf32> to vector<16xf32>
    %swap3A_190 = vector.shape_cast %broadcast_in_dim3A_5 : vector<16xf32> to vector<1x16xf32>
    tpu.vector_store %arg6[%swap3A_186, %swap3A_187], %swap3A_190 {strides = array<i32>} : memref<48x16xf32, #tpu.memory_space<vmem>>, vector<1x16xf32>,
    %swap3A_191 = arith.constant 15 : i32
    %swap3A_192 = arith.index_cast %swap3A_191 : i32 to index
    %swap3A_193 = arith.constant 0 : index
    %swap3A_194 = tpu.vector_load %arg6[%swap3A_192, %swap3A_193] {strides = array<i32>} : memref<48x16xf32, #tpu.memory_space<vmem>>, vector<1x16xf32>,
    %swap3A_195 = vector.shape_cast %swap3A_194 : vector<1x16xf32> to vector<16xf32>
    %swap3A_196 = vector.shape_cast %broadcast_in_dim3A_5 : vector<16xf32> to vector<1x16xf32>
    tpu.vector_store %arg6[%swap3A_192, %swap3A_193], %swap3A_196 {strides = array<i32>} : memref<48x16xf32, #tpu.memory_space<vmem>>, vector<1x16xf32>,
    %swap3A_197 = arith.constant 16 : i32
    %swap3A_198 = arith.index_cast %swap3A_197 : i32 to index
    %swap3A_199 = arith.constant 0 : index
    %swap3A_200 = tpu.vector_load %arg6[%swap3A_198, %swap3A_199] {strides = array<i32>} : memref<48x16xf32, #tpu.memory_space<vmem>>, vector<1x16xf32>,
    %swap3A_201 = vector.shape_cast %swap3A_200 : vector<1x16xf32> to vector<16xf32>
    %swap3A_202 = vector.shape_cast %broadcast_in_dim3A_5 : vector<16xf32> to vector<1x16xf32>
    tpu.vector_store %arg6[%swap3A_198, %swap3A_199], %swap3A_202 {strides = array<i32>} : memref<48x16xf32, #tpu.memory_space<vmem>>, vector<1x16xf32>,
    %swap3A_203 = arith.constant 17 : i32
    %swap3A_204 = arith.index_cast %swap3A_203 : i32 to index
    %swap3A_205 = arith.constant 0 : index
    %swap3A_206 = tpu.vector_load %arg6[%swap3A_204, %swap3A_205] {strides = array<i32>} : memref<48x16xf32, #tpu.memory_space<vmem>>, vector<1x16xf32>,
    %swap3A_207 = vector.shape_cast %swap3A_206 : vector<1x16xf32> to vector<16xf32>
    %swap3A_208 = vector.shape_cast %broadcast_in_dim3A_5 : vector<16xf32> to vector<1x16xf32>
    tpu.vector_store %arg6[%swap3A_204, %swap3A_205], %swap3A_208 {strides = array<i32>} : memref<48x16xf32, #tpu.memory_space<vmem>>, vector<1x16xf32>,
    %swap3A_209 = arith.constant 18 : i32
    %swap3A_210 = arith.index_cast %swap3A_209 : i32 to index
    %swap3A_211 = arith.constant 0 : index
    %swap3A_212 = tpu.vector_load %arg6[%swap3A_210, %swap3A_211] {strides = array<i32>} : memref<48x16xf32, #tpu.memory_space<vmem>>, vector<1x16xf32>,
    %swap3A_213 = vector.shape_cast %swap3A_212 : vector<1x16xf32> to vector<16xf32>
    %swap3A_214 = vector.shape_cast %broadcast_in_dim3A_5 : vector<16xf32> to vector<1x16xf32>
    tpu.vector_store %arg6[%swap3A_210, %swap3A_211], %swap3A_214 {strides = array<i32>} : memref<48x16xf32, #tpu.memory_space<vmem>>, vector<1x16xf32>,
    %swap3A_215 = arith.constant 19 : i32
    %swap3A_216 = arith.index_cast %swap3A_215 : i32 to index
    %swap3A_217 = arith.constant 0 : index
    %swap3A_218 = tpu.vector_load %arg6[%swap3A_216, %swap3A_217] {strides = array<i32>} : memref<48x16xf32, #tpu.memory_space<vmem>>, vector<1x16xf32>,
    %swap3A_219 = vector.shape_cast %swap3A_218 : vector<1x16xf32> to vector<16xf32>
    %swap3A_220 = vector.shape_cast %broadcast_in_dim3A_5 : vector<16xf32> to vector<1x16xf32>
    tpu.vector_store %arg6[%swap3A_216, %swap3A_217], %swap3A_220 {strides = array<i32>} : memref<48x16xf32, #tpu.memory_space<vmem>>, vector<1x16xf32>,
    %swap3A_221 = arith.constant 20 : i32
    %swap3A_222 = arith.index_cast %swap3A_221 : i32 to index
    %swap3A_223 = arith.constant 0 : index
    %swap3A_224 = tpu.vector_load %arg6[%swap3A_222, %swap3A_223] {strides = array<i32>} : memref<48x16xf32, #tpu.memory_space<vmem>>, vector<1x16xf32>,
    %swap3A_225 = vector.shape_cast %swap3A_224 : vector<1x16xf32> to vector<16xf32>
    %swap3A_226 = vector.shape_cast %broadcast_in_dim3A_5 : vector<16xf32> to vector<1x16xf32>
    tpu.vector_store %arg6[%swap3A_222, %swap3A_223], %swap3A_226 {strides = array<i32>} : memref<48x16xf32, #tpu.memory_space<vmem>>, vector<1x16xf32>,
    %swap3A_227 = arith.constant 21 : i32
    %swap3A_228 = arith.index_cast %swap3A_227 : i32 to index
    %swap3A_229 = arith.constant 0 : index
    %swap3A_230 = tpu.vector_load %arg6[%swap3A_228, %swap3A_229] {strides = array<i32>} : memref<48x16xf32, #tpu.memory_space<vmem>>, vector<1x16xf32>,
    %swap3A_231 = vector.shape_cast %swap3A_230 : vector<1x16xf32> to vector<16xf32>
    %swap3A_232 = vector.shape_cast %broadcast_in_dim3A_5 : vector<16xf32> to vector<1x16xf32>
    tpu.vector_store %arg6[%swap3A_228, %swap3A_229], %swap3A_232 {strides = array<i32>} : memref<48x16xf32, #tpu.memory_space<vmem>>, vector<1x16xf32>,
    %swap3A_233 = arith.constant 22 : i32
    %swap3A_234 = arith.index_cast %swap3A_233 : i32 to index
    %swap3A_235 = arith.constant 0 : index
    %swap3A_236 = tpu.vector_load %arg6[%swap3A_234, %swap3A_235] {strides = array<i32>} : memref<48x16xf32, #tpu.memory_space<vmem>>, vector<1x16xf32>,
    %swap3A_237 = vector.shape_cast %swap3A_236 : vector<1x16xf32> to vector<16xf32>
    %swap3A_238 = vector.shape_cast %broadcast_in_dim3A_5 : vector<16xf32> to vector<1x16xf32>
    tpu.vector_store %arg6[%swap3A_234, %swap3A_235], %swap3A_238 {strides = array<i32>} : memref<48x16xf32, #tpu.memory_space<vmem>>, vector<1x16xf32>,
    %swap3A_239 = arith.constant 23 : i32
    %swap3A_240 = arith.index_cast %swap3A_239 : i32 to index
    %swap3A_241 = arith.constant 0 : index
    %swap3A_242 = tpu.vector_load %arg6[%swap3A_240, %swap3A_241] {strides = array<i32>} : memref<48x16xf32, #tpu.memory_space<vmem>>, vector<1x16xf32>,
    %swap3A_243 = vector.shape_cast %swap3A_242 : vector<1x16xf32> to vector<16xf32>
    %swap3A_244 = vector.shape_cast %broadcast_in_dim3A_5 : vector<16xf32> to vector<1x16xf32>
    tpu.vector_store %arg6[%swap3A_240, %swap3A_241], %swap3A_244 {strides = array<i32>} : memref<48x16xf32, #tpu.memory_space<vmem>>, vector<1x16xf32>,
    %swap3A_245 = arith.constant 24 : i32
    %swap3A_246 = arith.index_cast %swap3A_245 : i32 to index
    %swap3A_247 = arith.constant 0 : index
    %swap3A_248 = tpu.vector_load %arg6[%swap3A_246, %swap3A_247] {strides = array<i32>} : memref<48x16xf32, #tpu.memory_space<vmem>>, vector<1x16xf32>,
    %swap3A_249 = vector.shape_cast %swap3A_248 : vector<1x16xf32> to vector<16xf32>
    %swap3A_250 = vector.shape_cast %broadcast_in_dim3A_5 : vector<16xf32> to vector<1x16xf32>
    tpu.vector_store %arg6[%swap3A_246, %swap3A_247], %swap3A_250 {strides = array<i32>} : memref<48x16xf32, #tpu.memory_space<vmem>>, vector<1x16xf32>,
    %swap3A_251 = arith.constant 25 : i32
    %swap3A_252 = arith.index_cast %swap3A_251 : i32 to index
    %swap3A_253 = arith.constant 0 : index
    %swap3A_254 = tpu.vector_load %arg6[%swap3A_252, %swap3A_253] {strides = array<i32>} : memref<48x16xf32, #tpu.memory_space<vmem>>, vector<1x16xf32>,
    %swap3A_255 = vector.shape_cast %swap3A_254 : vector<1x16xf32> to vector<16xf32>
    %swap3A_256 = vector.shape_cast %broadcast_in_dim3A_5 : vector<16xf32> to vector<1x16xf32>
    tpu.vector_store %arg6[%swap3A_252, %swap3A_253], %swap3A_256 {strides = array<i32>} : memref<48x16xf32, #tpu.memory_space<vmem>>, vector<1x16xf32>,
    %swap3A_257 = arith.constant 26 : i32
    %swap3A_258 = arith.index_cast %swap3A_257 : i32 to index
    %swap3A_259 = arith.constant 0 : index
    %swap3A_260 = tpu.vector_load %arg6[%swap3A_258, %swap3A_259] {strides = array<i32>} : memref<48x16xf32, #tpu.memory_space<vmem>>, vector<1x16xf32>,
    %swap3A_261 = vector.shape_cast %swap3A_260 : vector<1x16xf32> to vector<16xf32>
    %swap3A_262 = vector.shape_cast %broadcast_in_dim3A_5 : vector<16xf32> to vector<1x16xf32>
    tpu.vector_store %arg6[%swap3A_258, %swap3A_259], %swap3A_262 {strides = array<i32>} : memref<48x16xf32, #tpu.memory_space<vmem>>, vector<1x16xf32>,
    %swap3A_263 = arith.constant 27 : i32
    %swap3A_264 = arith.index_cast %swap3A_263 : i32 to index
    %swap3A_265 = arith.constant 0 : index
    %swap3A_266 = tpu.vector_load %arg6[%swap3A_264, %swap3A_265] {strides = array<i32>} : memref<48x16xf32, #tpu.memory_space<vmem>>, vector<1x16xf32>,
    %swap3A_267 = vector.shape_cast %swap3A_266 : vector<1x16xf32> to vector<16xf32>
    %swap3A_268 = vector.shape_cast %broadcast_in_dim3A_5 : vector<16xf32> to vector<1x16xf32>
    tpu.vector_store %arg6[%swap3A_264, %swap3A_265], %swap3A_268 {strides = array<i32>} : memref<48x16xf32, #tpu.memory_space<vmem>>, vector<1x16xf32>,
    %swap3A_269 = arith.constant 28 : i32
    %swap3A_270 = arith.index_cast %swap3A_269 : i32 to index
    %swap3A_271 = arith.constant 0 : index
    %swap3A_272 = tpu.vector_load %arg6[%swap3A_270, %swap3A_271] {strides = array<i32>} : memref<48x16xf32, #tpu.memory_space<vmem>>, vector<1x16xf32>,
    %swap3A_273 = vector.shape_cast %swap3A_272 : vector<1x16xf32> to vector<16xf32>
    %swap3A_274 = vector.shape_cast %broadcast_in_dim3A_5 : vector<16xf32> to vector<1x16xf32>
    tpu.vector_store %arg6[%swap3A_270, %swap3A_271], %swap3A_274 {strides = array<i32>} : memref<48x16xf32, #tpu.memory_space<vmem>>, vector<1x16xf32>,
    %swap3A_275 = arith.constant 29 : i32
    %swap3A_276 = arith.index_cast %swap3A_275 : i32 to index
    %swap3A_277 = arith.constant 0 : index
    %swap3A_278 = tpu.vector_load %arg6[%swap3A_276, %swap3A_277] {strides = array<i32>} : memref<48x16xf32, #tpu.memory_space<vmem>>, vector<1x16xf32>,
    %swap3A_279 = vector.shape_cast %swap3A_278 : vector<1x16xf32> to vector<16xf32>
    %swap3A_280 = vector.shape_cast %broadcast_in_dim3A_5 : vector<16xf32> to vector<1x16xf32>
    tpu.vector_store %arg6[%swap3A_276, %swap3A_277], %swap3A_280 {strides = array<i32>} : memref<48x16xf32, #tpu.memory_space<vmem>>, vector<1x16xf32>,
    %swap3A_281 = arith.constant 30 : i32
    %swap3A_282 = arith.index_cast %swap3A_281 : i32 to index
    %swap3A_283 = arith.constant 0 : index
    %swap3A_284 = tpu.vector_load %arg6[%swap3A_282, %swap3A_283] {strides = array<i32>} : memref<48x16xf32, #tpu.memory_space<vmem>>, vector<1x16xf32>,
    %swap3A_285 = vector.shape_cast %swap3A_284 : vector<1x16xf32> to vector<16xf32>
    %swap3A_286 = vector.shape_cast %broadcast_in_dim3A_5 : vector<16xf32> to vector<1x16xf32>
    tpu.vector_store %arg6[%swap3A_282, %swap3A_283], %swap3A_286 {strides = array<i32>} : memref<48x16xf32, #tpu.memory_space<vmem>>, vector<1x16xf32>,
    %swap3A_287 = arith.constant 31 : i32
    %swap3A_288 = arith.index_cast %swap3A_287 : i32 to index
    %swap3A_289 = arith.constant 0 : index
    %swap3A_290 = tpu.vector_load %arg6[%swap3A_288, %swap3A_289] {strides = array<i32>} : memref<48x16xf32, #tpu.memory_space<vmem>>, vector<1x16xf32>,
    %swap3A_291 = vector.shape_cast %swap3A_290 : vector<1x16xf32> to vector<16xf32>
    %swap3A_292 = vector.shape_cast %broadcast_in_dim3A_5 : vector<16xf32> to vector<1x16xf32>
    tpu.vector_store %arg6[%swap3A_288, %swap3A_289], %swap3A_292 {strides = array<i32>} : memref<48x16xf32, #tpu.memory_space<vmem>>, vector<1x16xf32>,
    %swap3A_293 = arith.constant 32 : i32
    %swap3A_294 = arith.index_cast %swap3A_293 : i32 to index
    %swap3A_295 = arith.constant 0 : index
    %swap3A_296 = tpu.vector_load %arg6[%swap3A_294, %swap3A_295] {strides = array<i32>} : memref<48x16xf32, #tpu.memory_space<vmem>>, vector<1x16xf32>,
    %swap3A_297 = vector.shape_cast %swap3A_296 : vector<1x16xf32> to vector<16xf32>
    %swap3A_298 = vector.shape_cast %broadcast_in_dim3A_5 : vector<16xf32> to vector<1x16xf32>
    tpu.vector_store %arg6[%swap3A_294, %swap3A_295], %swap3A_298 {strides = array<i32>} : memref<48x16xf32, #tpu.memory_space<vmem>>, vector<1x16xf32>,
    %swap3A_299 = arith.constant 33 : i32
    %swap3A_300 = arith.index_cast %swap3A_299 : i32 to index
    %swap3A_301 = arith.constant 0 : index
    %swap3A_302 = tpu.vector_load %arg6[%swap3A_300, %swap3A_301] {strides = array<i32>} : memref<48x16xf32, #tpu.memory_space<vmem>>, vector<1x16xf32>,
    %swap3A_303 = vector.shape_cast %swap3A_302 : vector<1x16xf32> to vector<16xf32>
    %swap3A_304 = vector.shape_cast %broadcast_in_dim3A_5 : vector<16xf32> to vector<1x16xf32>
    tpu.vector_store %arg6[%swap3A_300, %swap3A_301], %swap3A_304 {strides = array<i32>} : memref<48x16xf32, #tpu.memory_space<vmem>>, vector<1x16xf32>,
    %swap3A_305 = arith.constant 34 : i32
    %swap3A_306 = arith.index_cast %swap3A_305 : i32 to index
    %swap3A_307 = arith.constant 0 : index
    %swap3A_308 = tpu.vector_load %arg6[%swap3A_306, %swap3A_307] {strides = array<i32>} : memref<48x16xf32, #tpu.memory_space<vmem>>, vector<1x16xf32>,
    %swap3A_309 = vector.shape_cast %swap3A_308 : vector<1x16xf32> to vector<16xf32>
    %swap3A_310 = vector.shape_cast %broadcast_in_dim3A_5 : vector<16xf32> to vector<1x16xf32>
    tpu.vector_store %arg6[%swap3A_306, %swap3A_307], %swap3A_310 {strides = array<i32>} : memref<48x16xf32, #tpu.memory_space<vmem>>, vector<1x16xf32>,
    %swap3A_311 = arith.constant 35 : i32
    %swap3A_312 = arith.index_cast %swap3A_311 : i32 to index
    %swap3A_313 = arith.constant 0 : index
    %swap3A_314 = tpu.vector_load %arg6[%swap3A_312, %swap3A_313] {strides = array<i32>} : memref<48x16xf32, #tpu.memory_space<vmem>>, vector<1x16xf32>,
    %swap3A_315 = vector.shape_cast %swap3A_314 : vector<1x16xf32> to vector<16xf32>
    %swap3A_316 = vector.shape_cast %broadcast_in_dim3A_5 : vector<16xf32> to vector<1x16xf32>
    tpu.vector_store %arg6[%swap3A_312, %swap3A_313], %swap3A_316 {strides = array<i32>} : memref<48x16xf32, #tpu.memory_space<vmem>>, vector<1x16xf32>,
    %swap3A_317 = arith.constant 36 : i32
    %swap3A_318 = arith.index_cast %swap3A_317 : i32 to index
    %swap3A_319 = arith.constant 0 : index
    %swap3A_320 = tpu.vector_load %arg6[%swap3A_318, %swap3A_319] {strides = array<i32>} : memref<48x16xf32, #tpu.memory_space<vmem>>, vector<1x16xf32>,
    %swap3A_321 = vector.shape_cast %swap3A_320 : vector<1x16xf32> to vector<16xf32>
    %swap3A_322 = vector.shape_cast %broadcast_in_dim3A_5 : vector<16xf32> to vector<1x16xf32>
    tpu.vector_store %arg6[%swap3A_318, %swap3A_319], %swap3A_322 {strides = array<i32>} : memref<48x16xf32, #tpu.memory_space<vmem>>, vector<1x16xf32>,
    %swap3A_323 = arith.constant 37 : i32
    %swap3A_324 = arith.index_cast %swap3A_323 : i32 to index
    %swap3A_325 = arith.constant 0 : index
    %swap3A_326 = tpu.vector_load %arg6[%swap3A_324, %swap3A_325] {strides = array<i32>} : memref<48x16xf32, #tpu.memory_space<vmem>>, vector<1x16xf32>,
    %swap3A_327 = vector.shape_cast %swap3A_326 : vector<1x16xf32> to vector<16xf32>
    %swap3A_328 = vector.shape_cast %broadcast_in_dim3A_5 : vector<16xf32> to vector<1x16xf32>
    tpu.vector_store %arg6[%swap3A_324, %swap3A_325], %swap3A_328 {strides = array<i32>} : memref<48x16xf32, #tpu.memory_space<vmem>>, vector<1x16xf32>,
    %swap3A_329 = arith.constant 38 : i32
    %swap3A_330 = arith.index_cast %swap3A_329 : i32 to index
    %swap3A_331 = arith.constant 0 : index
    %swap3A_332 = tpu.vector_load %arg6[%swap3A_330, %swap3A_331] {strides = array<i32>} : memref<48x16xf32, #tpu.memory_space<vmem>>, vector<1x16xf32>,
    %swap3A_333 = vector.shape_cast %swap3A_332 : vector<1x16xf32> to vector<16xf32>
    %swap3A_334 = vector.shape_cast %broadcast_in_dim3A_5 : vector<16xf32> to vector<1x16xf32>
    tpu.vector_store %arg6[%swap3A_330, %swap3A_331], %swap3A_334 {strides = array<i32>} : memref<48x16xf32, #tpu.memory_space<vmem>>, vector<1x16xf32>,
    %swap3A_335 = arith.constant 39 : i32
    %swap3A_336 = arith.index_cast %swap3A_335 : i32 to index
    %swap3A_337 = arith.constant 0 : index
    %swap3A_338 = tpu.vector_load %arg6[%swap3A_336, %swap3A_337] {strides = array<i32>} : memref<48x16xf32, #tpu.memory_space<vmem>>, vector<1x16xf32>,
    %swap3A_339 = vector.shape_cast %swap3A_338 : vector<1x16xf32> to vector<16xf32>
    %swap3A_340 = vector.shape_cast %broadcast_in_dim3A_5 : vector<16xf32> to vector<1x16xf32>
    tpu.vector_store %arg6[%swap3A_336, %swap3A_337], %swap3A_340 {strides = array<i32>} : memref<48x16xf32, #tpu.memory_space<vmem>>, vector<1x16xf32>,
    %swap3A_341 = arith.constant 40 : i32
    %swap3A_342 = arith.index_cast %swap3A_341 : i32 to index
    %swap3A_343 = arith.constant 0 : index
    %swap3A_344 = tpu.vector_load %arg6[%swap3A_342, %swap3A_343] {strides = array<i32>} : memref<48x16xf32, #tpu.memory_space<vmem>>, vector<1x16xf32>,
    %swap3A_345 = vector.shape_cast %swap3A_344 : vector<1x16xf32> to vector<16xf32>
    %swap3A_346 = vector.shape_cast %broadcast_in_dim3A_5 : vector<16xf32> to vector<1x16xf32>
    tpu.vector_store %arg6[%swap3A_342, %swap3A_343], %swap3A_346 {strides = array<i32>} : memref<48x16xf32, #tpu.memory_space<vmem>>, vector<1x16xf32>,
    %swap3A_347 = arith.constant 41 : i32
    %swap3A_348 = arith.index_cast %swap3A_347 : i32 to index
    %swap3A_349 = arith.constant 0 : index
    %swap3A_350 = tpu.vector_load %arg6[%swap3A_348, %swap3A_349] {strides = array<i32>} : memref<48x16xf32, #tpu.memory_space<vmem>>, vector<1x16xf32>,
    %swap3A_351 = vector.shape_cast %swap3A_350 : vector<1x16xf32> to vector<16xf32>
    %swap3A_352 = vector.shape_cast %broadcast_in_dim3A_5 : vector<16xf32> to vector<1x16xf32>
    tpu.vector_store %arg6[%swap3A_348, %swap3A_349], %swap3A_352 {strides = array<i32>} : memref<48x16xf32, #tpu.memory_space<vmem>>, vector<1x16xf32>,
    %swap3A_353 = arith.constant 42 : i32
    %swap3A_354 = arith.index_cast %swap3A_353 : i32 to index
    %swap3A_355 = arith.constant 0 : index
    %swap3A_356 = tpu.vector_load %arg6[%swap3A_354, %swap3A_355] {strides = array<i32>} : memref<48x16xf32, #tpu.memory_space<vmem>>, vector<1x16xf32>,
    %swap3A_357 = vector.shape_cast %swap3A_356 : vector<1x16xf32> to vector<16xf32>
    %swap3A_358 = vector.shape_cast %broadcast_in_dim3A_5 : vector<16xf32> to vector<1x16xf32>
    tpu.vector_store %arg6[%swap3A_354, %swap3A_355], %swap3A_358 {strides = array<i32>} : memref<48x16xf32, #tpu.memory_space<vmem>>, vector<1x16xf32>,
    %swap3A_359 = arith.constant 43 : i32
    %swap3A_360 = arith.index_cast %swap3A_359 : i32 to index
    %swap3A_361 = arith.constant 0 : index
    %swap3A_362 = tpu.vector_load %arg6[%swap3A_360, %swap3A_361] {strides = array<i32>} : memref<48x16xf32, #tpu.memory_space<vmem>>, vector<1x16xf32>,
    %swap3A_363 = vector.shape_cast %swap3A_362 : vector<1x16xf32> to vector<16xf32>
    %swap3A_364 = vector.shape_cast %broadcast_in_dim3A_5 : vector<16xf32> to vector<1x16xf32>
    tpu.vector_store %arg6[%swap3A_360, %swap3A_361], %swap3A_364 {strides = array<i32>} : memref<48x16xf32, #tpu.memory_space<vmem>>, vector<1x16xf32>,
    %swap3A_365 = arith.constant 44 : i32
    %swap3A_366 = arith.index_cast %swap3A_365 : i32 to index
    %swap3A_367 = arith.constant 0 : index
    %swap3A_368 = tpu.vector_load %arg6[%swap3A_366, %swap3A_367] {strides = array<i32>} : memref<48x16xf32, #tpu.memory_space<vmem>>, vector<1x16xf32>,
    %swap3A_369 = vector.shape_cast %swap3A_368 : vector<1x16xf32> to vector<16xf32>
    %swap3A_370 = vector.shape_cast %broadcast_in_dim3A_5 : vector<16xf32> to vector<1x16xf32>
    tpu.vector_store %arg6[%swap3A_366, %swap3A_367], %swap3A_370 {strides = array<i32>} : memref<48x16xf32, #tpu.memory_space<vmem>>, vector<1x16xf32>,
    %swap3A_371 = arith.constant 45 : i32
    %swap3A_372 = arith.index_cast %swap3A_371 : i32 to index
    %swap3A_373 = arith.constant 0 : index
    %swap3A_374 = tpu.vector_load %arg6[%swap3A_372, %swap3A_373] {strides = array<i32>} : memref<48x16xf32, #tpu.memory_space<vmem>>, vector<1x16xf32>,
    %swap3A_375 = vector.shape_cast %swap3A_374 : vector<1x16xf32> to vector<16xf32>
    %swap3A_376 = vector.shape_cast %broadcast_in_dim3A_5 : vector<16xf32> to vector<1x16xf32>
    tpu.vector_store %arg6[%swap3A_372, %swap3A_373], %swap3A_376 {strides = array<i32>} : memref<48x16xf32, #tpu.memory_space<vmem>>, vector<1x16xf32>,
    %swap3A_377 = arith.constant 46 : i32
    %swap3A_378 = arith.index_cast %swap3A_377 : i32 to index
    %swap3A_379 = arith.constant 0 : index
    %swap3A_380 = tpu.vector_load %arg6[%swap3A_378, %swap3A_379] {strides = array<i32>} : memref<48x16xf32, #tpu.memory_space<vmem>>, vector<1x16xf32>,
    %swap3A_381 = vector.shape_cast %swap3A_380 : vector<1x16xf32> to vector<16xf32>
    %swap3A_382 = vector.shape_cast %broadcast_in_dim3A_5 : vector<16xf32> to vector<1x16xf32>
    tpu.vector_store %arg6[%swap3A_378, %swap3A_379], %swap3A_382 {strides = array<i32>} : memref<48x16xf32, #tpu.memory_space<vmem>>, vector<1x16xf32>,
    %swap3A_383 = arith.constant 47 : i32
    %swap3A_384 = arith.index_cast %swap3A_383 : i32 to index
    %swap3A_385 = arith.constant 0 : index
    %swap3A_386 = tpu.vector_load %arg6[%swap3A_384, %swap3A_385] {strides = array<i32>} : memref<48x16xf32, #tpu.memory_space<vmem>>, vector<1x16xf32>,
    %swap3A_387 = vector.shape_cast %swap3A_386 : vector<1x16xf32> to vector<16xf32>
    %swap3A_388 = vector.shape_cast %broadcast_in_dim3A_5 : vector<16xf32> to vector<1x16xf32>
    tpu.vector_store %arg6[%swap3A_384, %swap3A_385], %swap3A_388 {strides = array<i32>} : memref<48x16xf32, #tpu.memory_space<vmem>>, vector<1x16xf32>,
    %mul3A_389 = arith.constant 3 : i32
    %mul3A_390 = arith.muli %mul3A_2, %mul3A_389 : i32
    %scan3A_391 = arith.constant 0 : i32
    %scan3A_392 = arith.constant 0 : i32
    %scan3A_393 = arith.constant 5 : i32
    %scan3A_394 = arith.addi %scan3A_392, %scan3A_393 : i32
    %scan3A_395 = arith.constant 1 : i32
    %scan3A_396 = scf.for %scan3A_398 = %scan3A_392 to %scan3A_394 step %scan3A_395 iter_args(%scan3A_399 = %scan3A_391) -> (i32)  : i32 {
      %mul3A_400 = arith.constant 60000 : i32
      %mul3A_401 = arith.muli %scan3A_398, %mul3A_400 : i32
      %add3A_402 = arith.addi %mul3A_390, %mul3A_401 : i32
      %multiple_of3A = tpu.assume_multiple %add3A_402, 8 : i32
      "tpu.region"() ({
        %run_scoped3A = tpu.sem_alloc : memref<!tpu.dma_semaphore, #tpu.memory_space<semaphore_mem>>
        %dma_start3A = tpu.memref_slice %arg2[%multiple_of3A] : memref<9600000xf32, #tpu.memory_space<hbm>> -> memref<60000xf32, #tpu.memory_space<hbm>>
        %dma_start3A_591 = tpu.memref_slice %arg2[%multiple_of3A] : memref<9600000xf32, #tpu.memory_space<hbm>> -> memref<60000xf32, #tpu.memory_space<hbm>>
        tpu.enqueue_dma source(%dma_start3A_591 : memref<60000xf32, #tpu.memory_space<hbm>>) target(%arg5 : memref<60000xf32, #tpu.memory_space<vmem>>) target_semaphore(%run_scoped3A : memref<!tpu.dma_semaphore, #tpu.memory_space<semaphore_mem>>)
        %dma_wait3A = tpu.memref_slice %arg2[%multiple_of3A] : memref<9600000xf32, #tpu.memory_space<hbm>> -> memref<60000xf32, #tpu.memory_space<hbm>>
        %dma_wait3A_592 = tpu.memref_slice %arg2[%multiple_of3A] : memref<9600000xf32, #tpu.memory_space<hbm>> -> memref<60000xf32, #tpu.memory_space<hbm>>
        tpu.wait_dma2 semaphore(%run_scoped3A : memref<!tpu.dma_semaphore, #tpu.memory_space<semaphore_mem>>) src(%dma_wait3A_592 : memref<60000xf32, #tpu.memory_space<hbm>>) dst(%arg5 : memref<60000xf32, #tpu.memory_space<vmem>>)
        tpu.yield
      }) : () -> ()
      %mul3A_403 = arith.constant 3 : i32
      %mul3A_404 = arith.muli %mul3A_2, %mul3A_403 : i32
      %max3A = arith.maxsi %mul3A_404, %multiple_of3A : i32
      %mul3A_405 = arith.constant 3 : i32
      %mul3A_406 = arith.muli %squeeze3A, %mul3A_405 : i32
      %add3A_407 = arith.constant 60000 : i32
      %add3A_408 = arith.addi %multiple_of3A, %add3A_407 : i32
      %min3A = arith.minsi %mul3A_406, %add3A_408 : i32
      %lt3A = arith.cmpi slt, %max3A, %min3A : i32
      %convert_element_type3A = arith.extui %lt3A : i1 to i32
      %cond3A = arith.constant 0 : i32
      %cond3A_409 = arith.cmpi ne, %convert_element_type3A, %cond3A : i32
      scf.if %cond3A_409 {
        %sub3A = arith.subi %max3A, %multiple_of3A : i32
        %jit3A = arith.constant 48 : i32
        %div3A = arith.divsi %sub3A, %jit3A : i32
        %sign3A = arith.constant 0 : i32
        %sign3A_591 = arith.cmpi sgt, %sub3A, %sign3A : i32
        %sign3A_592 = arith.extui %sign3A_591 : i1 to i32
        %sign3A_593 = arith.constant 0 : i32
        %sign3A_594 = arith.cmpi slt, %sub3A, %sign3A_593 : i32
        %sign3A_595 = arith.extui %sign3A_594 : i1 to i32
        %sign3A_596 = arith.subi %sign3A_592, %sign3A_595 : i32
        %sign3A_597 = arith.constant 0 : i32
        %sign3A_598 = arith.cmpi sgt, %jit3A, %sign3A_597 : i32
        %sign3A_599 = arith.extui %sign3A_598 : i1 to i32
        %sign3A_600 = arith.constant 0 : i32
        %sign3A_601 = arith.cmpi slt, %jit3A, %sign3A_600 : i32
        %sign3A_602 = arith.extui %sign3A_601 : i1 to i32
        %sign3A_603 = arith.subi %sign3A_599, %sign3A_602 : i32
        %ne3A = arith.cmpi ne, %sign3A_596, %sign3A_603 : i32
        %rem3A = arith.remsi %sub3A, %jit3A : i32
        %ne3A_604 = arith.constant 0 : i32
        %ne3A_605 = arith.cmpi ne, %rem3A, %ne3A_604 : i32
        %and3A = arith.andi %ne3A, %ne3A_605 : i1
        %sub3A_606 = arith.constant 1 : i32
        %sub3A_607 = arith.subi %div3A, %sub3A_606 : i32
        %select_n3A = arith.select %and3A, %sub3A_607, %div3A : i32
        %sub3A_608 = arith.subi %min3A, %multiple_of3A : i32
        %add3A_609 = arith.constant 47 : i32
        %add3A_610 = arith.addi %sub3A_608, %add3A_609 : i32
        %jit3A_611 = arith.constant 48 : i32
        %div3A_612 = arith.divsi %add3A_610, %jit3A_611 : i32
        %sign3A_613 = arith.constant 0 : i32
        %sign3A_614 = arith.cmpi sgt, %add3A_610, %sign3A_613 : i32
        %sign3A_615 = arith.extui %sign3A_614 : i1 to i32
        %sign3A_616 = arith.constant 0 : i32
        %sign3A_617 = arith.cmpi slt, %add3A_610, %sign3A_616 : i32
        %sign3A_618 = arith.extui %sign3A_617 : i1 to i32
        %sign3A_619 = arith.subi %sign3A_615, %sign3A_618 : i32
        %sign3A_620 = arith.constant 0 : i32
        %sign3A_621 = arith.cmpi sgt, %jit3A_611, %sign3A_620 : i32
        %sign3A_622 = arith.extui %sign3A_621 : i1 to i32
        %sign3A_623 = arith.constant 0 : i32
        %sign3A_624 = arith.cmpi slt, %jit3A_611, %sign3A_623 : i32
        %sign3A_625 = arith.extui %sign3A_624 : i1 to i32
        %sign3A_626 = arith.subi %sign3A_622, %sign3A_625 : i32
        %ne3A_627 = arith.cmpi ne, %sign3A_619, %sign3A_626 : i32
        %rem3A_628 = arith.remsi %add3A_610, %jit3A_611 : i32
        %ne3A_629 = arith.constant 0 : i32
        %ne3A_630 = arith.cmpi ne, %rem3A_628, %ne3A_629 : i32
        %and3A_631 = arith.andi %ne3A_627, %ne3A_630 : i1
        %sub3A_632 = arith.constant 1 : i32
        %sub3A_633 = arith.subi %div3A_612, %sub3A_632 : i32
        %select_n3A_634 = arith.select %and3A_631, %sub3A_633, %div3A_612 : i32
        %while3A = arith.subi %select_n3A_634, %select_n3A : i32
        %while3A_635 = arith.addi %select_n3A, %while3A : i32
        %while3A_636 = arith.constant 1 : i32
        %while3A_637 = arith.divsi %while3A, %while3A_636 : i32
        %while3A_638 = arith.muli %while3A_637, %while3A_636 : i32
        %while3A_639 = arith.addi %select_n3A, %while3A_638 : i32
        %while3A_640 = arith.constant 1 : i32
        %while3A_641:3 = scf.for %while3A_680 = %select_n3A to %while3A_639 step %while3A_640 iter_args(%while3A_681 = %broadcast_in_dim3A_5, %while3A_682 = %broadcast_in_dim3A_5, %while3A_683 = %broadcast_in_dim3A_5) -> (vector<16xf32>, vector<16xf32>, vector<16xf32>)  : i32 {
          %mul3A_684 = arith.constant 48 : i32
          %mul3A_685 = arith.muli %while3A_680, %mul3A_684 : i32
          %add3A_686 = arith.addi %multiple_of3A, %mul3A_685 : i32
          %mul3A_687 = arith.constant 48 : i32
          %mul3A_688 = arith.muli %while3A_680, %mul3A_687 : i32
          %add3A_689 = arith.constant 0 : i32
          %add3A_690 = arith.addi %mul3A_688, %add3A_689 : i32
          %get3A_691 = arith.index_cast %add3A_690 : i32 to index
          %get3A_692 = tpu.vector_load %arg5[%get3A_691] {strides = array<i32>} : memref<60000xf32, #tpu.memory_space<vmem>>, vector<16xf32>,
          %get3A_693 = vector.shape_cast %get3A_692 : vector<16xf32> to vector<16xf32>
          %add3A_694 = arith.constant 0 : i32
          %add3A_695 = arith.addi %add3A_686, %add3A_694 : i32
          %add3A_696 = vector.broadcast %add3A_695 : i32 to vector<16xi32>
          %add3A_697 = arith.addi %add3A_696, %iota3A : vector<16xi32>
          %ge3A = vector.broadcast %max3A : i32 to vector<16xi32>
          %ge3A_698 = arith.cmpi sge, %add3A_697, %ge3A : vector<16xi32>
          %lt3A_699 = vector.broadcast %min3A : i32 to vector<16xi32>
          %lt3A_700 = arith.cmpi slt, %add3A_697, %lt3A_699 : vector<16xi32>
          %and3A_701 = arith.andi %ge3A_698, %lt3A_700 : vector<16xi1>
          %select_n3A_702 = arith.select %and3A_701, %get3A_693, %broadcast_in_dim3A_5 : vector<16xi1>, vector<16xf32>
          %max3A_703 = arith.maximumf %while3A_681, %select_n3A_702 : vector<16xf32>
          %add3A_704 = arith.constant 16 : i32
          %add3A_705 = arith.addi %mul3A_688, %add3A_704 : i32
          %get3A_706 = arith.index_cast %add3A_705 : i32 to index
          %get3A_707 = tpu.vector_load %arg5[%get3A_706] {strides = array<i32>} : memref<60000xf32, #tpu.memory_space<vmem>>, vector<16xf32>,
          %get3A_708 = vector.shape_cast %get3A_707 : vector<16xf32> to vector<16xf32>
          %add3A_709 = arith.constant 16 : i32
          %add3A_710 = arith.addi %add3A_686, %add3A_709 : i32
          %add3A_711 = vector.broadcast %add3A_710 : i32 to vector<16xi32>
          %add3A_712 = arith.addi %add3A_711, %iota3A : vector<16xi32>
          %ge3A_713 = vector.broadcast %max3A : i32 to vector<16xi32>
          %ge3A_714 = arith.cmpi sge, %add3A_712, %ge3A_713 : vector<16xi32>
          %lt3A_715 = vector.broadcast %min3A : i32 to vector<16xi32>
          %lt3A_716 = arith.cmpi slt, %add3A_712, %lt3A_715 : vector<16xi32>
          %and3A_717 = arith.andi %ge3A_714, %lt3A_716 : vector<16xi1>
          %select_n3A_718 = arith.select %and3A_717, %get3A_708, %broadcast_in_dim3A_5 : vector<16xi1>, vector<16xf32>
          %max3A_719 = arith.maximumf %while3A_682, %select_n3A_718 : vector<16xf32>
          %add3A_720 = arith.constant 32 : i32
          %add3A_721 = arith.addi %mul3A_688, %add3A_720 : i32
          %get3A_722 = arith.index_cast %add3A_721 : i32 to index
          %get3A_723 = tpu.vector_load %arg5[%get3A_722] {strides = array<i32>} : memref<60000xf32, #tpu.memory_space<vmem>>, vector<16xf32>,
          %get3A_724 = vector.shape_cast %get3A_723 : vector<16xf32> to vector<16xf32>
          %add3A_725 = arith.constant 32 : i32
          %add3A_726 = arith.addi %add3A_686, %add3A_725 : i32
          %add3A_727 = vector.broadcast %add3A_726 : i32 to vector<16xi32>
          %add3A_728 = arith.addi %add3A_727, %iota3A : vector<16xi32>
          %ge3A_729 = vector.broadcast %max3A : i32 to vector<16xi32>
          %ge3A_730 = arith.cmpi sge, %add3A_728, %ge3A_729 : vector<16xi32>
          %lt3A_731 = vector.broadcast %min3A : i32 to vector<16xi32>
          %lt3A_732 = arith.cmpi slt, %add3A_728, %lt3A_731 : vector<16xi32>
          %and3A_733 = arith.andi %ge3A_730, %lt3A_732 : vector<16xi1>
          %select_n3A_734 = arith.select %and3A_733, %get3A_724, %broadcast_in_dim3A_5 : vector<16xi1>, vector<16xf32>
          %max3A_735 = arith.maximumf %while3A_683, %select_n3A_734 : vector<16xf32>
          scf.yield %max3A_703, %max3A_719, %max3A_735 : vector<16xf32>, vector<16xf32>, vector<16xf32>
        }
        %while3A_642 = arith.constant 1 : i32
        %while3A_643:3 = scf.for %while3A_680 = %while3A_639 to %while3A_635 step %while3A_642 iter_args(%while3A_681 = %while3A_641#0, %while3A_682 = %while3A_641#1, %while3A_683 = %while3A_641#2) -> (vector<16xf32>, vector<16xf32>, vector<16xf32>)  : i32 {
          %mul3A_684 = arith.constant 48 : i32
          %mul3A_685 = arith.muli %while3A_680, %mul3A_684 : i32
          %add3A_686 = arith.addi %multiple_of3A, %mul3A_685 : i32
          %mul3A_687 = arith.constant 48 : i32
          %mul3A_688 = arith.muli %while3A_680, %mul3A_687 : i32
          %add3A_689 = arith.constant 0 : i32
          %add3A_690 = arith.addi %mul3A_688, %add3A_689 : i32
          %get3A_691 = arith.index_cast %add3A_690 : i32 to index
          %get3A_692 = tpu.vector_load %arg5[%get3A_691] {strides = array<i32>} : memref<60000xf32, #tpu.memory_space<vmem>>, vector<16xf32>,
          %get3A_693 = vector.shape_cast %get3A_692 : vector<16xf32> to vector<16xf32>
          %add3A_694 = arith.constant 0 : i32
          %add3A_695 = arith.addi %add3A_686, %add3A_694 : i32
          %add3A_696 = vector.broadcast %add3A_695 : i32 to vector<16xi32>
          %add3A_697 = arith.addi %add3A_696, %iota3A : vector<16xi32>
          %ge3A = vector.broadcast %max3A : i32 to vector<16xi32>
          %ge3A_698 = arith.cmpi sge, %add3A_697, %ge3A : vector<16xi32>
          %lt3A_699 = vector.broadcast %min3A : i32 to vector<16xi32>
          %lt3A_700 = arith.cmpi slt, %add3A_697, %lt3A_699 : vector<16xi32>
          %and3A_701 = arith.andi %ge3A_698, %lt3A_700 : vector<16xi1>
          %select_n3A_702 = arith.select %and3A_701, %get3A_693, %broadcast_in_dim3A_5 : vector<16xi1>, vector<16xf32>
          %max3A_703 = arith.maximumf %while3A_681, %select_n3A_702 : vector<16xf32>
          %add3A_704 = arith.constant 16 : i32
          %add3A_705 = arith.addi %mul3A_688, %add3A_704 : i32
          %get3A_706 = arith.index_cast %add3A_705 : i32 to index
          %get3A_707 = tpu.vector_load %arg5[%get3A_706] {strides = array<i32>} : memref<60000xf32, #tpu.memory_space<vmem>>, vector<16xf32>,
          %get3A_708 = vector.shape_cast %get3A_707 : vector<16xf32> to vector<16xf32>
          %add3A_709 = arith.constant 16 : i32
          %add3A_710 = arith.addi %add3A_686, %add3A_709 : i32
          %add3A_711 = vector.broadcast %add3A_710 : i32 to vector<16xi32>
          %add3A_712 = arith.addi %add3A_711, %iota3A : vector<16xi32>
          %ge3A_713 = vector.broadcast %max3A : i32 to vector<16xi32>
          %ge3A_714 = arith.cmpi sge, %add3A_712, %ge3A_713 : vector<16xi32>
          %lt3A_715 = vector.broadcast %min3A : i32 to vector<16xi32>
          %lt3A_716 = arith.cmpi slt, %add3A_712, %lt3A_715 : vector<16xi32>
          %and3A_717 = arith.andi %ge3A_714, %lt3A_716 : vector<16xi1>
          %select_n3A_718 = arith.select %and3A_717, %get3A_708, %broadcast_in_dim3A_5 : vector<16xi1>, vector<16xf32>
          %max3A_719 = arith.maximumf %while3A_682, %select_n3A_718 : vector<16xf32>
          %add3A_720 = arith.constant 32 : i32
          %add3A_721 = arith.addi %mul3A_688, %add3A_720 : i32
          %get3A_722 = arith.index_cast %add3A_721 : i32 to index
          %get3A_723 = tpu.vector_load %arg5[%get3A_722] {strides = array<i32>} : memref<60000xf32, #tpu.memory_space<vmem>>, vector<16xf32>,
          %get3A_724 = vector.shape_cast %get3A_723 : vector<16xf32> to vector<16xf32>
          %add3A_725 = arith.constant 32 : i32
          %add3A_726 = arith.addi %add3A_686, %add3A_725 : i32
          %add3A_727 = vector.broadcast %add3A_726 : i32 to vector<16xi32>
          %add3A_728 = arith.addi %add3A_727, %iota3A : vector<16xi32>
          %ge3A_729 = vector.broadcast %max3A : i32 to vector<16xi32>
          %ge3A_730 = arith.cmpi sge, %add3A_728, %ge3A_729 : vector<16xi32>
          %lt3A_731 = vector.broadcast %min3A : i32 to vector<16xi32>
          %lt3A_732 = arith.cmpi slt, %add3A_728, %lt3A_731 : vector<16xi32>
          %and3A_733 = arith.andi %ge3A_730, %lt3A_732 : vector<16xi1>
          %select_n3A_734 = arith.select %and3A_733, %get3A_724, %broadcast_in_dim3A_5 : vector<16xi1>, vector<16xf32>
          %max3A_735 = arith.maximumf %while3A_683, %select_n3A_734 : vector<16xf32>
          scf.yield %max3A_703, %max3A_719, %max3A_735 : vector<16xf32>, vector<16xf32>, vector<16xf32>
        }
        %get3A_644 = arith.constant 0 : i32
        %get3A_645 = arith.index_cast %get3A_644 : i32 to index
        %get3A_646 = arith.constant 0 : index
        %get3A_647 = tpu.vector_load %arg6[%get3A_645, %get3A_646] {strides = array<i32>} : memref<48x16xf32, #tpu.memory_space<vmem>>, vector<1x16xf32>,
        %get3A_648 = vector.shape_cast %get3A_647 : vector<1x16xf32> to vector<16xf32>
        %max3A_649 = arith.maximumf %get3A_648, %while3A_643#0 : vector<16xf32>
        %swap3A_650 = arith.constant 0 : i32
        %swap3A_651 = arith.index_cast %swap3A_650 : i32 to index
        %swap3A_652 = arith.constant 0 : index
        %swap3A_653 = tpu.vector_load %arg6[%swap3A_651, %swap3A_652] {strides = array<i32>} : memref<48x16xf32, #tpu.memory_space<vmem>>, vector<1x16xf32>,
        %swap3A_654 = vector.shape_cast %swap3A_653 : vector<1x16xf32> to vector<16xf32>
        %swap3A_655 = vector.shape_cast %max3A_649 : vector<16xf32> to vector<1x16xf32>
        tpu.vector_store %arg6[%swap3A_651, %swap3A_652], %swap3A_655 {strides = array<i32>} : memref<48x16xf32, #tpu.memory_space<vmem>>, vector<1x16xf32>,
        %get3A_656 = arith.constant 1 : i32
        %get3A_657 = arith.index_cast %get3A_656 : i32 to index
        %get3A_658 = arith.constant 0 : index
        %get3A_659 = tpu.vector_load %arg6[%get3A_657, %get3A_658] {strides = array<i32>} : memref<48x16xf32, #tpu.memory_space<vmem>>, vector<1x16xf32>,
        %get3A_660 = vector.shape_cast %get3A_659 : vector<1x16xf32> to vector<16xf32>
        %max3A_661 = arith.maximumf %get3A_660, %while3A_643#1 : vector<16xf32>
        %swap3A_662 = arith.constant 1 : i32
        %swap3A_663 = arith.index_cast %swap3A_662 : i32 to index
        %swap3A_664 = arith.constant 0 : index
        %swap3A_665 = tpu.vector_load %arg6[%swap3A_663, %swap3A_664] {strides = array<i32>} : memref<48x16xf32, #tpu.memory_space<vmem>>, vector<1x16xf32>,
        %swap3A_666 = vector.shape_cast %swap3A_665 : vector<1x16xf32> to vector<16xf32>
        %swap3A_667 = vector.shape_cast %max3A_661 : vector<16xf32> to vector<1x16xf32>
        tpu.vector_store %arg6[%swap3A_663, %swap3A_664], %swap3A_667 {strides = array<i32>} : memref<48x16xf32, #tpu.memory_space<vmem>>, vector<1x16xf32>,
        %get3A_668 = arith.constant 2 : i32
        %get3A_669 = arith.index_cast %get3A_668 : i32 to index
        %get3A_670 = arith.constant 0 : index
        %get3A_671 = tpu.vector_load %arg6[%get3A_669, %get3A_670] {strides = array<i32>} : memref<48x16xf32, #tpu.memory_space<vmem>>, vector<1x16xf32>,
        %get3A_672 = vector.shape_cast %get3A_671 : vector<1x16xf32> to vector<16xf32>
        %max3A_673 = arith.maximumf %get3A_672, %while3A_643#2 : vector<16xf32>
        %swap3A_674 = arith.constant 2 : i32
        %swap3A_675 = arith.index_cast %swap3A_674 : i32 to index
        %swap3A_676 = arith.constant 0 : index
        %swap3A_677 = tpu.vector_load %arg6[%swap3A_675, %swap3A_676] {strides = array<i32>} : memref<48x16xf32, #tpu.memory_space<vmem>>, vector<1x16xf32>,
        %swap3A_678 = vector.shape_cast %swap3A_677 : vector<1x16xf32> to vector<16xf32>
        %swap3A_679 = vector.shape_cast %max3A_673 : vector<16xf32> to vector<1x16xf32>
        tpu.vector_store %arg6[%swap3A_675, %swap3A_676], %swap3A_679 {strides = array<i32>} : memref<48x16xf32, #tpu.memory_space<vmem>>, vector<1x16xf32>,
      } else {
      }
      %mul3A_410 = arith.constant 3 : i32
      %mul3A_411 = arith.muli %squeeze3A, %mul3A_410 : i32
      %max3A_412 = arith.maxsi %mul3A_411, %multiple_of3A : i32
      %mul3A_413 = arith.constant 3 : i32
      %mul3A_414 = arith.muli %squeeze3A_30, %mul3A_413 : i32
      %add3A_415 = arith.constant 60000 : i32
      %add3A_416 = arith.addi %multiple_of3A, %add3A_415 : i32
      %min3A_417 = arith.minsi %mul3A_414, %add3A_416 : i32
      %lt3A_418 = arith.cmpi slt, %max3A_412, %min3A_417 : i32
      %convert_element_type3A_419 = arith.extui %lt3A_418 : i1 to i32
      %cond3A_420 = arith.constant 0 : i32
      %cond3A_421 = arith.cmpi ne, %convert_element_type3A_419, %cond3A_420 : i32
      scf.if %cond3A_421 {
        %sub3A = arith.subi %max3A_412, %multiple_of3A : i32
        %jit3A = arith.constant 48 : i32
        %div3A = arith.divsi %sub3A, %jit3A : i32
        %sign3A = arith.constant 0 : i32
        %sign3A_591 = arith.cmpi sgt, %sub3A, %sign3A : i32
        %sign3A_592 = arith.extui %sign3A_591 : i1 to i32
        %sign3A_593 = arith.constant 0 : i32
        %sign3A_594 = arith.cmpi slt, %sub3A, %sign3A_593 : i32
        %sign3A_595 = arith.extui %sign3A_594 : i1 to i32
        %sign3A_596 = arith.subi %sign3A_592, %sign3A_595 : i32
        %sign3A_597 = arith.constant 0 : i32
        %sign3A_598 = arith.cmpi sgt, %jit3A, %sign3A_597 : i32
        %sign3A_599 = arith.extui %sign3A_598 : i1 to i32
        %sign3A_600 = arith.constant 0 : i32
        %sign3A_601 = arith.cmpi slt, %jit3A, %sign3A_600 : i32
        %sign3A_602 = arith.extui %sign3A_601 : i1 to i32
        %sign3A_603 = arith.subi %sign3A_599, %sign3A_602 : i32
        %ne3A = arith.cmpi ne, %sign3A_596, %sign3A_603 : i32
        %rem3A = arith.remsi %sub3A, %jit3A : i32
        %ne3A_604 = arith.constant 0 : i32
        %ne3A_605 = arith.cmpi ne, %rem3A, %ne3A_604 : i32
        %and3A = arith.andi %ne3A, %ne3A_605 : i1
        %sub3A_606 = arith.constant 1 : i32
        %sub3A_607 = arith.subi %div3A, %sub3A_606 : i32
        %select_n3A = arith.select %and3A, %sub3A_607, %div3A : i32
        %sub3A_608 = arith.subi %min3A_417, %multiple_of3A : i32
        %add3A_609 = arith.constant 47 : i32
        %add3A_610 = arith.addi %sub3A_608, %add3A_609 : i32
        %jit3A_611 = arith.constant 48 : i32
        %div3A_612 = arith.divsi %add3A_610, %jit3A_611 : i32
        %sign3A_613 = arith.constant 0 : i32
        %sign3A_614 = arith.cmpi sgt, %add3A_610, %sign3A_613 : i32
        %sign3A_615 = arith.extui %sign3A_614 : i1 to i32
        %sign3A_616 = arith.constant 0 : i32
        %sign3A_617 = arith.cmpi slt, %add3A_610, %sign3A_616 : i32
        %sign3A_618 = arith.extui %sign3A_617 : i1 to i32
        %sign3A_619 = arith.subi %sign3A_615, %sign3A_618 : i32
        %sign3A_620 = arith.constant 0 : i32
        %sign3A_621 = arith.cmpi sgt, %jit3A_611, %sign3A_620 : i32
        %sign3A_622 = arith.extui %sign3A_621 : i1 to i32
        %sign3A_623 = arith.constant 0 : i32
        %sign3A_624 = arith.cmpi slt, %jit3A_611, %sign3A_623 : i32
        %sign3A_625 = arith.extui %sign3A_624 : i1 to i32
        %sign3A_626 = arith.subi %sign3A_622, %sign3A_625 : i32
        %ne3A_627 = arith.cmpi ne, %sign3A_619, %sign3A_626 : i32
        %rem3A_628 = arith.remsi %add3A_610, %jit3A_611 : i32
        %ne3A_629 = arith.constant 0 : i32
        %ne3A_630 = arith.cmpi ne, %rem3A_628, %ne3A_629 : i32
        %and3A_631 = arith.andi %ne3A_627, %ne3A_630 : i1
        %sub3A_632 = arith.constant 1 : i32
        %sub3A_633 = arith.subi %div3A_612, %sub3A_632 : i32
        %select_n3A_634 = arith.select %and3A_631, %sub3A_633, %div3A_612 : i32
        %while3A = arith.subi %select_n3A_634, %select_n3A : i32
        %while3A_635 = arith.addi %select_n3A, %while3A : i32
        %while3A_636 = arith.constant 1 : i32
        %while3A_637 = arith.divsi %while3A, %while3A_636 : i32
        %while3A_638 = arith.muli %while3A_637, %while3A_636 : i32
        %while3A_639 = arith.addi %select_n3A, %while3A_638 : i32
        %while3A_640 = arith.constant 1 : i32
        %while3A_641:3 = scf.for %while3A_680 = %select_n3A to %while3A_639 step %while3A_640 iter_args(%while3A_681 = %broadcast_in_dim3A_5, %while3A_682 = %broadcast_in_dim3A_5, %while3A_683 = %broadcast_in_dim3A_5) -> (vector<16xf32>, vector<16xf32>, vector<16xf32>)  : i32 {
          %mul3A_684 = arith.constant 48 : i32
          %mul3A_685 = arith.muli %while3A_680, %mul3A_684 : i32
          %add3A_686 = arith.addi %multiple_of3A, %mul3A_685 : i32
          %mul3A_687 = arith.constant 48 : i32
          %mul3A_688 = arith.muli %while3A_680, %mul3A_687 : i32
          %add3A_689 = arith.constant 0 : i32
          %add3A_690 = arith.addi %mul3A_688, %add3A_689 : i32
          %get3A_691 = arith.index_cast %add3A_690 : i32 to index
          %get3A_692 = tpu.vector_load %arg5[%get3A_691] {strides = array<i32>} : memref<60000xf32, #tpu.memory_space<vmem>>, vector<16xf32>,
          %get3A_693 = vector.shape_cast %get3A_692 : vector<16xf32> to vector<16xf32>
          %add3A_694 = arith.constant 0 : i32
          %add3A_695 = arith.addi %add3A_686, %add3A_694 : i32
          %add3A_696 = vector.broadcast %add3A_695 : i32 to vector<16xi32>
          %add3A_697 = arith.addi %add3A_696, %iota3A : vector<16xi32>
          %ge3A = vector.broadcast %max3A_412 : i32 to vector<16xi32>
          %ge3A_698 = arith.cmpi sge, %add3A_697, %ge3A : vector<16xi32>
          %lt3A_699 = vector.broadcast %min3A_417 : i32 to vector<16xi32>
          %lt3A_700 = arith.cmpi slt, %add3A_697, %lt3A_699 : vector<16xi32>
          %and3A_701 = arith.andi %ge3A_698, %lt3A_700 : vector<16xi1>
          %select_n3A_702 = arith.select %and3A_701, %get3A_693, %broadcast_in_dim3A_5 : vector<16xi1>, vector<16xf32>
          %max3A_703 = arith.maximumf %while3A_681, %select_n3A_702 : vector<16xf32>
          %add3A_704 = arith.constant 16 : i32
          %add3A_705 = arith.addi %mul3A_688, %add3A_704 : i32
          %get3A_706 = arith.index_cast %add3A_705 : i32 to index
          %get3A_707 = tpu.vector_load %arg5[%get3A_706] {strides = array<i32>} : memref<60000xf32, #tpu.memory_space<vmem>>, vector<16xf32>,
          %get3A_708 = vector.shape_cast %get3A_707 : vector<16xf32> to vector<16xf32>
          %add3A_709 = arith.constant 16 : i32
          %add3A_710 = arith.addi %add3A_686, %add3A_709 : i32
          %add3A_711 = vector.broadcast %add3A_710 : i32 to vector<16xi32>
          %add3A_712 = arith.addi %add3A_711, %iota3A : vector<16xi32>
          %ge3A_713 = vector.broadcast %max3A_412 : i32 to vector<16xi32>
          %ge3A_714 = arith.cmpi sge, %add3A_712, %ge3A_713 : vector<16xi32>
          %lt3A_715 = vector.broadcast %min3A_417 : i32 to vector<16xi32>
          %lt3A_716 = arith.cmpi slt, %add3A_712, %lt3A_715 : vector<16xi32>
          %and3A_717 = arith.andi %ge3A_714, %lt3A_716 : vector<16xi1>
          %select_n3A_718 = arith.select %and3A_717, %get3A_708, %broadcast_in_dim3A_5 : vector<16xi1>, vector<16xf32>
          %max3A_719 = arith.maximumf %while3A_682, %select_n3A_718 : vector<16xf32>
          %add3A_720 = arith.constant 32 : i32
          %add3A_721 = arith.addi %mul3A_688, %add3A_720 : i32
          %get3A_722 = arith.index_cast %add3A_721 : i32 to index
          %get3A_723 = tpu.vector_load %arg5[%get3A_722] {strides = array<i32>} : memref<60000xf32, #tpu.memory_space<vmem>>, vector<16xf32>,
          %get3A_724 = vector.shape_cast %get3A_723 : vector<16xf32> to vector<16xf32>
          %add3A_725 = arith.constant 32 : i32
          %add3A_726 = arith.addi %add3A_686, %add3A_725 : i32
          %add3A_727 = vector.broadcast %add3A_726 : i32 to vector<16xi32>
          %add3A_728 = arith.addi %add3A_727, %iota3A : vector<16xi32>
          %ge3A_729 = vector.broadcast %max3A_412 : i32 to vector<16xi32>
          %ge3A_730 = arith.cmpi sge, %add3A_728, %ge3A_729 : vector<16xi32>
          %lt3A_731 = vector.broadcast %min3A_417 : i32 to vector<16xi32>
          %lt3A_732 = arith.cmpi slt, %add3A_728, %lt3A_731 : vector<16xi32>
          %and3A_733 = arith.andi %ge3A_730, %lt3A_732 : vector<16xi1>
          %select_n3A_734 = arith.select %and3A_733, %get3A_724, %broadcast_in_dim3A_5 : vector<16xi1>, vector<16xf32>
          %max3A_735 = arith.maximumf %while3A_683, %select_n3A_734 : vector<16xf32>
          scf.yield %max3A_703, %max3A_719, %max3A_735 : vector<16xf32>, vector<16xf32>, vector<16xf32>
        }
        %while3A_642 = arith.constant 1 : i32
        %while3A_643:3 = scf.for %while3A_680 = %while3A_639 to %while3A_635 step %while3A_642 iter_args(%while3A_681 = %while3A_641#0, %while3A_682 = %while3A_641#1, %while3A_683 = %while3A_641#2) -> (vector<16xf32>, vector<16xf32>, vector<16xf32>)  : i32 {
          %mul3A_684 = arith.constant 48 : i32
          %mul3A_685 = arith.muli %while3A_680, %mul3A_684 : i32
          %add3A_686 = arith.addi %multiple_of3A, %mul3A_685 : i32
          %mul3A_687 = arith.constant 48 : i32
          %mul3A_688 = arith.muli %while3A_680, %mul3A_687 : i32
          %add3A_689 = arith.constant 0 : i32
          %add3A_690 = arith.addi %mul3A_688, %add3A_689 : i32
          %get3A_691 = arith.index_cast %add3A_690 : i32 to index
          %get3A_692 = tpu.vector_load %arg5[%get3A_691] {strides = array<i32>} : memref<60000xf32, #tpu.memory_space<vmem>>, vector<16xf32>,
          %get3A_693 = vector.shape_cast %get3A_692 : vector<16xf32> to vector<16xf32>
          %add3A_694 = arith.constant 0 : i32
          %add3A_695 = arith.addi %add3A_686, %add3A_694 : i32
          %add3A_696 = vector.broadcast %add3A_695 : i32 to vector<16xi32>
          %add3A_697 = arith.addi %add3A_696, %iota3A : vector<16xi32>
          %ge3A = vector.broadcast %max3A_412 : i32 to vector<16xi32>
          %ge3A_698 = arith.cmpi sge, %add3A_697, %ge3A : vector<16xi32>
          %lt3A_699 = vector.broadcast %min3A_417 : i32 to vector<16xi32>
          %lt3A_700 = arith.cmpi slt, %add3A_697, %lt3A_699 : vector<16xi32>
          %and3A_701 = arith.andi %ge3A_698, %lt3A_700 : vector<16xi1>
          %select_n3A_702 = arith.select %and3A_701, %get3A_693, %broadcast_in_dim3A_5 : vector<16xi1>, vector<16xf32>
          %max3A_703 = arith.maximumf %while3A_681, %select_n3A_702 : vector<16xf32>
          %add3A_704 = arith.constant 16 : i32
          %add3A_705 = arith.addi %mul3A_688, %add3A_704 : i32
          %get3A_706 = arith.index_cast %add3A_705 : i32 to index
          %get3A_707 = tpu.vector_load %arg5[%get3A_706] {strides = array<i32>} : memref<60000xf32, #tpu.memory_space<vmem>>, vector<16xf32>,
          %get3A_708 = vector.shape_cast %get3A_707 : vector<16xf32> to vector<16xf32>
          %add3A_709 = arith.constant 16 : i32
          %add3A_710 = arith.addi %add3A_686, %add3A_709 : i32
          %add3A_711 = vector.broadcast %add3A_710 : i32 to vector<16xi32>
          %add3A_712 = arith.addi %add3A_711, %iota3A : vector<16xi32>
          %ge3A_713 = vector.broadcast %max3A_412 : i32 to vector<16xi32>
          %ge3A_714 = arith.cmpi sge, %add3A_712, %ge3A_713 : vector<16xi32>
          %lt3A_715 = vector.broadcast %min3A_417 : i32 to vector<16xi32>
          %lt3A_716 = arith.cmpi slt, %add3A_712, %lt3A_715 : vector<16xi32>
          %and3A_717 = arith.andi %ge3A_714, %lt3A_716 : vector<16xi1>
          %select_n3A_718 = arith.select %and3A_717, %get3A_708, %broadcast_in_dim3A_5 : vector<16xi1>, vector<16xf32>
          %max3A_719 = arith.maximumf %while3A_682, %select_n3A_718 : vector<16xf32>
          %add3A_720 = arith.constant 32 : i32
          %add3A_721 = arith.addi %mul3A_688, %add3A_720 : i32
          %get3A_722 = arith.index_cast %add3A_721 : i32 to index
          %get3A_723 = tpu.vector_load %arg5[%get3A_722] {strides = array<i32>} : memref<60000xf32, #tpu.memory_space<vmem>>, vector<16xf32>,
          %get3A_724 = vector.shape_cast %get3A_723 : vector<16xf32> to vector<16xf32>
          %add3A_725 = arith.constant 32 : i32
          %add3A_726 = arith.addi %add3A_686, %add3A_725 : i32
          %add3A_727 = vector.broadcast %add3A_726 : i32 to vector<16xi32>
          %add3A_728 = arith.addi %add3A_727, %iota3A : vector<16xi32>
          %ge3A_729 = vector.broadcast %max3A_412 : i32 to vector<16xi32>
          %ge3A_730 = arith.cmpi sge, %add3A_728, %ge3A_729 : vector<16xi32>
          %lt3A_731 = vector.broadcast %min3A_417 : i32 to vector<16xi32>
          %lt3A_732 = arith.cmpi slt, %add3A_728, %lt3A_731 : vector<16xi32>
          %and3A_733 = arith.andi %ge3A_730, %lt3A_732 : vector<16xi1>
          %select_n3A_734 = arith.select %and3A_733, %get3A_724, %broadcast_in_dim3A_5 : vector<16xi1>, vector<16xf32>
          %max3A_735 = arith.maximumf %while3A_683, %select_n3A_734 : vector<16xf32>
          scf.yield %max3A_703, %max3A_719, %max3A_735 : vector<16xf32>, vector<16xf32>, vector<16xf32>
        }
        %get3A_644 = arith.constant 3 : i32
        %get3A_645 = arith.index_cast %get3A_644 : i32 to index
        %get3A_646 = arith.constant 0 : index
        %get3A_647 = tpu.vector_load %arg6[%get3A_645, %get3A_646] {strides = array<i32>} : memref<48x16xf32, #tpu.memory_space<vmem>>, vector<1x16xf32>,
        %get3A_648 = vector.shape_cast %get3A_647 : vector<1x16xf32> to vector<16xf32>
        %max3A_649 = arith.maximumf %get3A_648, %while3A_643#0 : vector<16xf32>
        %swap3A_650 = arith.constant 3 : i32
        %swap3A_651 = arith.index_cast %swap3A_650 : i32 to index
        %swap3A_652 = arith.constant 0 : index
        %swap3A_653 = tpu.vector_load %arg6[%swap3A_651, %swap3A_652] {strides = array<i32>} : memref<48x16xf32, #tpu.memory_space<vmem>>, vector<1x16xf32>,
        %swap3A_654 = vector.shape_cast %swap3A_653 : vector<1x16xf32> to vector<16xf32>
        %swap3A_655 = vector.shape_cast %max3A_649 : vector<16xf32> to vector<1x16xf32>
        tpu.vector_store %arg6[%swap3A_651, %swap3A_652], %swap3A_655 {strides = array<i32>} : memref<48x16xf32, #tpu.memory_space<vmem>>, vector<1x16xf32>,
        %get3A_656 = arith.constant 4 : i32
        %get3A_657 = arith.index_cast %get3A_656 : i32 to index
        %get3A_658 = arith.constant 0 : index
        %get3A_659 = tpu.vector_load %arg6[%get3A_657, %get3A_658] {strides = array<i32>} : memref<48x16xf32, #tpu.memory_space<vmem>>, vector<1x16xf32>,
        %get3A_660 = vector.shape_cast %get3A_659 : vector<1x16xf32> to vector<16xf32>
        %max3A_661 = arith.maximumf %get3A_660, %while3A_643#1 : vector<16xf32>
        %swap3A_662 = arith.constant 4 : i32
        %swap3A_663 = arith.index_cast %swap3A_662 : i32 to index
        %swap3A_664 = arith.constant 0 : index
        %swap3A_665 = tpu.vector_load %arg6[%swap3A_663, %swap3A_664] {strides = array<i32>} : memref<48x16xf32, #tpu.memory_space<vmem>>, vector<1x16xf32>,
        %swap3A_666 = vector.shape_cast %swap3A_665 : vector<1x16xf32> to vector<16xf32>
        %swap3A_667 = vector.shape_cast %max3A_661 : vector<16xf32> to vector<1x16xf32>
        tpu.vector_store %arg6[%swap3A_663, %swap3A_664], %swap3A_667 {strides = array<i32>} : memref<48x16xf32, #tpu.memory_space<vmem>>, vector<1x16xf32>,
        %get3A_668 = arith.constant 5 : i32
        %get3A_669 = arith.index_cast %get3A_668 : i32 to index
        %get3A_670 = arith.constant 0 : index
        %get3A_671 = tpu.vector_load %arg6[%get3A_669, %get3A_670] {strides = array<i32>} : memref<48x16xf32, #tpu.memory_space<vmem>>, vector<1x16xf32>,
        %get3A_672 = vector.shape_cast %get3A_671 : vector<1x16xf32> to vector<16xf32>
        %max3A_673 = arith.maximumf %get3A_672, %while3A_643#2 : vector<16xf32>
        %swap3A_674 = arith.constant 5 : i32
        %swap3A_675 = arith.index_cast %swap3A_674 : i32 to index
        %swap3A_676 = arith.constant 0 : index
        %swap3A_677 = tpu.vector_load %arg6[%swap3A_675, %swap3A_676] {strides = array<i32>} : memref<48x16xf32, #tpu.memory_space<vmem>>, vector<1x16xf32>,
        %swap3A_678 = vector.shape_cast %swap3A_677 : vector<1x16xf32> to vector<16xf32>
        %swap3A_679 = vector.shape_cast %max3A_673 : vector<16xf32> to vector<1x16xf32>
        tpu.vector_store %arg6[%swap3A_675, %swap3A_676], %swap3A_679 {strides = array<i32>} : memref<48x16xf32, #tpu.memory_space<vmem>>, vector<1x16xf32>,
      } else {
      }
      %mul3A_422 = arith.constant 3 : i32
      %mul3A_423 = arith.muli %squeeze3A_30, %mul3A_422 : i32
      %max3A_424 = arith.maxsi %mul3A_423, %multiple_of3A : i32
      %mul3A_425 = arith.constant 3 : i32
      %mul3A_426 = arith.muli %squeeze3A_35, %mul3A_425 : i32
      %add3A_427 = arith.constant 60000 : i32
      %add3A_428 = arith.addi %multiple_of3A, %add3A_427 : i32
      %min3A_429 = arith.minsi %mul3A_426, %add3A_428 : i32
      %lt3A_430 = arith.cmpi slt, %max3A_424, %min3A_429 : i32
      %convert_element_type3A_431 = arith.extui %lt3A_430 : i1 to i32
      %cond3A_432 = arith.constant 0 : i32
      %cond3A_433 = arith.cmpi ne, %convert_element_type3A_431, %cond3A_432 : i32
      scf.if %cond3A_433 {
        %sub3A = arith.subi %max3A_424, %multiple_of3A : i32
        %jit3A = arith.constant 48 : i32
        %div3A = arith.divsi %sub3A, %jit3A : i32
        %sign3A = arith.constant 0 : i32
        %sign3A_591 = arith.cmpi sgt, %sub3A, %sign3A : i32
        %sign3A_592 = arith.extui %sign3A_591 : i1 to i32
        %sign3A_593 = arith.constant 0 : i32
        %sign3A_594 = arith.cmpi slt, %sub3A, %sign3A_593 : i32
        %sign3A_595 = arith.extui %sign3A_594 : i1 to i32
        %sign3A_596 = arith.subi %sign3A_592, %sign3A_595 : i32
        %sign3A_597 = arith.constant 0 : i32
        %sign3A_598 = arith.cmpi sgt, %jit3A, %sign3A_597 : i32
        %sign3A_599 = arith.extui %sign3A_598 : i1 to i32
        %sign3A_600 = arith.constant 0 : i32
        %sign3A_601 = arith.cmpi slt, %jit3A, %sign3A_600 : i32
        %sign3A_602 = arith.extui %sign3A_601 : i1 to i32
        %sign3A_603 = arith.subi %sign3A_599, %sign3A_602 : i32
        %ne3A = arith.cmpi ne, %sign3A_596, %sign3A_603 : i32
        %rem3A = arith.remsi %sub3A, %jit3A : i32
        %ne3A_604 = arith.constant 0 : i32
        %ne3A_605 = arith.cmpi ne, %rem3A, %ne3A_604 : i32
        %and3A = arith.andi %ne3A, %ne3A_605 : i1
        %sub3A_606 = arith.constant 1 : i32
        %sub3A_607 = arith.subi %div3A, %sub3A_606 : i32
        %select_n3A = arith.select %and3A, %sub3A_607, %div3A : i32
        %sub3A_608 = arith.subi %min3A_429, %multiple_of3A : i32
        %add3A_609 = arith.constant 47 : i32
        %add3A_610 = arith.addi %sub3A_608, %add3A_609 : i32
        %jit3A_611 = arith.constant 48 : i32
        %div3A_612 = arith.divsi %add3A_610, %jit3A_611 : i32
        %sign3A_613 = arith.constant 0 : i32
        %sign3A_614 = arith.cmpi sgt, %add3A_610, %sign3A_613 : i32
        %sign3A_615 = arith.extui %sign3A_614 : i1 to i32
        %sign3A_616 = arith.constant 0 : i32
        %sign3A_617 = arith.cmpi slt, %add3A_610, %sign3A_616 : i32
        %sign3A_618 = arith.extui %sign3A_617 : i1 to i32
        %sign3A_619 = arith.subi %sign3A_615, %sign3A_618 : i32
        %sign3A_620 = arith.constant 0 : i32
        %sign3A_621 = arith.cmpi sgt, %jit3A_611, %sign3A_620 : i32
        %sign3A_622 = arith.extui %sign3A_621 : i1 to i32
        %sign3A_623 = arith.constant 0 : i32
        %sign3A_624 = arith.cmpi slt, %jit3A_611, %sign3A_623 : i32
        %sign3A_625 = arith.extui %sign3A_624 : i1 to i32
        %sign3A_626 = arith.subi %sign3A_622, %sign3A_625 : i32
        %ne3A_627 = arith.cmpi ne, %sign3A_619, %sign3A_626 : i32
        %rem3A_628 = arith.remsi %add3A_610, %jit3A_611 : i32
        %ne3A_629 = arith.constant 0 : i32
        %ne3A_630 = arith.cmpi ne, %rem3A_628, %ne3A_629 : i32
        %and3A_631 = arith.andi %ne3A_627, %ne3A_630 : i1
        %sub3A_632 = arith.constant 1 : i32
        %sub3A_633 = arith.subi %div3A_612, %sub3A_632 : i32
        %select_n3A_634 = arith.select %and3A_631, %sub3A_633, %div3A_612 : i32
        %while3A = arith.subi %select_n3A_634, %select_n3A : i32
        %while3A_635 = arith.addi %select_n3A, %while3A : i32
        %while3A_636 = arith.constant 1 : i32
        %while3A_637 = arith.divsi %while3A, %while3A_636 : i32
        %while3A_638 = arith.muli %while3A_637, %while3A_636 : i32
        %while3A_639 = arith.addi %select_n3A, %while3A_638 : i32
        %while3A_640 = arith.constant 1 : i32
        %while3A_641:3 = scf.for %while3A_680 = %select_n3A to %while3A_639 step %while3A_640 iter_args(%while3A_681 = %broadcast_in_dim3A_5, %while3A_682 = %broadcast_in_dim3A_5, %while3A_683 = %broadcast_in_dim3A_5) -> (vector<16xf32>, vector<16xf32>, vector<16xf32>)  : i32 {
          %mul3A_684 = arith.constant 48 : i32
          %mul3A_685 = arith.muli %while3A_680, %mul3A_684 : i32
          %add3A_686 = arith.addi %multiple_of3A, %mul3A_685 : i32
          %mul3A_687 = arith.constant 48 : i32
          %mul3A_688 = arith.muli %while3A_680, %mul3A_687 : i32
          %add3A_689 = arith.constant 0 : i32
          %add3A_690 = arith.addi %mul3A_688, %add3A_689 : i32
          %get3A_691 = arith.index_cast %add3A_690 : i32 to index
          %get3A_692 = tpu.vector_load %arg5[%get3A_691] {strides = array<i32>} : memref<60000xf32, #tpu.memory_space<vmem>>, vector<16xf32>,
          %get3A_693 = vector.shape_cast %get3A_692 : vector<16xf32> to vector<16xf32>
          %add3A_694 = arith.constant 0 : i32
          %add3A_695 = arith.addi %add3A_686, %add3A_694 : i32
          %add3A_696 = vector.broadcast %add3A_695 : i32 to vector<16xi32>
          %add3A_697 = arith.addi %add3A_696, %iota3A : vector<16xi32>
          %ge3A = vector.broadcast %max3A_424 : i32 to vector<16xi32>
          %ge3A_698 = arith.cmpi sge, %add3A_697, %ge3A : vector<16xi32>
          %lt3A_699 = vector.broadcast %min3A_429 : i32 to vector<16xi32>
          %lt3A_700 = arith.cmpi slt, %add3A_697, %lt3A_699 : vector<16xi32>
          %and3A_701 = arith.andi %ge3A_698, %lt3A_700 : vector<16xi1>
          %select_n3A_702 = arith.select %and3A_701, %get3A_693, %broadcast_in_dim3A_5 : vector<16xi1>, vector<16xf32>
          %max3A_703 = arith.maximumf %while3A_681, %select_n3A_702 : vector<16xf32>
          %add3A_704 = arith.constant 16 : i32
          %add3A_705 = arith.addi %mul3A_688, %add3A_704 : i32
          %get3A_706 = arith.index_cast %add3A_705 : i32 to index
          %get3A_707 = tpu.vector_load %arg5[%get3A_706] {strides = array<i32>} : memref<60000xf32, #tpu.memory_space<vmem>>, vector<16xf32>,
          %get3A_708 = vector.shape_cast %get3A_707 : vector<16xf32> to vector<16xf32>
          %add3A_709 = arith.constant 16 : i32
          %add3A_710 = arith.addi %add3A_686, %add3A_709 : i32
          %add3A_711 = vector.broadcast %add3A_710 : i32 to vector<16xi32>
          %add3A_712 = arith.addi %add3A_711, %iota3A : vector<16xi32>
          %ge3A_713 = vector.broadcast %max3A_424 : i32 to vector<16xi32>
          %ge3A_714 = arith.cmpi sge, %add3A_712, %ge3A_713 : vector<16xi32>
          %lt3A_715 = vector.broadcast %min3A_429 : i32 to vector<16xi32>
          %lt3A_716 = arith.cmpi slt, %add3A_712, %lt3A_715 : vector<16xi32>
          %and3A_717 = arith.andi %ge3A_714, %lt3A_716 : vector<16xi1>
          %select_n3A_718 = arith.select %and3A_717, %get3A_708, %broadcast_in_dim3A_5 : vector<16xi1>, vector<16xf32>
          %max3A_719 = arith.maximumf %while3A_682, %select_n3A_718 : vector<16xf32>
          %add3A_720 = arith.constant 32 : i32
          %add3A_721 = arith.addi %mul3A_688, %add3A_720 : i32
          %get3A_722 = arith.index_cast %add3A_721 : i32 to index
          %get3A_723 = tpu.vector_load %arg5[%get3A_722] {strides = array<i32>} : memref<60000xf32, #tpu.memory_space<vmem>>, vector<16xf32>,
          %get3A_724 = vector.shape_cast %get3A_723 : vector<16xf32> to vector<16xf32>
          %add3A_725 = arith.constant 32 : i32
          %add3A_726 = arith.addi %add3A_686, %add3A_725 : i32
          %add3A_727 = vector.broadcast %add3A_726 : i32 to vector<16xi32>
          %add3A_728 = arith.addi %add3A_727, %iota3A : vector<16xi32>
          %ge3A_729 = vector.broadcast %max3A_424 : i32 to vector<16xi32>
          %ge3A_730 = arith.cmpi sge, %add3A_728, %ge3A_729 : vector<16xi32>
          %lt3A_731 = vector.broadcast %min3A_429 : i32 to vector<16xi32>
          %lt3A_732 = arith.cmpi slt, %add3A_728, %lt3A_731 : vector<16xi32>
          %and3A_733 = arith.andi %ge3A_730, %lt3A_732 : vector<16xi1>
          %select_n3A_734 = arith.select %and3A_733, %get3A_724, %broadcast_in_dim3A_5 : vector<16xi1>, vector<16xf32>
          %max3A_735 = arith.maximumf %while3A_683, %select_n3A_734 : vector<16xf32>
          scf.yield %max3A_703, %max3A_719, %max3A_735 : vector<16xf32>, vector<16xf32>, vector<16xf32>
        }
        %while3A_642 = arith.constant 1 : i32
        %while3A_643:3 = scf.for %while3A_680 = %while3A_639 to %while3A_635 step %while3A_642 iter_args(%while3A_681 = %while3A_641#0, %while3A_682 = %while3A_641#1, %while3A_683 = %while3A_641#2) -> (vector<16xf32>, vector<16xf32>, vector<16xf32>)  : i32 {
          %mul3A_684 = arith.constant 48 : i32
          %mul3A_685 = arith.muli %while3A_680, %mul3A_684 : i32
          %add3A_686 = arith.addi %multiple_of3A, %mul3A_685 : i32
          %mul3A_687 = arith.constant 48 : i32
          %mul3A_688 = arith.muli %while3A_680, %mul3A_687 : i32
          %add3A_689 = arith.constant 0 : i32
          %add3A_690 = arith.addi %mul3A_688, %add3A_689 : i32
          %get3A_691 = arith.index_cast %add3A_690 : i32 to index
          %get3A_692 = tpu.vector_load %arg5[%get3A_691] {strides = array<i32>} : memref<60000xf32, #tpu.memory_space<vmem>>, vector<16xf32>,
          %get3A_693 = vector.shape_cast %get3A_692 : vector<16xf32> to vector<16xf32>
          %add3A_694 = arith.constant 0 : i32
          %add3A_695 = arith.addi %add3A_686, %add3A_694 : i32
          %add3A_696 = vector.broadcast %add3A_695 : i32 to vector<16xi32>
          %add3A_697 = arith.addi %add3A_696, %iota3A : vector<16xi32>
          %ge3A = vector.broadcast %max3A_424 : i32 to vector<16xi32>
          %ge3A_698 = arith.cmpi sge, %add3A_697, %ge3A : vector<16xi32>
          %lt3A_699 = vector.broadcast %min3A_429 : i32 to vector<16xi32>
          %lt3A_700 = arith.cmpi slt, %add3A_697, %lt3A_699 : vector<16xi32>
          %and3A_701 = arith.andi %ge3A_698, %lt3A_700 : vector<16xi1>
          %select_n3A_702 = arith.select %and3A_701, %get3A_693, %broadcast_in_dim3A_5 : vector<16xi1>, vector<16xf32>
          %max3A_703 = arith.maximumf %while3A_681, %select_n3A_702 : vector<16xf32>
          %add3A_704 = arith.constant 16 : i32
          %add3A_705 = arith.addi %mul3A_688, %add3A_704 : i32
          %get3A_706 = arith.index_cast %add3A_705 : i32 to index
          %get3A_707 = tpu.vector_load %arg5[%get3A_706] {strides = array<i32>} : memref<60000xf32, #tpu.memory_space<vmem>>, vector<16xf32>,
          %get3A_708 = vector.shape_cast %get3A_707 : vector<16xf32> to vector<16xf32>
          %add3A_709 = arith.constant 16 : i32
          %add3A_710 = arith.addi %add3A_686, %add3A_709 : i32
          %add3A_711 = vector.broadcast %add3A_710 : i32 to vector<16xi32>
          %add3A_712 = arith.addi %add3A_711, %iota3A : vector<16xi32>
          %ge3A_713 = vector.broadcast %max3A_424 : i32 to vector<16xi32>
          %ge3A_714 = arith.cmpi sge, %add3A_712, %ge3A_713 : vector<16xi32>
          %lt3A_715 = vector.broadcast %min3A_429 : i32 to vector<16xi32>
          %lt3A_716 = arith.cmpi slt, %add3A_712, %lt3A_715 : vector<16xi32>
          %and3A_717 = arith.andi %ge3A_714, %lt3A_716 : vector<16xi1>
          %select_n3A_718 = arith.select %and3A_717, %get3A_708, %broadcast_in_dim3A_5 : vector<16xi1>, vector<16xf32>
          %max3A_719 = arith.maximumf %while3A_682, %select_n3A_718 : vector<16xf32>
          %add3A_720 = arith.constant 32 : i32
          %add3A_721 = arith.addi %mul3A_688, %add3A_720 : i32
          %get3A_722 = arith.index_cast %add3A_721 : i32 to index
          %get3A_723 = tpu.vector_load %arg5[%get3A_722] {strides = array<i32>} : memref<60000xf32, #tpu.memory_space<vmem>>, vector<16xf32>,
          %get3A_724 = vector.shape_cast %get3A_723 : vector<16xf32> to vector<16xf32>
          %add3A_725 = arith.constant 32 : i32
          %add3A_726 = arith.addi %add3A_686, %add3A_725 : i32
          %add3A_727 = vector.broadcast %add3A_726 : i32 to vector<16xi32>
          %add3A_728 = arith.addi %add3A_727, %iota3A : vector<16xi32>
          %ge3A_729 = vector.broadcast %max3A_424 : i32 to vector<16xi32>
          %ge3A_730 = arith.cmpi sge, %add3A_728, %ge3A_729 : vector<16xi32>
          %lt3A_731 = vector.broadcast %min3A_429 : i32 to vector<16xi32>
          %lt3A_732 = arith.cmpi slt, %add3A_728, %lt3A_731 : vector<16xi32>
          %and3A_733 = arith.andi %ge3A_730, %lt3A_732 : vector<16xi1>
          %select_n3A_734 = arith.select %and3A_733, %get3A_724, %broadcast_in_dim3A_5 : vector<16xi1>, vector<16xf32>
          %max3A_735 = arith.maximumf %while3A_683, %select_n3A_734 : vector<16xf32>
          scf.yield %max3A_703, %max3A_719, %max3A_735 : vector<16xf32>, vector<16xf32>, vector<16xf32>
        }
        %get3A_644 = arith.constant 6 : i32
        %get3A_645 = arith.index_cast %get3A_644 : i32 to index
        %get3A_646 = arith.constant 0 : index
        %get3A_647 = tpu.vector_load %arg6[%get3A_645, %get3A_646] {strides = array<i32>} : memref<48x16xf32, #tpu.memory_space<vmem>>, vector<1x16xf32>,
        %get3A_648 = vector.shape_cast %get3A_647 : vector<1x16xf32> to vector<16xf32>
        %max3A_649 = arith.maximumf %get3A_648, %while3A_643#0 : vector<16xf32>
        %swap3A_650 = arith.constant 6 : i32
        %swap3A_651 = arith.index_cast %swap3A_650 : i32 to index
        %swap3A_652 = arith.constant 0 : index
        %swap3A_653 = tpu.vector_load %arg6[%swap3A_651, %swap3A_652] {strides = array<i32>} : memref<48x16xf32, #tpu.memory_space<vmem>>, vector<1x16xf32>,
        %swap3A_654 = vector.shape_cast %swap3A_653 : vector<1x16xf32> to vector<16xf32>
        %swap3A_655 = vector.shape_cast %max3A_649 : vector<16xf32> to vector<1x16xf32>
        tpu.vector_store %arg6[%swap3A_651, %swap3A_652], %swap3A_655 {strides = array<i32>} : memref<48x16xf32, #tpu.memory_space<vmem>>, vector<1x16xf32>,
        %get3A_656 = arith.constant 7 : i32
        %get3A_657 = arith.index_cast %get3A_656 : i32 to index
        %get3A_658 = arith.constant 0 : index
        %get3A_659 = tpu.vector_load %arg6[%get3A_657, %get3A_658] {strides = array<i32>} : memref<48x16xf32, #tpu.memory_space<vmem>>, vector<1x16xf32>,
        %get3A_660 = vector.shape_cast %get3A_659 : vector<1x16xf32> to vector<16xf32>
        %max3A_661 = arith.maximumf %get3A_660, %while3A_643#1 : vector<16xf32>
        %swap3A_662 = arith.constant 7 : i32
        %swap3A_663 = arith.index_cast %swap3A_662 : i32 to index
        %swap3A_664 = arith.constant 0 : index
        %swap3A_665 = tpu.vector_load %arg6[%swap3A_663, %swap3A_664] {strides = array<i32>} : memref<48x16xf32, #tpu.memory_space<vmem>>, vector<1x16xf32>,
        %swap3A_666 = vector.shape_cast %swap3A_665 : vector<1x16xf32> to vector<16xf32>
        %swap3A_667 = vector.shape_cast %max3A_661 : vector<16xf32> to vector<1x16xf32>
        tpu.vector_store %arg6[%swap3A_663, %swap3A_664], %swap3A_667 {strides = array<i32>} : memref<48x16xf32, #tpu.memory_space<vmem>>, vector<1x16xf32>,
        %get3A_668 = arith.constant 8 : i32
        %get3A_669 = arith.index_cast %get3A_668 : i32 to index
        %get3A_670 = arith.constant 0 : index
        %get3A_671 = tpu.vector_load %arg6[%get3A_669, %get3A_670] {strides = array<i32>} : memref<48x16xf32, #tpu.memory_space<vmem>>, vector<1x16xf32>,
        %get3A_672 = vector.shape_cast %get3A_671 : vector<1x16xf32> to vector<16xf32>
        %max3A_673 = arith.maximumf %get3A_672, %while3A_643#2 : vector<16xf32>
        %swap3A_674 = arith.constant 8 : i32
        %swap3A_675 = arith.index_cast %swap3A_674 : i32 to index
        %swap3A_676 = arith.constant 0 : index
        %swap3A_677 = tpu.vector_load %arg6[%swap3A_675, %swap3A_676] {strides = array<i32>} : memref<48x16xf32, #tpu.memory_space<vmem>>, vector<1x16xf32>,
        %swap3A_678 = vector.shape_cast %swap3A_677 : vector<1x16xf32> to vector<16xf32>
        %swap3A_679 = vector.shape_cast %max3A_673 : vector<16xf32> to vector<1x16xf32>
        tpu.vector_store %arg6[%swap3A_675, %swap3A_676], %swap3A_679 {strides = array<i32>} : memref<48x16xf32, #tpu.memory_space<vmem>>, vector<1x16xf32>,
      } else {
      }
      %mul3A_434 = arith.constant 3 : i32
      %mul3A_435 = arith.muli %squeeze3A_35, %mul3A_434 : i32
      %max3A_436 = arith.maxsi %mul3A_435, %multiple_of3A : i32
      %mul3A_437 = arith.constant 3 : i32
      %mul3A_438 = arith.muli %squeeze3A_40, %mul3A_437 : i32
      %add3A_439 = arith.constant 60000 : i32
      %add3A_440 = arith.addi %multiple_of3A, %add3A_439 : i32
      %min3A_441 = arith.minsi %mul3A_438, %add3A_440 : i32
      %lt3A_442 = arith.cmpi slt, %max3A_436, %min3A_441 : i32
      %convert_element_type3A_443 = arith.extui %lt3A_442 : i1 to i32
      %cond3A_444 = arith.constant 0 : i32
      %cond3A_445 = arith.cmpi ne, %convert_element_type3A_443, %cond3A_444 : i32
      scf.if %cond3A_445 {
        %sub3A = arith.subi %max3A_436, %multiple_of3A : i32
        %jit3A = arith.constant 48 : i32
        %div3A = arith.divsi %sub3A, %jit3A : i32
        %sign3A = arith.constant 0 : i32
        %sign3A_591 = arith.cmpi sgt, %sub3A, %sign3A : i32
        %sign3A_592 = arith.extui %sign3A_591 : i1 to i32
        %sign3A_593 = arith.constant 0 : i32
        %sign3A_594 = arith.cmpi slt, %sub3A, %sign3A_593 : i32
        %sign3A_595 = arith.extui %sign3A_594 : i1 to i32
        %sign3A_596 = arith.subi %sign3A_592, %sign3A_595 : i32
        %sign3A_597 = arith.constant 0 : i32
        %sign3A_598 = arith.cmpi sgt, %jit3A, %sign3A_597 : i32
        %sign3A_599 = arith.extui %sign3A_598 : i1 to i32
        %sign3A_600 = arith.constant 0 : i32
        %sign3A_601 = arith.cmpi slt, %jit3A, %sign3A_600 : i32
        %sign3A_602 = arith.extui %sign3A_601 : i1 to i32
        %sign3A_603 = arith.subi %sign3A_599, %sign3A_602 : i32
        %ne3A = arith.cmpi ne, %sign3A_596, %sign3A_603 : i32
        %rem3A = arith.remsi %sub3A, %jit3A : i32
        %ne3A_604 = arith.constant 0 : i32
        %ne3A_605 = arith.cmpi ne, %rem3A, %ne3A_604 : i32
        %and3A = arith.andi %ne3A, %ne3A_605 : i1
        %sub3A_606 = arith.constant 1 : i32
        %sub3A_607 = arith.subi %div3A, %sub3A_606 : i32
        %select_n3A = arith.select %and3A, %sub3A_607, %div3A : i32
        %sub3A_608 = arith.subi %min3A_441, %multiple_of3A : i32
        %add3A_609 = arith.constant 47 : i32
        %add3A_610 = arith.addi %sub3A_608, %add3A_609 : i32
        %jit3A_611 = arith.constant 48 : i32
        %div3A_612 = arith.divsi %add3A_610, %jit3A_611 : i32
        %sign3A_613 = arith.constant 0 : i32
        %sign3A_614 = arith.cmpi sgt, %add3A_610, %sign3A_613 : i32
        %sign3A_615 = arith.extui %sign3A_614 : i1 to i32
        %sign3A_616 = arith.constant 0 : i32
        %sign3A_617 = arith.cmpi slt, %add3A_610, %sign3A_616 : i32
        %sign3A_618 = arith.extui %sign3A_617 : i1 to i32
        %sign3A_619 = arith.subi %sign3A_615, %sign3A_618 : i32
        %sign3A_620 = arith.constant 0 : i32
        %sign3A_621 = arith.cmpi sgt, %jit3A_611, %sign3A_620 : i32
        %sign3A_622 = arith.extui %sign3A_621 : i1 to i32
        %sign3A_623 = arith.constant 0 : i32
        %sign3A_624 = arith.cmpi slt, %jit3A_611, %sign3A_623 : i32
        %sign3A_625 = arith.extui %sign3A_624 : i1 to i32
        %sign3A_626 = arith.subi %sign3A_622, %sign3A_625 : i32
        %ne3A_627 = arith.cmpi ne, %sign3A_619, %sign3A_626 : i32
        %rem3A_628 = arith.remsi %add3A_610, %jit3A_611 : i32
        %ne3A_629 = arith.constant 0 : i32
        %ne3A_630 = arith.cmpi ne, %rem3A_628, %ne3A_629 : i32
        %and3A_631 = arith.andi %ne3A_627, %ne3A_630 : i1
        %sub3A_632 = arith.constant 1 : i32
        %sub3A_633 = arith.subi %div3A_612, %sub3A_632 : i32
        %select_n3A_634 = arith.select %and3A_631, %sub3A_633, %div3A_612 : i32
        %while3A = arith.subi %select_n3A_634, %select_n3A : i32
        %while3A_635 = arith.addi %select_n3A, %while3A : i32
        %while3A_636 = arith.constant 1 : i32
        %while3A_637 = arith.divsi %while3A, %while3A_636 : i32
        %while3A_638 = arith.muli %while3A_637, %while3A_636 : i32
        %while3A_639 = arith.addi %select_n3A, %while3A_638 : i32
        %while3A_640 = arith.constant 1 : i32
        %while3A_641:3 = scf.for %while3A_680 = %select_n3A to %while3A_639 step %while3A_640 iter_args(%while3A_681 = %broadcast_in_dim3A_5, %while3A_682 = %broadcast_in_dim3A_5, %while3A_683 = %broadcast_in_dim3A_5) -> (vector<16xf32>, vector<16xf32>, vector<16xf32>)  : i32 {
          %mul3A_684 = arith.constant 48 : i32
          %mul3A_685 = arith.muli %while3A_680, %mul3A_684 : i32
          %add3A_686 = arith.addi %multiple_of3A, %mul3A_685 : i32
          %mul3A_687 = arith.constant 48 : i32
          %mul3A_688 = arith.muli %while3A_680, %mul3A_687 : i32
          %add3A_689 = arith.constant 0 : i32
          %add3A_690 = arith.addi %mul3A_688, %add3A_689 : i32
          %get3A_691 = arith.index_cast %add3A_690 : i32 to index
          %get3A_692 = tpu.vector_load %arg5[%get3A_691] {strides = array<i32>} : memref<60000xf32, #tpu.memory_space<vmem>>, vector<16xf32>,
          %get3A_693 = vector.shape_cast %get3A_692 : vector<16xf32> to vector<16xf32>
          %add3A_694 = arith.constant 0 : i32
          %add3A_695 = arith.addi %add3A_686, %add3A_694 : i32
          %add3A_696 = vector.broadcast %add3A_695 : i32 to vector<16xi32>
          %add3A_697 = arith.addi %add3A_696, %iota3A : vector<16xi32>
          %ge3A = vector.broadcast %max3A_436 : i32 to vector<16xi32>
          %ge3A_698 = arith.cmpi sge, %add3A_697, %ge3A : vector<16xi32>
          %lt3A_699 = vector.broadcast %min3A_441 : i32 to vector<16xi32>
          %lt3A_700 = arith.cmpi slt, %add3A_697, %lt3A_699 : vector<16xi32>
          %and3A_701 = arith.andi %ge3A_698, %lt3A_700 : vector<16xi1>
          %select_n3A_702 = arith.select %and3A_701, %get3A_693, %broadcast_in_dim3A_5 : vector<16xi1>, vector<16xf32>
          %max3A_703 = arith.maximumf %while3A_681, %select_n3A_702 : vector<16xf32>
          %add3A_704 = arith.constant 16 : i32
          %add3A_705 = arith.addi %mul3A_688, %add3A_704 : i32
          %get3A_706 = arith.index_cast %add3A_705 : i32 to index
          %get3A_707 = tpu.vector_load %arg5[%get3A_706] {strides = array<i32>} : memref<60000xf32, #tpu.memory_space<vmem>>, vector<16xf32>,
          %get3A_708 = vector.shape_cast %get3A_707 : vector<16xf32> to vector<16xf32>
          %add3A_709 = arith.constant 16 : i32
          %add3A_710 = arith.addi %add3A_686, %add3A_709 : i32
          %add3A_711 = vector.broadcast %add3A_710 : i32 to vector<16xi32>
          %add3A_712 = arith.addi %add3A_711, %iota3A : vector<16xi32>
          %ge3A_713 = vector.broadcast %max3A_436 : i32 to vector<16xi32>
          %ge3A_714 = arith.cmpi sge, %add3A_712, %ge3A_713 : vector<16xi32>
          %lt3A_715 = vector.broadcast %min3A_441 : i32 to vector<16xi32>
          %lt3A_716 = arith.cmpi slt, %add3A_712, %lt3A_715 : vector<16xi32>
          %and3A_717 = arith.andi %ge3A_714, %lt3A_716 : vector<16xi1>
          %select_n3A_718 = arith.select %and3A_717, %get3A_708, %broadcast_in_dim3A_5 : vector<16xi1>, vector<16xf32>
          %max3A_719 = arith.maximumf %while3A_682, %select_n3A_718 : vector<16xf32>
          %add3A_720 = arith.constant 32 : i32
          %add3A_721 = arith.addi %mul3A_688, %add3A_720 : i32
          %get3A_722 = arith.index_cast %add3A_721 : i32 to index
          %get3A_723 = tpu.vector_load %arg5[%get3A_722] {strides = array<i32>} : memref<60000xf32, #tpu.memory_space<vmem>>, vector<16xf32>,
          %get3A_724 = vector.shape_cast %get3A_723 : vector<16xf32> to vector<16xf32>
          %add3A_725 = arith.constant 32 : i32
          %add3A_726 = arith.addi %add3A_686, %add3A_725 : i32
          %add3A_727 = vector.broadcast %add3A_726 : i32 to vector<16xi32>
          %add3A_728 = arith.addi %add3A_727, %iota3A : vector<16xi32>
          %ge3A_729 = vector.broadcast %max3A_436 : i32 to vector<16xi32>
          %ge3A_730 = arith.cmpi sge, %add3A_728, %ge3A_729 : vector<16xi32>
          %lt3A_731 = vector.broadcast %min3A_441 : i32 to vector<16xi32>
          %lt3A_732 = arith.cmpi slt, %add3A_728, %lt3A_731 : vector<16xi32>
          %and3A_733 = arith.andi %ge3A_730, %lt3A_732 : vector<16xi1>
          %select_n3A_734 = arith.select %and3A_733, %get3A_724, %broadcast_in_dim3A_5 : vector<16xi1>, vector<16xf32>
          %max3A_735 = arith.maximumf %while3A_683, %select_n3A_734 : vector<16xf32>
          scf.yield %max3A_703, %max3A_719, %max3A_735 : vector<16xf32>, vector<16xf32>, vector<16xf32>
        }
        %while3A_642 = arith.constant 1 : i32
        %while3A_643:3 = scf.for %while3A_680 = %while3A_639 to %while3A_635 step %while3A_642 iter_args(%while3A_681 = %while3A_641#0, %while3A_682 = %while3A_641#1, %while3A_683 = %while3A_641#2) -> (vector<16xf32>, vector<16xf32>, vector<16xf32>)  : i32 {
          %mul3A_684 = arith.constant 48 : i32
          %mul3A_685 = arith.muli %while3A_680, %mul3A_684 : i32
          %add3A_686 = arith.addi %multiple_of3A, %mul3A_685 : i32
          %mul3A_687 = arith.constant 48 : i32
          %mul3A_688 = arith.muli %while3A_680, %mul3A_687 : i32
          %add3A_689 = arith.constant 0 : i32
          %add3A_690 = arith.addi %mul3A_688, %add3A_689 : i32
          %get3A_691 = arith.index_cast %add3A_690 : i32 to index
          %get3A_692 = tpu.vector_load %arg5[%get3A_691] {strides = array<i32>} : memref<60000xf32, #tpu.memory_space<vmem>>, vector<16xf32>,
          %get3A_693 = vector.shape_cast %get3A_692 : vector<16xf32> to vector<16xf32>
          %add3A_694 = arith.constant 0 : i32
          %add3A_695 = arith.addi %add3A_686, %add3A_694 : i32
          %add3A_696 = vector.broadcast %add3A_695 : i32 to vector<16xi32>
          %add3A_697 = arith.addi %add3A_696, %iota3A : vector<16xi32>
          %ge3A = vector.broadcast %max3A_436 : i32 to vector<16xi32>
          %ge3A_698 = arith.cmpi sge, %add3A_697, %ge3A : vector<16xi32>
          %lt3A_699 = vector.broadcast %min3A_441 : i32 to vector<16xi32>
          %lt3A_700 = arith.cmpi slt, %add3A_697, %lt3A_699 : vector<16xi32>
          %and3A_701 = arith.andi %ge3A_698, %lt3A_700 : vector<16xi1>
          %select_n3A_702 = arith.select %and3A_701, %get3A_693, %broadcast_in_dim3A_5 : vector<16xi1>, vector<16xf32>
          %max3A_703 = arith.maximumf %while3A_681, %select_n3A_702 : vector<16xf32>
          %add3A_704 = arith.constant 16 : i32
          %add3A_705 = arith.addi %mul3A_688, %add3A_704 : i32
          %get3A_706 = arith.index_cast %add3A_705 : i32 to index
          %get3A_707 = tpu.vector_load %arg5[%get3A_706] {strides = array<i32>} : memref<60000xf32, #tpu.memory_space<vmem>>, vector<16xf32>,
          %get3A_708 = vector.shape_cast %get3A_707 : vector<16xf32> to vector<16xf32>
          %add3A_709 = arith.constant 16 : i32
          %add3A_710 = arith.addi %add3A_686, %add3A_709 : i32
          %add3A_711 = vector.broadcast %add3A_710 : i32 to vector<16xi32>
          %add3A_712 = arith.addi %add3A_711, %iota3A : vector<16xi32>
          %ge3A_713 = vector.broadcast %max3A_436 : i32 to vector<16xi32>
          %ge3A_714 = arith.cmpi sge, %add3A_712, %ge3A_713 : vector<16xi32>
          %lt3A_715 = vector.broadcast %min3A_441 : i32 to vector<16xi32>
          %lt3A_716 = arith.cmpi slt, %add3A_712, %lt3A_715 : vector<16xi32>
          %and3A_717 = arith.andi %ge3A_714, %lt3A_716 : vector<16xi1>
          %select_n3A_718 = arith.select %and3A_717, %get3A_708, %broadcast_in_dim3A_5 : vector<16xi1>, vector<16xf32>
          %max3A_719 = arith.maximumf %while3A_682, %select_n3A_718 : vector<16xf32>
          %add3A_720 = arith.constant 32 : i32
          %add3A_721 = arith.addi %mul3A_688, %add3A_720 : i32
          %get3A_722 = arith.index_cast %add3A_721 : i32 to index
          %get3A_723 = tpu.vector_load %arg5[%get3A_722] {strides = array<i32>} : memref<60000xf32, #tpu.memory_space<vmem>>, vector<16xf32>,
          %get3A_724 = vector.shape_cast %get3A_723 : vector<16xf32> to vector<16xf32>
          %add3A_725 = arith.constant 32 : i32
          %add3A_726 = arith.addi %add3A_686, %add3A_725 : i32
          %add3A_727 = vector.broadcast %add3A_726 : i32 to vector<16xi32>
          %add3A_728 = arith.addi %add3A_727, %iota3A : vector<16xi32>
          %ge3A_729 = vector.broadcast %max3A_436 : i32 to vector<16xi32>
          %ge3A_730 = arith.cmpi sge, %add3A_728, %ge3A_729 : vector<16xi32>
          %lt3A_731 = vector.broadcast %min3A_441 : i32 to vector<16xi32>
          %lt3A_732 = arith.cmpi slt, %add3A_728, %lt3A_731 : vector<16xi32>
          %and3A_733 = arith.andi %ge3A_730, %lt3A_732 : vector<16xi1>
          %select_n3A_734 = arith.select %and3A_733, %get3A_724, %broadcast_in_dim3A_5 : vector<16xi1>, vector<16xf32>
          %max3A_735 = arith.maximumf %while3A_683, %select_n3A_734 : vector<16xf32>
          scf.yield %max3A_703, %max3A_719, %max3A_735 : vector<16xf32>, vector<16xf32>, vector<16xf32>
        }
        %get3A_644 = arith.constant 9 : i32
        %get3A_645 = arith.index_cast %get3A_644 : i32 to index
        %get3A_646 = arith.constant 0 : index
        %get3A_647 = tpu.vector_load %arg6[%get3A_645, %get3A_646] {strides = array<i32>} : memref<48x16xf32, #tpu.memory_space<vmem>>, vector<1x16xf32>,
        %get3A_648 = vector.shape_cast %get3A_647 : vector<1x16xf32> to vector<16xf32>
        %max3A_649 = arith.maximumf %get3A_648, %while3A_643#0 : vector<16xf32>
        %swap3A_650 = arith.constant 9 : i32
        %swap3A_651 = arith.index_cast %swap3A_650 : i32 to index
        %swap3A_652 = arith.constant 0 : index
        %swap3A_653 = tpu.vector_load %arg6[%swap3A_651, %swap3A_652] {strides = array<i32>} : memref<48x16xf32, #tpu.memory_space<vmem>>, vector<1x16xf32>,
        %swap3A_654 = vector.shape_cast %swap3A_653 : vector<1x16xf32> to vector<16xf32>
        %swap3A_655 = vector.shape_cast %max3A_649 : vector<16xf32> to vector<1x16xf32>
        tpu.vector_store %arg6[%swap3A_651, %swap3A_652], %swap3A_655 {strides = array<i32>} : memref<48x16xf32, #tpu.memory_space<vmem>>, vector<1x16xf32>,
        %get3A_656 = arith.constant 10 : i32
        %get3A_657 = arith.index_cast %get3A_656 : i32 to index
        %get3A_658 = arith.constant 0 : index
        %get3A_659 = tpu.vector_load %arg6[%get3A_657, %get3A_658] {strides = array<i32>} : memref<48x16xf32, #tpu.memory_space<vmem>>, vector<1x16xf32>,
        %get3A_660 = vector.shape_cast %get3A_659 : vector<1x16xf32> to vector<16xf32>
        %max3A_661 = arith.maximumf %get3A_660, %while3A_643#1 : vector<16xf32>
        %swap3A_662 = arith.constant 10 : i32
        %swap3A_663 = arith.index_cast %swap3A_662 : i32 to index
        %swap3A_664 = arith.constant 0 : index
        %swap3A_665 = tpu.vector_load %arg6[%swap3A_663, %swap3A_664] {strides = array<i32>} : memref<48x16xf32, #tpu.memory_space<vmem>>, vector<1x16xf32>,
        %swap3A_666 = vector.shape_cast %swap3A_665 : vector<1x16xf32> to vector<16xf32>
        %swap3A_667 = vector.shape_cast %max3A_661 : vector<16xf32> to vector<1x16xf32>
        tpu.vector_store %arg6[%swap3A_663, %swap3A_664], %swap3A_667 {strides = array<i32>} : memref<48x16xf32, #tpu.memory_space<vmem>>, vector<1x16xf32>,
        %get3A_668 = arith.constant 11 : i32
        %get3A_669 = arith.index_cast %get3A_668 : i32 to index
        %get3A_670 = arith.constant 0 : index
        %get3A_671 = tpu.vector_load %arg6[%get3A_669, %get3A_670] {strides = array<i32>} : memref<48x16xf32, #tpu.memory_space<vmem>>, vector<1x16xf32>,
        %get3A_672 = vector.shape_cast %get3A_671 : vector<1x16xf32> to vector<16xf32>
        %max3A_673 = arith.maximumf %get3A_672, %while3A_643#2 : vector<16xf32>
        %swap3A_674 = arith.constant 11 : i32
        %swap3A_675 = arith.index_cast %swap3A_674 : i32 to index
        %swap3A_676 = arith.constant 0 : index
        %swap3A_677 = tpu.vector_load %arg6[%swap3A_675, %swap3A_676] {strides = array<i32>} : memref<48x16xf32, #tpu.memory_space<vmem>>, vector<1x16xf32>,
        %swap3A_678 = vector.shape_cast %swap3A_677 : vector<1x16xf32> to vector<16xf32>
        %swap3A_679 = vector.shape_cast %max3A_673 : vector<16xf32> to vector<1x16xf32>
        tpu.vector_store %arg6[%swap3A_675, %swap3A_676], %swap3A_679 {strides = array<i32>} : memref<48x16xf32, #tpu.memory_space<vmem>>, vector<1x16xf32>,
      } else {
      }
      %mul3A_446 = arith.constant 3 : i32
      %mul3A_447 = arith.muli %squeeze3A_40, %mul3A_446 : i32
      %max3A_448 = arith.maxsi %mul3A_447, %multiple_of3A : i32
      %mul3A_449 = arith.constant 3 : i32
      %mul3A_450 = arith.muli %squeeze3A_45, %mul3A_449 : i32
      %add3A_451 = arith.constant 60000 : i32
      %add3A_452 = arith.addi %multiple_of3A, %add3A_451 : i32
      %min3A_453 = arith.minsi %mul3A_450, %add3A_452 : i32
      %lt3A_454 = arith.cmpi slt, %max3A_448, %min3A_453 : i32
      %convert_element_type3A_455 = arith.extui %lt3A_454 : i1 to i32
      %cond3A_456 = arith.constant 0 : i32
      %cond3A_457 = arith.cmpi ne, %convert_element_type3A_455, %cond3A_456 : i32
      scf.if %cond3A_457 {
        %sub3A = arith.subi %max3A_448, %multiple_of3A : i32
        %jit3A = arith.constant 48 : i32
        %div3A = arith.divsi %sub3A, %jit3A : i32
        %sign3A = arith.constant 0 : i32
        %sign3A_591 = arith.cmpi sgt, %sub3A, %sign3A : i32
        %sign3A_592 = arith.extui %sign3A_591 : i1 to i32
        %sign3A_593 = arith.constant 0 : i32
        %sign3A_594 = arith.cmpi slt, %sub3A, %sign3A_593 : i32
        %sign3A_595 = arith.extui %sign3A_594 : i1 to i32
        %sign3A_596 = arith.subi %sign3A_592, %sign3A_595 : i32
        %sign3A_597 = arith.constant 0 : i32
        %sign3A_598 = arith.cmpi sgt, %jit3A, %sign3A_597 : i32
        %sign3A_599 = arith.extui %sign3A_598 : i1 to i32
        %sign3A_600 = arith.constant 0 : i32
        %sign3A_601 = arith.cmpi slt, %jit3A, %sign3A_600 : i32
        %sign3A_602 = arith.extui %sign3A_601 : i1 to i32
        %sign3A_603 = arith.subi %sign3A_599, %sign3A_602 : i32
        %ne3A = arith.cmpi ne, %sign3A_596, %sign3A_603 : i32
        %rem3A = arith.remsi %sub3A, %jit3A : i32
        %ne3A_604 = arith.constant 0 : i32
        %ne3A_605 = arith.cmpi ne, %rem3A, %ne3A_604 : i32
        %and3A = arith.andi %ne3A, %ne3A_605 : i1
        %sub3A_606 = arith.constant 1 : i32
        %sub3A_607 = arith.subi %div3A, %sub3A_606 : i32
        %select_n3A = arith.select %and3A, %sub3A_607, %div3A : i32
        %sub3A_608 = arith.subi %min3A_453, %multiple_of3A : i32
        %add3A_609 = arith.constant 47 : i32
        %add3A_610 = arith.addi %sub3A_608, %add3A_609 : i32
        %jit3A_611 = arith.constant 48 : i32
        %div3A_612 = arith.divsi %add3A_610, %jit3A_611 : i32
        %sign3A_613 = arith.constant 0 : i32
        %sign3A_614 = arith.cmpi sgt, %add3A_610, %sign3A_613 : i32
        %sign3A_615 = arith.extui %sign3A_614 : i1 to i32
        %sign3A_616 = arith.constant 0 : i32
        %sign3A_617 = arith.cmpi slt, %add3A_610, %sign3A_616 : i32
        %sign3A_618 = arith.extui %sign3A_617 : i1 to i32
        %sign3A_619 = arith.subi %sign3A_615, %sign3A_618 : i32
        %sign3A_620 = arith.constant 0 : i32
        %sign3A_621 = arith.cmpi sgt, %jit3A_611, %sign3A_620 : i32
        %sign3A_622 = arith.extui %sign3A_621 : i1 to i32
        %sign3A_623 = arith.constant 0 : i32
        %sign3A_624 = arith.cmpi slt, %jit3A_611, %sign3A_623 : i32
        %sign3A_625 = arith.extui %sign3A_624 : i1 to i32
        %sign3A_626 = arith.subi %sign3A_622, %sign3A_625 : i32
        %ne3A_627 = arith.cmpi ne, %sign3A_619, %sign3A_626 : i32
        %rem3A_628 = arith.remsi %add3A_610, %jit3A_611 : i32
        %ne3A_629 = arith.constant 0 : i32
        %ne3A_630 = arith.cmpi ne, %rem3A_628, %ne3A_629 : i32
        %and3A_631 = arith.andi %ne3A_627, %ne3A_630 : i1
        %sub3A_632 = arith.constant 1 : i32
        %sub3A_633 = arith.subi %div3A_612, %sub3A_632 : i32
        %select_n3A_634 = arith.select %and3A_631, %sub3A_633, %div3A_612 : i32
        %while3A = arith.subi %select_n3A_634, %select_n3A : i32
        %while3A_635 = arith.addi %select_n3A, %while3A : i32
        %while3A_636 = arith.constant 1 : i32
        %while3A_637 = arith.divsi %while3A, %while3A_636 : i32
        %while3A_638 = arith.muli %while3A_637, %while3A_636 : i32
        %while3A_639 = arith.addi %select_n3A, %while3A_638 : i32
        %while3A_640 = arith.constant 1 : i32
        %while3A_641:3 = scf.for %while3A_680 = %select_n3A to %while3A_639 step %while3A_640 iter_args(%while3A_681 = %broadcast_in_dim3A_5, %while3A_682 = %broadcast_in_dim3A_5, %while3A_683 = %broadcast_in_dim3A_5) -> (vector<16xf32>, vector<16xf32>, vector<16xf32>)  : i32 {
          %mul3A_684 = arith.constant 48 : i32
          %mul3A_685 = arith.muli %while3A_680, %mul3A_684 : i32
          %add3A_686 = arith.addi %multiple_of3A, %mul3A_685 : i32
          %mul3A_687 = arith.constant 48 : i32
          %mul3A_688 = arith.muli %while3A_680, %mul3A_687 : i32
          %add3A_689 = arith.constant 0 : i32
          %add3A_690 = arith.addi %mul3A_688, %add3A_689 : i32
          %get3A_691 = arith.index_cast %add3A_690 : i32 to index
          %get3A_692 = tpu.vector_load %arg5[%get3A_691] {strides = array<i32>} : memref<60000xf32, #tpu.memory_space<vmem>>, vector<16xf32>,
          %get3A_693 = vector.shape_cast %get3A_692 : vector<16xf32> to vector<16xf32>
          %add3A_694 = arith.constant 0 : i32
          %add3A_695 = arith.addi %add3A_686, %add3A_694 : i32
          %add3A_696 = vector.broadcast %add3A_695 : i32 to vector<16xi32>
          %add3A_697 = arith.addi %add3A_696, %iota3A : vector<16xi32>
          %ge3A = vector.broadcast %max3A_448 : i32 to vector<16xi32>
          %ge3A_698 = arith.cmpi sge, %add3A_697, %ge3A : vector<16xi32>
          %lt3A_699 = vector.broadcast %min3A_453 : i32 to vector<16xi32>
          %lt3A_700 = arith.cmpi slt, %add3A_697, %lt3A_699 : vector<16xi32>
          %and3A_701 = arith.andi %ge3A_698, %lt3A_700 : vector<16xi1>
          %select_n3A_702 = arith.select %and3A_701, %get3A_693, %broadcast_in_dim3A_5 : vector<16xi1>, vector<16xf32>
          %max3A_703 = arith.maximumf %while3A_681, %select_n3A_702 : vector<16xf32>
          %add3A_704 = arith.constant 16 : i32
          %add3A_705 = arith.addi %mul3A_688, %add3A_704 : i32
          %get3A_706 = arith.index_cast %add3A_705 : i32 to index
          %get3A_707 = tpu.vector_load %arg5[%get3A_706] {strides = array<i32>} : memref<60000xf32, #tpu.memory_space<vmem>>, vector<16xf32>,
          %get3A_708 = vector.shape_cast %get3A_707 : vector<16xf32> to vector<16xf32>
          %add3A_709 = arith.constant 16 : i32
          %add3A_710 = arith.addi %add3A_686, %add3A_709 : i32
          %add3A_711 = vector.broadcast %add3A_710 : i32 to vector<16xi32>
          %add3A_712 = arith.addi %add3A_711, %iota3A : vector<16xi32>
          %ge3A_713 = vector.broadcast %max3A_448 : i32 to vector<16xi32>
          %ge3A_714 = arith.cmpi sge, %add3A_712, %ge3A_713 : vector<16xi32>
          %lt3A_715 = vector.broadcast %min3A_453 : i32 to vector<16xi32>
          %lt3A_716 = arith.cmpi slt, %add3A_712, %lt3A_715 : vector<16xi32>
          %and3A_717 = arith.andi %ge3A_714, %lt3A_716 : vector<16xi1>
          %select_n3A_718 = arith.select %and3A_717, %get3A_708, %broadcast_in_dim3A_5 : vector<16xi1>, vector<16xf32>
          %max3A_719 = arith.maximumf %while3A_682, %select_n3A_718 : vector<16xf32>
          %add3A_720 = arith.constant 32 : i32
          %add3A_721 = arith.addi %mul3A_688, %add3A_720 : i32
          %get3A_722 = arith.index_cast %add3A_721 : i32 to index
          %get3A_723 = tpu.vector_load %arg5[%get3A_722] {strides = array<i32>} : memref<60000xf32, #tpu.memory_space<vmem>>, vector<16xf32>,
          %get3A_724 = vector.shape_cast %get3A_723 : vector<16xf32> to vector<16xf32>
          %add3A_725 = arith.constant 32 : i32
          %add3A_726 = arith.addi %add3A_686, %add3A_725 : i32
          %add3A_727 = vector.broadcast %add3A_726 : i32 to vector<16xi32>
          %add3A_728 = arith.addi %add3A_727, %iota3A : vector<16xi32>
          %ge3A_729 = vector.broadcast %max3A_448 : i32 to vector<16xi32>
          %ge3A_730 = arith.cmpi sge, %add3A_728, %ge3A_729 : vector<16xi32>
          %lt3A_731 = vector.broadcast %min3A_453 : i32 to vector<16xi32>
          %lt3A_732 = arith.cmpi slt, %add3A_728, %lt3A_731 : vector<16xi32>
          %and3A_733 = arith.andi %ge3A_730, %lt3A_732 : vector<16xi1>
          %select_n3A_734 = arith.select %and3A_733, %get3A_724, %broadcast_in_dim3A_5 : vector<16xi1>, vector<16xf32>
          %max3A_735 = arith.maximumf %while3A_683, %select_n3A_734 : vector<16xf32>
          scf.yield %max3A_703, %max3A_719, %max3A_735 : vector<16xf32>, vector<16xf32>, vector<16xf32>
        }
        %while3A_642 = arith.constant 1 : i32
        %while3A_643:3 = scf.for %while3A_680 = %while3A_639 to %while3A_635 step %while3A_642 iter_args(%while3A_681 = %while3A_641#0, %while3A_682 = %while3A_641#1, %while3A_683 = %while3A_641#2) -> (vector<16xf32>, vector<16xf32>, vector<16xf32>)  : i32 {
          %mul3A_684 = arith.constant 48 : i32
          %mul3A_685 = arith.muli %while3A_680, %mul3A_684 : i32
          %add3A_686 = arith.addi %multiple_of3A, %mul3A_685 : i32
          %mul3A_687 = arith.constant 48 : i32
          %mul3A_688 = arith.muli %while3A_680, %mul3A_687 : i32
          %add3A_689 = arith.constant 0 : i32
          %add3A_690 = arith.addi %mul3A_688, %add3A_689 : i32
          %get3A_691 = arith.index_cast %add3A_690 : i32 to index
          %get3A_692 = tpu.vector_load %arg5[%get3A_691] {strides = array<i32>} : memref<60000xf32, #tpu.memory_space<vmem>>, vector<16xf32>,
          %get3A_693 = vector.shape_cast %get3A_692 : vector<16xf32> to vector<16xf32>
          %add3A_694 = arith.constant 0 : i32
          %add3A_695 = arith.addi %add3A_686, %add3A_694 : i32
          %add3A_696 = vector.broadcast %add3A_695 : i32 to vector<16xi32>
          %add3A_697 = arith.addi %add3A_696, %iota3A : vector<16xi32>
          %ge3A = vector.broadcast %max3A_448 : i32 to vector<16xi32>
          %ge3A_698 = arith.cmpi sge, %add3A_697, %ge3A : vector<16xi32>
          %lt3A_699 = vector.broadcast %min3A_453 : i32 to vector<16xi32>
          %lt3A_700 = arith.cmpi slt, %add3A_697, %lt3A_699 : vector<16xi32>
          %and3A_701 = arith.andi %ge3A_698, %lt3A_700 : vector<16xi1>
          %select_n3A_702 = arith.select %and3A_701, %get3A_693, %broadcast_in_dim3A_5 : vector<16xi1>, vector<16xf32>
          %max3A_703 = arith.maximumf %while3A_681, %select_n3A_702 : vector<16xf32>
          %add3A_704 = arith.constant 16 : i32
          %add3A_705 = arith.addi %mul3A_688, %add3A_704 : i32
          %get3A_706 = arith.index_cast %add3A_705 : i32 to index
          %get3A_707 = tpu.vector_load %arg5[%get3A_706] {strides = array<i32>} : memref<60000xf32, #tpu.memory_space<vmem>>, vector<16xf32>,
          %get3A_708 = vector.shape_cast %get3A_707 : vector<16xf32> to vector<16xf32>
          %add3A_709 = arith.constant 16 : i32
          %add3A_710 = arith.addi %add3A_686, %add3A_709 : i32
          %add3A_711 = vector.broadcast %add3A_710 : i32 to vector<16xi32>
          %add3A_712 = arith.addi %add3A_711, %iota3A : vector<16xi32>
          %ge3A_713 = vector.broadcast %max3A_448 : i32 to vector<16xi32>
          %ge3A_714 = arith.cmpi sge, %add3A_712, %ge3A_713 : vector<16xi32>
          %lt3A_715 = vector.broadcast %min3A_453 : i32 to vector<16xi32>
          %lt3A_716 = arith.cmpi slt, %add3A_712, %lt3A_715 : vector<16xi32>
          %and3A_717 = arith.andi %ge3A_714, %lt3A_716 : vector<16xi1>
          %select_n3A_718 = arith.select %and3A_717, %get3A_708, %broadcast_in_dim3A_5 : vector<16xi1>, vector<16xf32>
          %max3A_719 = arith.maximumf %while3A_682, %select_n3A_718 : vector<16xf32>
          %add3A_720 = arith.constant 32 : i32
          %add3A_721 = arith.addi %mul3A_688, %add3A_720 : i32
          %get3A_722 = arith.index_cast %add3A_721 : i32 to index
          %get3A_723 = tpu.vector_load %arg5[%get3A_722] {strides = array<i32>} : memref<60000xf32, #tpu.memory_space<vmem>>, vector<16xf32>,
          %get3A_724 = vector.shape_cast %get3A_723 : vector<16xf32> to vector<16xf32>
          %add3A_725 = arith.constant 32 : i32
          %add3A_726 = arith.addi %add3A_686, %add3A_725 : i32
          %add3A_727 = vector.broadcast %add3A_726 : i32 to vector<16xi32>
          %add3A_728 = arith.addi %add3A_727, %iota3A : vector<16xi32>
          %ge3A_729 = vector.broadcast %max3A_448 : i32 to vector<16xi32>
          %ge3A_730 = arith.cmpi sge, %add3A_728, %ge3A_729 : vector<16xi32>
          %lt3A_731 = vector.broadcast %min3A_453 : i32 to vector<16xi32>
          %lt3A_732 = arith.cmpi slt, %add3A_728, %lt3A_731 : vector<16xi32>
          %and3A_733 = arith.andi %ge3A_730, %lt3A_732 : vector<16xi1>
          %select_n3A_734 = arith.select %and3A_733, %get3A_724, %broadcast_in_dim3A_5 : vector<16xi1>, vector<16xf32>
          %max3A_735 = arith.maximumf %while3A_683, %select_n3A_734 : vector<16xf32>
          scf.yield %max3A_703, %max3A_719, %max3A_735 : vector<16xf32>, vector<16xf32>, vector<16xf32>
        }
        %get3A_644 = arith.constant 12 : i32
        %get3A_645 = arith.index_cast %get3A_644 : i32 to index
        %get3A_646 = arith.constant 0 : index
        %get3A_647 = tpu.vector_load %arg6[%get3A_645, %get3A_646] {strides = array<i32>} : memref<48x16xf32, #tpu.memory_space<vmem>>, vector<1x16xf32>,
        %get3A_648 = vector.shape_cast %get3A_647 : vector<1x16xf32> to vector<16xf32>
        %max3A_649 = arith.maximumf %get3A_648, %while3A_643#0 : vector<16xf32>
        %swap3A_650 = arith.constant 12 : i32
        %swap3A_651 = arith.index_cast %swap3A_650 : i32 to index
        %swap3A_652 = arith.constant 0 : index
        %swap3A_653 = tpu.vector_load %arg6[%swap3A_651, %swap3A_652] {strides = array<i32>} : memref<48x16xf32, #tpu.memory_space<vmem>>, vector<1x16xf32>,
        %swap3A_654 = vector.shape_cast %swap3A_653 : vector<1x16xf32> to vector<16xf32>
        %swap3A_655 = vector.shape_cast %max3A_649 : vector<16xf32> to vector<1x16xf32>
        tpu.vector_store %arg6[%swap3A_651, %swap3A_652], %swap3A_655 {strides = array<i32>} : memref<48x16xf32, #tpu.memory_space<vmem>>, vector<1x16xf32>,
        %get3A_656 = arith.constant 13 : i32
        %get3A_657 = arith.index_cast %get3A_656 : i32 to index
        %get3A_658 = arith.constant 0 : index
        %get3A_659 = tpu.vector_load %arg6[%get3A_657, %get3A_658] {strides = array<i32>} : memref<48x16xf32, #tpu.memory_space<vmem>>, vector<1x16xf32>,
        %get3A_660 = vector.shape_cast %get3A_659 : vector<1x16xf32> to vector<16xf32>
        %max3A_661 = arith.maximumf %get3A_660, %while3A_643#1 : vector<16xf32>
        %swap3A_662 = arith.constant 13 : i32
        %swap3A_663 = arith.index_cast %swap3A_662 : i32 to index
        %swap3A_664 = arith.constant 0 : index
        %swap3A_665 = tpu.vector_load %arg6[%swap3A_663, %swap3A_664] {strides = array<i32>} : memref<48x16xf32, #tpu.memory_space<vmem>>, vector<1x16xf32>,
        %swap3A_666 = vector.shape_cast %swap3A_665 : vector<1x16xf32> to vector<16xf32>
        %swap3A_667 = vector.shape_cast %max3A_661 : vector<16xf32> to vector<1x16xf32>
        tpu.vector_store %arg6[%swap3A_663, %swap3A_664], %swap3A_667 {strides = array<i32>} : memref<48x16xf32, #tpu.memory_space<vmem>>, vector<1x16xf32>,
        %get3A_668 = arith.constant 14 : i32
        %get3A_669 = arith.index_cast %get3A_668 : i32 to index
        %get3A_670 = arith.constant 0 : index
        %get3A_671 = tpu.vector_load %arg6[%get3A_669, %get3A_670] {strides = array<i32>} : memref<48x16xf32, #tpu.memory_space<vmem>>, vector<1x16xf32>,
        %get3A_672 = vector.shape_cast %get3A_671 : vector<1x16xf32> to vector<16xf32>
        %max3A_673 = arith.maximumf %get3A_672, %while3A_643#2 : vector<16xf32>
        %swap3A_674 = arith.constant 14 : i32
        %swap3A_675 = arith.index_cast %swap3A_674 : i32 to index
        %swap3A_676 = arith.constant 0 : index
        %swap3A_677 = tpu.vector_load %arg6[%swap3A_675, %swap3A_676] {strides = array<i32>} : memref<48x16xf32, #tpu.memory_space<vmem>>, vector<1x16xf32>,
        %swap3A_678 = vector.shape_cast %swap3A_677 : vector<1x16xf32> to vector<16xf32>
        %swap3A_679 = vector.shape_cast %max3A_673 : vector<16xf32> to vector<1x16xf32>
        tpu.vector_store %arg6[%swap3A_675, %swap3A_676], %swap3A_679 {strides = array<i32>} : memref<48x16xf32, #tpu.memory_space<vmem>>, vector<1x16xf32>,
      } else {
      }
      %mul3A_458 = arith.constant 3 : i32
      %mul3A_459 = arith.muli %squeeze3A_45, %mul3A_458 : i32
      %max3A_460 = arith.maxsi %mul3A_459, %multiple_of3A : i32
      %mul3A_461 = arith.constant 3 : i32
      %mul3A_462 = arith.muli %squeeze3A_50, %mul3A_461 : i32
      %add3A_463 = arith.constant 60000 : i32
      %add3A_464 = arith.addi %multiple_of3A, %add3A_463 : i32
      %min3A_465 = arith.minsi %mul3A_462, %add3A_464 : i32
      %lt3A_466 = arith.cmpi slt, %max3A_460, %min3A_465 : i32
      %convert_element_type3A_467 = arith.extui %lt3A_466 : i1 to i32
      %cond3A_468 = arith.constant 0 : i32
      %cond3A_469 = arith.cmpi ne, %convert_element_type3A_467, %cond3A_468 : i32
      scf.if %cond3A_469 {
        %sub3A = arith.subi %max3A_460, %multiple_of3A : i32
        %jit3A = arith.constant 48 : i32
        %div3A = arith.divsi %sub3A, %jit3A : i32
        %sign3A = arith.constant 0 : i32
        %sign3A_591 = arith.cmpi sgt, %sub3A, %sign3A : i32
        %sign3A_592 = arith.extui %sign3A_591 : i1 to i32
        %sign3A_593 = arith.constant 0 : i32
        %sign3A_594 = arith.cmpi slt, %sub3A, %sign3A_593 : i32
        %sign3A_595 = arith.extui %sign3A_594 : i1 to i32
        %sign3A_596 = arith.subi %sign3A_592, %sign3A_595 : i32
        %sign3A_597 = arith.constant 0 : i32
        %sign3A_598 = arith.cmpi sgt, %jit3A, %sign3A_597 : i32
        %sign3A_599 = arith.extui %sign3A_598 : i1 to i32
        %sign3A_600 = arith.constant 0 : i32
        %sign3A_601 = arith.cmpi slt, %jit3A, %sign3A_600 : i32
        %sign3A_602 = arith.extui %sign3A_601 : i1 to i32
        %sign3A_603 = arith.subi %sign3A_599, %sign3A_602 : i32
        %ne3A = arith.cmpi ne, %sign3A_596, %sign3A_603 : i32
        %rem3A = arith.remsi %sub3A, %jit3A : i32
        %ne3A_604 = arith.constant 0 : i32
        %ne3A_605 = arith.cmpi ne, %rem3A, %ne3A_604 : i32
        %and3A = arith.andi %ne3A, %ne3A_605 : i1
        %sub3A_606 = arith.constant 1 : i32
        %sub3A_607 = arith.subi %div3A, %sub3A_606 : i32
        %select_n3A = arith.select %and3A, %sub3A_607, %div3A : i32
        %sub3A_608 = arith.subi %min3A_465, %multiple_of3A : i32
        %add3A_609 = arith.constant 47 : i32
        %add3A_610 = arith.addi %sub3A_608, %add3A_609 : i32
        %jit3A_611 = arith.constant 48 : i32
        %div3A_612 = arith.divsi %add3A_610, %jit3A_611 : i32
        %sign3A_613 = arith.constant 0 : i32
        %sign3A_614 = arith.cmpi sgt, %add3A_610, %sign3A_613 : i32
        %sign3A_615 = arith.extui %sign3A_614 : i1 to i32
        %sign3A_616 = arith.constant 0 : i32
        %sign3A_617 = arith.cmpi slt, %add3A_610, %sign3A_616 : i32
        %sign3A_618 = arith.extui %sign3A_617 : i1 to i32
        %sign3A_619 = arith.subi %sign3A_615, %sign3A_618 : i32
        %sign3A_620 = arith.constant 0 : i32
        %sign3A_621 = arith.cmpi sgt, %jit3A_611, %sign3A_620 : i32
        %sign3A_622 = arith.extui %sign3A_621 : i1 to i32
        %sign3A_623 = arith.constant 0 : i32
        %sign3A_624 = arith.cmpi slt, %jit3A_611, %sign3A_623 : i32
        %sign3A_625 = arith.extui %sign3A_624 : i1 to i32
        %sign3A_626 = arith.subi %sign3A_622, %sign3A_625 : i32
        %ne3A_627 = arith.cmpi ne, %sign3A_619, %sign3A_626 : i32
        %rem3A_628 = arith.remsi %add3A_610, %jit3A_611 : i32
        %ne3A_629 = arith.constant 0 : i32
        %ne3A_630 = arith.cmpi ne, %rem3A_628, %ne3A_629 : i32
        %and3A_631 = arith.andi %ne3A_627, %ne3A_630 : i1
        %sub3A_632 = arith.constant 1 : i32
        %sub3A_633 = arith.subi %div3A_612, %sub3A_632 : i32
        %select_n3A_634 = arith.select %and3A_631, %sub3A_633, %div3A_612 : i32
        %while3A = arith.subi %select_n3A_634, %select_n3A : i32
        %while3A_635 = arith.addi %select_n3A, %while3A : i32
        %while3A_636 = arith.constant 1 : i32
        %while3A_637 = arith.divsi %while3A, %while3A_636 : i32
        %while3A_638 = arith.muli %while3A_637, %while3A_636 : i32
        %while3A_639 = arith.addi %select_n3A, %while3A_638 : i32
        %while3A_640 = arith.constant 1 : i32
        %while3A_641:3 = scf.for %while3A_680 = %select_n3A to %while3A_639 step %while3A_640 iter_args(%while3A_681 = %broadcast_in_dim3A_5, %while3A_682 = %broadcast_in_dim3A_5, %while3A_683 = %broadcast_in_dim3A_5) -> (vector<16xf32>, vector<16xf32>, vector<16xf32>)  : i32 {
          %mul3A_684 = arith.constant 48 : i32
          %mul3A_685 = arith.muli %while3A_680, %mul3A_684 : i32
          %add3A_686 = arith.addi %multiple_of3A, %mul3A_685 : i32
          %mul3A_687 = arith.constant 48 : i32
          %mul3A_688 = arith.muli %while3A_680, %mul3A_687 : i32
          %add3A_689 = arith.constant 0 : i32
          %add3A_690 = arith.addi %mul3A_688, %add3A_689 : i32
          %get3A_691 = arith.index_cast %add3A_690 : i32 to index
          %get3A_692 = tpu.vector_load %arg5[%get3A_691] {strides = array<i32>} : memref<60000xf32, #tpu.memory_space<vmem>>, vector<16xf32>,
          %get3A_693 = vector.shape_cast %get3A_692 : vector<16xf32> to vector<16xf32>
          %add3A_694 = arith.constant 0 : i32
          %add3A_695 = arith.addi %add3A_686, %add3A_694 : i32
          %add3A_696 = vector.broadcast %add3A_695 : i32 to vector<16xi32>
          %add3A_697 = arith.addi %add3A_696, %iota3A : vector<16xi32>
          %ge3A = vector.broadcast %max3A_460 : i32 to vector<16xi32>
          %ge3A_698 = arith.cmpi sge, %add3A_697, %ge3A : vector<16xi32>
          %lt3A_699 = vector.broadcast %min3A_465 : i32 to vector<16xi32>
          %lt3A_700 = arith.cmpi slt, %add3A_697, %lt3A_699 : vector<16xi32>
          %and3A_701 = arith.andi %ge3A_698, %lt3A_700 : vector<16xi1>
          %select_n3A_702 = arith.select %and3A_701, %get3A_693, %broadcast_in_dim3A_5 : vector<16xi1>, vector<16xf32>
          %max3A_703 = arith.maximumf %while3A_681, %select_n3A_702 : vector<16xf32>
          %add3A_704 = arith.constant 16 : i32
          %add3A_705 = arith.addi %mul3A_688, %add3A_704 : i32
          %get3A_706 = arith.index_cast %add3A_705 : i32 to index
          %get3A_707 = tpu.vector_load %arg5[%get3A_706] {strides = array<i32>} : memref<60000xf32, #tpu.memory_space<vmem>>, vector<16xf32>,
          %get3A_708 = vector.shape_cast %get3A_707 : vector<16xf32> to vector<16xf32>
          %add3A_709 = arith.constant 16 : i32
          %add3A_710 = arith.addi %add3A_686, %add3A_709 : i32
          %add3A_711 = vector.broadcast %add3A_710 : i32 to vector<16xi32>
          %add3A_712 = arith.addi %add3A_711, %iota3A : vector<16xi32>
          %ge3A_713 = vector.broadcast %max3A_460 : i32 to vector<16xi32>
          %ge3A_714 = arith.cmpi sge, %add3A_712, %ge3A_713 : vector<16xi32>
          %lt3A_715 = vector.broadcast %min3A_465 : i32 to vector<16xi32>
          %lt3A_716 = arith.cmpi slt, %add3A_712, %lt3A_715 : vector<16xi32>
          %and3A_717 = arith.andi %ge3A_714, %lt3A_716 : vector<16xi1>
          %select_n3A_718 = arith.select %and3A_717, %get3A_708, %broadcast_in_dim3A_5 : vector<16xi1>, vector<16xf32>
          %max3A_719 = arith.maximumf %while3A_682, %select_n3A_718 : vector<16xf32>
          %add3A_720 = arith.constant 32 : i32
          %add3A_721 = arith.addi %mul3A_688, %add3A_720 : i32
          %get3A_722 = arith.index_cast %add3A_721 : i32 to index
          %get3A_723 = tpu.vector_load %arg5[%get3A_722] {strides = array<i32>} : memref<60000xf32, #tpu.memory_space<vmem>>, vector<16xf32>,
          %get3A_724 = vector.shape_cast %get3A_723 : vector<16xf32> to vector<16xf32>
          %add3A_725 = arith.constant 32 : i32
          %add3A_726 = arith.addi %add3A_686, %add3A_725 : i32
          %add3A_727 = vector.broadcast %add3A_726 : i32 to vector<16xi32>
          %add3A_728 = arith.addi %add3A_727, %iota3A : vector<16xi32>
          %ge3A_729 = vector.broadcast %max3A_460 : i32 to vector<16xi32>
          %ge3A_730 = arith.cmpi sge, %add3A_728, %ge3A_729 : vector<16xi32>
          %lt3A_731 = vector.broadcast %min3A_465 : i32 to vector<16xi32>
          %lt3A_732 = arith.cmpi slt, %add3A_728, %lt3A_731 : vector<16xi32>
          %and3A_733 = arith.andi %ge3A_730, %lt3A_732 : vector<16xi1>
          %select_n3A_734 = arith.select %and3A_733, %get3A_724, %broadcast_in_dim3A_5 : vector<16xi1>, vector<16xf32>
          %max3A_735 = arith.maximumf %while3A_683, %select_n3A_734 : vector<16xf32>
          scf.yield %max3A_703, %max3A_719, %max3A_735 : vector<16xf32>, vector<16xf32>, vector<16xf32>
        }
        %while3A_642 = arith.constant 1 : i32
        %while3A_643:3 = scf.for %while3A_680 = %while3A_639 to %while3A_635 step %while3A_642 iter_args(%while3A_681 = %while3A_641#0, %while3A_682 = %while3A_641#1, %while3A_683 = %while3A_641#2) -> (vector<16xf32>, vector<16xf32>, vector<16xf32>)  : i32 {
          %mul3A_684 = arith.constant 48 : i32
          %mul3A_685 = arith.muli %while3A_680, %mul3A_684 : i32
          %add3A_686 = arith.addi %multiple_of3A, %mul3A_685 : i32
          %mul3A_687 = arith.constant 48 : i32
          %mul3A_688 = arith.muli %while3A_680, %mul3A_687 : i32
          %add3A_689 = arith.constant 0 : i32
          %add3A_690 = arith.addi %mul3A_688, %add3A_689 : i32
          %get3A_691 = arith.index_cast %add3A_690 : i32 to index
          %get3A_692 = tpu.vector_load %arg5[%get3A_691] {strides = array<i32>} : memref<60000xf32, #tpu.memory_space<vmem>>, vector<16xf32>,
          %get3A_693 = vector.shape_cast %get3A_692 : vector<16xf32> to vector<16xf32>
          %add3A_694 = arith.constant 0 : i32
          %add3A_695 = arith.addi %add3A_686, %add3A_694 : i32
          %add3A_696 = vector.broadcast %add3A_695 : i32 to vector<16xi32>
          %add3A_697 = arith.addi %add3A_696, %iota3A : vector<16xi32>
          %ge3A = vector.broadcast %max3A_460 : i32 to vector<16xi32>
          %ge3A_698 = arith.cmpi sge, %add3A_697, %ge3A : vector<16xi32>
          %lt3A_699 = vector.broadcast %min3A_465 : i32 to vector<16xi32>
          %lt3A_700 = arith.cmpi slt, %add3A_697, %lt3A_699 : vector<16xi32>
          %and3A_701 = arith.andi %ge3A_698, %lt3A_700 : vector<16xi1>
          %select_n3A_702 = arith.select %and3A_701, %get3A_693, %broadcast_in_dim3A_5 : vector<16xi1>, vector<16xf32>
          %max3A_703 = arith.maximumf %while3A_681, %select_n3A_702 : vector<16xf32>
          %add3A_704 = arith.constant 16 : i32
          %add3A_705 = arith.addi %mul3A_688, %add3A_704 : i32
          %get3A_706 = arith.index_cast %add3A_705 : i32 to index
          %get3A_707 = tpu.vector_load %arg5[%get3A_706] {strides = array<i32>} : memref<60000xf32, #tpu.memory_space<vmem>>, vector<16xf32>,
          %get3A_708 = vector.shape_cast %get3A_707 : vector<16xf32> to vector<16xf32>
          %add3A_709 = arith.constant 16 : i32
          %add3A_710 = arith.addi %add3A_686, %add3A_709 : i32
          %add3A_711 = vector.broadcast %add3A_710 : i32 to vector<16xi32>
          %add3A_712 = arith.addi %add3A_711, %iota3A : vector<16xi32>
          %ge3A_713 = vector.broadcast %max3A_460 : i32 to vector<16xi32>
          %ge3A_714 = arith.cmpi sge, %add3A_712, %ge3A_713 : vector<16xi32>
          %lt3A_715 = vector.broadcast %min3A_465 : i32 to vector<16xi32>
          %lt3A_716 = arith.cmpi slt, %add3A_712, %lt3A_715 : vector<16xi32>
          %and3A_717 = arith.andi %ge3A_714, %lt3A_716 : vector<16xi1>
          %select_n3A_718 = arith.select %and3A_717, %get3A_708, %broadcast_in_dim3A_5 : vector<16xi1>, vector<16xf32>
          %max3A_719 = arith.maximumf %while3A_682, %select_n3A_718 : vector<16xf32>
          %add3A_720 = arith.constant 32 : i32
          %add3A_721 = arith.addi %mul3A_688, %add3A_720 : i32
          %get3A_722 = arith.index_cast %add3A_721 : i32 to index
          %get3A_723 = tpu.vector_load %arg5[%get3A_722] {strides = array<i32>} : memref<60000xf32, #tpu.memory_space<vmem>>, vector<16xf32>,
          %get3A_724 = vector.shape_cast %get3A_723 : vector<16xf32> to vector<16xf32>
          %add3A_725 = arith.constant 32 : i32
          %add3A_726 = arith.addi %add3A_686, %add3A_725 : i32
          %add3A_727 = vector.broadcast %add3A_726 : i32 to vector<16xi32>
          %add3A_728 = arith.addi %add3A_727, %iota3A : vector<16xi32>
          %ge3A_729 = vector.broadcast %max3A_460 : i32 to vector<16xi32>
          %ge3A_730 = arith.cmpi sge, %add3A_728, %ge3A_729 : vector<16xi32>
          %lt3A_731 = vector.broadcast %min3A_465 : i32 to vector<16xi32>
          %lt3A_732 = arith.cmpi slt, %add3A_728, %lt3A_731 : vector<16xi32>
          %and3A_733 = arith.andi %ge3A_730, %lt3A_732 : vector<16xi1>
          %select_n3A_734 = arith.select %and3A_733, %get3A_724, %broadcast_in_dim3A_5 : vector<16xi1>, vector<16xf32>
          %max3A_735 = arith.maximumf %while3A_683, %select_n3A_734 : vector<16xf32>
          scf.yield %max3A_703, %max3A_719, %max3A_735 : vector<16xf32>, vector<16xf32>, vector<16xf32>
        }
        %get3A_644 = arith.constant 15 : i32
        %get3A_645 = arith.index_cast %get3A_644 : i32 to index
        %get3A_646 = arith.constant 0 : index
        %get3A_647 = tpu.vector_load %arg6[%get3A_645, %get3A_646] {strides = array<i32>} : memref<48x16xf32, #tpu.memory_space<vmem>>, vector<1x16xf32>,
        %get3A_648 = vector.shape_cast %get3A_647 : vector<1x16xf32> to vector<16xf32>
        %max3A_649 = arith.maximumf %get3A_648, %while3A_643#0 : vector<16xf32>
        %swap3A_650 = arith.constant 15 : i32
        %swap3A_651 = arith.index_cast %swap3A_650 : i32 to index
        %swap3A_652 = arith.constant 0 : index
        %swap3A_653 = tpu.vector_load %arg6[%swap3A_651, %swap3A_652] {strides = array<i32>} : memref<48x16xf32, #tpu.memory_space<vmem>>, vector<1x16xf32>,
        %swap3A_654 = vector.shape_cast %swap3A_653 : vector<1x16xf32> to vector<16xf32>
        %swap3A_655 = vector.shape_cast %max3A_649 : vector<16xf32> to vector<1x16xf32>
        tpu.vector_store %arg6[%swap3A_651, %swap3A_652], %swap3A_655 {strides = array<i32>} : memref<48x16xf32, #tpu.memory_space<vmem>>, vector<1x16xf32>,
        %get3A_656 = arith.constant 16 : i32
        %get3A_657 = arith.index_cast %get3A_656 : i32 to index
        %get3A_658 = arith.constant 0 : index
        %get3A_659 = tpu.vector_load %arg6[%get3A_657, %get3A_658] {strides = array<i32>} : memref<48x16xf32, #tpu.memory_space<vmem>>, vector<1x16xf32>,
        %get3A_660 = vector.shape_cast %get3A_659 : vector<1x16xf32> to vector<16xf32>
        %max3A_661 = arith.maximumf %get3A_660, %while3A_643#1 : vector<16xf32>
        %swap3A_662 = arith.constant 16 : i32
        %swap3A_663 = arith.index_cast %swap3A_662 : i32 to index
        %swap3A_664 = arith.constant 0 : index
        %swap3A_665 = tpu.vector_load %arg6[%swap3A_663, %swap3A_664] {strides = array<i32>} : memref<48x16xf32, #tpu.memory_space<vmem>>, vector<1x16xf32>,
        %swap3A_666 = vector.shape_cast %swap3A_665 : vector<1x16xf32> to vector<16xf32>
        %swap3A_667 = vector.shape_cast %max3A_661 : vector<16xf32> to vector<1x16xf32>
        tpu.vector_store %arg6[%swap3A_663, %swap3A_664], %swap3A_667 {strides = array<i32>} : memref<48x16xf32, #tpu.memory_space<vmem>>, vector<1x16xf32>,
        %get3A_668 = arith.constant 17 : i32
        %get3A_669 = arith.index_cast %get3A_668 : i32 to index
        %get3A_670 = arith.constant 0 : index
        %get3A_671 = tpu.vector_load %arg6[%get3A_669, %get3A_670] {strides = array<i32>} : memref<48x16xf32, #tpu.memory_space<vmem>>, vector<1x16xf32>,
        %get3A_672 = vector.shape_cast %get3A_671 : vector<1x16xf32> to vector<16xf32>
        %max3A_673 = arith.maximumf %get3A_672, %while3A_643#2 : vector<16xf32>
        %swap3A_674 = arith.constant 17 : i32
        %swap3A_675 = arith.index_cast %swap3A_674 : i32 to index
        %swap3A_676 = arith.constant 0 : index
        %swap3A_677 = tpu.vector_load %arg6[%swap3A_675, %swap3A_676] {strides = array<i32>} : memref<48x16xf32, #tpu.memory_space<vmem>>, vector<1x16xf32>,
        %swap3A_678 = vector.shape_cast %swap3A_677 : vector<1x16xf32> to vector<16xf32>
        %swap3A_679 = vector.shape_cast %max3A_673 : vector<16xf32> to vector<1x16xf32>
        tpu.vector_store %arg6[%swap3A_675, %swap3A_676], %swap3A_679 {strides = array<i32>} : memref<48x16xf32, #tpu.memory_space<vmem>>, vector<1x16xf32>,
      } else {
      }
      %mul3A_470 = arith.constant 3 : i32
      %mul3A_471 = arith.muli %squeeze3A_50, %mul3A_470 : i32
      %max3A_472 = arith.maxsi %mul3A_471, %multiple_of3A : i32
      %mul3A_473 = arith.constant 3 : i32
      %mul3A_474 = arith.muli %squeeze3A_55, %mul3A_473 : i32
      %add3A_475 = arith.constant 60000 : i32
      %add3A_476 = arith.addi %multiple_of3A, %add3A_475 : i32
      %min3A_477 = arith.minsi %mul3A_474, %add3A_476 : i32
      %lt3A_478 = arith.cmpi slt, %max3A_472, %min3A_477 : i32
      %convert_element_type3A_479 = arith.extui %lt3A_478 : i1 to i32
      %cond3A_480 = arith.constant 0 : i32
      %cond3A_481 = arith.cmpi ne, %convert_element_type3A_479, %cond3A_480 : i32
      scf.if %cond3A_481 {
        %sub3A = arith.subi %max3A_472, %multiple_of3A : i32
        %jit3A = arith.constant 48 : i32
        %div3A = arith.divsi %sub3A, %jit3A : i32
        %sign3A = arith.constant 0 : i32
        %sign3A_591 = arith.cmpi sgt, %sub3A, %sign3A : i32
        %sign3A_592 = arith.extui %sign3A_591 : i1 to i32
        %sign3A_593 = arith.constant 0 : i32
        %sign3A_594 = arith.cmpi slt, %sub3A, %sign3A_593 : i32
        %sign3A_595 = arith.extui %sign3A_594 : i1 to i32
        %sign3A_596 = arith.subi %sign3A_592, %sign3A_595 : i32
        %sign3A_597 = arith.constant 0 : i32
        %sign3A_598 = arith.cmpi sgt, %jit3A, %sign3A_597 : i32
        %sign3A_599 = arith.extui %sign3A_598 : i1 to i32
        %sign3A_600 = arith.constant 0 : i32
        %sign3A_601 = arith.cmpi slt, %jit3A, %sign3A_600 : i32
        %sign3A_602 = arith.extui %sign3A_601 : i1 to i32
        %sign3A_603 = arith.subi %sign3A_599, %sign3A_602 : i32
        %ne3A = arith.cmpi ne, %sign3A_596, %sign3A_603 : i32
        %rem3A = arith.remsi %sub3A, %jit3A : i32
        %ne3A_604 = arith.constant 0 : i32
        %ne3A_605 = arith.cmpi ne, %rem3A, %ne3A_604 : i32
        %and3A = arith.andi %ne3A, %ne3A_605 : i1
        %sub3A_606 = arith.constant 1 : i32
        %sub3A_607 = arith.subi %div3A, %sub3A_606 : i32
        %select_n3A = arith.select %and3A, %sub3A_607, %div3A : i32
        %sub3A_608 = arith.subi %min3A_477, %multiple_of3A : i32
        %add3A_609 = arith.constant 47 : i32
        %add3A_610 = arith.addi %sub3A_608, %add3A_609 : i32
        %jit3A_611 = arith.constant 48 : i32
        %div3A_612 = arith.divsi %add3A_610, %jit3A_611 : i32
        %sign3A_613 = arith.constant 0 : i32
        %sign3A_614 = arith.cmpi sgt, %add3A_610, %sign3A_613 : i32
        %sign3A_615 = arith.extui %sign3A_614 : i1 to i32
        %sign3A_616 = arith.constant 0 : i32
        %sign3A_617 = arith.cmpi slt, %add3A_610, %sign3A_616 : i32
        %sign3A_618 = arith.extui %sign3A_617 : i1 to i32
        %sign3A_619 = arith.subi %sign3A_615, %sign3A_618 : i32
        %sign3A_620 = arith.constant 0 : i32
        %sign3A_621 = arith.cmpi sgt, %jit3A_611, %sign3A_620 : i32
        %sign3A_622 = arith.extui %sign3A_621 : i1 to i32
        %sign3A_623 = arith.constant 0 : i32
        %sign3A_624 = arith.cmpi slt, %jit3A_611, %sign3A_623 : i32
        %sign3A_625 = arith.extui %sign3A_624 : i1 to i32
        %sign3A_626 = arith.subi %sign3A_622, %sign3A_625 : i32
        %ne3A_627 = arith.cmpi ne, %sign3A_619, %sign3A_626 : i32
        %rem3A_628 = arith.remsi %add3A_610, %jit3A_611 : i32
        %ne3A_629 = arith.constant 0 : i32
        %ne3A_630 = arith.cmpi ne, %rem3A_628, %ne3A_629 : i32
        %and3A_631 = arith.andi %ne3A_627, %ne3A_630 : i1
        %sub3A_632 = arith.constant 1 : i32
        %sub3A_633 = arith.subi %div3A_612, %sub3A_632 : i32
        %select_n3A_634 = arith.select %and3A_631, %sub3A_633, %div3A_612 : i32
        %while3A = arith.subi %select_n3A_634, %select_n3A : i32
        %while3A_635 = arith.addi %select_n3A, %while3A : i32
        %while3A_636 = arith.constant 1 : i32
        %while3A_637 = arith.divsi %while3A, %while3A_636 : i32
        %while3A_638 = arith.muli %while3A_637, %while3A_636 : i32
        %while3A_639 = arith.addi %select_n3A, %while3A_638 : i32
        %while3A_640 = arith.constant 1 : i32
        %while3A_641:3 = scf.for %while3A_680 = %select_n3A to %while3A_639 step %while3A_640 iter_args(%while3A_681 = %broadcast_in_dim3A_5, %while3A_682 = %broadcast_in_dim3A_5, %while3A_683 = %broadcast_in_dim3A_5) -> (vector<16xf32>, vector<16xf32>, vector<16xf32>)  : i32 {
          %mul3A_684 = arith.constant 48 : i32
          %mul3A_685 = arith.muli %while3A_680, %mul3A_684 : i32
          %add3A_686 = arith.addi %multiple_of3A, %mul3A_685 : i32
          %mul3A_687 = arith.constant 48 : i32
          %mul3A_688 = arith.muli %while3A_680, %mul3A_687 : i32
          %add3A_689 = arith.constant 0 : i32
          %add3A_690 = arith.addi %mul3A_688, %add3A_689 : i32
          %get3A_691 = arith.index_cast %add3A_690 : i32 to index
          %get3A_692 = tpu.vector_load %arg5[%get3A_691] {strides = array<i32>} : memref<60000xf32, #tpu.memory_space<vmem>>, vector<16xf32>,
          %get3A_693 = vector.shape_cast %get3A_692 : vector<16xf32> to vector<16xf32>
          %add3A_694 = arith.constant 0 : i32
          %add3A_695 = arith.addi %add3A_686, %add3A_694 : i32
          %add3A_696 = vector.broadcast %add3A_695 : i32 to vector<16xi32>
          %add3A_697 = arith.addi %add3A_696, %iota3A : vector<16xi32>
          %ge3A = vector.broadcast %max3A_472 : i32 to vector<16xi32>
          %ge3A_698 = arith.cmpi sge, %add3A_697, %ge3A : vector<16xi32>
          %lt3A_699 = vector.broadcast %min3A_477 : i32 to vector<16xi32>
          %lt3A_700 = arith.cmpi slt, %add3A_697, %lt3A_699 : vector<16xi32>
          %and3A_701 = arith.andi %ge3A_698, %lt3A_700 : vector<16xi1>
          %select_n3A_702 = arith.select %and3A_701, %get3A_693, %broadcast_in_dim3A_5 : vector<16xi1>, vector<16xf32>
          %max3A_703 = arith.maximumf %while3A_681, %select_n3A_702 : vector<16xf32>
          %add3A_704 = arith.constant 16 : i32
          %add3A_705 = arith.addi %mul3A_688, %add3A_704 : i32
          %get3A_706 = arith.index_cast %add3A_705 : i32 to index
          %get3A_707 = tpu.vector_load %arg5[%get3A_706] {strides = array<i32>} : memref<60000xf32, #tpu.memory_space<vmem>>, vector<16xf32>,
          %get3A_708 = vector.shape_cast %get3A_707 : vector<16xf32> to vector<16xf32>
          %add3A_709 = arith.constant 16 : i32
          %add3A_710 = arith.addi %add3A_686, %add3A_709 : i32
          %add3A_711 = vector.broadcast %add3A_710 : i32 to vector<16xi32>
          %add3A_712 = arith.addi %add3A_711, %iota3A : vector<16xi32>
          %ge3A_713 = vector.broadcast %max3A_472 : i32 to vector<16xi32>
          %ge3A_714 = arith.cmpi sge, %add3A_712, %ge3A_713 : vector<16xi32>
          %lt3A_715 = vector.broadcast %min3A_477 : i32 to vector<16xi32>
          %lt3A_716 = arith.cmpi slt, %add3A_712, %lt3A_715 : vector<16xi32>
          %and3A_717 = arith.andi %ge3A_714, %lt3A_716 : vector<16xi1>
          %select_n3A_718 = arith.select %and3A_717, %get3A_708, %broadcast_in_dim3A_5 : vector<16xi1>, vector<16xf32>
          %max3A_719 = arith.maximumf %while3A_682, %select_n3A_718 : vector<16xf32>
          %add3A_720 = arith.constant 32 : i32
          %add3A_721 = arith.addi %mul3A_688, %add3A_720 : i32
          %get3A_722 = arith.index_cast %add3A_721 : i32 to index
          %get3A_723 = tpu.vector_load %arg5[%get3A_722] {strides = array<i32>} : memref<60000xf32, #tpu.memory_space<vmem>>, vector<16xf32>,
          %get3A_724 = vector.shape_cast %get3A_723 : vector<16xf32> to vector<16xf32>
          %add3A_725 = arith.constant 32 : i32
          %add3A_726 = arith.addi %add3A_686, %add3A_725 : i32
          %add3A_727 = vector.broadcast %add3A_726 : i32 to vector<16xi32>
          %add3A_728 = arith.addi %add3A_727, %iota3A : vector<16xi32>
          %ge3A_729 = vector.broadcast %max3A_472 : i32 to vector<16xi32>
          %ge3A_730 = arith.cmpi sge, %add3A_728, %ge3A_729 : vector<16xi32>
          %lt3A_731 = vector.broadcast %min3A_477 : i32 to vector<16xi32>
          %lt3A_732 = arith.cmpi slt, %add3A_728, %lt3A_731 : vector<16xi32>
          %and3A_733 = arith.andi %ge3A_730, %lt3A_732 : vector<16xi1>
          %select_n3A_734 = arith.select %and3A_733, %get3A_724, %broadcast_in_dim3A_5 : vector<16xi1>, vector<16xf32>
          %max3A_735 = arith.maximumf %while3A_683, %select_n3A_734 : vector<16xf32>
          scf.yield %max3A_703, %max3A_719, %max3A_735 : vector<16xf32>, vector<16xf32>, vector<16xf32>
        }
        %while3A_642 = arith.constant 1 : i32
        %while3A_643:3 = scf.for %while3A_680 = %while3A_639 to %while3A_635 step %while3A_642 iter_args(%while3A_681 = %while3A_641#0, %while3A_682 = %while3A_641#1, %while3A_683 = %while3A_641#2) -> (vector<16xf32>, vector<16xf32>, vector<16xf32>)  : i32 {
          %mul3A_684 = arith.constant 48 : i32
          %mul3A_685 = arith.muli %while3A_680, %mul3A_684 : i32
          %add3A_686 = arith.addi %multiple_of3A, %mul3A_685 : i32
          %mul3A_687 = arith.constant 48 : i32
          %mul3A_688 = arith.muli %while3A_680, %mul3A_687 : i32
          %add3A_689 = arith.constant 0 : i32
          %add3A_690 = arith.addi %mul3A_688, %add3A_689 : i32
          %get3A_691 = arith.index_cast %add3A_690 : i32 to index
          %get3A_692 = tpu.vector_load %arg5[%get3A_691] {strides = array<i32>} : memref<60000xf32, #tpu.memory_space<vmem>>, vector<16xf32>,
          %get3A_693 = vector.shape_cast %get3A_692 : vector<16xf32> to vector<16xf32>
          %add3A_694 = arith.constant 0 : i32
          %add3A_695 = arith.addi %add3A_686, %add3A_694 : i32
          %add3A_696 = vector.broadcast %add3A_695 : i32 to vector<16xi32>
          %add3A_697 = arith.addi %add3A_696, %iota3A : vector<16xi32>
          %ge3A = vector.broadcast %max3A_472 : i32 to vector<16xi32>
          %ge3A_698 = arith.cmpi sge, %add3A_697, %ge3A : vector<16xi32>
          %lt3A_699 = vector.broadcast %min3A_477 : i32 to vector<16xi32>
          %lt3A_700 = arith.cmpi slt, %add3A_697, %lt3A_699 : vector<16xi32>
          %and3A_701 = arith.andi %ge3A_698, %lt3A_700 : vector<16xi1>
          %select_n3A_702 = arith.select %and3A_701, %get3A_693, %broadcast_in_dim3A_5 : vector<16xi1>, vector<16xf32>
          %max3A_703 = arith.maximumf %while3A_681, %select_n3A_702 : vector<16xf32>
          %add3A_704 = arith.constant 16 : i32
          %add3A_705 = arith.addi %mul3A_688, %add3A_704 : i32
          %get3A_706 = arith.index_cast %add3A_705 : i32 to index
          %get3A_707 = tpu.vector_load %arg5[%get3A_706] {strides = array<i32>} : memref<60000xf32, #tpu.memory_space<vmem>>, vector<16xf32>,
          %get3A_708 = vector.shape_cast %get3A_707 : vector<16xf32> to vector<16xf32>
          %add3A_709 = arith.constant 16 : i32
          %add3A_710 = arith.addi %add3A_686, %add3A_709 : i32
          %add3A_711 = vector.broadcast %add3A_710 : i32 to vector<16xi32>
          %add3A_712 = arith.addi %add3A_711, %iota3A : vector<16xi32>
          %ge3A_713 = vector.broadcast %max3A_472 : i32 to vector<16xi32>
          %ge3A_714 = arith.cmpi sge, %add3A_712, %ge3A_713 : vector<16xi32>
          %lt3A_715 = vector.broadcast %min3A_477 : i32 to vector<16xi32>
          %lt3A_716 = arith.cmpi slt, %add3A_712, %lt3A_715 : vector<16xi32>
          %and3A_717 = arith.andi %ge3A_714, %lt3A_716 : vector<16xi1>
          %select_n3A_718 = arith.select %and3A_717, %get3A_708, %broadcast_in_dim3A_5 : vector<16xi1>, vector<16xf32>
          %max3A_719 = arith.maximumf %while3A_682, %select_n3A_718 : vector<16xf32>
          %add3A_720 = arith.constant 32 : i32
          %add3A_721 = arith.addi %mul3A_688, %add3A_720 : i32
          %get3A_722 = arith.index_cast %add3A_721 : i32 to index
          %get3A_723 = tpu.vector_load %arg5[%get3A_722] {strides = array<i32>} : memref<60000xf32, #tpu.memory_space<vmem>>, vector<16xf32>,
          %get3A_724 = vector.shape_cast %get3A_723 : vector<16xf32> to vector<16xf32>
          %add3A_725 = arith.constant 32 : i32
          %add3A_726 = arith.addi %add3A_686, %add3A_725 : i32
          %add3A_727 = vector.broadcast %add3A_726 : i32 to vector<16xi32>
          %add3A_728 = arith.addi %add3A_727, %iota3A : vector<16xi32>
          %ge3A_729 = vector.broadcast %max3A_472 : i32 to vector<16xi32>
          %ge3A_730 = arith.cmpi sge, %add3A_728, %ge3A_729 : vector<16xi32>
          %lt3A_731 = vector.broadcast %min3A_477 : i32 to vector<16xi32>
          %lt3A_732 = arith.cmpi slt, %add3A_728, %lt3A_731 : vector<16xi32>
          %and3A_733 = arith.andi %ge3A_730, %lt3A_732 : vector<16xi1>
          %select_n3A_734 = arith.select %and3A_733, %get3A_724, %broadcast_in_dim3A_5 : vector<16xi1>, vector<16xf32>
          %max3A_735 = arith.maximumf %while3A_683, %select_n3A_734 : vector<16xf32>
          scf.yield %max3A_703, %max3A_719, %max3A_735 : vector<16xf32>, vector<16xf32>, vector<16xf32>
        }
        %get3A_644 = arith.constant 18 : i32
        %get3A_645 = arith.index_cast %get3A_644 : i32 to index
        %get3A_646 = arith.constant 0 : index
        %get3A_647 = tpu.vector_load %arg6[%get3A_645, %get3A_646] {strides = array<i32>} : memref<48x16xf32, #tpu.memory_space<vmem>>, vector<1x16xf32>,
        %get3A_648 = vector.shape_cast %get3A_647 : vector<1x16xf32> to vector<16xf32>
        %max3A_649 = arith.maximumf %get3A_648, %while3A_643#0 : vector<16xf32>
        %swap3A_650 = arith.constant 18 : i32
        %swap3A_651 = arith.index_cast %swap3A_650 : i32 to index
        %swap3A_652 = arith.constant 0 : index
        %swap3A_653 = tpu.vector_load %arg6[%swap3A_651, %swap3A_652] {strides = array<i32>} : memref<48x16xf32, #tpu.memory_space<vmem>>, vector<1x16xf32>,
        %swap3A_654 = vector.shape_cast %swap3A_653 : vector<1x16xf32> to vector<16xf32>
        %swap3A_655 = vector.shape_cast %max3A_649 : vector<16xf32> to vector<1x16xf32>
        tpu.vector_store %arg6[%swap3A_651, %swap3A_652], %swap3A_655 {strides = array<i32>} : memref<48x16xf32, #tpu.memory_space<vmem>>, vector<1x16xf32>,
        %get3A_656 = arith.constant 19 : i32
        %get3A_657 = arith.index_cast %get3A_656 : i32 to index
        %get3A_658 = arith.constant 0 : index
        %get3A_659 = tpu.vector_load %arg6[%get3A_657, %get3A_658] {strides = array<i32>} : memref<48x16xf32, #tpu.memory_space<vmem>>, vector<1x16xf32>,
        %get3A_660 = vector.shape_cast %get3A_659 : vector<1x16xf32> to vector<16xf32>
        %max3A_661 = arith.maximumf %get3A_660, %while3A_643#1 : vector<16xf32>
        %swap3A_662 = arith.constant 19 : i32
        %swap3A_663 = arith.index_cast %swap3A_662 : i32 to index
        %swap3A_664 = arith.constant 0 : index
        %swap3A_665 = tpu.vector_load %arg6[%swap3A_663, %swap3A_664] {strides = array<i32>} : memref<48x16xf32, #tpu.memory_space<vmem>>, vector<1x16xf32>,
        %swap3A_666 = vector.shape_cast %swap3A_665 : vector<1x16xf32> to vector<16xf32>
        %swap3A_667 = vector.shape_cast %max3A_661 : vector<16xf32> to vector<1x16xf32>
        tpu.vector_store %arg6[%swap3A_663, %swap3A_664], %swap3A_667 {strides = array<i32>} : memref<48x16xf32, #tpu.memory_space<vmem>>, vector<1x16xf32>,
        %get3A_668 = arith.constant 20 : i32
        %get3A_669 = arith.index_cast %get3A_668 : i32 to index
        %get3A_670 = arith.constant 0 : index
        %get3A_671 = tpu.vector_load %arg6[%get3A_669, %get3A_670] {strides = array<i32>} : memref<48x16xf32, #tpu.memory_space<vmem>>, vector<1x16xf32>,
        %get3A_672 = vector.shape_cast %get3A_671 : vector<1x16xf32> to vector<16xf32>
        %max3A_673 = arith.maximumf %get3A_672, %while3A_643#2 : vector<16xf32>
        %swap3A_674 = arith.constant 20 : i32
        %swap3A_675 = arith.index_cast %swap3A_674 : i32 to index
        %swap3A_676 = arith.constant 0 : index
        %swap3A_677 = tpu.vector_load %arg6[%swap3A_675, %swap3A_676] {strides = array<i32>} : memref<48x16xf32, #tpu.memory_space<vmem>>, vector<1x16xf32>,
        %swap3A_678 = vector.shape_cast %swap3A_677 : vector<1x16xf32> to vector<16xf32>
        %swap3A_679 = vector.shape_cast %max3A_673 : vector<16xf32> to vector<1x16xf32>
        tpu.vector_store %arg6[%swap3A_675, %swap3A_676], %swap3A_679 {strides = array<i32>} : memref<48x16xf32, #tpu.memory_space<vmem>>, vector<1x16xf32>,
      } else {
      }
      %mul3A_482 = arith.constant 3 : i32
      %mul3A_483 = arith.muli %squeeze3A_55, %mul3A_482 : i32
      %max3A_484 = arith.maxsi %mul3A_483, %multiple_of3A : i32
      %mul3A_485 = arith.constant 3 : i32
      %mul3A_486 = arith.muli %squeeze3A_60, %mul3A_485 : i32
      %add3A_487 = arith.constant 60000 : i32
      %add3A_488 = arith.addi %multiple_of3A, %add3A_487 : i32
      %min3A_489 = arith.minsi %mul3A_486, %add3A_488 : i32
      %lt3A_490 = arith.cmpi slt, %max3A_484, %min3A_489 : i32
      %convert_element_type3A_491 = arith.extui %lt3A_490 : i1 to i32
      %cond3A_492 = arith.constant 0 : i32
      %cond3A_493 = arith.cmpi ne, %convert_element_type3A_491, %cond3A_492 : i32
      scf.if %cond3A_493 {
        %sub3A = arith.subi %max3A_484, %multiple_of3A : i32
        %jit3A = arith.constant 48 : i32
        %div3A = arith.divsi %sub3A, %jit3A : i32
        %sign3A = arith.constant 0 : i32
        %sign3A_591 = arith.cmpi sgt, %sub3A, %sign3A : i32
        %sign3A_592 = arith.extui %sign3A_591 : i1 to i32
        %sign3A_593 = arith.constant 0 : i32
        %sign3A_594 = arith.cmpi slt, %sub3A, %sign3A_593 : i32
        %sign3A_595 = arith.extui %sign3A_594 : i1 to i32
        %sign3A_596 = arith.subi %sign3A_592, %sign3A_595 : i32
        %sign3A_597 = arith.constant 0 : i32
        %sign3A_598 = arith.cmpi sgt, %jit3A, %sign3A_597 : i32
        %sign3A_599 = arith.extui %sign3A_598 : i1 to i32
        %sign3A_600 = arith.constant 0 : i32
        %sign3A_601 = arith.cmpi slt, %jit3A, %sign3A_600 : i32
        %sign3A_602 = arith.extui %sign3A_601 : i1 to i32
        %sign3A_603 = arith.subi %sign3A_599, %sign3A_602 : i32
        %ne3A = arith.cmpi ne, %sign3A_596, %sign3A_603 : i32
        %rem3A = arith.remsi %sub3A, %jit3A : i32
        %ne3A_604 = arith.constant 0 : i32
        %ne3A_605 = arith.cmpi ne, %rem3A, %ne3A_604 : i32
        %and3A = arith.andi %ne3A, %ne3A_605 : i1
        %sub3A_606 = arith.constant 1 : i32
        %sub3A_607 = arith.subi %div3A, %sub3A_606 : i32
        %select_n3A = arith.select %and3A, %sub3A_607, %div3A : i32
        %sub3A_608 = arith.subi %min3A_489, %multiple_of3A : i32
        %add3A_609 = arith.constant 47 : i32
        %add3A_610 = arith.addi %sub3A_608, %add3A_609 : i32
        %jit3A_611 = arith.constant 48 : i32
        %div3A_612 = arith.divsi %add3A_610, %jit3A_611 : i32
        %sign3A_613 = arith.constant 0 : i32
        %sign3A_614 = arith.cmpi sgt, %add3A_610, %sign3A_613 : i32
        %sign3A_615 = arith.extui %sign3A_614 : i1 to i32
        %sign3A_616 = arith.constant 0 : i32
        %sign3A_617 = arith.cmpi slt, %add3A_610, %sign3A_616 : i32
        %sign3A_618 = arith.extui %sign3A_617 : i1 to i32
        %sign3A_619 = arith.subi %sign3A_615, %sign3A_618 : i32
        %sign3A_620 = arith.constant 0 : i32
        %sign3A_621 = arith.cmpi sgt, %jit3A_611, %sign3A_620 : i32
        %sign3A_622 = arith.extui %sign3A_621 : i1 to i32
        %sign3A_623 = arith.constant 0 : i32
        %sign3A_624 = arith.cmpi slt, %jit3A_611, %sign3A_623 : i32
        %sign3A_625 = arith.extui %sign3A_624 : i1 to i32
        %sign3A_626 = arith.subi %sign3A_622, %sign3A_625 : i32
        %ne3A_627 = arith.cmpi ne, %sign3A_619, %sign3A_626 : i32
        %rem3A_628 = arith.remsi %add3A_610, %jit3A_611 : i32
        %ne3A_629 = arith.constant 0 : i32
        %ne3A_630 = arith.cmpi ne, %rem3A_628, %ne3A_629 : i32
        %and3A_631 = arith.andi %ne3A_627, %ne3A_630 : i1
        %sub3A_632 = arith.constant 1 : i32
        %sub3A_633 = arith.subi %div3A_612, %sub3A_632 : i32
        %select_n3A_634 = arith.select %and3A_631, %sub3A_633, %div3A_612 : i32
        %while3A = arith.subi %select_n3A_634, %select_n3A : i32
        %while3A_635 = arith.addi %select_n3A, %while3A : i32
        %while3A_636 = arith.constant 1 : i32
        %while3A_637 = arith.divsi %while3A, %while3A_636 : i32
        %while3A_638 = arith.muli %while3A_637, %while3A_636 : i32
        %while3A_639 = arith.addi %select_n3A, %while3A_638 : i32
        %while3A_640 = arith.constant 1 : i32
        %while3A_641:3 = scf.for %while3A_680 = %select_n3A to %while3A_639 step %while3A_640 iter_args(%while3A_681 = %broadcast_in_dim3A_5, %while3A_682 = %broadcast_in_dim3A_5, %while3A_683 = %broadcast_in_dim3A_5) -> (vector<16xf32>, vector<16xf32>, vector<16xf32>)  : i32 {
          %mul3A_684 = arith.constant 48 : i32
          %mul3A_685 = arith.muli %while3A_680, %mul3A_684 : i32
          %add3A_686 = arith.addi %multiple_of3A, %mul3A_685 : i32
          %mul3A_687 = arith.constant 48 : i32
          %mul3A_688 = arith.muli %while3A_680, %mul3A_687 : i32
          %add3A_689 = arith.constant 0 : i32
          %add3A_690 = arith.addi %mul3A_688, %add3A_689 : i32
          %get3A_691 = arith.index_cast %add3A_690 : i32 to index
          %get3A_692 = tpu.vector_load %arg5[%get3A_691] {strides = array<i32>} : memref<60000xf32, #tpu.memory_space<vmem>>, vector<16xf32>,
          %get3A_693 = vector.shape_cast %get3A_692 : vector<16xf32> to vector<16xf32>
          %add3A_694 = arith.constant 0 : i32
          %add3A_695 = arith.addi %add3A_686, %add3A_694 : i32
          %add3A_696 = vector.broadcast %add3A_695 : i32 to vector<16xi32>
          %add3A_697 = arith.addi %add3A_696, %iota3A : vector<16xi32>
          %ge3A = vector.broadcast %max3A_484 : i32 to vector<16xi32>
          %ge3A_698 = arith.cmpi sge, %add3A_697, %ge3A : vector<16xi32>
          %lt3A_699 = vector.broadcast %min3A_489 : i32 to vector<16xi32>
          %lt3A_700 = arith.cmpi slt, %add3A_697, %lt3A_699 : vector<16xi32>
          %and3A_701 = arith.andi %ge3A_698, %lt3A_700 : vector<16xi1>
          %select_n3A_702 = arith.select %and3A_701, %get3A_693, %broadcast_in_dim3A_5 : vector<16xi1>, vector<16xf32>
          %max3A_703 = arith.maximumf %while3A_681, %select_n3A_702 : vector<16xf32>
          %add3A_704 = arith.constant 16 : i32
          %add3A_705 = arith.addi %mul3A_688, %add3A_704 : i32
          %get3A_706 = arith.index_cast %add3A_705 : i32 to index
          %get3A_707 = tpu.vector_load %arg5[%get3A_706] {strides = array<i32>} : memref<60000xf32, #tpu.memory_space<vmem>>, vector<16xf32>,
          %get3A_708 = vector.shape_cast %get3A_707 : vector<16xf32> to vector<16xf32>
          %add3A_709 = arith.constant 16 : i32
          %add3A_710 = arith.addi %add3A_686, %add3A_709 : i32
          %add3A_711 = vector.broadcast %add3A_710 : i32 to vector<16xi32>
          %add3A_712 = arith.addi %add3A_711, %iota3A : vector<16xi32>
          %ge3A_713 = vector.broadcast %max3A_484 : i32 to vector<16xi32>
          %ge3A_714 = arith.cmpi sge, %add3A_712, %ge3A_713 : vector<16xi32>
          %lt3A_715 = vector.broadcast %min3A_489 : i32 to vector<16xi32>
          %lt3A_716 = arith.cmpi slt, %add3A_712, %lt3A_715 : vector<16xi32>
          %and3A_717 = arith.andi %ge3A_714, %lt3A_716 : vector<16xi1>
          %select_n3A_718 = arith.select %and3A_717, %get3A_708, %broadcast_in_dim3A_5 : vector<16xi1>, vector<16xf32>
          %max3A_719 = arith.maximumf %while3A_682, %select_n3A_718 : vector<16xf32>
          %add3A_720 = arith.constant 32 : i32
          %add3A_721 = arith.addi %mul3A_688, %add3A_720 : i32
          %get3A_722 = arith.index_cast %add3A_721 : i32 to index
          %get3A_723 = tpu.vector_load %arg5[%get3A_722] {strides = array<i32>} : memref<60000xf32, #tpu.memory_space<vmem>>, vector<16xf32>,
          %get3A_724 = vector.shape_cast %get3A_723 : vector<16xf32> to vector<16xf32>
          %add3A_725 = arith.constant 32 : i32
          %add3A_726 = arith.addi %add3A_686, %add3A_725 : i32
          %add3A_727 = vector.broadcast %add3A_726 : i32 to vector<16xi32>
          %add3A_728 = arith.addi %add3A_727, %iota3A : vector<16xi32>
          %ge3A_729 = vector.broadcast %max3A_484 : i32 to vector<16xi32>
          %ge3A_730 = arith.cmpi sge, %add3A_728, %ge3A_729 : vector<16xi32>
          %lt3A_731 = vector.broadcast %min3A_489 : i32 to vector<16xi32>
          %lt3A_732 = arith.cmpi slt, %add3A_728, %lt3A_731 : vector<16xi32>
          %and3A_733 = arith.andi %ge3A_730, %lt3A_732 : vector<16xi1>
          %select_n3A_734 = arith.select %and3A_733, %get3A_724, %broadcast_in_dim3A_5 : vector<16xi1>, vector<16xf32>
          %max3A_735 = arith.maximumf %while3A_683, %select_n3A_734 : vector<16xf32>
          scf.yield %max3A_703, %max3A_719, %max3A_735 : vector<16xf32>, vector<16xf32>, vector<16xf32>
        }
        %while3A_642 = arith.constant 1 : i32
        %while3A_643:3 = scf.for %while3A_680 = %while3A_639 to %while3A_635 step %while3A_642 iter_args(%while3A_681 = %while3A_641#0, %while3A_682 = %while3A_641#1, %while3A_683 = %while3A_641#2) -> (vector<16xf32>, vector<16xf32>, vector<16xf32>)  : i32 {
          %mul3A_684 = arith.constant 48 : i32
          %mul3A_685 = arith.muli %while3A_680, %mul3A_684 : i32
          %add3A_686 = arith.addi %multiple_of3A, %mul3A_685 : i32
          %mul3A_687 = arith.constant 48 : i32
          %mul3A_688 = arith.muli %while3A_680, %mul3A_687 : i32
          %add3A_689 = arith.constant 0 : i32
          %add3A_690 = arith.addi %mul3A_688, %add3A_689 : i32
          %get3A_691 = arith.index_cast %add3A_690 : i32 to index
          %get3A_692 = tpu.vector_load %arg5[%get3A_691] {strides = array<i32>} : memref<60000xf32, #tpu.memory_space<vmem>>, vector<16xf32>,
          %get3A_693 = vector.shape_cast %get3A_692 : vector<16xf32> to vector<16xf32>
          %add3A_694 = arith.constant 0 : i32
          %add3A_695 = arith.addi %add3A_686, %add3A_694 : i32
          %add3A_696 = vector.broadcast %add3A_695 : i32 to vector<16xi32>
          %add3A_697 = arith.addi %add3A_696, %iota3A : vector<16xi32>
          %ge3A = vector.broadcast %max3A_484 : i32 to vector<16xi32>
          %ge3A_698 = arith.cmpi sge, %add3A_697, %ge3A : vector<16xi32>
          %lt3A_699 = vector.broadcast %min3A_489 : i32 to vector<16xi32>
          %lt3A_700 = arith.cmpi slt, %add3A_697, %lt3A_699 : vector<16xi32>
          %and3A_701 = arith.andi %ge3A_698, %lt3A_700 : vector<16xi1>
          %select_n3A_702 = arith.select %and3A_701, %get3A_693, %broadcast_in_dim3A_5 : vector<16xi1>, vector<16xf32>
          %max3A_703 = arith.maximumf %while3A_681, %select_n3A_702 : vector<16xf32>
          %add3A_704 = arith.constant 16 : i32
          %add3A_705 = arith.addi %mul3A_688, %add3A_704 : i32
          %get3A_706 = arith.index_cast %add3A_705 : i32 to index
          %get3A_707 = tpu.vector_load %arg5[%get3A_706] {strides = array<i32>} : memref<60000xf32, #tpu.memory_space<vmem>>, vector<16xf32>,
          %get3A_708 = vector.shape_cast %get3A_707 : vector<16xf32> to vector<16xf32>
          %add3A_709 = arith.constant 16 : i32
          %add3A_710 = arith.addi %add3A_686, %add3A_709 : i32
          %add3A_711 = vector.broadcast %add3A_710 : i32 to vector<16xi32>
          %add3A_712 = arith.addi %add3A_711, %iota3A : vector<16xi32>
          %ge3A_713 = vector.broadcast %max3A_484 : i32 to vector<16xi32>
          %ge3A_714 = arith.cmpi sge, %add3A_712, %ge3A_713 : vector<16xi32>
          %lt3A_715 = vector.broadcast %min3A_489 : i32 to vector<16xi32>
          %lt3A_716 = arith.cmpi slt, %add3A_712, %lt3A_715 : vector<16xi32>
          %and3A_717 = arith.andi %ge3A_714, %lt3A_716 : vector<16xi1>
          %select_n3A_718 = arith.select %and3A_717, %get3A_708, %broadcast_in_dim3A_5 : vector<16xi1>, vector<16xf32>
          %max3A_719 = arith.maximumf %while3A_682, %select_n3A_718 : vector<16xf32>
          %add3A_720 = arith.constant 32 : i32
          %add3A_721 = arith.addi %mul3A_688, %add3A_720 : i32
          %get3A_722 = arith.index_cast %add3A_721 : i32 to index
          %get3A_723 = tpu.vector_load %arg5[%get3A_722] {strides = array<i32>} : memref<60000xf32, #tpu.memory_space<vmem>>, vector<16xf32>,
          %get3A_724 = vector.shape_cast %get3A_723 : vector<16xf32> to vector<16xf32>
          %add3A_725 = arith.constant 32 : i32
          %add3A_726 = arith.addi %add3A_686, %add3A_725 : i32
          %add3A_727 = vector.broadcast %add3A_726 : i32 to vector<16xi32>
          %add3A_728 = arith.addi %add3A_727, %iota3A : vector<16xi32>
          %ge3A_729 = vector.broadcast %max3A_484 : i32 to vector<16xi32>
          %ge3A_730 = arith.cmpi sge, %add3A_728, %ge3A_729 : vector<16xi32>
          %lt3A_731 = vector.broadcast %min3A_489 : i32 to vector<16xi32>
          %lt3A_732 = arith.cmpi slt, %add3A_728, %lt3A_731 : vector<16xi32>
          %and3A_733 = arith.andi %ge3A_730, %lt3A_732 : vector<16xi1>
          %select_n3A_734 = arith.select %and3A_733, %get3A_724, %broadcast_in_dim3A_5 : vector<16xi1>, vector<16xf32>
          %max3A_735 = arith.maximumf %while3A_683, %select_n3A_734 : vector<16xf32>
          scf.yield %max3A_703, %max3A_719, %max3A_735 : vector<16xf32>, vector<16xf32>, vector<16xf32>
        }
        %get3A_644 = arith.constant 21 : i32
        %get3A_645 = arith.index_cast %get3A_644 : i32 to index
        %get3A_646 = arith.constant 0 : index
        %get3A_647 = tpu.vector_load %arg6[%get3A_645, %get3A_646] {strides = array<i32>} : memref<48x16xf32, #tpu.memory_space<vmem>>, vector<1x16xf32>,
        %get3A_648 = vector.shape_cast %get3A_647 : vector<1x16xf32> to vector<16xf32>
        %max3A_649 = arith.maximumf %get3A_648, %while3A_643#0 : vector<16xf32>
        %swap3A_650 = arith.constant 21 : i32
        %swap3A_651 = arith.index_cast %swap3A_650 : i32 to index
        %swap3A_652 = arith.constant 0 : index
        %swap3A_653 = tpu.vector_load %arg6[%swap3A_651, %swap3A_652] {strides = array<i32>} : memref<48x16xf32, #tpu.memory_space<vmem>>, vector<1x16xf32>,
        %swap3A_654 = vector.shape_cast %swap3A_653 : vector<1x16xf32> to vector<16xf32>
        %swap3A_655 = vector.shape_cast %max3A_649 : vector<16xf32> to vector<1x16xf32>
        tpu.vector_store %arg6[%swap3A_651, %swap3A_652], %swap3A_655 {strides = array<i32>} : memref<48x16xf32, #tpu.memory_space<vmem>>, vector<1x16xf32>,
        %get3A_656 = arith.constant 22 : i32
        %get3A_657 = arith.index_cast %get3A_656 : i32 to index
        %get3A_658 = arith.constant 0 : index
        %get3A_659 = tpu.vector_load %arg6[%get3A_657, %get3A_658] {strides = array<i32>} : memref<48x16xf32, #tpu.memory_space<vmem>>, vector<1x16xf32>,
        %get3A_660 = vector.shape_cast %get3A_659 : vector<1x16xf32> to vector<16xf32>
        %max3A_661 = arith.maximumf %get3A_660, %while3A_643#1 : vector<16xf32>
        %swap3A_662 = arith.constant 22 : i32
        %swap3A_663 = arith.index_cast %swap3A_662 : i32 to index
        %swap3A_664 = arith.constant 0 : index
        %swap3A_665 = tpu.vector_load %arg6[%swap3A_663, %swap3A_664] {strides = array<i32>} : memref<48x16xf32, #tpu.memory_space<vmem>>, vector<1x16xf32>,
        %swap3A_666 = vector.shape_cast %swap3A_665 : vector<1x16xf32> to vector<16xf32>
        %swap3A_667 = vector.shape_cast %max3A_661 : vector<16xf32> to vector<1x16xf32>
        tpu.vector_store %arg6[%swap3A_663, %swap3A_664], %swap3A_667 {strides = array<i32>} : memref<48x16xf32, #tpu.memory_space<vmem>>, vector<1x16xf32>,
        %get3A_668 = arith.constant 23 : i32
        %get3A_669 = arith.index_cast %get3A_668 : i32 to index
        %get3A_670 = arith.constant 0 : index
        %get3A_671 = tpu.vector_load %arg6[%get3A_669, %get3A_670] {strides = array<i32>} : memref<48x16xf32, #tpu.memory_space<vmem>>, vector<1x16xf32>,
        %get3A_672 = vector.shape_cast %get3A_671 : vector<1x16xf32> to vector<16xf32>
        %max3A_673 = arith.maximumf %get3A_672, %while3A_643#2 : vector<16xf32>
        %swap3A_674 = arith.constant 23 : i32
        %swap3A_675 = arith.index_cast %swap3A_674 : i32 to index
        %swap3A_676 = arith.constant 0 : index
        %swap3A_677 = tpu.vector_load %arg6[%swap3A_675, %swap3A_676] {strides = array<i32>} : memref<48x16xf32, #tpu.memory_space<vmem>>, vector<1x16xf32>,
        %swap3A_678 = vector.shape_cast %swap3A_677 : vector<1x16xf32> to vector<16xf32>
        %swap3A_679 = vector.shape_cast %max3A_673 : vector<16xf32> to vector<1x16xf32>
        tpu.vector_store %arg6[%swap3A_675, %swap3A_676], %swap3A_679 {strides = array<i32>} : memref<48x16xf32, #tpu.memory_space<vmem>>, vector<1x16xf32>,
      } else {
      }
      %mul3A_494 = arith.constant 3 : i32
      %mul3A_495 = arith.muli %squeeze3A_60, %mul3A_494 : i32
      %max3A_496 = arith.maxsi %mul3A_495, %multiple_of3A : i32
      %mul3A_497 = arith.constant 3 : i32
      %mul3A_498 = arith.muli %squeeze3A_65, %mul3A_497 : i32
      %add3A_499 = arith.constant 60000 : i32
      %add3A_500 = arith.addi %multiple_of3A, %add3A_499 : i32
      %min3A_501 = arith.minsi %mul3A_498, %add3A_500 : i32
      %lt3A_502 = arith.cmpi slt, %max3A_496, %min3A_501 : i32
      %convert_element_type3A_503 = arith.extui %lt3A_502 : i1 to i32
      %cond3A_504 = arith.constant 0 : i32
      %cond3A_505 = arith.cmpi ne, %convert_element_type3A_503, %cond3A_504 : i32
      scf.if %cond3A_505 {
        %sub3A = arith.subi %max3A_496, %multiple_of3A : i32
        %jit3A = arith.constant 48 : i32
        %div3A = arith.divsi %sub3A, %jit3A : i32
        %sign3A = arith.constant 0 : i32
        %sign3A_591 = arith.cmpi sgt, %sub3A, %sign3A : i32
        %sign3A_592 = arith.extui %sign3A_591 : i1 to i32
        %sign3A_593 = arith.constant 0 : i32
        %sign3A_594 = arith.cmpi slt, %sub3A, %sign3A_593 : i32
        %sign3A_595 = arith.extui %sign3A_594 : i1 to i32
        %sign3A_596 = arith.subi %sign3A_592, %sign3A_595 : i32
        %sign3A_597 = arith.constant 0 : i32
        %sign3A_598 = arith.cmpi sgt, %jit3A, %sign3A_597 : i32
        %sign3A_599 = arith.extui %sign3A_598 : i1 to i32
        %sign3A_600 = arith.constant 0 : i32
        %sign3A_601 = arith.cmpi slt, %jit3A, %sign3A_600 : i32
        %sign3A_602 = arith.extui %sign3A_601 : i1 to i32
        %sign3A_603 = arith.subi %sign3A_599, %sign3A_602 : i32
        %ne3A = arith.cmpi ne, %sign3A_596, %sign3A_603 : i32
        %rem3A = arith.remsi %sub3A, %jit3A : i32
        %ne3A_604 = arith.constant 0 : i32
        %ne3A_605 = arith.cmpi ne, %rem3A, %ne3A_604 : i32
        %and3A = arith.andi %ne3A, %ne3A_605 : i1
        %sub3A_606 = arith.constant 1 : i32
        %sub3A_607 = arith.subi %div3A, %sub3A_606 : i32
        %select_n3A = arith.select %and3A, %sub3A_607, %div3A : i32
        %sub3A_608 = arith.subi %min3A_501, %multiple_of3A : i32
        %add3A_609 = arith.constant 47 : i32
        %add3A_610 = arith.addi %sub3A_608, %add3A_609 : i32
        %jit3A_611 = arith.constant 48 : i32
        %div3A_612 = arith.divsi %add3A_610, %jit3A_611 : i32
        %sign3A_613 = arith.constant 0 : i32
        %sign3A_614 = arith.cmpi sgt, %add3A_610, %sign3A_613 : i32
        %sign3A_615 = arith.extui %sign3A_614 : i1 to i32
        %sign3A_616 = arith.constant 0 : i32
        %sign3A_617 = arith.cmpi slt, %add3A_610, %sign3A_616 : i32
        %sign3A_618 = arith.extui %sign3A_617 : i1 to i32
        %sign3A_619 = arith.subi %sign3A_615, %sign3A_618 : i32
        %sign3A_620 = arith.constant 0 : i32
        %sign3A_621 = arith.cmpi sgt, %jit3A_611, %sign3A_620 : i32
        %sign3A_622 = arith.extui %sign3A_621 : i1 to i32
        %sign3A_623 = arith.constant 0 : i32
        %sign3A_624 = arith.cmpi slt, %jit3A_611, %sign3A_623 : i32
        %sign3A_625 = arith.extui %sign3A_624 : i1 to i32
        %sign3A_626 = arith.subi %sign3A_622, %sign3A_625 : i32
        %ne3A_627 = arith.cmpi ne, %sign3A_619, %sign3A_626 : i32
        %rem3A_628 = arith.remsi %add3A_610, %jit3A_611 : i32
        %ne3A_629 = arith.constant 0 : i32
        %ne3A_630 = arith.cmpi ne, %rem3A_628, %ne3A_629 : i32
        %and3A_631 = arith.andi %ne3A_627, %ne3A_630 : i1
        %sub3A_632 = arith.constant 1 : i32
        %sub3A_633 = arith.subi %div3A_612, %sub3A_632 : i32
        %select_n3A_634 = arith.select %and3A_631, %sub3A_633, %div3A_612 : i32
        %while3A = arith.subi %select_n3A_634, %select_n3A : i32
        %while3A_635 = arith.addi %select_n3A, %while3A : i32
        %while3A_636 = arith.constant 1 : i32
        %while3A_637 = arith.divsi %while3A, %while3A_636 : i32
        %while3A_638 = arith.muli %while3A_637, %while3A_636 : i32
        %while3A_639 = arith.addi %select_n3A, %while3A_638 : i32
        %while3A_640 = arith.constant 1 : i32
        %while3A_641:3 = scf.for %while3A_680 = %select_n3A to %while3A_639 step %while3A_640 iter_args(%while3A_681 = %broadcast_in_dim3A_5, %while3A_682 = %broadcast_in_dim3A_5, %while3A_683 = %broadcast_in_dim3A_5) -> (vector<16xf32>, vector<16xf32>, vector<16xf32>)  : i32 {
          %mul3A_684 = arith.constant 48 : i32
          %mul3A_685 = arith.muli %while3A_680, %mul3A_684 : i32
          %add3A_686 = arith.addi %multiple_of3A, %mul3A_685 : i32
          %mul3A_687 = arith.constant 48 : i32
          %mul3A_688 = arith.muli %while3A_680, %mul3A_687 : i32
          %add3A_689 = arith.constant 0 : i32
          %add3A_690 = arith.addi %mul3A_688, %add3A_689 : i32
          %get3A_691 = arith.index_cast %add3A_690 : i32 to index
          %get3A_692 = tpu.vector_load %arg5[%get3A_691] {strides = array<i32>} : memref<60000xf32, #tpu.memory_space<vmem>>, vector<16xf32>,
          %get3A_693 = vector.shape_cast %get3A_692 : vector<16xf32> to vector<16xf32>
          %add3A_694 = arith.constant 0 : i32
          %add3A_695 = arith.addi %add3A_686, %add3A_694 : i32
          %add3A_696 = vector.broadcast %add3A_695 : i32 to vector<16xi32>
          %add3A_697 = arith.addi %add3A_696, %iota3A : vector<16xi32>
          %ge3A = vector.broadcast %max3A_496 : i32 to vector<16xi32>
          %ge3A_698 = arith.cmpi sge, %add3A_697, %ge3A : vector<16xi32>
          %lt3A_699 = vector.broadcast %min3A_501 : i32 to vector<16xi32>
          %lt3A_700 = arith.cmpi slt, %add3A_697, %lt3A_699 : vector<16xi32>
          %and3A_701 = arith.andi %ge3A_698, %lt3A_700 : vector<16xi1>
          %select_n3A_702 = arith.select %and3A_701, %get3A_693, %broadcast_in_dim3A_5 : vector<16xi1>, vector<16xf32>
          %max3A_703 = arith.maximumf %while3A_681, %select_n3A_702 : vector<16xf32>
          %add3A_704 = arith.constant 16 : i32
          %add3A_705 = arith.addi %mul3A_688, %add3A_704 : i32
          %get3A_706 = arith.index_cast %add3A_705 : i32 to index
          %get3A_707 = tpu.vector_load %arg5[%get3A_706] {strides = array<i32>} : memref<60000xf32, #tpu.memory_space<vmem>>, vector<16xf32>,
          %get3A_708 = vector.shape_cast %get3A_707 : vector<16xf32> to vector<16xf32>
          %add3A_709 = arith.constant 16 : i32
          %add3A_710 = arith.addi %add3A_686, %add3A_709 : i32
          %add3A_711 = vector.broadcast %add3A_710 : i32 to vector<16xi32>
          %add3A_712 = arith.addi %add3A_711, %iota3A : vector<16xi32>
          %ge3A_713 = vector.broadcast %max3A_496 : i32 to vector<16xi32>
          %ge3A_714 = arith.cmpi sge, %add3A_712, %ge3A_713 : vector<16xi32>
          %lt3A_715 = vector.broadcast %min3A_501 : i32 to vector<16xi32>
          %lt3A_716 = arith.cmpi slt, %add3A_712, %lt3A_715 : vector<16xi32>
          %and3A_717 = arith.andi %ge3A_714, %lt3A_716 : vector<16xi1>
          %select_n3A_718 = arith.select %and3A_717, %get3A_708, %broadcast_in_dim3A_5 : vector<16xi1>, vector<16xf32>
          %max3A_719 = arith.maximumf %while3A_682, %select_n3A_718 : vector<16xf32>
          %add3A_720 = arith.constant 32 : i32
          %add3A_721 = arith.addi %mul3A_688, %add3A_720 : i32
          %get3A_722 = arith.index_cast %add3A_721 : i32 to index
          %get3A_723 = tpu.vector_load %arg5[%get3A_722] {strides = array<i32>} : memref<60000xf32, #tpu.memory_space<vmem>>, vector<16xf32>,
          %get3A_724 = vector.shape_cast %get3A_723 : vector<16xf32> to vector<16xf32>
          %add3A_725 = arith.constant 32 : i32
          %add3A_726 = arith.addi %add3A_686, %add3A_725 : i32
          %add3A_727 = vector.broadcast %add3A_726 : i32 to vector<16xi32>
          %add3A_728 = arith.addi %add3A_727, %iota3A : vector<16xi32>
          %ge3A_729 = vector.broadcast %max3A_496 : i32 to vector<16xi32>
          %ge3A_730 = arith.cmpi sge, %add3A_728, %ge3A_729 : vector<16xi32>
          %lt3A_731 = vector.broadcast %min3A_501 : i32 to vector<16xi32>
          %lt3A_732 = arith.cmpi slt, %add3A_728, %lt3A_731 : vector<16xi32>
          %and3A_733 = arith.andi %ge3A_730, %lt3A_732 : vector<16xi1>
          %select_n3A_734 = arith.select %and3A_733, %get3A_724, %broadcast_in_dim3A_5 : vector<16xi1>, vector<16xf32>
          %max3A_735 = arith.maximumf %while3A_683, %select_n3A_734 : vector<16xf32>
          scf.yield %max3A_703, %max3A_719, %max3A_735 : vector<16xf32>, vector<16xf32>, vector<16xf32>
        }
        %while3A_642 = arith.constant 1 : i32
        %while3A_643:3 = scf.for %while3A_680 = %while3A_639 to %while3A_635 step %while3A_642 iter_args(%while3A_681 = %while3A_641#0, %while3A_682 = %while3A_641#1, %while3A_683 = %while3A_641#2) -> (vector<16xf32>, vector<16xf32>, vector<16xf32>)  : i32 {
          %mul3A_684 = arith.constant 48 : i32
          %mul3A_685 = arith.muli %while3A_680, %mul3A_684 : i32
          %add3A_686 = arith.addi %multiple_of3A, %mul3A_685 : i32
          %mul3A_687 = arith.constant 48 : i32
          %mul3A_688 = arith.muli %while3A_680, %mul3A_687 : i32
          %add3A_689 = arith.constant 0 : i32
          %add3A_690 = arith.addi %mul3A_688, %add3A_689 : i32
          %get3A_691 = arith.index_cast %add3A_690 : i32 to index
          %get3A_692 = tpu.vector_load %arg5[%get3A_691] {strides = array<i32>} : memref<60000xf32, #tpu.memory_space<vmem>>, vector<16xf32>,
          %get3A_693 = vector.shape_cast %get3A_692 : vector<16xf32> to vector<16xf32>
          %add3A_694 = arith.constant 0 : i32
          %add3A_695 = arith.addi %add3A_686, %add3A_694 : i32
          %add3A_696 = vector.broadcast %add3A_695 : i32 to vector<16xi32>
          %add3A_697 = arith.addi %add3A_696, %iota3A : vector<16xi32>
          %ge3A = vector.broadcast %max3A_496 : i32 to vector<16xi32>
          %ge3A_698 = arith.cmpi sge, %add3A_697, %ge3A : vector<16xi32>
          %lt3A_699 = vector.broadcast %min3A_501 : i32 to vector<16xi32>
          %lt3A_700 = arith.cmpi slt, %add3A_697, %lt3A_699 : vector<16xi32>
          %and3A_701 = arith.andi %ge3A_698, %lt3A_700 : vector<16xi1>
          %select_n3A_702 = arith.select %and3A_701, %get3A_693, %broadcast_in_dim3A_5 : vector<16xi1>, vector<16xf32>
          %max3A_703 = arith.maximumf %while3A_681, %select_n3A_702 : vector<16xf32>
          %add3A_704 = arith.constant 16 : i32
          %add3A_705 = arith.addi %mul3A_688, %add3A_704 : i32
          %get3A_706 = arith.index_cast %add3A_705 : i32 to index
          %get3A_707 = tpu.vector_load %arg5[%get3A_706] {strides = array<i32>} : memref<60000xf32, #tpu.memory_space<vmem>>, vector<16xf32>,
          %get3A_708 = vector.shape_cast %get3A_707 : vector<16xf32> to vector<16xf32>
          %add3A_709 = arith.constant 16 : i32
          %add3A_710 = arith.addi %add3A_686, %add3A_709 : i32
          %add3A_711 = vector.broadcast %add3A_710 : i32 to vector<16xi32>
          %add3A_712 = arith.addi %add3A_711, %iota3A : vector<16xi32>
          %ge3A_713 = vector.broadcast %max3A_496 : i32 to vector<16xi32>
          %ge3A_714 = arith.cmpi sge, %add3A_712, %ge3A_713 : vector<16xi32>
          %lt3A_715 = vector.broadcast %min3A_501 : i32 to vector<16xi32>
          %lt3A_716 = arith.cmpi slt, %add3A_712, %lt3A_715 : vector<16xi32>
          %and3A_717 = arith.andi %ge3A_714, %lt3A_716 : vector<16xi1>
          %select_n3A_718 = arith.select %and3A_717, %get3A_708, %broadcast_in_dim3A_5 : vector<16xi1>, vector<16xf32>
          %max3A_719 = arith.maximumf %while3A_682, %select_n3A_718 : vector<16xf32>
          %add3A_720 = arith.constant 32 : i32
          %add3A_721 = arith.addi %mul3A_688, %add3A_720 : i32
          %get3A_722 = arith.index_cast %add3A_721 : i32 to index
          %get3A_723 = tpu.vector_load %arg5[%get3A_722] {strides = array<i32>} : memref<60000xf32, #tpu.memory_space<vmem>>, vector<16xf32>,
          %get3A_724 = vector.shape_cast %get3A_723 : vector<16xf32> to vector<16xf32>
          %add3A_725 = arith.constant 32 : i32
          %add3A_726 = arith.addi %add3A_686, %add3A_725 : i32
          %add3A_727 = vector.broadcast %add3A_726 : i32 to vector<16xi32>
          %add3A_728 = arith.addi %add3A_727, %iota3A : vector<16xi32>
          %ge3A_729 = vector.broadcast %max3A_496 : i32 to vector<16xi32>
          %ge3A_730 = arith.cmpi sge, %add3A_728, %ge3A_729 : vector<16xi32>
          %lt3A_731 = vector.broadcast %min3A_501 : i32 to vector<16xi32>
          %lt3A_732 = arith.cmpi slt, %add3A_728, %lt3A_731 : vector<16xi32>
          %and3A_733 = arith.andi %ge3A_730, %lt3A_732 : vector<16xi1>
          %select_n3A_734 = arith.select %and3A_733, %get3A_724, %broadcast_in_dim3A_5 : vector<16xi1>, vector<16xf32>
          %max3A_735 = arith.maximumf %while3A_683, %select_n3A_734 : vector<16xf32>
          scf.yield %max3A_703, %max3A_719, %max3A_735 : vector<16xf32>, vector<16xf32>, vector<16xf32>
        }
        %get3A_644 = arith.constant 24 : i32
        %get3A_645 = arith.index_cast %get3A_644 : i32 to index
        %get3A_646 = arith.constant 0 : index
        %get3A_647 = tpu.vector_load %arg6[%get3A_645, %get3A_646] {strides = array<i32>} : memref<48x16xf32, #tpu.memory_space<vmem>>, vector<1x16xf32>,
        %get3A_648 = vector.shape_cast %get3A_647 : vector<1x16xf32> to vector<16xf32>
        %max3A_649 = arith.maximumf %get3A_648, %while3A_643#0 : vector<16xf32>
        %swap3A_650 = arith.constant 24 : i32
        %swap3A_651 = arith.index_cast %swap3A_650 : i32 to index
        %swap3A_652 = arith.constant 0 : index
        %swap3A_653 = tpu.vector_load %arg6[%swap3A_651, %swap3A_652] {strides = array<i32>} : memref<48x16xf32, #tpu.memory_space<vmem>>, vector<1x16xf32>,
        %swap3A_654 = vector.shape_cast %swap3A_653 : vector<1x16xf32> to vector<16xf32>
        %swap3A_655 = vector.shape_cast %max3A_649 : vector<16xf32> to vector<1x16xf32>
        tpu.vector_store %arg6[%swap3A_651, %swap3A_652], %swap3A_655 {strides = array<i32>} : memref<48x16xf32, #tpu.memory_space<vmem>>, vector<1x16xf32>,
        %get3A_656 = arith.constant 25 : i32
        %get3A_657 = arith.index_cast %get3A_656 : i32 to index
        %get3A_658 = arith.constant 0 : index
        %get3A_659 = tpu.vector_load %arg6[%get3A_657, %get3A_658] {strides = array<i32>} : memref<48x16xf32, #tpu.memory_space<vmem>>, vector<1x16xf32>,
        %get3A_660 = vector.shape_cast %get3A_659 : vector<1x16xf32> to vector<16xf32>
        %max3A_661 = arith.maximumf %get3A_660, %while3A_643#1 : vector<16xf32>
        %swap3A_662 = arith.constant 25 : i32
        %swap3A_663 = arith.index_cast %swap3A_662 : i32 to index
        %swap3A_664 = arith.constant 0 : index
        %swap3A_665 = tpu.vector_load %arg6[%swap3A_663, %swap3A_664] {strides = array<i32>} : memref<48x16xf32, #tpu.memory_space<vmem>>, vector<1x16xf32>,
        %swap3A_666 = vector.shape_cast %swap3A_665 : vector<1x16xf32> to vector<16xf32>
        %swap3A_667 = vector.shape_cast %max3A_661 : vector<16xf32> to vector<1x16xf32>
        tpu.vector_store %arg6[%swap3A_663, %swap3A_664], %swap3A_667 {strides = array<i32>} : memref<48x16xf32, #tpu.memory_space<vmem>>, vector<1x16xf32>,
        %get3A_668 = arith.constant 26 : i32
        %get3A_669 = arith.index_cast %get3A_668 : i32 to index
        %get3A_670 = arith.constant 0 : index
        %get3A_671 = tpu.vector_load %arg6[%get3A_669, %get3A_670] {strides = array<i32>} : memref<48x16xf32, #tpu.memory_space<vmem>>, vector<1x16xf32>,
        %get3A_672 = vector.shape_cast %get3A_671 : vector<1x16xf32> to vector<16xf32>
        %max3A_673 = arith.maximumf %get3A_672, %while3A_643#2 : vector<16xf32>
        %swap3A_674 = arith.constant 26 : i32
        %swap3A_675 = arith.index_cast %swap3A_674 : i32 to index
        %swap3A_676 = arith.constant 0 : index
        %swap3A_677 = tpu.vector_load %arg6[%swap3A_675, %swap3A_676] {strides = array<i32>} : memref<48x16xf32, #tpu.memory_space<vmem>>, vector<1x16xf32>,
        %swap3A_678 = vector.shape_cast %swap3A_677 : vector<1x16xf32> to vector<16xf32>
        %swap3A_679 = vector.shape_cast %max3A_673 : vector<16xf32> to vector<1x16xf32>
        tpu.vector_store %arg6[%swap3A_675, %swap3A_676], %swap3A_679 {strides = array<i32>} : memref<48x16xf32, #tpu.memory_space<vmem>>, vector<1x16xf32>,
      } else {
      }
      %mul3A_506 = arith.constant 3 : i32
      %mul3A_507 = arith.muli %squeeze3A_65, %mul3A_506 : i32
      %max3A_508 = arith.maxsi %mul3A_507, %multiple_of3A : i32
      %mul3A_509 = arith.constant 3 : i32
      %mul3A_510 = arith.muli %squeeze3A_70, %mul3A_509 : i32
      %add3A_511 = arith.constant 60000 : i32
      %add3A_512 = arith.addi %multiple_of3A, %add3A_511 : i32
      %min3A_513 = arith.minsi %mul3A_510, %add3A_512 : i32
      %lt3A_514 = arith.cmpi slt, %max3A_508, %min3A_513 : i32
      %convert_element_type3A_515 = arith.extui %lt3A_514 : i1 to i32
      %cond3A_516 = arith.constant 0 : i32
      %cond3A_517 = arith.cmpi ne, %convert_element_type3A_515, %cond3A_516 : i32
      scf.if %cond3A_517 {
        %sub3A = arith.subi %max3A_508, %multiple_of3A : i32
        %jit3A = arith.constant 48 : i32
        %div3A = arith.divsi %sub3A, %jit3A : i32
        %sign3A = arith.constant 0 : i32
        %sign3A_591 = arith.cmpi sgt, %sub3A, %sign3A : i32
        %sign3A_592 = arith.extui %sign3A_591 : i1 to i32
        %sign3A_593 = arith.constant 0 : i32
        %sign3A_594 = arith.cmpi slt, %sub3A, %sign3A_593 : i32
        %sign3A_595 = arith.extui %sign3A_594 : i1 to i32
        %sign3A_596 = arith.subi %sign3A_592, %sign3A_595 : i32
        %sign3A_597 = arith.constant 0 : i32
        %sign3A_598 = arith.cmpi sgt, %jit3A, %sign3A_597 : i32
        %sign3A_599 = arith.extui %sign3A_598 : i1 to i32
        %sign3A_600 = arith.constant 0 : i32
        %sign3A_601 = arith.cmpi slt, %jit3A, %sign3A_600 : i32
        %sign3A_602 = arith.extui %sign3A_601 : i1 to i32
        %sign3A_603 = arith.subi %sign3A_599, %sign3A_602 : i32
        %ne3A = arith.cmpi ne, %sign3A_596, %sign3A_603 : i32
        %rem3A = arith.remsi %sub3A, %jit3A : i32
        %ne3A_604 = arith.constant 0 : i32
        %ne3A_605 = arith.cmpi ne, %rem3A, %ne3A_604 : i32
        %and3A = arith.andi %ne3A, %ne3A_605 : i1
        %sub3A_606 = arith.constant 1 : i32
        %sub3A_607 = arith.subi %div3A, %sub3A_606 : i32
        %select_n3A = arith.select %and3A, %sub3A_607, %div3A : i32
        %sub3A_608 = arith.subi %min3A_513, %multiple_of3A : i32
        %add3A_609 = arith.constant 47 : i32
        %add3A_610 = arith.addi %sub3A_608, %add3A_609 : i32
        %jit3A_611 = arith.constant 48 : i32
        %div3A_612 = arith.divsi %add3A_610, %jit3A_611 : i32
        %sign3A_613 = arith.constant 0 : i32
        %sign3A_614 = arith.cmpi sgt, %add3A_610, %sign3A_613 : i32
        %sign3A_615 = arith.extui %sign3A_614 : i1 to i32
        %sign3A_616 = arith.constant 0 : i32
        %sign3A_617 = arith.cmpi slt, %add3A_610, %sign3A_616 : i32
        %sign3A_618 = arith.extui %sign3A_617 : i1 to i32
        %sign3A_619 = arith.subi %sign3A_615, %sign3A_618 : i32
        %sign3A_620 = arith.constant 0 : i32
        %sign3A_621 = arith.cmpi sgt, %jit3A_611, %sign3A_620 : i32
        %sign3A_622 = arith.extui %sign3A_621 : i1 to i32
        %sign3A_623 = arith.constant 0 : i32
        %sign3A_624 = arith.cmpi slt, %jit3A_611, %sign3A_623 : i32
        %sign3A_625 = arith.extui %sign3A_624 : i1 to i32
        %sign3A_626 = arith.subi %sign3A_622, %sign3A_625 : i32
        %ne3A_627 = arith.cmpi ne, %sign3A_619, %sign3A_626 : i32
        %rem3A_628 = arith.remsi %add3A_610, %jit3A_611 : i32
        %ne3A_629 = arith.constant 0 : i32
        %ne3A_630 = arith.cmpi ne, %rem3A_628, %ne3A_629 : i32
        %and3A_631 = arith.andi %ne3A_627, %ne3A_630 : i1
        %sub3A_632 = arith.constant 1 : i32
        %sub3A_633 = arith.subi %div3A_612, %sub3A_632 : i32
        %select_n3A_634 = arith.select %and3A_631, %sub3A_633, %div3A_612 : i32
        %while3A = arith.subi %select_n3A_634, %select_n3A : i32
        %while3A_635 = arith.addi %select_n3A, %while3A : i32
        %while3A_636 = arith.constant 1 : i32
        %while3A_637 = arith.divsi %while3A, %while3A_636 : i32
        %while3A_638 = arith.muli %while3A_637, %while3A_636 : i32
        %while3A_639 = arith.addi %select_n3A, %while3A_638 : i32
        %while3A_640 = arith.constant 1 : i32
        %while3A_641:3 = scf.for %while3A_680 = %select_n3A to %while3A_639 step %while3A_640 iter_args(%while3A_681 = %broadcast_in_dim3A_5, %while3A_682 = %broadcast_in_dim3A_5, %while3A_683 = %broadcast_in_dim3A_5) -> (vector<16xf32>, vector<16xf32>, vector<16xf32>)  : i32 {
          %mul3A_684 = arith.constant 48 : i32
          %mul3A_685 = arith.muli %while3A_680, %mul3A_684 : i32
          %add3A_686 = arith.addi %multiple_of3A, %mul3A_685 : i32
          %mul3A_687 = arith.constant 48 : i32
          %mul3A_688 = arith.muli %while3A_680, %mul3A_687 : i32
          %add3A_689 = arith.constant 0 : i32
          %add3A_690 = arith.addi %mul3A_688, %add3A_689 : i32
          %get3A_691 = arith.index_cast %add3A_690 : i32 to index
          %get3A_692 = tpu.vector_load %arg5[%get3A_691] {strides = array<i32>} : memref<60000xf32, #tpu.memory_space<vmem>>, vector<16xf32>,
          %get3A_693 = vector.shape_cast %get3A_692 : vector<16xf32> to vector<16xf32>
          %add3A_694 = arith.constant 0 : i32
          %add3A_695 = arith.addi %add3A_686, %add3A_694 : i32
          %add3A_696 = vector.broadcast %add3A_695 : i32 to vector<16xi32>
          %add3A_697 = arith.addi %add3A_696, %iota3A : vector<16xi32>
          %ge3A = vector.broadcast %max3A_508 : i32 to vector<16xi32>
          %ge3A_698 = arith.cmpi sge, %add3A_697, %ge3A : vector<16xi32>
          %lt3A_699 = vector.broadcast %min3A_513 : i32 to vector<16xi32>
          %lt3A_700 = arith.cmpi slt, %add3A_697, %lt3A_699 : vector<16xi32>
          %and3A_701 = arith.andi %ge3A_698, %lt3A_700 : vector<16xi1>
          %select_n3A_702 = arith.select %and3A_701, %get3A_693, %broadcast_in_dim3A_5 : vector<16xi1>, vector<16xf32>
          %max3A_703 = arith.maximumf %while3A_681, %select_n3A_702 : vector<16xf32>
          %add3A_704 = arith.constant 16 : i32
          %add3A_705 = arith.addi %mul3A_688, %add3A_704 : i32
          %get3A_706 = arith.index_cast %add3A_705 : i32 to index
          %get3A_707 = tpu.vector_load %arg5[%get3A_706] {strides = array<i32>} : memref<60000xf32, #tpu.memory_space<vmem>>, vector<16xf32>,
          %get3A_708 = vector.shape_cast %get3A_707 : vector<16xf32> to vector<16xf32>
          %add3A_709 = arith.constant 16 : i32
          %add3A_710 = arith.addi %add3A_686, %add3A_709 : i32
          %add3A_711 = vector.broadcast %add3A_710 : i32 to vector<16xi32>
          %add3A_712 = arith.addi %add3A_711, %iota3A : vector<16xi32>
          %ge3A_713 = vector.broadcast %max3A_508 : i32 to vector<16xi32>
          %ge3A_714 = arith.cmpi sge, %add3A_712, %ge3A_713 : vector<16xi32>
          %lt3A_715 = vector.broadcast %min3A_513 : i32 to vector<16xi32>
          %lt3A_716 = arith.cmpi slt, %add3A_712, %lt3A_715 : vector<16xi32>
          %and3A_717 = arith.andi %ge3A_714, %lt3A_716 : vector<16xi1>
          %select_n3A_718 = arith.select %and3A_717, %get3A_708, %broadcast_in_dim3A_5 : vector<16xi1>, vector<16xf32>
          %max3A_719 = arith.maximumf %while3A_682, %select_n3A_718 : vector<16xf32>
          %add3A_720 = arith.constant 32 : i32
          %add3A_721 = arith.addi %mul3A_688, %add3A_720 : i32
          %get3A_722 = arith.index_cast %add3A_721 : i32 to index
          %get3A_723 = tpu.vector_load %arg5[%get3A_722] {strides = array<i32>} : memref<60000xf32, #tpu.memory_space<vmem>>, vector<16xf32>,
          %get3A_724 = vector.shape_cast %get3A_723 : vector<16xf32> to vector<16xf32>
          %add3A_725 = arith.constant 32 : i32
          %add3A_726 = arith.addi %add3A_686, %add3A_725 : i32
          %add3A_727 = vector.broadcast %add3A_726 : i32 to vector<16xi32>
          %add3A_728 = arith.addi %add3A_727, %iota3A : vector<16xi32>
          %ge3A_729 = vector.broadcast %max3A_508 : i32 to vector<16xi32>
          %ge3A_730 = arith.cmpi sge, %add3A_728, %ge3A_729 : vector<16xi32>
          %lt3A_731 = vector.broadcast %min3A_513 : i32 to vector<16xi32>
          %lt3A_732 = arith.cmpi slt, %add3A_728, %lt3A_731 : vector<16xi32>
          %and3A_733 = arith.andi %ge3A_730, %lt3A_732 : vector<16xi1>
          %select_n3A_734 = arith.select %and3A_733, %get3A_724, %broadcast_in_dim3A_5 : vector<16xi1>, vector<16xf32>
          %max3A_735 = arith.maximumf %while3A_683, %select_n3A_734 : vector<16xf32>
          scf.yield %max3A_703, %max3A_719, %max3A_735 : vector<16xf32>, vector<16xf32>, vector<16xf32>
        }
        %while3A_642 = arith.constant 1 : i32
        %while3A_643:3 = scf.for %while3A_680 = %while3A_639 to %while3A_635 step %while3A_642 iter_args(%while3A_681 = %while3A_641#0, %while3A_682 = %while3A_641#1, %while3A_683 = %while3A_641#2) -> (vector<16xf32>, vector<16xf32>, vector<16xf32>)  : i32 {
          %mul3A_684 = arith.constant 48 : i32
          %mul3A_685 = arith.muli %while3A_680, %mul3A_684 : i32
          %add3A_686 = arith.addi %multiple_of3A, %mul3A_685 : i32
          %mul3A_687 = arith.constant 48 : i32
          %mul3A_688 = arith.muli %while3A_680, %mul3A_687 : i32
          %add3A_689 = arith.constant 0 : i32
          %add3A_690 = arith.addi %mul3A_688, %add3A_689 : i32
          %get3A_691 = arith.index_cast %add3A_690 : i32 to index
          %get3A_692 = tpu.vector_load %arg5[%get3A_691] {strides = array<i32>} : memref<60000xf32, #tpu.memory_space<vmem>>, vector<16xf32>,
          %get3A_693 = vector.shape_cast %get3A_692 : vector<16xf32> to vector<16xf32>
          %add3A_694 = arith.constant 0 : i32
          %add3A_695 = arith.addi %add3A_686, %add3A_694 : i32
          %add3A_696 = vector.broadcast %add3A_695 : i32 to vector<16xi32>
          %add3A_697 = arith.addi %add3A_696, %iota3A : vector<16xi32>
          %ge3A = vector.broadcast %max3A_508 : i32 to vector<16xi32>
          %ge3A_698 = arith.cmpi sge, %add3A_697, %ge3A : vector<16xi32>
          %lt3A_699 = vector.broadcast %min3A_513 : i32 to vector<16xi32>
          %lt3A_700 = arith.cmpi slt, %add3A_697, %lt3A_699 : vector<16xi32>
          %and3A_701 = arith.andi %ge3A_698, %lt3A_700 : vector<16xi1>
          %select_n3A_702 = arith.select %and3A_701, %get3A_693, %broadcast_in_dim3A_5 : vector<16xi1>, vector<16xf32>
          %max3A_703 = arith.maximumf %while3A_681, %select_n3A_702 : vector<16xf32>
          %add3A_704 = arith.constant 16 : i32
          %add3A_705 = arith.addi %mul3A_688, %add3A_704 : i32
          %get3A_706 = arith.index_cast %add3A_705 : i32 to index
          %get3A_707 = tpu.vector_load %arg5[%get3A_706] {strides = array<i32>} : memref<60000xf32, #tpu.memory_space<vmem>>, vector<16xf32>,
          %get3A_708 = vector.shape_cast %get3A_707 : vector<16xf32> to vector<16xf32>
          %add3A_709 = arith.constant 16 : i32
          %add3A_710 = arith.addi %add3A_686, %add3A_709 : i32
          %add3A_711 = vector.broadcast %add3A_710 : i32 to vector<16xi32>
          %add3A_712 = arith.addi %add3A_711, %iota3A : vector<16xi32>
          %ge3A_713 = vector.broadcast %max3A_508 : i32 to vector<16xi32>
          %ge3A_714 = arith.cmpi sge, %add3A_712, %ge3A_713 : vector<16xi32>
          %lt3A_715 = vector.broadcast %min3A_513 : i32 to vector<16xi32>
          %lt3A_716 = arith.cmpi slt, %add3A_712, %lt3A_715 : vector<16xi32>
          %and3A_717 = arith.andi %ge3A_714, %lt3A_716 : vector<16xi1>
          %select_n3A_718 = arith.select %and3A_717, %get3A_708, %broadcast_in_dim3A_5 : vector<16xi1>, vector<16xf32>
          %max3A_719 = arith.maximumf %while3A_682, %select_n3A_718 : vector<16xf32>
          %add3A_720 = arith.constant 32 : i32
          %add3A_721 = arith.addi %mul3A_688, %add3A_720 : i32
          %get3A_722 = arith.index_cast %add3A_721 : i32 to index
          %get3A_723 = tpu.vector_load %arg5[%get3A_722] {strides = array<i32>} : memref<60000xf32, #tpu.memory_space<vmem>>, vector<16xf32>,
          %get3A_724 = vector.shape_cast %get3A_723 : vector<16xf32> to vector<16xf32>
          %add3A_725 = arith.constant 32 : i32
          %add3A_726 = arith.addi %add3A_686, %add3A_725 : i32
          %add3A_727 = vector.broadcast %add3A_726 : i32 to vector<16xi32>
          %add3A_728 = arith.addi %add3A_727, %iota3A : vector<16xi32>
          %ge3A_729 = vector.broadcast %max3A_508 : i32 to vector<16xi32>
          %ge3A_730 = arith.cmpi sge, %add3A_728, %ge3A_729 : vector<16xi32>
          %lt3A_731 = vector.broadcast %min3A_513 : i32 to vector<16xi32>
          %lt3A_732 = arith.cmpi slt, %add3A_728, %lt3A_731 : vector<16xi32>
          %and3A_733 = arith.andi %ge3A_730, %lt3A_732 : vector<16xi1>
          %select_n3A_734 = arith.select %and3A_733, %get3A_724, %broadcast_in_dim3A_5 : vector<16xi1>, vector<16xf32>
          %max3A_735 = arith.maximumf %while3A_683, %select_n3A_734 : vector<16xf32>
          scf.yield %max3A_703, %max3A_719, %max3A_735 : vector<16xf32>, vector<16xf32>, vector<16xf32>
        }
        %get3A_644 = arith.constant 27 : i32
        %get3A_645 = arith.index_cast %get3A_644 : i32 to index
        %get3A_646 = arith.constant 0 : index
        %get3A_647 = tpu.vector_load %arg6[%get3A_645, %get3A_646] {strides = array<i32>} : memref<48x16xf32, #tpu.memory_space<vmem>>, vector<1x16xf32>,
        %get3A_648 = vector.shape_cast %get3A_647 : vector<1x16xf32> to vector<16xf32>
        %max3A_649 = arith.maximumf %get3A_648, %while3A_643#0 : vector<16xf32>
        %swap3A_650 = arith.constant 27 : i32
        %swap3A_651 = arith.index_cast %swap3A_650 : i32 to index
        %swap3A_652 = arith.constant 0 : index
        %swap3A_653 = tpu.vector_load %arg6[%swap3A_651, %swap3A_652] {strides = array<i32>} : memref<48x16xf32, #tpu.memory_space<vmem>>, vector<1x16xf32>,
        %swap3A_654 = vector.shape_cast %swap3A_653 : vector<1x16xf32> to vector<16xf32>
        %swap3A_655 = vector.shape_cast %max3A_649 : vector<16xf32> to vector<1x16xf32>
        tpu.vector_store %arg6[%swap3A_651, %swap3A_652], %swap3A_655 {strides = array<i32>} : memref<48x16xf32, #tpu.memory_space<vmem>>, vector<1x16xf32>,
        %get3A_656 = arith.constant 28 : i32
        %get3A_657 = arith.index_cast %get3A_656 : i32 to index
        %get3A_658 = arith.constant 0 : index
        %get3A_659 = tpu.vector_load %arg6[%get3A_657, %get3A_658] {strides = array<i32>} : memref<48x16xf32, #tpu.memory_space<vmem>>, vector<1x16xf32>,
        %get3A_660 = vector.shape_cast %get3A_659 : vector<1x16xf32> to vector<16xf32>
        %max3A_661 = arith.maximumf %get3A_660, %while3A_643#1 : vector<16xf32>
        %swap3A_662 = arith.constant 28 : i32
        %swap3A_663 = arith.index_cast %swap3A_662 : i32 to index
        %swap3A_664 = arith.constant 0 : index
        %swap3A_665 = tpu.vector_load %arg6[%swap3A_663, %swap3A_664] {strides = array<i32>} : memref<48x16xf32, #tpu.memory_space<vmem>>, vector<1x16xf32>,
        %swap3A_666 = vector.shape_cast %swap3A_665 : vector<1x16xf32> to vector<16xf32>
        %swap3A_667 = vector.shape_cast %max3A_661 : vector<16xf32> to vector<1x16xf32>
        tpu.vector_store %arg6[%swap3A_663, %swap3A_664], %swap3A_667 {strides = array<i32>} : memref<48x16xf32, #tpu.memory_space<vmem>>, vector<1x16xf32>,
        %get3A_668 = arith.constant 29 : i32
        %get3A_669 = arith.index_cast %get3A_668 : i32 to index
        %get3A_670 = arith.constant 0 : index
        %get3A_671 = tpu.vector_load %arg6[%get3A_669, %get3A_670] {strides = array<i32>} : memref<48x16xf32, #tpu.memory_space<vmem>>, vector<1x16xf32>,
        %get3A_672 = vector.shape_cast %get3A_671 : vector<1x16xf32> to vector<16xf32>
        %max3A_673 = arith.maximumf %get3A_672, %while3A_643#2 : vector<16xf32>
        %swap3A_674 = arith.constant 29 : i32
        %swap3A_675 = arith.index_cast %swap3A_674 : i32 to index
        %swap3A_676 = arith.constant 0 : index
        %swap3A_677 = tpu.vector_load %arg6[%swap3A_675, %swap3A_676] {strides = array<i32>} : memref<48x16xf32, #tpu.memory_space<vmem>>, vector<1x16xf32>,
        %swap3A_678 = vector.shape_cast %swap3A_677 : vector<1x16xf32> to vector<16xf32>
        %swap3A_679 = vector.shape_cast %max3A_673 : vector<16xf32> to vector<1x16xf32>
        tpu.vector_store %arg6[%swap3A_675, %swap3A_676], %swap3A_679 {strides = array<i32>} : memref<48x16xf32, #tpu.memory_space<vmem>>, vector<1x16xf32>,
      } else {
      }
      %mul3A_518 = arith.constant 3 : i32
      %mul3A_519 = arith.muli %squeeze3A_70, %mul3A_518 : i32
      %max3A_520 = arith.maxsi %mul3A_519, %multiple_of3A : i32
      %mul3A_521 = arith.constant 3 : i32
      %mul3A_522 = arith.muli %squeeze3A_75, %mul3A_521 : i32
      %add3A_523 = arith.constant 60000 : i32
      %add3A_524 = arith.addi %multiple_of3A, %add3A_523 : i32
      %min3A_525 = arith.minsi %mul3A_522, %add3A_524 : i32
      %lt3A_526 = arith.cmpi slt, %max3A_520, %min3A_525 : i32
      %convert_element_type3A_527 = arith.extui %lt3A_526 : i1 to i32
      %cond3A_528 = arith.constant 0 : i32
      %cond3A_529 = arith.cmpi ne, %convert_element_type3A_527, %cond3A_528 : i32
      scf.if %cond3A_529 {
        %sub3A = arith.subi %max3A_520, %multiple_of3A : i32
        %jit3A = arith.constant 48 : i32
        %div3A = arith.divsi %sub3A, %jit3A : i32
        %sign3A = arith.constant 0 : i32
        %sign3A_591 = arith.cmpi sgt, %sub3A, %sign3A : i32
        %sign3A_592 = arith.extui %sign3A_591 : i1 to i32
        %sign3A_593 = arith.constant 0 : i32
        %sign3A_594 = arith.cmpi slt, %sub3A, %sign3A_593 : i32
        %sign3A_595 = arith.extui %sign3A_594 : i1 to i32
        %sign3A_596 = arith.subi %sign3A_592, %sign3A_595 : i32
        %sign3A_597 = arith.constant 0 : i32
        %sign3A_598 = arith.cmpi sgt, %jit3A, %sign3A_597 : i32
        %sign3A_599 = arith.extui %sign3A_598 : i1 to i32
        %sign3A_600 = arith.constant 0 : i32
        %sign3A_601 = arith.cmpi slt, %jit3A, %sign3A_600 : i32
        %sign3A_602 = arith.extui %sign3A_601 : i1 to i32
        %sign3A_603 = arith.subi %sign3A_599, %sign3A_602 : i32
        %ne3A = arith.cmpi ne, %sign3A_596, %sign3A_603 : i32
        %rem3A = arith.remsi %sub3A, %jit3A : i32
        %ne3A_604 = arith.constant 0 : i32
        %ne3A_605 = arith.cmpi ne, %rem3A, %ne3A_604 : i32
        %and3A = arith.andi %ne3A, %ne3A_605 : i1
        %sub3A_606 = arith.constant 1 : i32
        %sub3A_607 = arith.subi %div3A, %sub3A_606 : i32
        %select_n3A = arith.select %and3A, %sub3A_607, %div3A : i32
        %sub3A_608 = arith.subi %min3A_525, %multiple_of3A : i32
        %add3A_609 = arith.constant 47 : i32
        %add3A_610 = arith.addi %sub3A_608, %add3A_609 : i32
        %jit3A_611 = arith.constant 48 : i32
        %div3A_612 = arith.divsi %add3A_610, %jit3A_611 : i32
        %sign3A_613 = arith.constant 0 : i32
        %sign3A_614 = arith.cmpi sgt, %add3A_610, %sign3A_613 : i32
        %sign3A_615 = arith.extui %sign3A_614 : i1 to i32
        %sign3A_616 = arith.constant 0 : i32
        %sign3A_617 = arith.cmpi slt, %add3A_610, %sign3A_616 : i32
        %sign3A_618 = arith.extui %sign3A_617 : i1 to i32
        %sign3A_619 = arith.subi %sign3A_615, %sign3A_618 : i32
        %sign3A_620 = arith.constant 0 : i32
        %sign3A_621 = arith.cmpi sgt, %jit3A_611, %sign3A_620 : i32
        %sign3A_622 = arith.extui %sign3A_621 : i1 to i32
        %sign3A_623 = arith.constant 0 : i32
        %sign3A_624 = arith.cmpi slt, %jit3A_611, %sign3A_623 : i32
        %sign3A_625 = arith.extui %sign3A_624 : i1 to i32
        %sign3A_626 = arith.subi %sign3A_622, %sign3A_625 : i32
        %ne3A_627 = arith.cmpi ne, %sign3A_619, %sign3A_626 : i32
        %rem3A_628 = arith.remsi %add3A_610, %jit3A_611 : i32
        %ne3A_629 = arith.constant 0 : i32
        %ne3A_630 = arith.cmpi ne, %rem3A_628, %ne3A_629 : i32
        %and3A_631 = arith.andi %ne3A_627, %ne3A_630 : i1
        %sub3A_632 = arith.constant 1 : i32
        %sub3A_633 = arith.subi %div3A_612, %sub3A_632 : i32
        %select_n3A_634 = arith.select %and3A_631, %sub3A_633, %div3A_612 : i32
        %while3A = arith.subi %select_n3A_634, %select_n3A : i32
        %while3A_635 = arith.addi %select_n3A, %while3A : i32
        %while3A_636 = arith.constant 1 : i32
        %while3A_637 = arith.divsi %while3A, %while3A_636 : i32
        %while3A_638 = arith.muli %while3A_637, %while3A_636 : i32
        %while3A_639 = arith.addi %select_n3A, %while3A_638 : i32
        %while3A_640 = arith.constant 1 : i32
        %while3A_641:3 = scf.for %while3A_680 = %select_n3A to %while3A_639 step %while3A_640 iter_args(%while3A_681 = %broadcast_in_dim3A_5, %while3A_682 = %broadcast_in_dim3A_5, %while3A_683 = %broadcast_in_dim3A_5) -> (vector<16xf32>, vector<16xf32>, vector<16xf32>)  : i32 {
          %mul3A_684 = arith.constant 48 : i32
          %mul3A_685 = arith.muli %while3A_680, %mul3A_684 : i32
          %add3A_686 = arith.addi %multiple_of3A, %mul3A_685 : i32
          %mul3A_687 = arith.constant 48 : i32
          %mul3A_688 = arith.muli %while3A_680, %mul3A_687 : i32
          %add3A_689 = arith.constant 0 : i32
          %add3A_690 = arith.addi %mul3A_688, %add3A_689 : i32
          %get3A_691 = arith.index_cast %add3A_690 : i32 to index
          %get3A_692 = tpu.vector_load %arg5[%get3A_691] {strides = array<i32>} : memref<60000xf32, #tpu.memory_space<vmem>>, vector<16xf32>,
          %get3A_693 = vector.shape_cast %get3A_692 : vector<16xf32> to vector<16xf32>
          %add3A_694 = arith.constant 0 : i32
          %add3A_695 = arith.addi %add3A_686, %add3A_694 : i32
          %add3A_696 = vector.broadcast %add3A_695 : i32 to vector<16xi32>
          %add3A_697 = arith.addi %add3A_696, %iota3A : vector<16xi32>
          %ge3A = vector.broadcast %max3A_520 : i32 to vector<16xi32>
          %ge3A_698 = arith.cmpi sge, %add3A_697, %ge3A : vector<16xi32>
          %lt3A_699 = vector.broadcast %min3A_525 : i32 to vector<16xi32>
          %lt3A_700 = arith.cmpi slt, %add3A_697, %lt3A_699 : vector<16xi32>
          %and3A_701 = arith.andi %ge3A_698, %lt3A_700 : vector<16xi1>
          %select_n3A_702 = arith.select %and3A_701, %get3A_693, %broadcast_in_dim3A_5 : vector<16xi1>, vector<16xf32>
          %max3A_703 = arith.maximumf %while3A_681, %select_n3A_702 : vector<16xf32>
          %add3A_704 = arith.constant 16 : i32
          %add3A_705 = arith.addi %mul3A_688, %add3A_704 : i32
          %get3A_706 = arith.index_cast %add3A_705 : i32 to index
          %get3A_707 = tpu.vector_load %arg5[%get3A_706] {strides = array<i32>} : memref<60000xf32, #tpu.memory_space<vmem>>, vector<16xf32>,
          %get3A_708 = vector.shape_cast %get3A_707 : vector<16xf32> to vector<16xf32>
          %add3A_709 = arith.constant 16 : i32
          %add3A_710 = arith.addi %add3A_686, %add3A_709 : i32
          %add3A_711 = vector.broadcast %add3A_710 : i32 to vector<16xi32>
          %add3A_712 = arith.addi %add3A_711, %iota3A : vector<16xi32>
          %ge3A_713 = vector.broadcast %max3A_520 : i32 to vector<16xi32>
          %ge3A_714 = arith.cmpi sge, %add3A_712, %ge3A_713 : vector<16xi32>
          %lt3A_715 = vector.broadcast %min3A_525 : i32 to vector<16xi32>
          %lt3A_716 = arith.cmpi slt, %add3A_712, %lt3A_715 : vector<16xi32>
          %and3A_717 = arith.andi %ge3A_714, %lt3A_716 : vector<16xi1>
          %select_n3A_718 = arith.select %and3A_717, %get3A_708, %broadcast_in_dim3A_5 : vector<16xi1>, vector<16xf32>
          %max3A_719 = arith.maximumf %while3A_682, %select_n3A_718 : vector<16xf32>
          %add3A_720 = arith.constant 32 : i32
          %add3A_721 = arith.addi %mul3A_688, %add3A_720 : i32
          %get3A_722 = arith.index_cast %add3A_721 : i32 to index
          %get3A_723 = tpu.vector_load %arg5[%get3A_722] {strides = array<i32>} : memref<60000xf32, #tpu.memory_space<vmem>>, vector<16xf32>,
          %get3A_724 = vector.shape_cast %get3A_723 : vector<16xf32> to vector<16xf32>
          %add3A_725 = arith.constant 32 : i32
          %add3A_726 = arith.addi %add3A_686, %add3A_725 : i32
          %add3A_727 = vector.broadcast %add3A_726 : i32 to vector<16xi32>
          %add3A_728 = arith.addi %add3A_727, %iota3A : vector<16xi32>
          %ge3A_729 = vector.broadcast %max3A_520 : i32 to vector<16xi32>
          %ge3A_730 = arith.cmpi sge, %add3A_728, %ge3A_729 : vector<16xi32>
          %lt3A_731 = vector.broadcast %min3A_525 : i32 to vector<16xi32>
          %lt3A_732 = arith.cmpi slt, %add3A_728, %lt3A_731 : vector<16xi32>
          %and3A_733 = arith.andi %ge3A_730, %lt3A_732 : vector<16xi1>
          %select_n3A_734 = arith.select %and3A_733, %get3A_724, %broadcast_in_dim3A_5 : vector<16xi1>, vector<16xf32>
          %max3A_735 = arith.maximumf %while3A_683, %select_n3A_734 : vector<16xf32>
          scf.yield %max3A_703, %max3A_719, %max3A_735 : vector<16xf32>, vector<16xf32>, vector<16xf32>
        }
        %while3A_642 = arith.constant 1 : i32
        %while3A_643:3 = scf.for %while3A_680 = %while3A_639 to %while3A_635 step %while3A_642 iter_args(%while3A_681 = %while3A_641#0, %while3A_682 = %while3A_641#1, %while3A_683 = %while3A_641#2) -> (vector<16xf32>, vector<16xf32>, vector<16xf32>)  : i32 {
          %mul3A_684 = arith.constant 48 : i32
          %mul3A_685 = arith.muli %while3A_680, %mul3A_684 : i32
          %add3A_686 = arith.addi %multiple_of3A, %mul3A_685 : i32
          %mul3A_687 = arith.constant 48 : i32
          %mul3A_688 = arith.muli %while3A_680, %mul3A_687 : i32
          %add3A_689 = arith.constant 0 : i32
          %add3A_690 = arith.addi %mul3A_688, %add3A_689 : i32
          %get3A_691 = arith.index_cast %add3A_690 : i32 to index
          %get3A_692 = tpu.vector_load %arg5[%get3A_691] {strides = array<i32>} : memref<60000xf32, #tpu.memory_space<vmem>>, vector<16xf32>,
          %get3A_693 = vector.shape_cast %get3A_692 : vector<16xf32> to vector<16xf32>
          %add3A_694 = arith.constant 0 : i32
          %add3A_695 = arith.addi %add3A_686, %add3A_694 : i32
          %add3A_696 = vector.broadcast %add3A_695 : i32 to vector<16xi32>
          %add3A_697 = arith.addi %add3A_696, %iota3A : vector<16xi32>
          %ge3A = vector.broadcast %max3A_520 : i32 to vector<16xi32>
          %ge3A_698 = arith.cmpi sge, %add3A_697, %ge3A : vector<16xi32>
          %lt3A_699 = vector.broadcast %min3A_525 : i32 to vector<16xi32>
          %lt3A_700 = arith.cmpi slt, %add3A_697, %lt3A_699 : vector<16xi32>
          %and3A_701 = arith.andi %ge3A_698, %lt3A_700 : vector<16xi1>
          %select_n3A_702 = arith.select %and3A_701, %get3A_693, %broadcast_in_dim3A_5 : vector<16xi1>, vector<16xf32>
          %max3A_703 = arith.maximumf %while3A_681, %select_n3A_702 : vector<16xf32>
          %add3A_704 = arith.constant 16 : i32
          %add3A_705 = arith.addi %mul3A_688, %add3A_704 : i32
          %get3A_706 = arith.index_cast %add3A_705 : i32 to index
          %get3A_707 = tpu.vector_load %arg5[%get3A_706] {strides = array<i32>} : memref<60000xf32, #tpu.memory_space<vmem>>, vector<16xf32>,
          %get3A_708 = vector.shape_cast %get3A_707 : vector<16xf32> to vector<16xf32>
          %add3A_709 = arith.constant 16 : i32
          %add3A_710 = arith.addi %add3A_686, %add3A_709 : i32
          %add3A_711 = vector.broadcast %add3A_710 : i32 to vector<16xi32>
          %add3A_712 = arith.addi %add3A_711, %iota3A : vector<16xi32>
          %ge3A_713 = vector.broadcast %max3A_520 : i32 to vector<16xi32>
          %ge3A_714 = arith.cmpi sge, %add3A_712, %ge3A_713 : vector<16xi32>
          %lt3A_715 = vector.broadcast %min3A_525 : i32 to vector<16xi32>
          %lt3A_716 = arith.cmpi slt, %add3A_712, %lt3A_715 : vector<16xi32>
          %and3A_717 = arith.andi %ge3A_714, %lt3A_716 : vector<16xi1>
          %select_n3A_718 = arith.select %and3A_717, %get3A_708, %broadcast_in_dim3A_5 : vector<16xi1>, vector<16xf32>
          %max3A_719 = arith.maximumf %while3A_682, %select_n3A_718 : vector<16xf32>
          %add3A_720 = arith.constant 32 : i32
          %add3A_721 = arith.addi %mul3A_688, %add3A_720 : i32
          %get3A_722 = arith.index_cast %add3A_721 : i32 to index
          %get3A_723 = tpu.vector_load %arg5[%get3A_722] {strides = array<i32>} : memref<60000xf32, #tpu.memory_space<vmem>>, vector<16xf32>,
          %get3A_724 = vector.shape_cast %get3A_723 : vector<16xf32> to vector<16xf32>
          %add3A_725 = arith.constant 32 : i32
          %add3A_726 = arith.addi %add3A_686, %add3A_725 : i32
          %add3A_727 = vector.broadcast %add3A_726 : i32 to vector<16xi32>
          %add3A_728 = arith.addi %add3A_727, %iota3A : vector<16xi32>
          %ge3A_729 = vector.broadcast %max3A_520 : i32 to vector<16xi32>
          %ge3A_730 = arith.cmpi sge, %add3A_728, %ge3A_729 : vector<16xi32>
          %lt3A_731 = vector.broadcast %min3A_525 : i32 to vector<16xi32>
          %lt3A_732 = arith.cmpi slt, %add3A_728, %lt3A_731 : vector<16xi32>
          %and3A_733 = arith.andi %ge3A_730, %lt3A_732 : vector<16xi1>
          %select_n3A_734 = arith.select %and3A_733, %get3A_724, %broadcast_in_dim3A_5 : vector<16xi1>, vector<16xf32>
          %max3A_735 = arith.maximumf %while3A_683, %select_n3A_734 : vector<16xf32>
          scf.yield %max3A_703, %max3A_719, %max3A_735 : vector<16xf32>, vector<16xf32>, vector<16xf32>
        }
        %get3A_644 = arith.constant 30 : i32
        %get3A_645 = arith.index_cast %get3A_644 : i32 to index
        %get3A_646 = arith.constant 0 : index
        %get3A_647 = tpu.vector_load %arg6[%get3A_645, %get3A_646] {strides = array<i32>} : memref<48x16xf32, #tpu.memory_space<vmem>>, vector<1x16xf32>,
        %get3A_648 = vector.shape_cast %get3A_647 : vector<1x16xf32> to vector<16xf32>
        %max3A_649 = arith.maximumf %get3A_648, %while3A_643#0 : vector<16xf32>
        %swap3A_650 = arith.constant 30 : i32
        %swap3A_651 = arith.index_cast %swap3A_650 : i32 to index
        %swap3A_652 = arith.constant 0 : index
        %swap3A_653 = tpu.vector_load %arg6[%swap3A_651, %swap3A_652] {strides = array<i32>} : memref<48x16xf32, #tpu.memory_space<vmem>>, vector<1x16xf32>,
        %swap3A_654 = vector.shape_cast %swap3A_653 : vector<1x16xf32> to vector<16xf32>
        %swap3A_655 = vector.shape_cast %max3A_649 : vector<16xf32> to vector<1x16xf32>
        tpu.vector_store %arg6[%swap3A_651, %swap3A_652], %swap3A_655 {strides = array<i32>} : memref<48x16xf32, #tpu.memory_space<vmem>>, vector<1x16xf32>,
        %get3A_656 = arith.constant 31 : i32
        %get3A_657 = arith.index_cast %get3A_656 : i32 to index
        %get3A_658 = arith.constant 0 : index
        %get3A_659 = tpu.vector_load %arg6[%get3A_657, %get3A_658] {strides = array<i32>} : memref<48x16xf32, #tpu.memory_space<vmem>>, vector<1x16xf32>,
        %get3A_660 = vector.shape_cast %get3A_659 : vector<1x16xf32> to vector<16xf32>
        %max3A_661 = arith.maximumf %get3A_660, %while3A_643#1 : vector<16xf32>
        %swap3A_662 = arith.constant 31 : i32
        %swap3A_663 = arith.index_cast %swap3A_662 : i32 to index
        %swap3A_664 = arith.constant 0 : index
        %swap3A_665 = tpu.vector_load %arg6[%swap3A_663, %swap3A_664] {strides = array<i32>} : memref<48x16xf32, #tpu.memory_space<vmem>>, vector<1x16xf32>,
        %swap3A_666 = vector.shape_cast %swap3A_665 : vector<1x16xf32> to vector<16xf32>
        %swap3A_667 = vector.shape_cast %max3A_661 : vector<16xf32> to vector<1x16xf32>
        tpu.vector_store %arg6[%swap3A_663, %swap3A_664], %swap3A_667 {strides = array<i32>} : memref<48x16xf32, #tpu.memory_space<vmem>>, vector<1x16xf32>,
        %get3A_668 = arith.constant 32 : i32
        %get3A_669 = arith.index_cast %get3A_668 : i32 to index
        %get3A_670 = arith.constant 0 : index
        %get3A_671 = tpu.vector_load %arg6[%get3A_669, %get3A_670] {strides = array<i32>} : memref<48x16xf32, #tpu.memory_space<vmem>>, vector<1x16xf32>,
        %get3A_672 = vector.shape_cast %get3A_671 : vector<1x16xf32> to vector<16xf32>
        %max3A_673 = arith.maximumf %get3A_672, %while3A_643#2 : vector<16xf32>
        %swap3A_674 = arith.constant 32 : i32
        %swap3A_675 = arith.index_cast %swap3A_674 : i32 to index
        %swap3A_676 = arith.constant 0 : index
        %swap3A_677 = tpu.vector_load %arg6[%swap3A_675, %swap3A_676] {strides = array<i32>} : memref<48x16xf32, #tpu.memory_space<vmem>>, vector<1x16xf32>,
        %swap3A_678 = vector.shape_cast %swap3A_677 : vector<1x16xf32> to vector<16xf32>
        %swap3A_679 = vector.shape_cast %max3A_673 : vector<16xf32> to vector<1x16xf32>
        tpu.vector_store %arg6[%swap3A_675, %swap3A_676], %swap3A_679 {strides = array<i32>} : memref<48x16xf32, #tpu.memory_space<vmem>>, vector<1x16xf32>,
      } else {
      }
      %mul3A_530 = arith.constant 3 : i32
      %mul3A_531 = arith.muli %squeeze3A_75, %mul3A_530 : i32
      %max3A_532 = arith.maxsi %mul3A_531, %multiple_of3A : i32
      %mul3A_533 = arith.constant 3 : i32
      %mul3A_534 = arith.muli %squeeze3A_80, %mul3A_533 : i32
      %add3A_535 = arith.constant 60000 : i32
      %add3A_536 = arith.addi %multiple_of3A, %add3A_535 : i32
      %min3A_537 = arith.minsi %mul3A_534, %add3A_536 : i32
      %lt3A_538 = arith.cmpi slt, %max3A_532, %min3A_537 : i32
      %convert_element_type3A_539 = arith.extui %lt3A_538 : i1 to i32
      %cond3A_540 = arith.constant 0 : i32
      %cond3A_541 = arith.cmpi ne, %convert_element_type3A_539, %cond3A_540 : i32
      scf.if %cond3A_541 {
        %sub3A = arith.subi %max3A_532, %multiple_of3A : i32
        %jit3A = arith.constant 48 : i32
        %div3A = arith.divsi %sub3A, %jit3A : i32
        %sign3A = arith.constant 0 : i32
        %sign3A_591 = arith.cmpi sgt, %sub3A, %sign3A : i32
        %sign3A_592 = arith.extui %sign3A_591 : i1 to i32
        %sign3A_593 = arith.constant 0 : i32
        %sign3A_594 = arith.cmpi slt, %sub3A, %sign3A_593 : i32
        %sign3A_595 = arith.extui %sign3A_594 : i1 to i32
        %sign3A_596 = arith.subi %sign3A_592, %sign3A_595 : i32
        %sign3A_597 = arith.constant 0 : i32
        %sign3A_598 = arith.cmpi sgt, %jit3A, %sign3A_597 : i32
        %sign3A_599 = arith.extui %sign3A_598 : i1 to i32
        %sign3A_600 = arith.constant 0 : i32
        %sign3A_601 = arith.cmpi slt, %jit3A, %sign3A_600 : i32
        %sign3A_602 = arith.extui %sign3A_601 : i1 to i32
        %sign3A_603 = arith.subi %sign3A_599, %sign3A_602 : i32
        %ne3A = arith.cmpi ne, %sign3A_596, %sign3A_603 : i32
        %rem3A = arith.remsi %sub3A, %jit3A : i32
        %ne3A_604 = arith.constant 0 : i32
        %ne3A_605 = arith.cmpi ne, %rem3A, %ne3A_604 : i32
        %and3A = arith.andi %ne3A, %ne3A_605 : i1
        %sub3A_606 = arith.constant 1 : i32
        %sub3A_607 = arith.subi %div3A, %sub3A_606 : i32
        %select_n3A = arith.select %and3A, %sub3A_607, %div3A : i32
        %sub3A_608 = arith.subi %min3A_537, %multiple_of3A : i32
        %add3A_609 = arith.constant 47 : i32
        %add3A_610 = arith.addi %sub3A_608, %add3A_609 : i32
        %jit3A_611 = arith.constant 48 : i32
        %div3A_612 = arith.divsi %add3A_610, %jit3A_611 : i32
        %sign3A_613 = arith.constant 0 : i32
        %sign3A_614 = arith.cmpi sgt, %add3A_610, %sign3A_613 : i32
        %sign3A_615 = arith.extui %sign3A_614 : i1 to i32
        %sign3A_616 = arith.constant 0 : i32
        %sign3A_617 = arith.cmpi slt, %add3A_610, %sign3A_616 : i32
        %sign3A_618 = arith.extui %sign3A_617 : i1 to i32
        %sign3A_619 = arith.subi %sign3A_615, %sign3A_618 : i32
        %sign3A_620 = arith.constant 0 : i32
        %sign3A_621 = arith.cmpi sgt, %jit3A_611, %sign3A_620 : i32
        %sign3A_622 = arith.extui %sign3A_621 : i1 to i32
        %sign3A_623 = arith.constant 0 : i32
        %sign3A_624 = arith.cmpi slt, %jit3A_611, %sign3A_623 : i32
        %sign3A_625 = arith.extui %sign3A_624 : i1 to i32
        %sign3A_626 = arith.subi %sign3A_622, %sign3A_625 : i32
        %ne3A_627 = arith.cmpi ne, %sign3A_619, %sign3A_626 : i32
        %rem3A_628 = arith.remsi %add3A_610, %jit3A_611 : i32
        %ne3A_629 = arith.constant 0 : i32
        %ne3A_630 = arith.cmpi ne, %rem3A_628, %ne3A_629 : i32
        %and3A_631 = arith.andi %ne3A_627, %ne3A_630 : i1
        %sub3A_632 = arith.constant 1 : i32
        %sub3A_633 = arith.subi %div3A_612, %sub3A_632 : i32
        %select_n3A_634 = arith.select %and3A_631, %sub3A_633, %div3A_612 : i32
        %while3A = arith.subi %select_n3A_634, %select_n3A : i32
        %while3A_635 = arith.addi %select_n3A, %while3A : i32
        %while3A_636 = arith.constant 1 : i32
        %while3A_637 = arith.divsi %while3A, %while3A_636 : i32
        %while3A_638 = arith.muli %while3A_637, %while3A_636 : i32
        %while3A_639 = arith.addi %select_n3A, %while3A_638 : i32
        %while3A_640 = arith.constant 1 : i32
        %while3A_641:3 = scf.for %while3A_680 = %select_n3A to %while3A_639 step %while3A_640 iter_args(%while3A_681 = %broadcast_in_dim3A_5, %while3A_682 = %broadcast_in_dim3A_5, %while3A_683 = %broadcast_in_dim3A_5) -> (vector<16xf32>, vector<16xf32>, vector<16xf32>)  : i32 {
          %mul3A_684 = arith.constant 48 : i32
          %mul3A_685 = arith.muli %while3A_680, %mul3A_684 : i32
          %add3A_686 = arith.addi %multiple_of3A, %mul3A_685 : i32
          %mul3A_687 = arith.constant 48 : i32
          %mul3A_688 = arith.muli %while3A_680, %mul3A_687 : i32
          %add3A_689 = arith.constant 0 : i32
          %add3A_690 = arith.addi %mul3A_688, %add3A_689 : i32
          %get3A_691 = arith.index_cast %add3A_690 : i32 to index
          %get3A_692 = tpu.vector_load %arg5[%get3A_691] {strides = array<i32>} : memref<60000xf32, #tpu.memory_space<vmem>>, vector<16xf32>,
          %get3A_693 = vector.shape_cast %get3A_692 : vector<16xf32> to vector<16xf32>
          %add3A_694 = arith.constant 0 : i32
          %add3A_695 = arith.addi %add3A_686, %add3A_694 : i32
          %add3A_696 = vector.broadcast %add3A_695 : i32 to vector<16xi32>
          %add3A_697 = arith.addi %add3A_696, %iota3A : vector<16xi32>
          %ge3A = vector.broadcast %max3A_532 : i32 to vector<16xi32>
          %ge3A_698 = arith.cmpi sge, %add3A_697, %ge3A : vector<16xi32>
          %lt3A_699 = vector.broadcast %min3A_537 : i32 to vector<16xi32>
          %lt3A_700 = arith.cmpi slt, %add3A_697, %lt3A_699 : vector<16xi32>
          %and3A_701 = arith.andi %ge3A_698, %lt3A_700 : vector<16xi1>
          %select_n3A_702 = arith.select %and3A_701, %get3A_693, %broadcast_in_dim3A_5 : vector<16xi1>, vector<16xf32>
          %max3A_703 = arith.maximumf %while3A_681, %select_n3A_702 : vector<16xf32>
          %add3A_704 = arith.constant 16 : i32
          %add3A_705 = arith.addi %mul3A_688, %add3A_704 : i32
          %get3A_706 = arith.index_cast %add3A_705 : i32 to index
          %get3A_707 = tpu.vector_load %arg5[%get3A_706] {strides = array<i32>} : memref<60000xf32, #tpu.memory_space<vmem>>, vector<16xf32>,
          %get3A_708 = vector.shape_cast %get3A_707 : vector<16xf32> to vector<16xf32>
          %add3A_709 = arith.constant 16 : i32
          %add3A_710 = arith.addi %add3A_686, %add3A_709 : i32
          %add3A_711 = vector.broadcast %add3A_710 : i32 to vector<16xi32>
          %add3A_712 = arith.addi %add3A_711, %iota3A : vector<16xi32>
          %ge3A_713 = vector.broadcast %max3A_532 : i32 to vector<16xi32>
          %ge3A_714 = arith.cmpi sge, %add3A_712, %ge3A_713 : vector<16xi32>
          %lt3A_715 = vector.broadcast %min3A_537 : i32 to vector<16xi32>
          %lt3A_716 = arith.cmpi slt, %add3A_712, %lt3A_715 : vector<16xi32>
          %and3A_717 = arith.andi %ge3A_714, %lt3A_716 : vector<16xi1>
          %select_n3A_718 = arith.select %and3A_717, %get3A_708, %broadcast_in_dim3A_5 : vector<16xi1>, vector<16xf32>
          %max3A_719 = arith.maximumf %while3A_682, %select_n3A_718 : vector<16xf32>
          %add3A_720 = arith.constant 32 : i32
          %add3A_721 = arith.addi %mul3A_688, %add3A_720 : i32
          %get3A_722 = arith.index_cast %add3A_721 : i32 to index
          %get3A_723 = tpu.vector_load %arg5[%get3A_722] {strides = array<i32>} : memref<60000xf32, #tpu.memory_space<vmem>>, vector<16xf32>,
          %get3A_724 = vector.shape_cast %get3A_723 : vector<16xf32> to vector<16xf32>
          %add3A_725 = arith.constant 32 : i32
          %add3A_726 = arith.addi %add3A_686, %add3A_725 : i32
          %add3A_727 = vector.broadcast %add3A_726 : i32 to vector<16xi32>
          %add3A_728 = arith.addi %add3A_727, %iota3A : vector<16xi32>
          %ge3A_729 = vector.broadcast %max3A_532 : i32 to vector<16xi32>
          %ge3A_730 = arith.cmpi sge, %add3A_728, %ge3A_729 : vector<16xi32>
          %lt3A_731 = vector.broadcast %min3A_537 : i32 to vector<16xi32>
          %lt3A_732 = arith.cmpi slt, %add3A_728, %lt3A_731 : vector<16xi32>
          %and3A_733 = arith.andi %ge3A_730, %lt3A_732 : vector<16xi1>
          %select_n3A_734 = arith.select %and3A_733, %get3A_724, %broadcast_in_dim3A_5 : vector<16xi1>, vector<16xf32>
          %max3A_735 = arith.maximumf %while3A_683, %select_n3A_734 : vector<16xf32>
          scf.yield %max3A_703, %max3A_719, %max3A_735 : vector<16xf32>, vector<16xf32>, vector<16xf32>
        }
        %while3A_642 = arith.constant 1 : i32
        %while3A_643:3 = scf.for %while3A_680 = %while3A_639 to %while3A_635 step %while3A_642 iter_args(%while3A_681 = %while3A_641#0, %while3A_682 = %while3A_641#1, %while3A_683 = %while3A_641#2) -> (vector<16xf32>, vector<16xf32>, vector<16xf32>)  : i32 {
          %mul3A_684 = arith.constant 48 : i32
          %mul3A_685 = arith.muli %while3A_680, %mul3A_684 : i32
          %add3A_686 = arith.addi %multiple_of3A, %mul3A_685 : i32
          %mul3A_687 = arith.constant 48 : i32
          %mul3A_688 = arith.muli %while3A_680, %mul3A_687 : i32
          %add3A_689 = arith.constant 0 : i32
          %add3A_690 = arith.addi %mul3A_688, %add3A_689 : i32
          %get3A_691 = arith.index_cast %add3A_690 : i32 to index
          %get3A_692 = tpu.vector_load %arg5[%get3A_691] {strides = array<i32>} : memref<60000xf32, #tpu.memory_space<vmem>>, vector<16xf32>,
          %get3A_693 = vector.shape_cast %get3A_692 : vector<16xf32> to vector<16xf32>
          %add3A_694 = arith.constant 0 : i32
          %add3A_695 = arith.addi %add3A_686, %add3A_694 : i32
          %add3A_696 = vector.broadcast %add3A_695 : i32 to vector<16xi32>
          %add3A_697 = arith.addi %add3A_696, %iota3A : vector<16xi32>
          %ge3A = vector.broadcast %max3A_532 : i32 to vector<16xi32>
          %ge3A_698 = arith.cmpi sge, %add3A_697, %ge3A : vector<16xi32>
          %lt3A_699 = vector.broadcast %min3A_537 : i32 to vector<16xi32>
          %lt3A_700 = arith.cmpi slt, %add3A_697, %lt3A_699 : vector<16xi32>
          %and3A_701 = arith.andi %ge3A_698, %lt3A_700 : vector<16xi1>
          %select_n3A_702 = arith.select %and3A_701, %get3A_693, %broadcast_in_dim3A_5 : vector<16xi1>, vector<16xf32>
          %max3A_703 = arith.maximumf %while3A_681, %select_n3A_702 : vector<16xf32>
          %add3A_704 = arith.constant 16 : i32
          %add3A_705 = arith.addi %mul3A_688, %add3A_704 : i32
          %get3A_706 = arith.index_cast %add3A_705 : i32 to index
          %get3A_707 = tpu.vector_load %arg5[%get3A_706] {strides = array<i32>} : memref<60000xf32, #tpu.memory_space<vmem>>, vector<16xf32>,
          %get3A_708 = vector.shape_cast %get3A_707 : vector<16xf32> to vector<16xf32>
          %add3A_709 = arith.constant 16 : i32
          %add3A_710 = arith.addi %add3A_686, %add3A_709 : i32
          %add3A_711 = vector.broadcast %add3A_710 : i32 to vector<16xi32>
          %add3A_712 = arith.addi %add3A_711, %iota3A : vector<16xi32>
          %ge3A_713 = vector.broadcast %max3A_532 : i32 to vector<16xi32>
          %ge3A_714 = arith.cmpi sge, %add3A_712, %ge3A_713 : vector<16xi32>
          %lt3A_715 = vector.broadcast %min3A_537 : i32 to vector<16xi32>
          %lt3A_716 = arith.cmpi slt, %add3A_712, %lt3A_715 : vector<16xi32>
          %and3A_717 = arith.andi %ge3A_714, %lt3A_716 : vector<16xi1>
          %select_n3A_718 = arith.select %and3A_717, %get3A_708, %broadcast_in_dim3A_5 : vector<16xi1>, vector<16xf32>
          %max3A_719 = arith.maximumf %while3A_682, %select_n3A_718 : vector<16xf32>
          %add3A_720 = arith.constant 32 : i32
          %add3A_721 = arith.addi %mul3A_688, %add3A_720 : i32
          %get3A_722 = arith.index_cast %add3A_721 : i32 to index
          %get3A_723 = tpu.vector_load %arg5[%get3A_722] {strides = array<i32>} : memref<60000xf32, #tpu.memory_space<vmem>>, vector<16xf32>,
          %get3A_724 = vector.shape_cast %get3A_723 : vector<16xf32> to vector<16xf32>
          %add3A_725 = arith.constant 32 : i32
          %add3A_726 = arith.addi %add3A_686, %add3A_725 : i32
          %add3A_727 = vector.broadcast %add3A_726 : i32 to vector<16xi32>
          %add3A_728 = arith.addi %add3A_727, %iota3A : vector<16xi32>
          %ge3A_729 = vector.broadcast %max3A_532 : i32 to vector<16xi32>
          %ge3A_730 = arith.cmpi sge, %add3A_728, %ge3A_729 : vector<16xi32>
          %lt3A_731 = vector.broadcast %min3A_537 : i32 to vector<16xi32>
          %lt3A_732 = arith.cmpi slt, %add3A_728, %lt3A_731 : vector<16xi32>
          %and3A_733 = arith.andi %ge3A_730, %lt3A_732 : vector<16xi1>
          %select_n3A_734 = arith.select %and3A_733, %get3A_724, %broadcast_in_dim3A_5 : vector<16xi1>, vector<16xf32>
          %max3A_735 = arith.maximumf %while3A_683, %select_n3A_734 : vector<16xf32>
          scf.yield %max3A_703, %max3A_719, %max3A_735 : vector<16xf32>, vector<16xf32>, vector<16xf32>
        }
        %get3A_644 = arith.constant 33 : i32
        %get3A_645 = arith.index_cast %get3A_644 : i32 to index
        %get3A_646 = arith.constant 0 : index
        %get3A_647 = tpu.vector_load %arg6[%get3A_645, %get3A_646] {strides = array<i32>} : memref<48x16xf32, #tpu.memory_space<vmem>>, vector<1x16xf32>,
        %get3A_648 = vector.shape_cast %get3A_647 : vector<1x16xf32> to vector<16xf32>
        %max3A_649 = arith.maximumf %get3A_648, %while3A_643#0 : vector<16xf32>
        %swap3A_650 = arith.constant 33 : i32
        %swap3A_651 = arith.index_cast %swap3A_650 : i32 to index
        %swap3A_652 = arith.constant 0 : index
        %swap3A_653 = tpu.vector_load %arg6[%swap3A_651, %swap3A_652] {strides = array<i32>} : memref<48x16xf32, #tpu.memory_space<vmem>>, vector<1x16xf32>,
        %swap3A_654 = vector.shape_cast %swap3A_653 : vector<1x16xf32> to vector<16xf32>
        %swap3A_655 = vector.shape_cast %max3A_649 : vector<16xf32> to vector<1x16xf32>
        tpu.vector_store %arg6[%swap3A_651, %swap3A_652], %swap3A_655 {strides = array<i32>} : memref<48x16xf32, #tpu.memory_space<vmem>>, vector<1x16xf32>,
        %get3A_656 = arith.constant 34 : i32
        %get3A_657 = arith.index_cast %get3A_656 : i32 to index
        %get3A_658 = arith.constant 0 : index
        %get3A_659 = tpu.vector_load %arg6[%get3A_657, %get3A_658] {strides = array<i32>} : memref<48x16xf32, #tpu.memory_space<vmem>>, vector<1x16xf32>,
        %get3A_660 = vector.shape_cast %get3A_659 : vector<1x16xf32> to vector<16xf32>
        %max3A_661 = arith.maximumf %get3A_660, %while3A_643#1 : vector<16xf32>
        %swap3A_662 = arith.constant 34 : i32
        %swap3A_663 = arith.index_cast %swap3A_662 : i32 to index
        %swap3A_664 = arith.constant 0 : index
        %swap3A_665 = tpu.vector_load %arg6[%swap3A_663, %swap3A_664] {strides = array<i32>} : memref<48x16xf32, #tpu.memory_space<vmem>>, vector<1x16xf32>,
        %swap3A_666 = vector.shape_cast %swap3A_665 : vector<1x16xf32> to vector<16xf32>
        %swap3A_667 = vector.shape_cast %max3A_661 : vector<16xf32> to vector<1x16xf32>
        tpu.vector_store %arg6[%swap3A_663, %swap3A_664], %swap3A_667 {strides = array<i32>} : memref<48x16xf32, #tpu.memory_space<vmem>>, vector<1x16xf32>,
        %get3A_668 = arith.constant 35 : i32
        %get3A_669 = arith.index_cast %get3A_668 : i32 to index
        %get3A_670 = arith.constant 0 : index
        %get3A_671 = tpu.vector_load %arg6[%get3A_669, %get3A_670] {strides = array<i32>} : memref<48x16xf32, #tpu.memory_space<vmem>>, vector<1x16xf32>,
        %get3A_672 = vector.shape_cast %get3A_671 : vector<1x16xf32> to vector<16xf32>
        %max3A_673 = arith.maximumf %get3A_672, %while3A_643#2 : vector<16xf32>
        %swap3A_674 = arith.constant 35 : i32
        %swap3A_675 = arith.index_cast %swap3A_674 : i32 to index
        %swap3A_676 = arith.constant 0 : index
        %swap3A_677 = tpu.vector_load %arg6[%swap3A_675, %swap3A_676] {strides = array<i32>} : memref<48x16xf32, #tpu.memory_space<vmem>>, vector<1x16xf32>,
        %swap3A_678 = vector.shape_cast %swap3A_677 : vector<1x16xf32> to vector<16xf32>
        %swap3A_679 = vector.shape_cast %max3A_673 : vector<16xf32> to vector<1x16xf32>
        tpu.vector_store %arg6[%swap3A_675, %swap3A_676], %swap3A_679 {strides = array<i32>} : memref<48x16xf32, #tpu.memory_space<vmem>>, vector<1x16xf32>,
      } else {
      }
      %mul3A_542 = arith.constant 3 : i32
      %mul3A_543 = arith.muli %squeeze3A_80, %mul3A_542 : i32
      %max3A_544 = arith.maxsi %mul3A_543, %multiple_of3A : i32
      %mul3A_545 = arith.constant 3 : i32
      %mul3A_546 = arith.muli %squeeze3A_85, %mul3A_545 : i32
      %add3A_547 = arith.constant 60000 : i32
      %add3A_548 = arith.addi %multiple_of3A, %add3A_547 : i32
      %min3A_549 = arith.minsi %mul3A_546, %add3A_548 : i32
      %lt3A_550 = arith.cmpi slt, %max3A_544, %min3A_549 : i32
      %convert_element_type3A_551 = arith.extui %lt3A_550 : i1 to i32
      %cond3A_552 = arith.constant 0 : i32
      %cond3A_553 = arith.cmpi ne, %convert_element_type3A_551, %cond3A_552 : i32
      scf.if %cond3A_553 {
        %sub3A = arith.subi %max3A_544, %multiple_of3A : i32
        %jit3A = arith.constant 48 : i32
        %div3A = arith.divsi %sub3A, %jit3A : i32
        %sign3A = arith.constant 0 : i32
        %sign3A_591 = arith.cmpi sgt, %sub3A, %sign3A : i32
        %sign3A_592 = arith.extui %sign3A_591 : i1 to i32
        %sign3A_593 = arith.constant 0 : i32
        %sign3A_594 = arith.cmpi slt, %sub3A, %sign3A_593 : i32
        %sign3A_595 = arith.extui %sign3A_594 : i1 to i32
        %sign3A_596 = arith.subi %sign3A_592, %sign3A_595 : i32
        %sign3A_597 = arith.constant 0 : i32
        %sign3A_598 = arith.cmpi sgt, %jit3A, %sign3A_597 : i32
        %sign3A_599 = arith.extui %sign3A_598 : i1 to i32
        %sign3A_600 = arith.constant 0 : i32
        %sign3A_601 = arith.cmpi slt, %jit3A, %sign3A_600 : i32
        %sign3A_602 = arith.extui %sign3A_601 : i1 to i32
        %sign3A_603 = arith.subi %sign3A_599, %sign3A_602 : i32
        %ne3A = arith.cmpi ne, %sign3A_596, %sign3A_603 : i32
        %rem3A = arith.remsi %sub3A, %jit3A : i32
        %ne3A_604 = arith.constant 0 : i32
        %ne3A_605 = arith.cmpi ne, %rem3A, %ne3A_604 : i32
        %and3A = arith.andi %ne3A, %ne3A_605 : i1
        %sub3A_606 = arith.constant 1 : i32
        %sub3A_607 = arith.subi %div3A, %sub3A_606 : i32
        %select_n3A = arith.select %and3A, %sub3A_607, %div3A : i32
        %sub3A_608 = arith.subi %min3A_549, %multiple_of3A : i32
        %add3A_609 = arith.constant 47 : i32
        %add3A_610 = arith.addi %sub3A_608, %add3A_609 : i32
        %jit3A_611 = arith.constant 48 : i32
        %div3A_612 = arith.divsi %add3A_610, %jit3A_611 : i32
        %sign3A_613 = arith.constant 0 : i32
        %sign3A_614 = arith.cmpi sgt, %add3A_610, %sign3A_613 : i32
        %sign3A_615 = arith.extui %sign3A_614 : i1 to i32
        %sign3A_616 = arith.constant 0 : i32
        %sign3A_617 = arith.cmpi slt, %add3A_610, %sign3A_616 : i32
        %sign3A_618 = arith.extui %sign3A_617 : i1 to i32
        %sign3A_619 = arith.subi %sign3A_615, %sign3A_618 : i32
        %sign3A_620 = arith.constant 0 : i32
        %sign3A_621 = arith.cmpi sgt, %jit3A_611, %sign3A_620 : i32
        %sign3A_622 = arith.extui %sign3A_621 : i1 to i32
        %sign3A_623 = arith.constant 0 : i32
        %sign3A_624 = arith.cmpi slt, %jit3A_611, %sign3A_623 : i32
        %sign3A_625 = arith.extui %sign3A_624 : i1 to i32
        %sign3A_626 = arith.subi %sign3A_622, %sign3A_625 : i32
        %ne3A_627 = arith.cmpi ne, %sign3A_619, %sign3A_626 : i32
        %rem3A_628 = arith.remsi %add3A_610, %jit3A_611 : i32
        %ne3A_629 = arith.constant 0 : i32
        %ne3A_630 = arith.cmpi ne, %rem3A_628, %ne3A_629 : i32
        %and3A_631 = arith.andi %ne3A_627, %ne3A_630 : i1
        %sub3A_632 = arith.constant 1 : i32
        %sub3A_633 = arith.subi %div3A_612, %sub3A_632 : i32
        %select_n3A_634 = arith.select %and3A_631, %sub3A_633, %div3A_612 : i32
        %while3A = arith.subi %select_n3A_634, %select_n3A : i32
        %while3A_635 = arith.addi %select_n3A, %while3A : i32
        %while3A_636 = arith.constant 1 : i32
        %while3A_637 = arith.divsi %while3A, %while3A_636 : i32
        %while3A_638 = arith.muli %while3A_637, %while3A_636 : i32
        %while3A_639 = arith.addi %select_n3A, %while3A_638 : i32
        %while3A_640 = arith.constant 1 : i32
        %while3A_641:3 = scf.for %while3A_680 = %select_n3A to %while3A_639 step %while3A_640 iter_args(%while3A_681 = %broadcast_in_dim3A_5, %while3A_682 = %broadcast_in_dim3A_5, %while3A_683 = %broadcast_in_dim3A_5) -> (vector<16xf32>, vector<16xf32>, vector<16xf32>)  : i32 {
          %mul3A_684 = arith.constant 48 : i32
          %mul3A_685 = arith.muli %while3A_680, %mul3A_684 : i32
          %add3A_686 = arith.addi %multiple_of3A, %mul3A_685 : i32
          %mul3A_687 = arith.constant 48 : i32
          %mul3A_688 = arith.muli %while3A_680, %mul3A_687 : i32
          %add3A_689 = arith.constant 0 : i32
          %add3A_690 = arith.addi %mul3A_688, %add3A_689 : i32
          %get3A_691 = arith.index_cast %add3A_690 : i32 to index
          %get3A_692 = tpu.vector_load %arg5[%get3A_691] {strides = array<i32>} : memref<60000xf32, #tpu.memory_space<vmem>>, vector<16xf32>,
          %get3A_693 = vector.shape_cast %get3A_692 : vector<16xf32> to vector<16xf32>
          %add3A_694 = arith.constant 0 : i32
          %add3A_695 = arith.addi %add3A_686, %add3A_694 : i32
          %add3A_696 = vector.broadcast %add3A_695 : i32 to vector<16xi32>
          %add3A_697 = arith.addi %add3A_696, %iota3A : vector<16xi32>
          %ge3A = vector.broadcast %max3A_544 : i32 to vector<16xi32>
          %ge3A_698 = arith.cmpi sge, %add3A_697, %ge3A : vector<16xi32>
          %lt3A_699 = vector.broadcast %min3A_549 : i32 to vector<16xi32>
          %lt3A_700 = arith.cmpi slt, %add3A_697, %lt3A_699 : vector<16xi32>
          %and3A_701 = arith.andi %ge3A_698, %lt3A_700 : vector<16xi1>
          %select_n3A_702 = arith.select %and3A_701, %get3A_693, %broadcast_in_dim3A_5 : vector<16xi1>, vector<16xf32>
          %max3A_703 = arith.maximumf %while3A_681, %select_n3A_702 : vector<16xf32>
          %add3A_704 = arith.constant 16 : i32
          %add3A_705 = arith.addi %mul3A_688, %add3A_704 : i32
          %get3A_706 = arith.index_cast %add3A_705 : i32 to index
          %get3A_707 = tpu.vector_load %arg5[%get3A_706] {strides = array<i32>} : memref<60000xf32, #tpu.memory_space<vmem>>, vector<16xf32>,
          %get3A_708 = vector.shape_cast %get3A_707 : vector<16xf32> to vector<16xf32>
          %add3A_709 = arith.constant 16 : i32
          %add3A_710 = arith.addi %add3A_686, %add3A_709 : i32
          %add3A_711 = vector.broadcast %add3A_710 : i32 to vector<16xi32>
          %add3A_712 = arith.addi %add3A_711, %iota3A : vector<16xi32>
          %ge3A_713 = vector.broadcast %max3A_544 : i32 to vector<16xi32>
          %ge3A_714 = arith.cmpi sge, %add3A_712, %ge3A_713 : vector<16xi32>
          %lt3A_715 = vector.broadcast %min3A_549 : i32 to vector<16xi32>
          %lt3A_716 = arith.cmpi slt, %add3A_712, %lt3A_715 : vector<16xi32>
          %and3A_717 = arith.andi %ge3A_714, %lt3A_716 : vector<16xi1>
          %select_n3A_718 = arith.select %and3A_717, %get3A_708, %broadcast_in_dim3A_5 : vector<16xi1>, vector<16xf32>
          %max3A_719 = arith.maximumf %while3A_682, %select_n3A_718 : vector<16xf32>
          %add3A_720 = arith.constant 32 : i32
          %add3A_721 = arith.addi %mul3A_688, %add3A_720 : i32
          %get3A_722 = arith.index_cast %add3A_721 : i32 to index
          %get3A_723 = tpu.vector_load %arg5[%get3A_722] {strides = array<i32>} : memref<60000xf32, #tpu.memory_space<vmem>>, vector<16xf32>,
          %get3A_724 = vector.shape_cast %get3A_723 : vector<16xf32> to vector<16xf32>
          %add3A_725 = arith.constant 32 : i32
          %add3A_726 = arith.addi %add3A_686, %add3A_725 : i32
          %add3A_727 = vector.broadcast %add3A_726 : i32 to vector<16xi32>
          %add3A_728 = arith.addi %add3A_727, %iota3A : vector<16xi32>
          %ge3A_729 = vector.broadcast %max3A_544 : i32 to vector<16xi32>
          %ge3A_730 = arith.cmpi sge, %add3A_728, %ge3A_729 : vector<16xi32>
          %lt3A_731 = vector.broadcast %min3A_549 : i32 to vector<16xi32>
          %lt3A_732 = arith.cmpi slt, %add3A_728, %lt3A_731 : vector<16xi32>
          %and3A_733 = arith.andi %ge3A_730, %lt3A_732 : vector<16xi1>
          %select_n3A_734 = arith.select %and3A_733, %get3A_724, %broadcast_in_dim3A_5 : vector<16xi1>, vector<16xf32>
          %max3A_735 = arith.maximumf %while3A_683, %select_n3A_734 : vector<16xf32>
          scf.yield %max3A_703, %max3A_719, %max3A_735 : vector<16xf32>, vector<16xf32>, vector<16xf32>
        }
        %while3A_642 = arith.constant 1 : i32
        %while3A_643:3 = scf.for %while3A_680 = %while3A_639 to %while3A_635 step %while3A_642 iter_args(%while3A_681 = %while3A_641#0, %while3A_682 = %while3A_641#1, %while3A_683 = %while3A_641#2) -> (vector<16xf32>, vector<16xf32>, vector<16xf32>)  : i32 {
          %mul3A_684 = arith.constant 48 : i32
          %mul3A_685 = arith.muli %while3A_680, %mul3A_684 : i32
          %add3A_686 = arith.addi %multiple_of3A, %mul3A_685 : i32
          %mul3A_687 = arith.constant 48 : i32
          %mul3A_688 = arith.muli %while3A_680, %mul3A_687 : i32
          %add3A_689 = arith.constant 0 : i32
          %add3A_690 = arith.addi %mul3A_688, %add3A_689 : i32
          %get3A_691 = arith.index_cast %add3A_690 : i32 to index
          %get3A_692 = tpu.vector_load %arg5[%get3A_691] {strides = array<i32>} : memref<60000xf32, #tpu.memory_space<vmem>>, vector<16xf32>,
          %get3A_693 = vector.shape_cast %get3A_692 : vector<16xf32> to vector<16xf32>
          %add3A_694 = arith.constant 0 : i32
          %add3A_695 = arith.addi %add3A_686, %add3A_694 : i32
          %add3A_696 = vector.broadcast %add3A_695 : i32 to vector<16xi32>
          %add3A_697 = arith.addi %add3A_696, %iota3A : vector<16xi32>
          %ge3A = vector.broadcast %max3A_544 : i32 to vector<16xi32>
          %ge3A_698 = arith.cmpi sge, %add3A_697, %ge3A : vector<16xi32>
          %lt3A_699 = vector.broadcast %min3A_549 : i32 to vector<16xi32>
          %lt3A_700 = arith.cmpi slt, %add3A_697, %lt3A_699 : vector<16xi32>
          %and3A_701 = arith.andi %ge3A_698, %lt3A_700 : vector<16xi1>
          %select_n3A_702 = arith.select %and3A_701, %get3A_693, %broadcast_in_dim3A_5 : vector<16xi1>, vector<16xf32>
          %max3A_703 = arith.maximumf %while3A_681, %select_n3A_702 : vector<16xf32>
          %add3A_704 = arith.constant 16 : i32
          %add3A_705 = arith.addi %mul3A_688, %add3A_704 : i32
          %get3A_706 = arith.index_cast %add3A_705 : i32 to index
          %get3A_707 = tpu.vector_load %arg5[%get3A_706] {strides = array<i32>} : memref<60000xf32, #tpu.memory_space<vmem>>, vector<16xf32>,
          %get3A_708 = vector.shape_cast %get3A_707 : vector<16xf32> to vector<16xf32>
          %add3A_709 = arith.constant 16 : i32
          %add3A_710 = arith.addi %add3A_686, %add3A_709 : i32
          %add3A_711 = vector.broadcast %add3A_710 : i32 to vector<16xi32>
          %add3A_712 = arith.addi %add3A_711, %iota3A : vector<16xi32>
          %ge3A_713 = vector.broadcast %max3A_544 : i32 to vector<16xi32>
          %ge3A_714 = arith.cmpi sge, %add3A_712, %ge3A_713 : vector<16xi32>
          %lt3A_715 = vector.broadcast %min3A_549 : i32 to vector<16xi32>
          %lt3A_716 = arith.cmpi slt, %add3A_712, %lt3A_715 : vector<16xi32>
          %and3A_717 = arith.andi %ge3A_714, %lt3A_716 : vector<16xi1>
          %select_n3A_718 = arith.select %and3A_717, %get3A_708, %broadcast_in_dim3A_5 : vector<16xi1>, vector<16xf32>
          %max3A_719 = arith.maximumf %while3A_682, %select_n3A_718 : vector<16xf32>
          %add3A_720 = arith.constant 32 : i32
          %add3A_721 = arith.addi %mul3A_688, %add3A_720 : i32
          %get3A_722 = arith.index_cast %add3A_721 : i32 to index
          %get3A_723 = tpu.vector_load %arg5[%get3A_722] {strides = array<i32>} : memref<60000xf32, #tpu.memory_space<vmem>>, vector<16xf32>,
          %get3A_724 = vector.shape_cast %get3A_723 : vector<16xf32> to vector<16xf32>
          %add3A_725 = arith.constant 32 : i32
          %add3A_726 = arith.addi %add3A_686, %add3A_725 : i32
          %add3A_727 = vector.broadcast %add3A_726 : i32 to vector<16xi32>
          %add3A_728 = arith.addi %add3A_727, %iota3A : vector<16xi32>
          %ge3A_729 = vector.broadcast %max3A_544 : i32 to vector<16xi32>
          %ge3A_730 = arith.cmpi sge, %add3A_728, %ge3A_729 : vector<16xi32>
          %lt3A_731 = vector.broadcast %min3A_549 : i32 to vector<16xi32>
          %lt3A_732 = arith.cmpi slt, %add3A_728, %lt3A_731 : vector<16xi32>
          %and3A_733 = arith.andi %ge3A_730, %lt3A_732 : vector<16xi1>
          %select_n3A_734 = arith.select %and3A_733, %get3A_724, %broadcast_in_dim3A_5 : vector<16xi1>, vector<16xf32>
          %max3A_735 = arith.maximumf %while3A_683, %select_n3A_734 : vector<16xf32>
          scf.yield %max3A_703, %max3A_719, %max3A_735 : vector<16xf32>, vector<16xf32>, vector<16xf32>
        }
        %get3A_644 = arith.constant 36 : i32
        %get3A_645 = arith.index_cast %get3A_644 : i32 to index
        %get3A_646 = arith.constant 0 : index
        %get3A_647 = tpu.vector_load %arg6[%get3A_645, %get3A_646] {strides = array<i32>} : memref<48x16xf32, #tpu.memory_space<vmem>>, vector<1x16xf32>,
        %get3A_648 = vector.shape_cast %get3A_647 : vector<1x16xf32> to vector<16xf32>
        %max3A_649 = arith.maximumf %get3A_648, %while3A_643#0 : vector<16xf32>
        %swap3A_650 = arith.constant 36 : i32
        %swap3A_651 = arith.index_cast %swap3A_650 : i32 to index
        %swap3A_652 = arith.constant 0 : index
        %swap3A_653 = tpu.vector_load %arg6[%swap3A_651, %swap3A_652] {strides = array<i32>} : memref<48x16xf32, #tpu.memory_space<vmem>>, vector<1x16xf32>,
        %swap3A_654 = vector.shape_cast %swap3A_653 : vector<1x16xf32> to vector<16xf32>
        %swap3A_655 = vector.shape_cast %max3A_649 : vector<16xf32> to vector<1x16xf32>
        tpu.vector_store %arg6[%swap3A_651, %swap3A_652], %swap3A_655 {strides = array<i32>} : memref<48x16xf32, #tpu.memory_space<vmem>>, vector<1x16xf32>,
        %get3A_656 = arith.constant 37 : i32
        %get3A_657 = arith.index_cast %get3A_656 : i32 to index
        %get3A_658 = arith.constant 0 : index
        %get3A_659 = tpu.vector_load %arg6[%get3A_657, %get3A_658] {strides = array<i32>} : memref<48x16xf32, #tpu.memory_space<vmem>>, vector<1x16xf32>,
        %get3A_660 = vector.shape_cast %get3A_659 : vector<1x16xf32> to vector<16xf32>
        %max3A_661 = arith.maximumf %get3A_660, %while3A_643#1 : vector<16xf32>
        %swap3A_662 = arith.constant 37 : i32
        %swap3A_663 = arith.index_cast %swap3A_662 : i32 to index
        %swap3A_664 = arith.constant 0 : index
        %swap3A_665 = tpu.vector_load %arg6[%swap3A_663, %swap3A_664] {strides = array<i32>} : memref<48x16xf32, #tpu.memory_space<vmem>>, vector<1x16xf32>,
        %swap3A_666 = vector.shape_cast %swap3A_665 : vector<1x16xf32> to vector<16xf32>
        %swap3A_667 = vector.shape_cast %max3A_661 : vector<16xf32> to vector<1x16xf32>
        tpu.vector_store %arg6[%swap3A_663, %swap3A_664], %swap3A_667 {strides = array<i32>} : memref<48x16xf32, #tpu.memory_space<vmem>>, vector<1x16xf32>,
        %get3A_668 = arith.constant 38 : i32
        %get3A_669 = arith.index_cast %get3A_668 : i32 to index
        %get3A_670 = arith.constant 0 : index
        %get3A_671 = tpu.vector_load %arg6[%get3A_669, %get3A_670] {strides = array<i32>} : memref<48x16xf32, #tpu.memory_space<vmem>>, vector<1x16xf32>,
        %get3A_672 = vector.shape_cast %get3A_671 : vector<1x16xf32> to vector<16xf32>
        %max3A_673 = arith.maximumf %get3A_672, %while3A_643#2 : vector<16xf32>
        %swap3A_674 = arith.constant 38 : i32
        %swap3A_675 = arith.index_cast %swap3A_674 : i32 to index
        %swap3A_676 = arith.constant 0 : index
        %swap3A_677 = tpu.vector_load %arg6[%swap3A_675, %swap3A_676] {strides = array<i32>} : memref<48x16xf32, #tpu.memory_space<vmem>>, vector<1x16xf32>,
        %swap3A_678 = vector.shape_cast %swap3A_677 : vector<1x16xf32> to vector<16xf32>
        %swap3A_679 = vector.shape_cast %max3A_673 : vector<16xf32> to vector<1x16xf32>
        tpu.vector_store %arg6[%swap3A_675, %swap3A_676], %swap3A_679 {strides = array<i32>} : memref<48x16xf32, #tpu.memory_space<vmem>>, vector<1x16xf32>,
      } else {
      }
      %mul3A_554 = arith.constant 3 : i32
      %mul3A_555 = arith.muli %squeeze3A_85, %mul3A_554 : i32
      %max3A_556 = arith.maxsi %mul3A_555, %multiple_of3A : i32
      %mul3A_557 = arith.constant 3 : i32
      %mul3A_558 = arith.muli %squeeze3A_90, %mul3A_557 : i32
      %add3A_559 = arith.constant 60000 : i32
      %add3A_560 = arith.addi %multiple_of3A, %add3A_559 : i32
      %min3A_561 = arith.minsi %mul3A_558, %add3A_560 : i32
      %lt3A_562 = arith.cmpi slt, %max3A_556, %min3A_561 : i32
      %convert_element_type3A_563 = arith.extui %lt3A_562 : i1 to i32
      %cond3A_564 = arith.constant 0 : i32
      %cond3A_565 = arith.cmpi ne, %convert_element_type3A_563, %cond3A_564 : i32
      scf.if %cond3A_565 {
        %sub3A = arith.subi %max3A_556, %multiple_of3A : i32
        %jit3A = arith.constant 48 : i32
        %div3A = arith.divsi %sub3A, %jit3A : i32
        %sign3A = arith.constant 0 : i32
        %sign3A_591 = arith.cmpi sgt, %sub3A, %sign3A : i32
        %sign3A_592 = arith.extui %sign3A_591 : i1 to i32
        %sign3A_593 = arith.constant 0 : i32
        %sign3A_594 = arith.cmpi slt, %sub3A, %sign3A_593 : i32
        %sign3A_595 = arith.extui %sign3A_594 : i1 to i32
        %sign3A_596 = arith.subi %sign3A_592, %sign3A_595 : i32
        %sign3A_597 = arith.constant 0 : i32
        %sign3A_598 = arith.cmpi sgt, %jit3A, %sign3A_597 : i32
        %sign3A_599 = arith.extui %sign3A_598 : i1 to i32
        %sign3A_600 = arith.constant 0 : i32
        %sign3A_601 = arith.cmpi slt, %jit3A, %sign3A_600 : i32
        %sign3A_602 = arith.extui %sign3A_601 : i1 to i32
        %sign3A_603 = arith.subi %sign3A_599, %sign3A_602 : i32
        %ne3A = arith.cmpi ne, %sign3A_596, %sign3A_603 : i32
        %rem3A = arith.remsi %sub3A, %jit3A : i32
        %ne3A_604 = arith.constant 0 : i32
        %ne3A_605 = arith.cmpi ne, %rem3A, %ne3A_604 : i32
        %and3A = arith.andi %ne3A, %ne3A_605 : i1
        %sub3A_606 = arith.constant 1 : i32
        %sub3A_607 = arith.subi %div3A, %sub3A_606 : i32
        %select_n3A = arith.select %and3A, %sub3A_607, %div3A : i32
        %sub3A_608 = arith.subi %min3A_561, %multiple_of3A : i32
        %add3A_609 = arith.constant 47 : i32
        %add3A_610 = arith.addi %sub3A_608, %add3A_609 : i32
        %jit3A_611 = arith.constant 48 : i32
        %div3A_612 = arith.divsi %add3A_610, %jit3A_611 : i32
        %sign3A_613 = arith.constant 0 : i32
        %sign3A_614 = arith.cmpi sgt, %add3A_610, %sign3A_613 : i32
        %sign3A_615 = arith.extui %sign3A_614 : i1 to i32
        %sign3A_616 = arith.constant 0 : i32
        %sign3A_617 = arith.cmpi slt, %add3A_610, %sign3A_616 : i32
        %sign3A_618 = arith.extui %sign3A_617 : i1 to i32
        %sign3A_619 = arith.subi %sign3A_615, %sign3A_618 : i32
        %sign3A_620 = arith.constant 0 : i32
        %sign3A_621 = arith.cmpi sgt, %jit3A_611, %sign3A_620 : i32
        %sign3A_622 = arith.extui %sign3A_621 : i1 to i32
        %sign3A_623 = arith.constant 0 : i32
        %sign3A_624 = arith.cmpi slt, %jit3A_611, %sign3A_623 : i32
        %sign3A_625 = arith.extui %sign3A_624 : i1 to i32
        %sign3A_626 = arith.subi %sign3A_622, %sign3A_625 : i32
        %ne3A_627 = arith.cmpi ne, %sign3A_619, %sign3A_626 : i32
        %rem3A_628 = arith.remsi %add3A_610, %jit3A_611 : i32
        %ne3A_629 = arith.constant 0 : i32
        %ne3A_630 = arith.cmpi ne, %rem3A_628, %ne3A_629 : i32
        %and3A_631 = arith.andi %ne3A_627, %ne3A_630 : i1
        %sub3A_632 = arith.constant 1 : i32
        %sub3A_633 = arith.subi %div3A_612, %sub3A_632 : i32
        %select_n3A_634 = arith.select %and3A_631, %sub3A_633, %div3A_612 : i32
        %while3A = arith.subi %select_n3A_634, %select_n3A : i32
        %while3A_635 = arith.addi %select_n3A, %while3A : i32
        %while3A_636 = arith.constant 1 : i32
        %while3A_637 = arith.divsi %while3A, %while3A_636 : i32
        %while3A_638 = arith.muli %while3A_637, %while3A_636 : i32
        %while3A_639 = arith.addi %select_n3A, %while3A_638 : i32
        %while3A_640 = arith.constant 1 : i32
        %while3A_641:3 = scf.for %while3A_680 = %select_n3A to %while3A_639 step %while3A_640 iter_args(%while3A_681 = %broadcast_in_dim3A_5, %while3A_682 = %broadcast_in_dim3A_5, %while3A_683 = %broadcast_in_dim3A_5) -> (vector<16xf32>, vector<16xf32>, vector<16xf32>)  : i32 {
          %mul3A_684 = arith.constant 48 : i32
          %mul3A_685 = arith.muli %while3A_680, %mul3A_684 : i32
          %add3A_686 = arith.addi %multiple_of3A, %mul3A_685 : i32
          %mul3A_687 = arith.constant 48 : i32
          %mul3A_688 = arith.muli %while3A_680, %mul3A_687 : i32
          %add3A_689 = arith.constant 0 : i32
          %add3A_690 = arith.addi %mul3A_688, %add3A_689 : i32
          %get3A_691 = arith.index_cast %add3A_690 : i32 to index
          %get3A_692 = tpu.vector_load %arg5[%get3A_691] {strides = array<i32>} : memref<60000xf32, #tpu.memory_space<vmem>>, vector<16xf32>,
          %get3A_693 = vector.shape_cast %get3A_692 : vector<16xf32> to vector<16xf32>
          %add3A_694 = arith.constant 0 : i32
          %add3A_695 = arith.addi %add3A_686, %add3A_694 : i32
          %add3A_696 = vector.broadcast %add3A_695 : i32 to vector<16xi32>
          %add3A_697 = arith.addi %add3A_696, %iota3A : vector<16xi32>
          %ge3A = vector.broadcast %max3A_556 : i32 to vector<16xi32>
          %ge3A_698 = arith.cmpi sge, %add3A_697, %ge3A : vector<16xi32>
          %lt3A_699 = vector.broadcast %min3A_561 : i32 to vector<16xi32>
          %lt3A_700 = arith.cmpi slt, %add3A_697, %lt3A_699 : vector<16xi32>
          %and3A_701 = arith.andi %ge3A_698, %lt3A_700 : vector<16xi1>
          %select_n3A_702 = arith.select %and3A_701, %get3A_693, %broadcast_in_dim3A_5 : vector<16xi1>, vector<16xf32>
          %max3A_703 = arith.maximumf %while3A_681, %select_n3A_702 : vector<16xf32>
          %add3A_704 = arith.constant 16 : i32
          %add3A_705 = arith.addi %mul3A_688, %add3A_704 : i32
          %get3A_706 = arith.index_cast %add3A_705 : i32 to index
          %get3A_707 = tpu.vector_load %arg5[%get3A_706] {strides = array<i32>} : memref<60000xf32, #tpu.memory_space<vmem>>, vector<16xf32>,
          %get3A_708 = vector.shape_cast %get3A_707 : vector<16xf32> to vector<16xf32>
          %add3A_709 = arith.constant 16 : i32
          %add3A_710 = arith.addi %add3A_686, %add3A_709 : i32
          %add3A_711 = vector.broadcast %add3A_710 : i32 to vector<16xi32>
          %add3A_712 = arith.addi %add3A_711, %iota3A : vector<16xi32>
          %ge3A_713 = vector.broadcast %max3A_556 : i32 to vector<16xi32>
          %ge3A_714 = arith.cmpi sge, %add3A_712, %ge3A_713 : vector<16xi32>
          %lt3A_715 = vector.broadcast %min3A_561 : i32 to vector<16xi32>
          %lt3A_716 = arith.cmpi slt, %add3A_712, %lt3A_715 : vector<16xi32>
          %and3A_717 = arith.andi %ge3A_714, %lt3A_716 : vector<16xi1>
          %select_n3A_718 = arith.select %and3A_717, %get3A_708, %broadcast_in_dim3A_5 : vector<16xi1>, vector<16xf32>
          %max3A_719 = arith.maximumf %while3A_682, %select_n3A_718 : vector<16xf32>
          %add3A_720 = arith.constant 32 : i32
          %add3A_721 = arith.addi %mul3A_688, %add3A_720 : i32
          %get3A_722 = arith.index_cast %add3A_721 : i32 to index
          %get3A_723 = tpu.vector_load %arg5[%get3A_722] {strides = array<i32>} : memref<60000xf32, #tpu.memory_space<vmem>>, vector<16xf32>,
          %get3A_724 = vector.shape_cast %get3A_723 : vector<16xf32> to vector<16xf32>
          %add3A_725 = arith.constant 32 : i32
          %add3A_726 = arith.addi %add3A_686, %add3A_725 : i32
          %add3A_727 = vector.broadcast %add3A_726 : i32 to vector<16xi32>
          %add3A_728 = arith.addi %add3A_727, %iota3A : vector<16xi32>
          %ge3A_729 = vector.broadcast %max3A_556 : i32 to vector<16xi32>
          %ge3A_730 = arith.cmpi sge, %add3A_728, %ge3A_729 : vector<16xi32>
          %lt3A_731 = vector.broadcast %min3A_561 : i32 to vector<16xi32>
          %lt3A_732 = arith.cmpi slt, %add3A_728, %lt3A_731 : vector<16xi32>
          %and3A_733 = arith.andi %ge3A_730, %lt3A_732 : vector<16xi1>
          %select_n3A_734 = arith.select %and3A_733, %get3A_724, %broadcast_in_dim3A_5 : vector<16xi1>, vector<16xf32>
          %max3A_735 = arith.maximumf %while3A_683, %select_n3A_734 : vector<16xf32>
          scf.yield %max3A_703, %max3A_719, %max3A_735 : vector<16xf32>, vector<16xf32>, vector<16xf32>
        }
        %while3A_642 = arith.constant 1 : i32
        %while3A_643:3 = scf.for %while3A_680 = %while3A_639 to %while3A_635 step %while3A_642 iter_args(%while3A_681 = %while3A_641#0, %while3A_682 = %while3A_641#1, %while3A_683 = %while3A_641#2) -> (vector<16xf32>, vector<16xf32>, vector<16xf32>)  : i32 {
          %mul3A_684 = arith.constant 48 : i32
          %mul3A_685 = arith.muli %while3A_680, %mul3A_684 : i32
          %add3A_686 = arith.addi %multiple_of3A, %mul3A_685 : i32
          %mul3A_687 = arith.constant 48 : i32
          %mul3A_688 = arith.muli %while3A_680, %mul3A_687 : i32
          %add3A_689 = arith.constant 0 : i32
          %add3A_690 = arith.addi %mul3A_688, %add3A_689 : i32
          %get3A_691 = arith.index_cast %add3A_690 : i32 to index
          %get3A_692 = tpu.vector_load %arg5[%get3A_691] {strides = array<i32>} : memref<60000xf32, #tpu.memory_space<vmem>>, vector<16xf32>,
          %get3A_693 = vector.shape_cast %get3A_692 : vector<16xf32> to vector<16xf32>
          %add3A_694 = arith.constant 0 : i32
          %add3A_695 = arith.addi %add3A_686, %add3A_694 : i32
          %add3A_696 = vector.broadcast %add3A_695 : i32 to vector<16xi32>
          %add3A_697 = arith.addi %add3A_696, %iota3A : vector<16xi32>
          %ge3A = vector.broadcast %max3A_556 : i32 to vector<16xi32>
          %ge3A_698 = arith.cmpi sge, %add3A_697, %ge3A : vector<16xi32>
          %lt3A_699 = vector.broadcast %min3A_561 : i32 to vector<16xi32>
          %lt3A_700 = arith.cmpi slt, %add3A_697, %lt3A_699 : vector<16xi32>
          %and3A_701 = arith.andi %ge3A_698, %lt3A_700 : vector<16xi1>
          %select_n3A_702 = arith.select %and3A_701, %get3A_693, %broadcast_in_dim3A_5 : vector<16xi1>, vector<16xf32>
          %max3A_703 = arith.maximumf %while3A_681, %select_n3A_702 : vector<16xf32>
          %add3A_704 = arith.constant 16 : i32
          %add3A_705 = arith.addi %mul3A_688, %add3A_704 : i32
          %get3A_706 = arith.index_cast %add3A_705 : i32 to index
          %get3A_707 = tpu.vector_load %arg5[%get3A_706] {strides = array<i32>} : memref<60000xf32, #tpu.memory_space<vmem>>, vector<16xf32>,
          %get3A_708 = vector.shape_cast %get3A_707 : vector<16xf32> to vector<16xf32>
          %add3A_709 = arith.constant 16 : i32
          %add3A_710 = arith.addi %add3A_686, %add3A_709 : i32
          %add3A_711 = vector.broadcast %add3A_710 : i32 to vector<16xi32>
          %add3A_712 = arith.addi %add3A_711, %iota3A : vector<16xi32>
          %ge3A_713 = vector.broadcast %max3A_556 : i32 to vector<16xi32>
          %ge3A_714 = arith.cmpi sge, %add3A_712, %ge3A_713 : vector<16xi32>
          %lt3A_715 = vector.broadcast %min3A_561 : i32 to vector<16xi32>
          %lt3A_716 = arith.cmpi slt, %add3A_712, %lt3A_715 : vector<16xi32>
          %and3A_717 = arith.andi %ge3A_714, %lt3A_716 : vector<16xi1>
          %select_n3A_718 = arith.select %and3A_717, %get3A_708, %broadcast_in_dim3A_5 : vector<16xi1>, vector<16xf32>
          %max3A_719 = arith.maximumf %while3A_682, %select_n3A_718 : vector<16xf32>
          %add3A_720 = arith.constant 32 : i32
          %add3A_721 = arith.addi %mul3A_688, %add3A_720 : i32
          %get3A_722 = arith.index_cast %add3A_721 : i32 to index
          %get3A_723 = tpu.vector_load %arg5[%get3A_722] {strides = array<i32>} : memref<60000xf32, #tpu.memory_space<vmem>>, vector<16xf32>,
          %get3A_724 = vector.shape_cast %get3A_723 : vector<16xf32> to vector<16xf32>
          %add3A_725 = arith.constant 32 : i32
          %add3A_726 = arith.addi %add3A_686, %add3A_725 : i32
          %add3A_727 = vector.broadcast %add3A_726 : i32 to vector<16xi32>
          %add3A_728 = arith.addi %add3A_727, %iota3A : vector<16xi32>
          %ge3A_729 = vector.broadcast %max3A_556 : i32 to vector<16xi32>
          %ge3A_730 = arith.cmpi sge, %add3A_728, %ge3A_729 : vector<16xi32>
          %lt3A_731 = vector.broadcast %min3A_561 : i32 to vector<16xi32>
          %lt3A_732 = arith.cmpi slt, %add3A_728, %lt3A_731 : vector<16xi32>
          %and3A_733 = arith.andi %ge3A_730, %lt3A_732 : vector<16xi1>
          %select_n3A_734 = arith.select %and3A_733, %get3A_724, %broadcast_in_dim3A_5 : vector<16xi1>, vector<16xf32>
          %max3A_735 = arith.maximumf %while3A_683, %select_n3A_734 : vector<16xf32>
          scf.yield %max3A_703, %max3A_719, %max3A_735 : vector<16xf32>, vector<16xf32>, vector<16xf32>
        }
        %get3A_644 = arith.constant 39 : i32
        %get3A_645 = arith.index_cast %get3A_644 : i32 to index
        %get3A_646 = arith.constant 0 : index
        %get3A_647 = tpu.vector_load %arg6[%get3A_645, %get3A_646] {strides = array<i32>} : memref<48x16xf32, #tpu.memory_space<vmem>>, vector<1x16xf32>,
        %get3A_648 = vector.shape_cast %get3A_647 : vector<1x16xf32> to vector<16xf32>
        %max3A_649 = arith.maximumf %get3A_648, %while3A_643#0 : vector<16xf32>
        %swap3A_650 = arith.constant 39 : i32
        %swap3A_651 = arith.index_cast %swap3A_650 : i32 to index
        %swap3A_652 = arith.constant 0 : index
        %swap3A_653 = tpu.vector_load %arg6[%swap3A_651, %swap3A_652] {strides = array<i32>} : memref<48x16xf32, #tpu.memory_space<vmem>>, vector<1x16xf32>,
        %swap3A_654 = vector.shape_cast %swap3A_653 : vector<1x16xf32> to vector<16xf32>
        %swap3A_655 = vector.shape_cast %max3A_649 : vector<16xf32> to vector<1x16xf32>
        tpu.vector_store %arg6[%swap3A_651, %swap3A_652], %swap3A_655 {strides = array<i32>} : memref<48x16xf32, #tpu.memory_space<vmem>>, vector<1x16xf32>,
        %get3A_656 = arith.constant 40 : i32
        %get3A_657 = arith.index_cast %get3A_656 : i32 to index
        %get3A_658 = arith.constant 0 : index
        %get3A_659 = tpu.vector_load %arg6[%get3A_657, %get3A_658] {strides = array<i32>} : memref<48x16xf32, #tpu.memory_space<vmem>>, vector<1x16xf32>,
        %get3A_660 = vector.shape_cast %get3A_659 : vector<1x16xf32> to vector<16xf32>
        %max3A_661 = arith.maximumf %get3A_660, %while3A_643#1 : vector<16xf32>
        %swap3A_662 = arith.constant 40 : i32
        %swap3A_663 = arith.index_cast %swap3A_662 : i32 to index
        %swap3A_664 = arith.constant 0 : index
        %swap3A_665 = tpu.vector_load %arg6[%swap3A_663, %swap3A_664] {strides = array<i32>} : memref<48x16xf32, #tpu.memory_space<vmem>>, vector<1x16xf32>,
        %swap3A_666 = vector.shape_cast %swap3A_665 : vector<1x16xf32> to vector<16xf32>
        %swap3A_667 = vector.shape_cast %max3A_661 : vector<16xf32> to vector<1x16xf32>
        tpu.vector_store %arg6[%swap3A_663, %swap3A_664], %swap3A_667 {strides = array<i32>} : memref<48x16xf32, #tpu.memory_space<vmem>>, vector<1x16xf32>,
        %get3A_668 = arith.constant 41 : i32
        %get3A_669 = arith.index_cast %get3A_668 : i32 to index
        %get3A_670 = arith.constant 0 : index
        %get3A_671 = tpu.vector_load %arg6[%get3A_669, %get3A_670] {strides = array<i32>} : memref<48x16xf32, #tpu.memory_space<vmem>>, vector<1x16xf32>,
        %get3A_672 = vector.shape_cast %get3A_671 : vector<1x16xf32> to vector<16xf32>
        %max3A_673 = arith.maximumf %get3A_672, %while3A_643#2 : vector<16xf32>
        %swap3A_674 = arith.constant 41 : i32
        %swap3A_675 = arith.index_cast %swap3A_674 : i32 to index
        %swap3A_676 = arith.constant 0 : index
        %swap3A_677 = tpu.vector_load %arg6[%swap3A_675, %swap3A_676] {strides = array<i32>} : memref<48x16xf32, #tpu.memory_space<vmem>>, vector<1x16xf32>,
        %swap3A_678 = vector.shape_cast %swap3A_677 : vector<1x16xf32> to vector<16xf32>
        %swap3A_679 = vector.shape_cast %max3A_673 : vector<16xf32> to vector<1x16xf32>
        tpu.vector_store %arg6[%swap3A_675, %swap3A_676], %swap3A_679 {strides = array<i32>} : memref<48x16xf32, #tpu.memory_space<vmem>>, vector<1x16xf32>,
      } else {
      }
      %mul3A_566 = arith.constant 3 : i32
      %mul3A_567 = arith.muli %squeeze3A_90, %mul3A_566 : i32
      %max3A_568 = arith.maxsi %mul3A_567, %multiple_of3A : i32
      %mul3A_569 = arith.constant 3 : i32
      %mul3A_570 = arith.muli %squeeze3A_95, %mul3A_569 : i32
      %add3A_571 = arith.constant 60000 : i32
      %add3A_572 = arith.addi %multiple_of3A, %add3A_571 : i32
      %min3A_573 = arith.minsi %mul3A_570, %add3A_572 : i32
      %lt3A_574 = arith.cmpi slt, %max3A_568, %min3A_573 : i32
      %convert_element_type3A_575 = arith.extui %lt3A_574 : i1 to i32
      %cond3A_576 = arith.constant 0 : i32
      %cond3A_577 = arith.cmpi ne, %convert_element_type3A_575, %cond3A_576 : i32
      scf.if %cond3A_577 {
        %sub3A = arith.subi %max3A_568, %multiple_of3A : i32
        %jit3A = arith.constant 48 : i32
        %div3A = arith.divsi %sub3A, %jit3A : i32
        %sign3A = arith.constant 0 : i32
        %sign3A_591 = arith.cmpi sgt, %sub3A, %sign3A : i32
        %sign3A_592 = arith.extui %sign3A_591 : i1 to i32
        %sign3A_593 = arith.constant 0 : i32
        %sign3A_594 = arith.cmpi slt, %sub3A, %sign3A_593 : i32
        %sign3A_595 = arith.extui %sign3A_594 : i1 to i32
        %sign3A_596 = arith.subi %sign3A_592, %sign3A_595 : i32
        %sign3A_597 = arith.constant 0 : i32
        %sign3A_598 = arith.cmpi sgt, %jit3A, %sign3A_597 : i32
        %sign3A_599 = arith.extui %sign3A_598 : i1 to i32
        %sign3A_600 = arith.constant 0 : i32
        %sign3A_601 = arith.cmpi slt, %jit3A, %sign3A_600 : i32
        %sign3A_602 = arith.extui %sign3A_601 : i1 to i32
        %sign3A_603 = arith.subi %sign3A_599, %sign3A_602 : i32
        %ne3A = arith.cmpi ne, %sign3A_596, %sign3A_603 : i32
        %rem3A = arith.remsi %sub3A, %jit3A : i32
        %ne3A_604 = arith.constant 0 : i32
        %ne3A_605 = arith.cmpi ne, %rem3A, %ne3A_604 : i32
        %and3A = arith.andi %ne3A, %ne3A_605 : i1
        %sub3A_606 = arith.constant 1 : i32
        %sub3A_607 = arith.subi %div3A, %sub3A_606 : i32
        %select_n3A = arith.select %and3A, %sub3A_607, %div3A : i32
        %sub3A_608 = arith.subi %min3A_573, %multiple_of3A : i32
        %add3A_609 = arith.constant 47 : i32
        %add3A_610 = arith.addi %sub3A_608, %add3A_609 : i32
        %jit3A_611 = arith.constant 48 : i32
        %div3A_612 = arith.divsi %add3A_610, %jit3A_611 : i32
        %sign3A_613 = arith.constant 0 : i32
        %sign3A_614 = arith.cmpi sgt, %add3A_610, %sign3A_613 : i32
        %sign3A_615 = arith.extui %sign3A_614 : i1 to i32
        %sign3A_616 = arith.constant 0 : i32
        %sign3A_617 = arith.cmpi slt, %add3A_610, %sign3A_616 : i32
        %sign3A_618 = arith.extui %sign3A_617 : i1 to i32
        %sign3A_619 = arith.subi %sign3A_615, %sign3A_618 : i32
        %sign3A_620 = arith.constant 0 : i32
        %sign3A_621 = arith.cmpi sgt, %jit3A_611, %sign3A_620 : i32
        %sign3A_622 = arith.extui %sign3A_621 : i1 to i32
        %sign3A_623 = arith.constant 0 : i32
        %sign3A_624 = arith.cmpi slt, %jit3A_611, %sign3A_623 : i32
        %sign3A_625 = arith.extui %sign3A_624 : i1 to i32
        %sign3A_626 = arith.subi %sign3A_622, %sign3A_625 : i32
        %ne3A_627 = arith.cmpi ne, %sign3A_619, %sign3A_626 : i32
        %rem3A_628 = arith.remsi %add3A_610, %jit3A_611 : i32
        %ne3A_629 = arith.constant 0 : i32
        %ne3A_630 = arith.cmpi ne, %rem3A_628, %ne3A_629 : i32
        %and3A_631 = arith.andi %ne3A_627, %ne3A_630 : i1
        %sub3A_632 = arith.constant 1 : i32
        %sub3A_633 = arith.subi %div3A_612, %sub3A_632 : i32
        %select_n3A_634 = arith.select %and3A_631, %sub3A_633, %div3A_612 : i32
        %while3A = arith.subi %select_n3A_634, %select_n3A : i32
        %while3A_635 = arith.addi %select_n3A, %while3A : i32
        %while3A_636 = arith.constant 1 : i32
        %while3A_637 = arith.divsi %while3A, %while3A_636 : i32
        %while3A_638 = arith.muli %while3A_637, %while3A_636 : i32
        %while3A_639 = arith.addi %select_n3A, %while3A_638 : i32
        %while3A_640 = arith.constant 1 : i32
        %while3A_641:3 = scf.for %while3A_680 = %select_n3A to %while3A_639 step %while3A_640 iter_args(%while3A_681 = %broadcast_in_dim3A_5, %while3A_682 = %broadcast_in_dim3A_5, %while3A_683 = %broadcast_in_dim3A_5) -> (vector<16xf32>, vector<16xf32>, vector<16xf32>)  : i32 {
          %mul3A_684 = arith.constant 48 : i32
          %mul3A_685 = arith.muli %while3A_680, %mul3A_684 : i32
          %add3A_686 = arith.addi %multiple_of3A, %mul3A_685 : i32
          %mul3A_687 = arith.constant 48 : i32
          %mul3A_688 = arith.muli %while3A_680, %mul3A_687 : i32
          %add3A_689 = arith.constant 0 : i32
          %add3A_690 = arith.addi %mul3A_688, %add3A_689 : i32
          %get3A_691 = arith.index_cast %add3A_690 : i32 to index
          %get3A_692 = tpu.vector_load %arg5[%get3A_691] {strides = array<i32>} : memref<60000xf32, #tpu.memory_space<vmem>>, vector<16xf32>,
          %get3A_693 = vector.shape_cast %get3A_692 : vector<16xf32> to vector<16xf32>
          %add3A_694 = arith.constant 0 : i32
          %add3A_695 = arith.addi %add3A_686, %add3A_694 : i32
          %add3A_696 = vector.broadcast %add3A_695 : i32 to vector<16xi32>
          %add3A_697 = arith.addi %add3A_696, %iota3A : vector<16xi32>
          %ge3A = vector.broadcast %max3A_568 : i32 to vector<16xi32>
          %ge3A_698 = arith.cmpi sge, %add3A_697, %ge3A : vector<16xi32>
          %lt3A_699 = vector.broadcast %min3A_573 : i32 to vector<16xi32>
          %lt3A_700 = arith.cmpi slt, %add3A_697, %lt3A_699 : vector<16xi32>
          %and3A_701 = arith.andi %ge3A_698, %lt3A_700 : vector<16xi1>
          %select_n3A_702 = arith.select %and3A_701, %get3A_693, %broadcast_in_dim3A_5 : vector<16xi1>, vector<16xf32>
          %max3A_703 = arith.maximumf %while3A_681, %select_n3A_702 : vector<16xf32>
          %add3A_704 = arith.constant 16 : i32
          %add3A_705 = arith.addi %mul3A_688, %add3A_704 : i32
          %get3A_706 = arith.index_cast %add3A_705 : i32 to index
          %get3A_707 = tpu.vector_load %arg5[%get3A_706] {strides = array<i32>} : memref<60000xf32, #tpu.memory_space<vmem>>, vector<16xf32>,
          %get3A_708 = vector.shape_cast %get3A_707 : vector<16xf32> to vector<16xf32>
          %add3A_709 = arith.constant 16 : i32
          %add3A_710 = arith.addi %add3A_686, %add3A_709 : i32
          %add3A_711 = vector.broadcast %add3A_710 : i32 to vector<16xi32>
          %add3A_712 = arith.addi %add3A_711, %iota3A : vector<16xi32>
          %ge3A_713 = vector.broadcast %max3A_568 : i32 to vector<16xi32>
          %ge3A_714 = arith.cmpi sge, %add3A_712, %ge3A_713 : vector<16xi32>
          %lt3A_715 = vector.broadcast %min3A_573 : i32 to vector<16xi32>
          %lt3A_716 = arith.cmpi slt, %add3A_712, %lt3A_715 : vector<16xi32>
          %and3A_717 = arith.andi %ge3A_714, %lt3A_716 : vector<16xi1>
          %select_n3A_718 = arith.select %and3A_717, %get3A_708, %broadcast_in_dim3A_5 : vector<16xi1>, vector<16xf32>
          %max3A_719 = arith.maximumf %while3A_682, %select_n3A_718 : vector<16xf32>
          %add3A_720 = arith.constant 32 : i32
          %add3A_721 = arith.addi %mul3A_688, %add3A_720 : i32
          %get3A_722 = arith.index_cast %add3A_721 : i32 to index
          %get3A_723 = tpu.vector_load %arg5[%get3A_722] {strides = array<i32>} : memref<60000xf32, #tpu.memory_space<vmem>>, vector<16xf32>,
          %get3A_724 = vector.shape_cast %get3A_723 : vector<16xf32> to vector<16xf32>
          %add3A_725 = arith.constant 32 : i32
          %add3A_726 = arith.addi %add3A_686, %add3A_725 : i32
          %add3A_727 = vector.broadcast %add3A_726 : i32 to vector<16xi32>
          %add3A_728 = arith.addi %add3A_727, %iota3A : vector<16xi32>
          %ge3A_729 = vector.broadcast %max3A_568 : i32 to vector<16xi32>
          %ge3A_730 = arith.cmpi sge, %add3A_728, %ge3A_729 : vector<16xi32>
          %lt3A_731 = vector.broadcast %min3A_573 : i32 to vector<16xi32>
          %lt3A_732 = arith.cmpi slt, %add3A_728, %lt3A_731 : vector<16xi32>
          %and3A_733 = arith.andi %ge3A_730, %lt3A_732 : vector<16xi1>
          %select_n3A_734 = arith.select %and3A_733, %get3A_724, %broadcast_in_dim3A_5 : vector<16xi1>, vector<16xf32>
          %max3A_735 = arith.maximumf %while3A_683, %select_n3A_734 : vector<16xf32>
          scf.yield %max3A_703, %max3A_719, %max3A_735 : vector<16xf32>, vector<16xf32>, vector<16xf32>
        }
        %while3A_642 = arith.constant 1 : i32
        %while3A_643:3 = scf.for %while3A_680 = %while3A_639 to %while3A_635 step %while3A_642 iter_args(%while3A_681 = %while3A_641#0, %while3A_682 = %while3A_641#1, %while3A_683 = %while3A_641#2) -> (vector<16xf32>, vector<16xf32>, vector<16xf32>)  : i32 {
          %mul3A_684 = arith.constant 48 : i32
          %mul3A_685 = arith.muli %while3A_680, %mul3A_684 : i32
          %add3A_686 = arith.addi %multiple_of3A, %mul3A_685 : i32
          %mul3A_687 = arith.constant 48 : i32
          %mul3A_688 = arith.muli %while3A_680, %mul3A_687 : i32
          %add3A_689 = arith.constant 0 : i32
          %add3A_690 = arith.addi %mul3A_688, %add3A_689 : i32
          %get3A_691 = arith.index_cast %add3A_690 : i32 to index
          %get3A_692 = tpu.vector_load %arg5[%get3A_691] {strides = array<i32>} : memref<60000xf32, #tpu.memory_space<vmem>>, vector<16xf32>,
          %get3A_693 = vector.shape_cast %get3A_692 : vector<16xf32> to vector<16xf32>
          %add3A_694 = arith.constant 0 : i32
          %add3A_695 = arith.addi %add3A_686, %add3A_694 : i32
          %add3A_696 = vector.broadcast %add3A_695 : i32 to vector<16xi32>
          %add3A_697 = arith.addi %add3A_696, %iota3A : vector<16xi32>
          %ge3A = vector.broadcast %max3A_568 : i32 to vector<16xi32>
          %ge3A_698 = arith.cmpi sge, %add3A_697, %ge3A : vector<16xi32>
          %lt3A_699 = vector.broadcast %min3A_573 : i32 to vector<16xi32>
          %lt3A_700 = arith.cmpi slt, %add3A_697, %lt3A_699 : vector<16xi32>
          %and3A_701 = arith.andi %ge3A_698, %lt3A_700 : vector<16xi1>
          %select_n3A_702 = arith.select %and3A_701, %get3A_693, %broadcast_in_dim3A_5 : vector<16xi1>, vector<16xf32>
          %max3A_703 = arith.maximumf %while3A_681, %select_n3A_702 : vector<16xf32>
          %add3A_704 = arith.constant 16 : i32
          %add3A_705 = arith.addi %mul3A_688, %add3A_704 : i32
          %get3A_706 = arith.index_cast %add3A_705 : i32 to index
          %get3A_707 = tpu.vector_load %arg5[%get3A_706] {strides = array<i32>} : memref<60000xf32, #tpu.memory_space<vmem>>, vector<16xf32>,
          %get3A_708 = vector.shape_cast %get3A_707 : vector<16xf32> to vector<16xf32>
          %add3A_709 = arith.constant 16 : i32
          %add3A_710 = arith.addi %add3A_686, %add3A_709 : i32
          %add3A_711 = vector.broadcast %add3A_710 : i32 to vector<16xi32>
          %add3A_712 = arith.addi %add3A_711, %iota3A : vector<16xi32>
          %ge3A_713 = vector.broadcast %max3A_568 : i32 to vector<16xi32>
          %ge3A_714 = arith.cmpi sge, %add3A_712, %ge3A_713 : vector<16xi32>
          %lt3A_715 = vector.broadcast %min3A_573 : i32 to vector<16xi32>
          %lt3A_716 = arith.cmpi slt, %add3A_712, %lt3A_715 : vector<16xi32>
          %and3A_717 = arith.andi %ge3A_714, %lt3A_716 : vector<16xi1>
          %select_n3A_718 = arith.select %and3A_717, %get3A_708, %broadcast_in_dim3A_5 : vector<16xi1>, vector<16xf32>
          %max3A_719 = arith.maximumf %while3A_682, %select_n3A_718 : vector<16xf32>
          %add3A_720 = arith.constant 32 : i32
          %add3A_721 = arith.addi %mul3A_688, %add3A_720 : i32
          %get3A_722 = arith.index_cast %add3A_721 : i32 to index
          %get3A_723 = tpu.vector_load %arg5[%get3A_722] {strides = array<i32>} : memref<60000xf32, #tpu.memory_space<vmem>>, vector<16xf32>,
          %get3A_724 = vector.shape_cast %get3A_723 : vector<16xf32> to vector<16xf32>
          %add3A_725 = arith.constant 32 : i32
          %add3A_726 = arith.addi %add3A_686, %add3A_725 : i32
          %add3A_727 = vector.broadcast %add3A_726 : i32 to vector<16xi32>
          %add3A_728 = arith.addi %add3A_727, %iota3A : vector<16xi32>
          %ge3A_729 = vector.broadcast %max3A_568 : i32 to vector<16xi32>
          %ge3A_730 = arith.cmpi sge, %add3A_728, %ge3A_729 : vector<16xi32>
          %lt3A_731 = vector.broadcast %min3A_573 : i32 to vector<16xi32>
          %lt3A_732 = arith.cmpi slt, %add3A_728, %lt3A_731 : vector<16xi32>
          %and3A_733 = arith.andi %ge3A_730, %lt3A_732 : vector<16xi1>
          %select_n3A_734 = arith.select %and3A_733, %get3A_724, %broadcast_in_dim3A_5 : vector<16xi1>, vector<16xf32>
          %max3A_735 = arith.maximumf %while3A_683, %select_n3A_734 : vector<16xf32>
          scf.yield %max3A_703, %max3A_719, %max3A_735 : vector<16xf32>, vector<16xf32>, vector<16xf32>
        }
        %get3A_644 = arith.constant 42 : i32
        %get3A_645 = arith.index_cast %get3A_644 : i32 to index
        %get3A_646 = arith.constant 0 : index
        %get3A_647 = tpu.vector_load %arg6[%get3A_645, %get3A_646] {strides = array<i32>} : memref<48x16xf32, #tpu.memory_space<vmem>>, vector<1x16xf32>,
        %get3A_648 = vector.shape_cast %get3A_647 : vector<1x16xf32> to vector<16xf32>
        %max3A_649 = arith.maximumf %get3A_648, %while3A_643#0 : vector<16xf32>
        %swap3A_650 = arith.constant 42 : i32
        %swap3A_651 = arith.index_cast %swap3A_650 : i32 to index
        %swap3A_652 = arith.constant 0 : index
        %swap3A_653 = tpu.vector_load %arg6[%swap3A_651, %swap3A_652] {strides = array<i32>} : memref<48x16xf32, #tpu.memory_space<vmem>>, vector<1x16xf32>,
        %swap3A_654 = vector.shape_cast %swap3A_653 : vector<1x16xf32> to vector<16xf32>
        %swap3A_655 = vector.shape_cast %max3A_649 : vector<16xf32> to vector<1x16xf32>
        tpu.vector_store %arg6[%swap3A_651, %swap3A_652], %swap3A_655 {strides = array<i32>} : memref<48x16xf32, #tpu.memory_space<vmem>>, vector<1x16xf32>,
        %get3A_656 = arith.constant 43 : i32
        %get3A_657 = arith.index_cast %get3A_656 : i32 to index
        %get3A_658 = arith.constant 0 : index
        %get3A_659 = tpu.vector_load %arg6[%get3A_657, %get3A_658] {strides = array<i32>} : memref<48x16xf32, #tpu.memory_space<vmem>>, vector<1x16xf32>,
        %get3A_660 = vector.shape_cast %get3A_659 : vector<1x16xf32> to vector<16xf32>
        %max3A_661 = arith.maximumf %get3A_660, %while3A_643#1 : vector<16xf32>
        %swap3A_662 = arith.constant 43 : i32
        %swap3A_663 = arith.index_cast %swap3A_662 : i32 to index
        %swap3A_664 = arith.constant 0 : index
        %swap3A_665 = tpu.vector_load %arg6[%swap3A_663, %swap3A_664] {strides = array<i32>} : memref<48x16xf32, #tpu.memory_space<vmem>>, vector<1x16xf32>,
        %swap3A_666 = vector.shape_cast %swap3A_665 : vector<1x16xf32> to vector<16xf32>
        %swap3A_667 = vector.shape_cast %max3A_661 : vector<16xf32> to vector<1x16xf32>
        tpu.vector_store %arg6[%swap3A_663, %swap3A_664], %swap3A_667 {strides = array<i32>} : memref<48x16xf32, #tpu.memory_space<vmem>>, vector<1x16xf32>,
        %get3A_668 = arith.constant 44 : i32
        %get3A_669 = arith.index_cast %get3A_668 : i32 to index
        %get3A_670 = arith.constant 0 : index
        %get3A_671 = tpu.vector_load %arg6[%get3A_669, %get3A_670] {strides = array<i32>} : memref<48x16xf32, #tpu.memory_space<vmem>>, vector<1x16xf32>,
        %get3A_672 = vector.shape_cast %get3A_671 : vector<1x16xf32> to vector<16xf32>
        %max3A_673 = arith.maximumf %get3A_672, %while3A_643#2 : vector<16xf32>
        %swap3A_674 = arith.constant 44 : i32
        %swap3A_675 = arith.index_cast %swap3A_674 : i32 to index
        %swap3A_676 = arith.constant 0 : index
        %swap3A_677 = tpu.vector_load %arg6[%swap3A_675, %swap3A_676] {strides = array<i32>} : memref<48x16xf32, #tpu.memory_space<vmem>>, vector<1x16xf32>,
        %swap3A_678 = vector.shape_cast %swap3A_677 : vector<1x16xf32> to vector<16xf32>
        %swap3A_679 = vector.shape_cast %max3A_673 : vector<16xf32> to vector<1x16xf32>
        tpu.vector_store %arg6[%swap3A_675, %swap3A_676], %swap3A_679 {strides = array<i32>} : memref<48x16xf32, #tpu.memory_space<vmem>>, vector<1x16xf32>,
      } else {
      }
      %mul3A_578 = arith.constant 3 : i32
      %mul3A_579 = arith.muli %squeeze3A_95, %mul3A_578 : i32
      %max3A_580 = arith.maxsi %mul3A_579, %multiple_of3A : i32
      %mul3A_581 = arith.constant 3 : i32
      %mul3A_582 = arith.muli %squeeze3A_100, %mul3A_581 : i32
      %add3A_583 = arith.constant 60000 : i32
      %add3A_584 = arith.addi %multiple_of3A, %add3A_583 : i32
      %min3A_585 = arith.minsi %mul3A_582, %add3A_584 : i32
      %lt3A_586 = arith.cmpi slt, %max3A_580, %min3A_585 : i32
      %convert_element_type3A_587 = arith.extui %lt3A_586 : i1 to i32
      %cond3A_588 = arith.constant 0 : i32
      %cond3A_589 = arith.cmpi ne, %convert_element_type3A_587, %cond3A_588 : i32
      scf.if %cond3A_589 {
        %sub3A = arith.subi %max3A_580, %multiple_of3A : i32
        %jit3A = arith.constant 48 : i32
        %div3A = arith.divsi %sub3A, %jit3A : i32
        %sign3A = arith.constant 0 : i32
        %sign3A_591 = arith.cmpi sgt, %sub3A, %sign3A : i32
        %sign3A_592 = arith.extui %sign3A_591 : i1 to i32
        %sign3A_593 = arith.constant 0 : i32
        %sign3A_594 = arith.cmpi slt, %sub3A, %sign3A_593 : i32
        %sign3A_595 = arith.extui %sign3A_594 : i1 to i32
        %sign3A_596 = arith.subi %sign3A_592, %sign3A_595 : i32
        %sign3A_597 = arith.constant 0 : i32
        %sign3A_598 = arith.cmpi sgt, %jit3A, %sign3A_597 : i32
        %sign3A_599 = arith.extui %sign3A_598 : i1 to i32
        %sign3A_600 = arith.constant 0 : i32
        %sign3A_601 = arith.cmpi slt, %jit3A, %sign3A_600 : i32
        %sign3A_602 = arith.extui %sign3A_601 : i1 to i32
        %sign3A_603 = arith.subi %sign3A_599, %sign3A_602 : i32
        %ne3A = arith.cmpi ne, %sign3A_596, %sign3A_603 : i32
        %rem3A = arith.remsi %sub3A, %jit3A : i32
        %ne3A_604 = arith.constant 0 : i32
        %ne3A_605 = arith.cmpi ne, %rem3A, %ne3A_604 : i32
        %and3A = arith.andi %ne3A, %ne3A_605 : i1
        %sub3A_606 = arith.constant 1 : i32
        %sub3A_607 = arith.subi %div3A, %sub3A_606 : i32
        %select_n3A = arith.select %and3A, %sub3A_607, %div3A : i32
        %sub3A_608 = arith.subi %min3A_585, %multiple_of3A : i32
        %add3A_609 = arith.constant 47 : i32
        %add3A_610 = arith.addi %sub3A_608, %add3A_609 : i32
        %jit3A_611 = arith.constant 48 : i32
        %div3A_612 = arith.divsi %add3A_610, %jit3A_611 : i32
        %sign3A_613 = arith.constant 0 : i32
        %sign3A_614 = arith.cmpi sgt, %add3A_610, %sign3A_613 : i32
        %sign3A_615 = arith.extui %sign3A_614 : i1 to i32
        %sign3A_616 = arith.constant 0 : i32
        %sign3A_617 = arith.cmpi slt, %add3A_610, %sign3A_616 : i32
        %sign3A_618 = arith.extui %sign3A_617 : i1 to i32
        %sign3A_619 = arith.subi %sign3A_615, %sign3A_618 : i32
        %sign3A_620 = arith.constant 0 : i32
        %sign3A_621 = arith.cmpi sgt, %jit3A_611, %sign3A_620 : i32
        %sign3A_622 = arith.extui %sign3A_621 : i1 to i32
        %sign3A_623 = arith.constant 0 : i32
        %sign3A_624 = arith.cmpi slt, %jit3A_611, %sign3A_623 : i32
        %sign3A_625 = arith.extui %sign3A_624 : i1 to i32
        %sign3A_626 = arith.subi %sign3A_622, %sign3A_625 : i32
        %ne3A_627 = arith.cmpi ne, %sign3A_619, %sign3A_626 : i32
        %rem3A_628 = arith.remsi %add3A_610, %jit3A_611 : i32
        %ne3A_629 = arith.constant 0 : i32
        %ne3A_630 = arith.cmpi ne, %rem3A_628, %ne3A_629 : i32
        %and3A_631 = arith.andi %ne3A_627, %ne3A_630 : i1
        %sub3A_632 = arith.constant 1 : i32
        %sub3A_633 = arith.subi %div3A_612, %sub3A_632 : i32
        %select_n3A_634 = arith.select %and3A_631, %sub3A_633, %div3A_612 : i32
        %while3A = arith.subi %select_n3A_634, %select_n3A : i32
        %while3A_635 = arith.addi %select_n3A, %while3A : i32
        %while3A_636 = arith.constant 1 : i32
        %while3A_637 = arith.divsi %while3A, %while3A_636 : i32
        %while3A_638 = arith.muli %while3A_637, %while3A_636 : i32
        %while3A_639 = arith.addi %select_n3A, %while3A_638 : i32
        %while3A_640 = arith.constant 1 : i32
        %while3A_641:3 = scf.for %while3A_680 = %select_n3A to %while3A_639 step %while3A_640 iter_args(%while3A_681 = %broadcast_in_dim3A_5, %while3A_682 = %broadcast_in_dim3A_5, %while3A_683 = %broadcast_in_dim3A_5) -> (vector<16xf32>, vector<16xf32>, vector<16xf32>)  : i32 {
          %mul3A_684 = arith.constant 48 : i32
          %mul3A_685 = arith.muli %while3A_680, %mul3A_684 : i32
          %add3A_686 = arith.addi %multiple_of3A, %mul3A_685 : i32
          %mul3A_687 = arith.constant 48 : i32
          %mul3A_688 = arith.muli %while3A_680, %mul3A_687 : i32
          %add3A_689 = arith.constant 0 : i32
          %add3A_690 = arith.addi %mul3A_688, %add3A_689 : i32
          %get3A_691 = arith.index_cast %add3A_690 : i32 to index
          %get3A_692 = tpu.vector_load %arg5[%get3A_691] {strides = array<i32>} : memref<60000xf32, #tpu.memory_space<vmem>>, vector<16xf32>,
          %get3A_693 = vector.shape_cast %get3A_692 : vector<16xf32> to vector<16xf32>
          %add3A_694 = arith.constant 0 : i32
          %add3A_695 = arith.addi %add3A_686, %add3A_694 : i32
          %add3A_696 = vector.broadcast %add3A_695 : i32 to vector<16xi32>
          %add3A_697 = arith.addi %add3A_696, %iota3A : vector<16xi32>
          %ge3A = vector.broadcast %max3A_580 : i32 to vector<16xi32>
          %ge3A_698 = arith.cmpi sge, %add3A_697, %ge3A : vector<16xi32>
          %lt3A_699 = vector.broadcast %min3A_585 : i32 to vector<16xi32>
          %lt3A_700 = arith.cmpi slt, %add3A_697, %lt3A_699 : vector<16xi32>
          %and3A_701 = arith.andi %ge3A_698, %lt3A_700 : vector<16xi1>
          %select_n3A_702 = arith.select %and3A_701, %get3A_693, %broadcast_in_dim3A_5 : vector<16xi1>, vector<16xf32>
          %max3A_703 = arith.maximumf %while3A_681, %select_n3A_702 : vector<16xf32>
          %add3A_704 = arith.constant 16 : i32
          %add3A_705 = arith.addi %mul3A_688, %add3A_704 : i32
          %get3A_706 = arith.index_cast %add3A_705 : i32 to index
          %get3A_707 = tpu.vector_load %arg5[%get3A_706] {strides = array<i32>} : memref<60000xf32, #tpu.memory_space<vmem>>, vector<16xf32>,
          %get3A_708 = vector.shape_cast %get3A_707 : vector<16xf32> to vector<16xf32>
          %add3A_709 = arith.constant 16 : i32
          %add3A_710 = arith.addi %add3A_686, %add3A_709 : i32
          %add3A_711 = vector.broadcast %add3A_710 : i32 to vector<16xi32>
          %add3A_712 = arith.addi %add3A_711, %iota3A : vector<16xi32>
          %ge3A_713 = vector.broadcast %max3A_580 : i32 to vector<16xi32>
          %ge3A_714 = arith.cmpi sge, %add3A_712, %ge3A_713 : vector<16xi32>
          %lt3A_715 = vector.broadcast %min3A_585 : i32 to vector<16xi32>
          %lt3A_716 = arith.cmpi slt, %add3A_712, %lt3A_715 : vector<16xi32>
          %and3A_717 = arith.andi %ge3A_714, %lt3A_716 : vector<16xi1>
          %select_n3A_718 = arith.select %and3A_717, %get3A_708, %broadcast_in_dim3A_5 : vector<16xi1>, vector<16xf32>
          %max3A_719 = arith.maximumf %while3A_682, %select_n3A_718 : vector<16xf32>
          %add3A_720 = arith.constant 32 : i32
          %add3A_721 = arith.addi %mul3A_688, %add3A_720 : i32
          %get3A_722 = arith.index_cast %add3A_721 : i32 to index
          %get3A_723 = tpu.vector_load %arg5[%get3A_722] {strides = array<i32>} : memref<60000xf32, #tpu.memory_space<vmem>>, vector<16xf32>,
          %get3A_724 = vector.shape_cast %get3A_723 : vector<16xf32> to vector<16xf32>
          %add3A_725 = arith.constant 32 : i32
          %add3A_726 = arith.addi %add3A_686, %add3A_725 : i32
          %add3A_727 = vector.broadcast %add3A_726 : i32 to vector<16xi32>
          %add3A_728 = arith.addi %add3A_727, %iota3A : vector<16xi32>
          %ge3A_729 = vector.broadcast %max3A_580 : i32 to vector<16xi32>
          %ge3A_730 = arith.cmpi sge, %add3A_728, %ge3A_729 : vector<16xi32>
          %lt3A_731 = vector.broadcast %min3A_585 : i32 to vector<16xi32>
          %lt3A_732 = arith.cmpi slt, %add3A_728, %lt3A_731 : vector<16xi32>
          %and3A_733 = arith.andi %ge3A_730, %lt3A_732 : vector<16xi1>
          %select_n3A_734 = arith.select %and3A_733, %get3A_724, %broadcast_in_dim3A_5 : vector<16xi1>, vector<16xf32>
          %max3A_735 = arith.maximumf %while3A_683, %select_n3A_734 : vector<16xf32>
          scf.yield %max3A_703, %max3A_719, %max3A_735 : vector<16xf32>, vector<16xf32>, vector<16xf32>
        }
        %while3A_642 = arith.constant 1 : i32
        %while3A_643:3 = scf.for %while3A_680 = %while3A_639 to %while3A_635 step %while3A_642 iter_args(%while3A_681 = %while3A_641#0, %while3A_682 = %while3A_641#1, %while3A_683 = %while3A_641#2) -> (vector<16xf32>, vector<16xf32>, vector<16xf32>)  : i32 {
          %mul3A_684 = arith.constant 48 : i32
          %mul3A_685 = arith.muli %while3A_680, %mul3A_684 : i32
          %add3A_686 = arith.addi %multiple_of3A, %mul3A_685 : i32
          %mul3A_687 = arith.constant 48 : i32
          %mul3A_688 = arith.muli %while3A_680, %mul3A_687 : i32
          %add3A_689 = arith.constant 0 : i32
          %add3A_690 = arith.addi %mul3A_688, %add3A_689 : i32
          %get3A_691 = arith.index_cast %add3A_690 : i32 to index
          %get3A_692 = tpu.vector_load %arg5[%get3A_691] {strides = array<i32>} : memref<60000xf32, #tpu.memory_space<vmem>>, vector<16xf32>,
          %get3A_693 = vector.shape_cast %get3A_692 : vector<16xf32> to vector<16xf32>
          %add3A_694 = arith.constant 0 : i32
          %add3A_695 = arith.addi %add3A_686, %add3A_694 : i32
          %add3A_696 = vector.broadcast %add3A_695 : i32 to vector<16xi32>
          %add3A_697 = arith.addi %add3A_696, %iota3A : vector<16xi32>
          %ge3A = vector.broadcast %max3A_580 : i32 to vector<16xi32>
          %ge3A_698 = arith.cmpi sge, %add3A_697, %ge3A : vector<16xi32>
          %lt3A_699 = vector.broadcast %min3A_585 : i32 to vector<16xi32>
          %lt3A_700 = arith.cmpi slt, %add3A_697, %lt3A_699 : vector<16xi32>
          %and3A_701 = arith.andi %ge3A_698, %lt3A_700 : vector<16xi1>
          %select_n3A_702 = arith.select %and3A_701, %get3A_693, %broadcast_in_dim3A_5 : vector<16xi1>, vector<16xf32>
          %max3A_703 = arith.maximumf %while3A_681, %select_n3A_702 : vector<16xf32>
          %add3A_704 = arith.constant 16 : i32
          %add3A_705 = arith.addi %mul3A_688, %add3A_704 : i32
          %get3A_706 = arith.index_cast %add3A_705 : i32 to index
          %get3A_707 = tpu.vector_load %arg5[%get3A_706] {strides = array<i32>} : memref<60000xf32, #tpu.memory_space<vmem>>, vector<16xf32>,
          %get3A_708 = vector.shape_cast %get3A_707 : vector<16xf32> to vector<16xf32>
          %add3A_709 = arith.constant 16 : i32
          %add3A_710 = arith.addi %add3A_686, %add3A_709 : i32
          %add3A_711 = vector.broadcast %add3A_710 : i32 to vector<16xi32>
          %add3A_712 = arith.addi %add3A_711, %iota3A : vector<16xi32>
          %ge3A_713 = vector.broadcast %max3A_580 : i32 to vector<16xi32>
          %ge3A_714 = arith.cmpi sge, %add3A_712, %ge3A_713 : vector<16xi32>
          %lt3A_715 = vector.broadcast %min3A_585 : i32 to vector<16xi32>
          %lt3A_716 = arith.cmpi slt, %add3A_712, %lt3A_715 : vector<16xi32>
          %and3A_717 = arith.andi %ge3A_714, %lt3A_716 : vector<16xi1>
          %select_n3A_718 = arith.select %and3A_717, %get3A_708, %broadcast_in_dim3A_5 : vector<16xi1>, vector<16xf32>
          %max3A_719 = arith.maximumf %while3A_682, %select_n3A_718 : vector<16xf32>
          %add3A_720 = arith.constant 32 : i32
          %add3A_721 = arith.addi %mul3A_688, %add3A_720 : i32
          %get3A_722 = arith.index_cast %add3A_721 : i32 to index
          %get3A_723 = tpu.vector_load %arg5[%get3A_722] {strides = array<i32>} : memref<60000xf32, #tpu.memory_space<vmem>>, vector<16xf32>,
          %get3A_724 = vector.shape_cast %get3A_723 : vector<16xf32> to vector<16xf32>
          %add3A_725 = arith.constant 32 : i32
          %add3A_726 = arith.addi %add3A_686, %add3A_725 : i32
          %add3A_727 = vector.broadcast %add3A_726 : i32 to vector<16xi32>
          %add3A_728 = arith.addi %add3A_727, %iota3A : vector<16xi32>
          %ge3A_729 = vector.broadcast %max3A_580 : i32 to vector<16xi32>
          %ge3A_730 = arith.cmpi sge, %add3A_728, %ge3A_729 : vector<16xi32>
          %lt3A_731 = vector.broadcast %min3A_585 : i32 to vector<16xi32>
          %lt3A_732 = arith.cmpi slt, %add3A_728, %lt3A_731 : vector<16xi32>
          %and3A_733 = arith.andi %ge3A_730, %lt3A_732 : vector<16xi1>
          %select_n3A_734 = arith.select %and3A_733, %get3A_724, %broadcast_in_dim3A_5 : vector<16xi1>, vector<16xf32>
          %max3A_735 = arith.maximumf %while3A_683, %select_n3A_734 : vector<16xf32>
          scf.yield %max3A_703, %max3A_719, %max3A_735 : vector<16xf32>, vector<16xf32>, vector<16xf32>
        }
        %get3A_644 = arith.constant 45 : i32
        %get3A_645 = arith.index_cast %get3A_644 : i32 to index
        %get3A_646 = arith.constant 0 : index
        %get3A_647 = tpu.vector_load %arg6[%get3A_645, %get3A_646] {strides = array<i32>} : memref<48x16xf32, #tpu.memory_space<vmem>>, vector<1x16xf32>,
        %get3A_648 = vector.shape_cast %get3A_647 : vector<1x16xf32> to vector<16xf32>
        %max3A_649 = arith.maximumf %get3A_648, %while3A_643#0 : vector<16xf32>
        %swap3A_650 = arith.constant 45 : i32
        %swap3A_651 = arith.index_cast %swap3A_650 : i32 to index
        %swap3A_652 = arith.constant 0 : index
        %swap3A_653 = tpu.vector_load %arg6[%swap3A_651, %swap3A_652] {strides = array<i32>} : memref<48x16xf32, #tpu.memory_space<vmem>>, vector<1x16xf32>,
        %swap3A_654 = vector.shape_cast %swap3A_653 : vector<1x16xf32> to vector<16xf32>
        %swap3A_655 = vector.shape_cast %max3A_649 : vector<16xf32> to vector<1x16xf32>
        tpu.vector_store %arg6[%swap3A_651, %swap3A_652], %swap3A_655 {strides = array<i32>} : memref<48x16xf32, #tpu.memory_space<vmem>>, vector<1x16xf32>,
        %get3A_656 = arith.constant 46 : i32
        %get3A_657 = arith.index_cast %get3A_656 : i32 to index
        %get3A_658 = arith.constant 0 : index
        %get3A_659 = tpu.vector_load %arg6[%get3A_657, %get3A_658] {strides = array<i32>} : memref<48x16xf32, #tpu.memory_space<vmem>>, vector<1x16xf32>,
        %get3A_660 = vector.shape_cast %get3A_659 : vector<1x16xf32> to vector<16xf32>
        %max3A_661 = arith.maximumf %get3A_660, %while3A_643#1 : vector<16xf32>
        %swap3A_662 = arith.constant 46 : i32
        %swap3A_663 = arith.index_cast %swap3A_662 : i32 to index
        %swap3A_664 = arith.constant 0 : index
        %swap3A_665 = tpu.vector_load %arg6[%swap3A_663, %swap3A_664] {strides = array<i32>} : memref<48x16xf32, #tpu.memory_space<vmem>>, vector<1x16xf32>,
        %swap3A_666 = vector.shape_cast %swap3A_665 : vector<1x16xf32> to vector<16xf32>
        %swap3A_667 = vector.shape_cast %max3A_661 : vector<16xf32> to vector<1x16xf32>
        tpu.vector_store %arg6[%swap3A_663, %swap3A_664], %swap3A_667 {strides = array<i32>} : memref<48x16xf32, #tpu.memory_space<vmem>>, vector<1x16xf32>,
        %get3A_668 = arith.constant 47 : i32
        %get3A_669 = arith.index_cast %get3A_668 : i32 to index
        %get3A_670 = arith.constant 0 : index
        %get3A_671 = tpu.vector_load %arg6[%get3A_669, %get3A_670] {strides = array<i32>} : memref<48x16xf32, #tpu.memory_space<vmem>>, vector<1x16xf32>,
        %get3A_672 = vector.shape_cast %get3A_671 : vector<1x16xf32> to vector<16xf32>
        %max3A_673 = arith.maximumf %get3A_672, %while3A_643#2 : vector<16xf32>
        %swap3A_674 = arith.constant 47 : i32
        %swap3A_675 = arith.index_cast %swap3A_674 : i32 to index
        %swap3A_676 = arith.constant 0 : index
        %swap3A_677 = tpu.vector_load %arg6[%swap3A_675, %swap3A_676] {strides = array<i32>} : memref<48x16xf32, #tpu.memory_space<vmem>>, vector<1x16xf32>,
        %swap3A_678 = vector.shape_cast %swap3A_677 : vector<1x16xf32> to vector<16xf32>
        %swap3A_679 = vector.shape_cast %max3A_673 : vector<16xf32> to vector<1x16xf32>
        tpu.vector_store %arg6[%swap3A_675, %swap3A_676], %swap3A_679 {strides = array<i32>} : memref<48x16xf32, #tpu.memory_space<vmem>>, vector<1x16xf32>,
      } else {
      }
      %scan3A_590 = arith.constant 0 : i32
      scf.yield %scan3A_590 : i32
    }
    %scan3A_397 = arith.constant 5 : i32
    "tpu.region"() ({
      %run_scoped3A = tpu.sem_alloc : memref<!tpu.dma_semaphore, #tpu.memory_space<semaphore_mem>>
      %dma_start3A = arith.constant 0 : i32
      %dma_start3A_398 = arith.constant 0 : i32
      %dma_start3A_399 = tpu.memref_slice %arg4[%add3A, %dma_start3A, %dma_start3A_398] : memref<32x48x16xf32, #tpu.memory_space<hbm>> -> memref<1x48x16xf32, #tpu.memory_space<hbm>>
      %dma_start3A_400 = tpu.memref_squeeze %dma_start3A_399 : memref<1x48x16xf32, #tpu.memory_space<hbm>> -> memref<48x16xf32, #tpu.memory_space<hbm>>
      %dma_start3A_401 = arith.constant 0 : i32
      %dma_start3A_402 = arith.constant 0 : i32
      %dma_start3A_403 = tpu.memref_slice %arg4[%add3A, %dma_start3A_401, %dma_start3A_402] : memref<32x48x16xf32, #tpu.memory_space<hbm>> -> memref<1x48x16xf32, #tpu.memory_space<hbm>>
      %dma_start3A_404 = tpu.memref_squeeze %dma_start3A_403 : memref<1x48x16xf32, #tpu.memory_space<hbm>> -> memref<48x16xf32, #tpu.memory_space<hbm>>
      tpu.enqueue_dma source(%arg6 : memref<48x16xf32, #tpu.memory_space<vmem>>) target(%dma_start3A_404 : memref<48x16xf32, #tpu.memory_space<hbm>>) target_semaphore(%run_scoped3A : memref<!tpu.dma_semaphore, #tpu.memory_space<semaphore_mem>>)
      %dma_wait3A = arith.constant 0 : i32
      %dma_wait3A_405 = arith.constant 0 : i32
      %dma_wait3A_406 = tpu.memref_slice %arg4[%add3A, %dma_wait3A, %dma_wait3A_405] : memref<32x48x16xf32, #tpu.memory_space<hbm>> -> memref<1x48x16xf32, #tpu.memory_space<hbm>>
      %dma_wait3A_407 = tpu.memref_squeeze %dma_wait3A_406 : memref<1x48x16xf32, #tpu.memory_space<hbm>> -> memref<48x16xf32, #tpu.memory_space<hbm>>
      %dma_wait3A_408 = arith.constant 0 : i32
      %dma_wait3A_409 = arith.constant 0 : i32
      %dma_wait3A_410 = tpu.memref_slice %arg4[%add3A, %dma_wait3A_408, %dma_wait3A_409] : memref<32x48x16xf32, #tpu.memory_space<hbm>> -> memref<1x48x16xf32, #tpu.memory_space<hbm>>
      %dma_wait3A_411 = tpu.memref_squeeze %dma_wait3A_410 : memref<1x48x16xf32, #tpu.memory_space<hbm>> -> memref<48x16xf32, #tpu.memory_space<hbm>>
      tpu.wait_dma2 semaphore(%run_scoped3A : memref<!tpu.dma_semaphore, #tpu.memory_space<semaphore_mem>>) src(%arg6 : memref<48x16xf32, #tpu.memory_space<vmem>>) dst(%dma_wait3A_411 : memref<48x16xf32, #tpu.memory_space<hbm>>)
      tpu.yield
    }) : () -> ()
    return
  }
}

module attributes {stable_mosaic.version = 14 : i64} {
  func.func @_merge_body(%arg0: memref<32x48x16xf32, #tpu.memory_space<vmem>>, %arg1: memref<16x3xf32, #tpu.memory_space<vmem>>) attributes {dimension_semantics = [], scalar_prefetch = 0 : i64, scratch_operands = 0 : i64, tpu.core_type = #tpu.core_type<tc>} {
    %get3A = arith.constant 0 : index
    %get3A_0 = arith.constant 0 : index
    %get3A_1 = arith.constant 0 : index
    %get3A_2 = vector.load %arg0[%get3A, %get3A_0, %get3A_1] : memref<32x48x16xf32, #tpu.memory_space<vmem>>, vector<32x48x16xf32>
    %reshape3A = vector.shape_cast %get3A_2 : vector<32x48x16xf32> to vector<32x16x3x16xf32>
    %iota3A = tpu.iota {dimensions = array<i32: 2>} : vector<32x16x3x16xi32>
    %iota3A_3 = tpu.iota {dimensions = array<i32: 3>} : vector<32x16x3x16xi32>
    %mul3A = arith.constant 16 : i32
    %mul3A_4 = vector.broadcast %mul3A : i32 to vector<32x16x3x16xi32>
    %mul3A_5 = arith.muli %mul3A_4, %iota3A : vector<32x16x3x16xi32>
    %add3A = arith.addi %mul3A_5, %iota3A_3 : vector<32x16x3x16xi32>
    %jit3A = arith.constant 3 : i32
    %eq3A = arith.constant 0 : i32
    %eq3A_6 = arith.cmpi eq, %jit3A, %eq3A : i32
    %jit3A_7 = arith.constant 1 : i32
    %select_n3A = arith.select %eq3A_6, %jit3A_7, %jit3A : i32
    %rem3A = vector.broadcast %select_n3A : i32 to vector<32x16x3x16xi32>
    %rem3A_8 = arith.remsi %add3A, %rem3A : vector<32x16x3x16xi32>
    %ne3A = arith.constant 0 : i32
    %ne3A_9 = vector.broadcast %ne3A : i32 to vector<32x16x3x16xi32>
    %ne3A_10 = arith.cmpi ne, %rem3A_8, %ne3A_9 : vector<32x16x3x16xi32>
    %lt3A = arith.constant 0 : i32
    %lt3A_11 = vector.broadcast %lt3A : i32 to vector<32x16x3x16xi32>
    %lt3A_12 = arith.cmpi slt, %rem3A_8, %lt3A_11 : vector<32x16x3x16xi32>
    %lt3A_13 = arith.constant 0 : i32
    %lt3A_14 = arith.cmpi slt, %select_n3A, %lt3A_13 : i32
    %ne3A_15 = vector.broadcast %lt3A_14 : i1 to vector<32x16x3x16xi1>
    %ne3A_16 = vector.broadcast %ne3A_15 : vector<32x16x3x16xi1> to vector<32x16x3x16xi1>
    %ne3A_17 = arith.xori %lt3A_12, %ne3A_16 : vector<32x16x3x16xi1>
    %and3A = arith.andi %ne3A_17, %ne3A_10 : vector<32x16x3x16xi1>
    %add3A_18 = vector.broadcast %select_n3A : i32 to vector<32x16x3x16xi32>
    %add3A_19 = arith.addi %rem3A_8, %add3A_18 : vector<32x16x3x16xi32>
    %select_n3A_20 = arith.select %and3A, %add3A_19, %rem3A_8 : vector<32x16x3x16xi1>, vector<32x16x3x16xi32>
    %eq3A_21 = arith.constant 0 : i32
    %eq3A_22 = vector.broadcast %eq3A_21 : i32 to vector<32x16x3x16xi32>
    %eq3A_23 = arith.cmpi eq, %select_n3A_20, %eq3A_22 : vector<32x16x3x16xi32>
    %jit3A_24 = arith.constant 0xFF800000 : f32
    %broadcast_in_dim3A = vector.broadcast %jit3A_24 : f32 to vector<32x16x3x16xf32>
    %select_n3A_25 = arith.select %eq3A_23, %reshape3A, %broadcast_in_dim3A : vector<32x16x3x16xi1>, vector<32x16x3x16xf32>
    %reduce_max3A = arith.constant dense<0xFF800000> : vector<16xf32>
    %reduce_max3A_26 = vector.multi_reduction <maximumf>, %select_n3A_25, %reduce_max3A [0, 2, 3] : vector<32x16x3x16xf32> to vector<16xf32>
    %eq3A_27 = arith.constant 1 : i32
    %eq3A_28 = vector.broadcast %eq3A_27 : i32 to vector<32x16x3x16xi32>
    %eq3A_29 = arith.cmpi eq, %select_n3A_20, %eq3A_28 : vector<32x16x3x16xi32>
    %jit3A_30 = arith.constant 0xFF800000 : f32
    %broadcast_in_dim3A_31 = vector.broadcast %jit3A_30 : f32 to vector<32x16x3x16xf32>
    %select_n3A_32 = arith.select %eq3A_29, %reshape3A, %broadcast_in_dim3A_31 : vector<32x16x3x16xi1>, vector<32x16x3x16xf32>
    %reduce_max3A_33 = arith.constant dense<0xFF800000> : vector<16xf32>
    %reduce_max3A_34 = vector.multi_reduction <maximumf>, %select_n3A_32, %reduce_max3A_33 [0, 2, 3] : vector<32x16x3x16xf32> to vector<16xf32>
    %eq3A_35 = arith.constant 2 : i32
    %eq3A_36 = vector.broadcast %eq3A_35 : i32 to vector<32x16x3x16xi32>
    %eq3A_37 = arith.cmpi eq, %select_n3A_20, %eq3A_36 : vector<32x16x3x16xi32>
    %jit3A_38 = arith.constant 0xFF800000 : f32
    %broadcast_in_dim3A_39 = vector.broadcast %jit3A_38 : f32 to vector<32x16x3x16xf32>
    %select_n3A_40 = arith.select %eq3A_37, %reshape3A, %broadcast_in_dim3A_39 : vector<32x16x3x16xi1>, vector<32x16x3x16xf32>
    %reduce_max3A_41 = arith.constant dense<0xFF800000> : vector<16xf32>
    %reduce_max3A_42 = vector.multi_reduction <maximumf>, %select_n3A_40, %reduce_max3A_41 [0, 2, 3] : vector<32x16x3x16xf32> to vector<16xf32>
    %stack3A = vector.shape_cast %reduce_max3A_26 : vector<16xf32> to vector<16x1xf32>
    %stack3A_43 = vector.shape_cast %reduce_max3A_34 : vector<16xf32> to vector<16x1xf32>
    %stack3A_44 = vector.shape_cast %reduce_max3A_42 : vector<16xf32> to vector<16x1xf32>
    %stack3A_45 = tpu.concatenate %stack3A, %stack3A_43, %stack3A_44 in 1 : vector<16x1xf32>, vector<16x1xf32>, vector<16x1xf32> -> vector<16x3xf32>
    %swap3A = arith.constant 0 : index
    %swap3A_46 = arith.constant 0 : index
    %swap3A_47 = vector.load %arg1[%swap3A, %swap3A_46] : memref<16x3xf32, #tpu.memory_space<vmem>>, vector<16x3xf32>
    tpu.vector_store %arg1[%swap3A, %swap3A_46], %stack3A_45 {strides = array<i32>} : memref<16x3xf32, #tpu.memory_space<vmem>>, vector<16x3xf32>,
    return
  }
}

</mosaic_0001>

<sc_bundles>
// kernel: kernel.4.cloned.1.call-start
scs
__scs_entry_jumppad:
0x0: {  	(pc) =	sbr.rel $0x88, $3  }
0x1: {  	(tag) =	ssettag $0x0;
	lr =	simm.s32 $0x1  }
0x2: {  	[smem:$0x3F9F] =	sst lr;
	_ =	strace $0xD0000000  }
0x3: {  	_ = 	snop  }
0x4: {  	_ = 	snop  }
0x5: {  	_ = 	snop  }
0x6: {  	_ = 	snop  }
0x7: {  	_ = 	snop  }
__scs_overlays_trampoline_lowered:
0x8: {  	[smem:$0x3FAE] =	sst s0  }
0x9: {  	[smem:$0x3FAF] =	sst s1  }
0xa: {  	[smem:$0x3FB0] =	sst s2  }
0xb: {  	[smem:$0x3FB1] =	sst s3  }
0xc: {  	[smem:$0x3FB2] =	sst s4  }
0xd: {  	[smem:$0x3FB3] =	sst s5  }
0xe: {  	[smem:$0x3FB4] =	sst s6  }
0xf: {  	[smem:$0x3FB5] =	sst s7  }
0x10: {  	[smem:$0x3FB6] =	sst s8  }
0x11: {  	[smem:$0x3FB7] =	sst s9;
	s0 =	simm.s32 @!p0 $0x0  }
0x12: {  	s1 =	sld [smem:$0x3F9D];
	s0 =	simm.s32 @p0 $0x1  }
0x13: {  	[smem:$0x3FB8] =	sst s0;
	s0 =	simm.s32 @!p1 $0x0  }
0x14: {  	s2 =	sld [smem:$0x3F9C];
	s0 =	simm.s32 @p1 $0x1  }
0x15: {  	[smem:$0x3FB9] =	sst s0;
	s0 =	simm.s32 @!p2 $0x0  }
0x16: {  	s3 =	sld [smem:$0x3FDB];
	s0 =	simm.s32 @p2 $0x1  }
0x17: {  	s4 =	simm.s32 $0x1BF5;
	[smem:$0x3FBB] =	sst s0  }
0x18: {  	s0 =	sld [smem:$0x3F9E];
	_ =	swait.ge [sflag:s4], $0x0  }
0x19: {  	s7 =	sld [smem:$0x3F9F]  }
0x1a: {  	s8 =	sadd.s32 $0xFFFFE003, lr  }
0x1b: {  	s9 =	sadd.s32 $0xFFFFFEF7, lr;
	s5 =	simm.s32 $0xFFFFFFFF;
	p2 =	slt.u32 s8, $0xFFFFF086  }
0x1c: {  	p1 =	slt.u32 s9, $0xF7A;
	s5 =	simm.s32 @!p2 $0x0  }
0x1d: {  	s5 =	simm.s32 @p1 $0x1;
	p0 =	seq.s32 s7, s2  }
0x1e: {  	s7 =	smul.u32 @!p0 $0xF7A, s2;
	p2 =	seq.s32 @!p0 s5, $0x0  }
0x1f: {  	s9 =	smul.u32 $0xF7A, s1;
	s8 =	simm.s32 @!p0 $0x1BF5;
	p2 =	por !p2, p0  }
0x20: {  	[sflag:s8] =	ssyncset.s32 @!p0 $0xFFFFF086;
	s6 =	sadd.s32 @!p0 s3, s7;
	s7 =	simm.s32 @!p0 $0x108  }
0x21: {  	s3 =	sadd.s32 s3, s9;
	s6 =	sadd.s32 @!p0 $0x88, s6;
	s7 =	simm.s32 @p2 $0x1082  }
0x22: {  	[simem:s7], [sflag:s8] =	dma.local @!p0 [hbm:s6], $0xF7A  }
0x23: {  	s9 =	sor.u32 $0xD0000000, s2;
	s6 =	simm.s32 $0x108;
	_ =	swait.ge @!p0 [sflag:s8], $0x0  }
0x24: {  	s3 =	sadd.s32 $0x88, s3;
	s6 =	simm.s32 @!p1 $0x1082;
	[sflag:s4] =	ssyncset.s32 $0xFFFFF086  }
0x25: {  	[simem:s6], [sflag:s4] =	dma.local [hbm:s3], $0xF7A  }
0x26: {  	[smem:$0x3F9F] =	sst s1;
	(tag) =	ssettag s2;
	_ =	strace s9  }
0x27: {  	s1 =	sld [smem:$0x3FAF]  }
0x28: {  	s2 =	sld [smem:$0x3FB0]  }
0x29: {  	s4 =	sld [smem:$0x3FB2]  }
0x2a: {  	p0 =	seq.s32 s5, $0x0;
	s5 =	sld [smem:$0x3FB3]  }
0x2b: {  	s6 =	sld [smem:$0x3FB4]  }
0x2c: {  	s7 =	sld [smem:$0x3FB5]  }
0x2d: {  	s3 =	simm.s32 $0x108;
	s8 =	sld [smem:$0x3FB6]  }
0x2e: {  	s3 =	simm.s32 @!p0 $0x1082;
	s9 =	sld [smem:$0x3FB7]  }
0x2f: {  	lr =	sadd.s32 s0, s3;
	s0 =	sld [smem:$0x3FAE]  }
0x30: {  	s3 =	sld [smem:$0x3FB1]  }
0x31: {  	[smem:$0x3FBA] =	sst s10  }
0x32: {  	s10 =	sld [smem:$0x3FB8];
	_ =	sdelay $0x3  }
0x33: {  	p0 =	seq.s32 s10, $0x1;
	s10 =	sld [smem:$0x3FBA];
	_ =	sdelay $0x3  }
0x34: {  	[smem:$0x3FBA] =	sst s10  }
0x35: {  	s10 =	sld [smem:$0x3FB9];
	_ =	sdelay $0x3  }
0x36: {  	p1 =	seq.s32 s10, $0x1;
	s10 =	sld [smem:$0x3FBA];
	_ =	sdelay $0x3  }
0x37: {  	[smem:$0x3FBA] =	sst s10  }
0x38: {  	s10 =	sld [smem:$0x3FBB]  }
0x39: {  	_ = 	snop;
	(pc) =	sbr.ind lr, $3  }
0x3a: {  	_ = 	snop  }
0x3b: {  	_ = 	snop  }
0x3c: {  	p2 =	seq.s32 s10, $0x1;
	s10 =	sld [smem:$0x3FBA]  }
0x3d: {  	_ =	shalt  }
0x3e: {  	_ =	shalt  }
0x3f: {  	_ =	shalt  }
0x40: {  	_ =	shalt  }
0x41: {  	_ =	shalt  }
0x42: {  	_ =	shalt  }
0x43: {  	_ =	shalt  }
0x44: {  	_ =	shalt  }
0x45: {  	_ =	shalt  }
0x46: {  	_ =	shalt  }
0x47: {  	_ =	shalt  }
0x48: {  	_ =	shalt  }
0x49: {  	_ =	shalt  }
0x4a: {  	_ =	shalt  }
0x4b: {  	_ =	shalt  }
0x4c: {  	_ =	shalt  }
0x4d: {  	_ =	shalt  }
0x4e: {  	_ =	shalt  }
0x4f: {  	_ =	shalt  }
0x50: {  	_ =	shalt  }
0x51: {  	_ =	shalt  }
0x52: {  	_ =	shalt  }
0x53: {  	_ =	shalt  }
0x54: {  	_ =	shalt  }
0x55: {  	_ =	shalt  }
0x56: {  	_ =	shalt  }
0x57: {  	_ =	shalt  }
0x58: {  	_ =	shalt  }
0x59: {  	_ =	shalt  }
0x5a: {  	_ =	shalt  }
0x5b: {  	_ =	shalt  }
0x5c: {  	_ =	shalt  }
0x5d: {  	_ =	shalt  }
0x5e: {  	_ =	shalt  }
0x5f: {  	_ =	shalt  }
0x60: {  	_ =	shalt  }
0x61: {  	_ =	shalt  }
0x62: {  	_ =	shalt  }
0x63: {  	_ =	shalt  }
0x64: {  	_ =	shalt  }
0x65: {  	_ =	shalt  }
0x66: {  	_ =	shalt  }
0x67: {  	_ =	shalt  }
0x68: {  	_ =	shalt  }
0x69: {  	_ =	shalt  }
0x6a: {  	_ =	shalt  }
0x6b: {  	_ =	shalt  }
0x6c: {  	_ =	shalt  }
0x6d: {  	_ =	shalt  }
0x6e: {  	_ =	shalt  }
0x6f: {  	_ =	shalt  }
0x70: {  	_ =	shalt  }
0x71: {  	_ =	shalt  }
0x72: {  	_ =	shalt  }
0x73: {  	_ =	shalt  }
0x74: {  	_ =	shalt  }
0x75: {  	_ =	shalt  }
0x76: {  	_ =	shalt  }
0x77: {  	_ =	shalt  }
0x78: {  	_ =	shalt  }
0x79: {  	_ =	shalt  }
0x7a: {  	_ =	shalt  }
0x7b: {  	_ =	shalt  }
0x7c: {  	_ =	shalt  }
0x7d: {  	_ =	shalt  }
0x7e: {  	_ =	shalt  }
0x7f: {  	_ =	shalt  }
0x80: {  	_ =	shalt  }
0x81: {  	_ =	shalt  }
0x82: {  	_ =	shalt  }
0x83: {  	_ =	shalt  }
0x84: {  	_ =	shalt  }
0x85: {  	_ =	shalt  }
0x86: {  	_ =	shalt  }
0x87: {  	_ =	shalt  }
.Lfunc_end0:
.L_simem_size_0:
called_computation_lowered:
.L_overlay_start_0:
0x88: {  	s2 =	sld [smem:$0x3FD9]  }
0x89: {  	s3 =	sld [smem:$0x3FFE];
	_ =	sdelay $0x1  }
0x8a: {  	s1 =	srdreg.scid  }
0x8b: {  	s0 =	sand.u32 $0x1, s1  }
0x8c: {  	s17 =	sshll.u32 s0, $0xA;
	s2 =	sadd.s32 s3, s2  }
0x8d: {  	s2 =	sadd.s32 s2, s17  }
0x8e: {  	[smem:$0x3FC6] =	sst s2  }
0x8f: {  	_ = 	snop  }
0x90: {  	s2 =	sld [smem:$0x3FC8];
	(tm) =	ssettm $0x1  }
0x91: {  	s18 =	sld [smem:$0x3FFB];
	_ =	sdelay $0x3  }
0x92: {  	_ =	strace s18  }
0x93: {  	s3 =	sld [smem:$0x3FFC];
	_ =	sdelay $0x3  }
0x94: {  	_ =	strace s3  }
0x95: {  	s3 =	sld [smem:$0x3FFD];
	_ =	sdelay $0x3  }
0x96: {  	_ =	strace s3  }
0x97: {  	_ =	strace $0x8FFFFFFF  }
0x98: {  	s19 =	sld [smem:$0x3FDB];
	_ =	sdelay $0x1  }
0x99: {  	s4 =	simm.s32 $_scs_section_size  }
0x9a: {  	s5 =	simm.s32 $_size__tile_overlayer_lowered;
	s6 =	simm.s32 $_tile_overlayer_lowered  }
0x9b: {  	s22 =	simm.s32 $0x1BFF;
	s21 =	sshll.u32 s6, $0x1;
	s3 =	sadd.s32 s4, s19  }
0x9c: {  	s7 =	simm.s32 $0x0;
	s20 =	sshll.u32 s5, $0x1;
	s5 =	sadd.s32 s21, s3  }
0x9d: {  	[timem:s7], [sflag:s22] =	dma.local [hbm:s5], s20  }
0x9e: {  	_ =	swait.ge [sflag:s22], s20  }
0x9f: {  	s4 =	ssub.s32 $0x0, s20;
	[sflag:s22] =	ssyncset.done $0x0  }
0xa0: {  	[sflag:s22] =	ssyncadd.s32 s4;
	_ =	sdelay $0x1  }
0xa1: {  	s23 =	simm.s32 $0x1B8B  }
0xa2: {  	_ =	swait.ge [sflag:s23], $0x1  }
0xa3: {  	[sflag:s23] =	ssyncset.done $0x0  }
0xa4: {  	s25 =	simm.s32 $0x1B8E;
	s24 =	sld [smem:$0x3FFE];
	[sflag:s23] =	ssyncadd.s32 $0xFFFFFFFF  }
0xa5: {  	s26 =	simm.s32 $execute0_lowered;
	[smem:$0x3FD2] =	sst s25  }
0xa6: {  	s5 =	sshll.u32 s26, $0x1;
	_ =	strace $0x80000046;
	[dreg:$0x1] =	wrdreg $0xFFFFFFFF  }
0xa7: {  	s28 =	simm.s32 $_size_execute0_lowered;
	s3 =	sadd.s32 s3, s5;
	[dreg:$0x0] =	wrdreg $0x0  }
0xa8: {  	s5 =	sshll.u32 s28, $0x1;
	[dreg:$0x2] =	wrdreg s3  }
0xa9: {  	[dreg:$0x3] =	wrdreg s5  }
0xaa: {  	[dreg:$0x4] =	wrdreg $0xC0  }
0xab: {  	_ =	task [dreg:s7], $0x5FFFF  }
0xac: {  	[dreg:$0x1] =	wrdreg $0xFFFFFFFF  }
0xad: {  	[dreg:$0x0] =	wrdreg $0x60  }
0xae: {  	[dreg:$0x2] =	wrdreg s24  }
0xaf: {  	[dreg:$0x3] =	wrdreg s2  }
0xb0: {  	[dreg:$0x4] =	wrdreg $0x9  }
0xb1: {  	_ =	task.clear_ibuf [dreg:s7], $0x5FFFF;
	_ =	strace $0x90000046  }
0xb2: {  	s29 =	simm.s32 $0x9;
	_ =	strace $0x80000048  }
0xb3: {  	_ =	swait.ge [sflag:s29], $0x1  }
0xb4: {  	[sflag:s29] =	ssyncadd.s32 $0xFFFFFFFF  }
0xb5: {  	_ =	strace $0x90000048  }
0xb6: {  	_ =	sfence  }
0xb7: {  	s30 =	sld [smem:$0x0];
	_ =	sdelay $0x2  }
0xb8: {  	s31 =	sshll.u32 s1, $0xD;
	s1 =	sshrl.u32 s1, $0x2  }
0xb9: {  	s3 =	sand.u32 $0x4000, s31;
	s1 =	sadd.s32 s1, s30  }
0xba: {  	s0 =	sor.u32 s3, s0;
	s1 =	sshll.u32 s1, $0x11  }
0xbb: {  	s0 =	sor.u32 s1, s0  }
0xbc: {  	s0 =	sadd.s32 $0x8F2B, s0  }
0xbd: {  	[sflag:s0] =	ssyncadd.remote.s32 $0x1  }
0xbe: {  	_ =	sfence.sel $0xFFFF  }
0xbf: {  	[dreg:$0x0] =	wrdreg $0xFFFFFFFF;
	(pc) =	sbr.abs _section_cstart, $3  }
0xc0: {  	[dreg:$0x1] =	wrdreg $0xFFFFFFFF  }
0xc1: {  	_ =	task.clear_ibuf [dreg:s7], $0x2FFFF;
	_ =	strace $0x9FFFFFFF  }
0xc2: {  	(tm) =	ssettm $0x7FFFFFFF  }
0xc3: {  	_ =	shalt  }
tec
execute0_lowered:
.L_overlay_start_1:
0x0: {  	(tag) =	ssettag $0x1  }
0x1: {  	s0 =	rddreg [dreg:$0x0];
	s1 =	srdreg.scid  }
0x2: {  	s8 =	stileid.u32;
	s2 =	rddreg [dreg:$0x1];
	s4 =	simm.s32 $0x0  }
0x3: {  	s1 =	sand.u32 $0x1, s1;
	s3 =	sshll.u32 s8, $0x1;
	s8 =	smul.u32 $0x927C0, s8  }
0x4: {  	s3 =	sor.u32 s1, s3;
	s5 =	ssub.s32 $0x2, s1;
	s1 =	smul.u32 $0x493E0, s1  }
0x5: {  	s9 =	simm.s32 $0x10;
	s10 =	simm.s32 $0x10280;
	s25 =	smul.u32 $0x300, s3  }
0x6: {  	[smem:$0x7FF] =	sst s4;
	s7 =	sadd.s32 $0x30D4600, s0;
	s6 =	smul.u32 $0x186A0, s3  }
0x7: {  	s11 =	simm.s32 $0x10300;
	_ =	strace $0x80000047;
	s3 =	smul.u32 $0x493E0, s3  }
.Ltmp0:
0x8: {  	[dreg:$0x3] =	wrdreg s7;
	s26 =	sshrl.u32 s5, $0x1;
	(pc) =	sbr.rel .LBB2_1-.Ltmp0, $4  }
0x9: {  	s28 =	ssub.s32 s5, s26;
	s31 =	sadd.s32 s1, s8;
	[dreg:$0x4] =	wrdreg s3  }
0xa: {  	s0 =	sadd.s32 s25, s0;
	s30 =	smax.u32 s28, $0x1;
	[dreg:$0x7] =	wrdreg s31  }
0xb: {  	v1 =	vlaneseq.u32;
	v4 =	vimm.f32 $-Inf;
	s29 =	sadd.s32 $0x186A0, s6;
	s0 =	sadd.s32 $0x600, s0;
	[dreg:$0x6] =	wrdreg s30  }
0xc: {  	s12 =	simm.s32 $0x1;
	v3 =	vadd.s32 $0x1, v1;
	v0 =	vmov s6;
	s3 =	simm.s32 $0x0;
	v2 =	vmov s29;
	[dreg:$0x5] =	wrdreg s0  }
.LBB2_147:
0xd: {  	s0 =	simm.s32 $0x0  }
0xe: {  	s1 =	rddreg [dreg:$0x5];
	s3 =	simm.s32 $0xEA80;
	s29 =	simm.s32 $0x2  }
0xf: {  	[hbm4b:s1+s0] =	stream.linear.scatter [tilespmem:s3], [sflag:$0x2], $0x1800, $0x38;
	[tilespmem:$0x10400] =	vst v63  }
0x10: {  	_ =	swait.ge [sflag:s29], $0x1800  }
0x11: {  	s30 =	rddreg [dreg:$0x8]  }
0x12: {  	s31 =	rddreg [dreg:$0x6];
	s3 =	sadd.s32 $0x1, s30  }
0x13: {  	p0 =	sne.s32 s3, s31  }
.Ltmp1:
0x14: {  	_ = 	snop;
	(pc) =	sbr.rel @!p0 .LBB2_148-.Ltmp1, $3  }
0x15: {  	_ =	sdelay $0x1  }
0x16: {  	[sflag:s29] =	ssyncset.done $0x0  }
0x17: {  	[sflag:s29] =	ssyncadd.s32 $0xFFFFE800  }
.LBB2_1:
0x18: {  	v5 =	vsub.s32 v2, v0  }
0x19: {  	v5 =	vshrl.u32 v5, $0x1  }
0x1a: {  	v5 =	vadd.s32 v0, v5  }
0x1b: {  	vm0 =	vlt.s32 v5, $0x30D3FF  }
0x1c: {  	v6 =	vnsel vm0, $0x30D3FF, v5  }
0x1d: {  	[tilespmem:$0x10280] =	vst v6  }
0x1e: {  	[tilespmem:s11], [sflag:$0x1] =	stream.indirect.gather [hbm4b:s2+s9], $0x1, s10, s9, $0xb8;
	[tilespmem:$0x10400] =	vst v63  }
0x1f: {  	_ =	swait.ge [sflag:s12], $0x10  }
0x20: {  	[sflag:s12] =	ssyncset.done $0x0  }
0x21: {  	[sflag:s12] =	ssyncadd.s32 $0xFFFFFFF0  }
0x22: {  	v6 =	vld [tilespmem:$0x10300];
	_ =	sdelay $0x4  }
0x23: {  	vm0 =	vgt.s32 v2, v0;
	vm1 =	vgt.s32 v6, v1;
	vm2 =	vlt.s32 v6, v3  }
0x24: {  	s0 =	simm.s32 $0x10;
	v7 =	vmovc v2;
	v8 =	vadd.s32 $0x1, v5;
	v6 =	vmovc v0;
	vm1 =	vmand vm0, vm1;
	vm0 =	vmand vm0, vm2  }
.LBB2_2:
0x25: {  	p0 =	sne.s32 s0, $0x1;
	s0 =	sadd.s32 $0xFFFFFFFF, s0;
	v7 =	vsel vm1, v5, v7;
	v6 =	vsel vm0, v8, v6  }
0x26: {  	v5 =	vsub.s32 v7, v6  }
0x27: {  	v5 =	vshrl.u32 v5, $0x1  }
0x28: {  	v5 =	vadd.s32 v6, v5  }
0x29: {  	vm0 =	vlt.s32 v5, $0x30D3FF  }
0x2a: {  	v8 =	vnsel vm0, $0x30D3FF, v5  }
0x2b: {  	[tilespmem:$0x10280] =	vst v8  }
0x2c: {  	[tilespmem:s11], [sflag:$0x1] =	stream.indirect.gather [hbm4b:s2+s9], $0x1, s10, s9, $0xb8;
	[tilespmem:$0x10400] =	vst v63  }
0x2d: {  	_ =	swait.ge [sflag:s12], $0x10  }
0x2e: {  	[sflag:s12] =	ssyncset.done $0x0  }
0x2f: {  	[sflag:s12] =	ssyncadd.s32 $0xFFFFFFF0  }
0x30: {  	v8 =	vld [tilespmem:$0x10300];
	_ =	sdelay $0x1  }
.Ltmp2:
0x31: {  	(pc) =	sbr.rel @p0 .LBB2_2-.Ltmp2, $3  }
0x32: {  	_ =	sdelay $0x1  }
0x33: {  	vm0 =	vgt.s32 v7, v6;
	vm1 =	vgt.s32 v8, v1;
	vm2 =	vlt.s32 v8, v3  }
0x34: {  	v8 =	vadd.s32 $0x1, v5;
	vm1 =	vmand vm0, vm1;
	vm0 =	vmand vm0, vm2  }
0x35: {  	[tilespmem:$0x10390] =	vst v2  }
0x36: {  	[tilespmem:$0xEA80] =	vst v4  }
0x37: {  	[tilespmem:$0xEB00] =	vst v4  }
0x38: {  	[tilespmem:$0xEB80] =	vst v4  }
0x39: {  	[tilespmem:$0xEC00] =	vst v4  }
0x3a: {  	[tilespmem:$0xEC80] =	vst v4  }
0x3b: {  	[tilespmem:$0xED00] =	vst v4  }
0x3c: {  	[tilespmem:$0xED80] =	vst v4  }
0x3d: {  	[tilespmem:$0xEE00] =	vst v4  }
0x3e: {  	[tilespmem:$0xEE80] =	vst v4  }
0x3f: {  	v5 =	vsel vm0, v8, v6;
	[tilespmem:$0xEF00] =	vst v4  }
0x40: {  	[tilespmem:$0x10380] =	vst v5  }
0x41: {  	[tilespmem:$0xEF80] =	vst v4;
	v6 =	vld [tilespmem:$0x10381]  }
0x42: {  	[tilespmem:$0xF000] =	vst v4;
	v7 =	vld [tilespmem:$0x10382]  }
0x43: {  	[tilespmem:$0xF080] =	vst v4;
	(v2sf) =	vpush v5, $0x0;
	v59 =	vld [tilespmem:$0x10383]  }
0x44: {  	[tilespmem:$0xF100] =	vst v4;
	v9 =	vld [tilespmem:$0x10384]  }
0x45: {  	[tilespmem:$0xF180] =	vst v4;
	v5 =	vld [tilespmem:$0x10385]  }
0x46: {  	[tilespmem:$0xF200] =	vst v4;
	(v2sf) =	vpush v6, $0x0;
	v6 =	vld [tilespmem:$0x10386]  }
0x47: {  	[tilespmem:$0xF280] =	vst v4;
	(v2sf) =	vpush v7, $0x0;
	v7 =	vld [tilespmem:$0x10387]  }
0x48: {  	[tilespmem:$0xF300] =	vst v4;
	v60 =	vld [tilespmem:$0x10388];
	(v2sf) =	vpush v59, $0x0  }
0x49: {  	[tilespmem:$0xF380] =	vst v4;
	v61 =	vld [tilespmem:$0x10389];
	(v2sf) =	vpush v9, $0x0  }
0x4a: {  	[tilespmem:$0xF400] =	vst v4;
	(v2sf) =	vpush v5, $0x0;
	v5 =	vld [tilespmem:$0x1038A]  }
0x4b: {  	[tilespmem:$0xF480] =	vst v4;
	(v2sf) =	vpush v6, $0x0;
	v6 =	vld [tilespmem:$0x1038B]  }
0x4c: {  	[tilespmem:$0xF500] =	vst v4;
	(v2sf) =	vpush v7, $0x0;
	v7 =	vld [tilespmem:$0x1038C]  }
0x4d: {  	[tilespmem:$0xF580] =	vst v4;
	v62 =	vld [tilespmem:$0x1038D];
	(v2sf) =	vpush v60, $0x0  }
0x4e: {  	[tilespmem:$0xF600] =	vst v4;
	v63 =	vld [tilespmem:$0x1038E];
	(v2sf) =	vpush v61, $0x0  }
0x4f: {  	[tilespmem:$0xF680] =	vst v4;
	(v2sf) =	vpush v5, $0x0;
	v5 =	vld [tilespmem:$0x1038F]  }
0x50: {  	[tilespmem:$0xF700] =	vst v4;
	(v2sf) =	vpush v6, $0x0  }
0x51: {  	[tilespmem:$0xF780] =	vst v4;
	(v2sf) =	vpush v7, $0x0  }
0x52: {  	[tilespmem:$0xF800] =	vst v4;
	s0 =	spop (v2sf);
	(v2sf) =	vpush v62, $0x0  }
0x53: {  	[tilespmem:$0xF880] =	vst v4;
	s5 =	smul.u32 $0x3, s0;
	(v2sf) =	vpush v63, $0x0  }
0x54: {  	[dreg:$0x8] =	wrdreg s3;
	[tilespmem:$0xF900] =	vst v4;
	(v2sf) =	vpush v5, $0x0  }
0x55: {  	[tilespmem:$0xF980] =	vst v4;
	[dreg:$0x9] =	wrdreg s5;
	s1 =	spop (v2sf)  }
0x56: {  	[tilespmem:$0xFA00] =	vst v4;
	s23 =	spop (v2sf);
	s1 =	smul.u32 $0x3, s1  }
0x57: {  	[tilespmem:$0xFA80] =	vst v4;
	s24 =	spop (v2sf);
	s0 =	smul.u32 $0x3, s23  }
0x58: {  	[tilespmem:$0xFB00] =	vst v4;
	[dreg:$0xa] =	wrdreg s1;
	s25 =	spop (v2sf)  }
0x59: {  	[tilespmem:$0xFB80] =	vst v4;
	s19 =	smul.u32 $0x3, s24;
	s26 =	spop (v2sf)  }
0x5a: {  	[tilespmem:$0xFC00] =	vst v4;
	s20 =	smul.u32 $0x3, s25;
	s3 =	spop (v2sf)  }
0x5b: {  	[tilespmem:$0xFC80] =	vst v4;
	s21 =	smul.u32 $0x3, s26;
	s4 =	spop (v2sf)  }
0x5c: {  	[tilespmem:$0xFD00] =	vst v4;
	s22 =	smul.u32 $0x3, s3;
	s6 =	spop (v2sf)  }
0x5d: {  	[tilespmem:$0xFD80] =	vst v4;
	s23 =	smul.u32 $0x3, s4;
	s7 =	spop (v2sf)  }
0x5e: {  	[tilespmem:$0xFE00] =	vst v4;
	s24 =	smul.u32 $0x3, s6;
	s8 =	spop (v2sf)  }
0x5f: {  	[tilespmem:$0xFE80] =	vst v4;
	s25 =	smul.u32 $0x3, s7;
	s13 =	spop (v2sf)  }
0x60: {  	[tilespmem:$0xFF00] =	vst v4;
	s26 =	smul.u32 $0x3, s8;
	s14 =	spop (v2sf)  }
0x61: {  	[tilespmem:$0xFF80] =	vst v4;
	s28 =	smul.u32 $0x3, s13;
	s15 =	spop (v2sf)  }
.Ltmp3:
0x62: {  	[tilespmem:$0x10000] =	vst v4;
	s16 =	spop (v2sf);
	(pc) =	sbr.rel .LBB2_4-.Ltmp3, $4  }
0x63: {  	[tilespmem:$0x10080] =	vst v4;
	s29 =	smul.u32 $0x3, s14;
	s17 =	spop (v2sf)  }
0x64: {  	[tilespmem:$0x10100] =	vst v4;
	[dreg:$0xb] =	wrdreg s0;
	s18 =	smul.u32 $0x3, s17  }
0x65: {  	[tilespmem:$0x10180] =	vst v4;
	s8 =	rddreg [dreg:$0x7];
	s30 =	smul.u32 $0x3, s15  }
0x66: {  	[tilespmem:$0x10200] =	vst v4;
	s0 =	simm.s32 $0x0;
	s31 =	smul.u32 $0x3, s16;
	[dreg:$0xc] =	wrdreg s18  }
.LBB2_140:
0x67: {  	v8 =	vimm.f32 $-Inf;
	v10 =	vimm.f32 $-Inf;
	v13 =	vimm.f32 $-Inf  }
.LBB2_144:
0x68: {  	v6 =	vsel @p0 vm0, v12, v13  }
0x69: {  	v7 =	vpsel p0, v6, v5  }
0x6a: {  	vm15 =	vmmov vm1;
	v5 =	vmax.f32 v10, v9;
	v63 =	vmax.f32 v7, v11  }
0x6b: {  	v6 =	vsel vm3, v14, v8;
	v5 =	vsel vm2, v5, v10;
	v7 =	vsel vm15, v63, v7  }
.LBB2_145:
0x6c: {  	v8 =	vld [tilespmem:$0x10100]  }
0x6d: {  	v10 =	vld [tilespmem:$0x10200]  }
0x6e: {  	v9 =	vld [tilespmem:$0x10180];
	_ =	sdelay $0x2  }
0x6f: {  	v6 =	vmax.f32 v8, v6  }
0x70: {  	v5 =	vmax.f32 v10, v5;
	[tilespmem:$0x10100] =	vst v6  }
0x71: {  	v6 =	vmax.f32 v9, v7;
	[tilespmem:$0x10200] =	vst v5  }
0x72: {  	[tilespmem:$0x10180] =	vst v6  }
.LBB2_146:
0x73: {  	s0 =	sadd.s32 $0x1, s0  }
0x74: {  	p0 =	sne.s32 s0, $0x5  }
.Ltmp4:
0x75: {  	_ = 	snop;
	(pc) =	sbr.rel @!p0 .LBB2_147-.Ltmp4, $2  }
0x76: {  	_ =	sdelay $0x2  }
0x77: {  	s8 =	sadd.s32 $0xEA60, s8;
	s5 =	rddreg [dreg:$0x9]  }
.LBB2_4:
0x78: {  	s3 =	smul.u32 $0xEA60, s0  }
0x79: {  	s1 =	rddreg [dreg:$0x4]  }
0x7a: {  	s16 =	rddreg [dreg:$0x3];
	s3 =	sadd.s32 s1, s3  }
0x7b: {  	s17 =	simm.s32 $0x0;
	s4 =	sshrl.u32 s3, $0x3;
	p0 =	sle.s32 s5, s3  }
.Ltmp5:
0x7c: {  	s18 =	simm.s32 $0x2;
	s4 =	sadd.s32 s16, s4;
	(pc) =	sbr.rel @p0 .LBB2_11-.Ltmp5, $4  }
0x7d: {  	[tilespmem:s17], [sflag:$0x2] =	stream.linear.gather [hbm4b:s4+s17], $0xEA60, $0x38;
	[tilespmem:$0x10400] =	vst v63  }
0x7e: {  	_ =	swait.ge [sflag:s18], $0xEA60  }
0x7f: {  	[sflag:s18] =	ssyncset.done $0x0  }
0x80: {  	s15 =	sadd.s32 $0xEA60, s3;
	[sflag:s18] =	ssyncadd.s32 $0xFFFF15A0  }
0x81: {  	p0 =	slt.s32 s5, s15;
	s4 =	smov.u32 s15  }
0x82: {  	s4 =	smov.u32 @p0 s5  }
0x83: {  	s5 =	ssub.s32 s4, s3  }
0x84: {  	s6 =	sadd.s32 $0x2F, s5  }
0x85: {  	s7 =	smulhi.u32 $0x2AAAAAAB, s6;
	s14 =	sshra.s32 s6, $0x1F  }
0x86: {  	s14 =	smul.u32 $0x2AAAAAAB, s14;
	_ =	sdelay $0x1  }
0x87: {  	s7 =	sadd.s32 s14, s7  }
0x88: {  	s14 =	sshrl.u32 s7, $0x1F;
	s7 =	sshra.s32 s7, $0x3  }
0x89: {  	s7 =	sadd.s32 s14, s7  }
0x8a: {  	s14 =	smul.u32 $0xFFFFFFD0, s7  }
0x8b: {  	s5 =	ssub.s32 $0xFFFFFFD1, s5  }
0x8c: {  	p6 =	slt.s32 s6, $0x1;
	p1 =	sne.s32 s14, s5  }
0x8d: {  	p0 =	por !p6, !p1  }
0x8e: {  	s5 =	simm.s32 $0x1;
	p0 =	por !p0, !p0  }
0x8f: {  	s5 =	simm.s32 @!p0 $0x0  }
0x90: {  	s14 =	ssub.s32 s7, s5  }
0x91: {  	p0 =	slt.s32 s14, $0x1  }
.Ltmp6:
0x92: {  	_ = 	snop;
	(pc) =	sbr.rel @p0 .LBB2_6-.Ltmp6, $1  }
0x93: {  	_ =	sdelay $0x3  }
0x94: {  	p0 =	sne.s32 s14, $0x1  }
.Ltmp7:
0x95: {  	_ = 	snop;
	(pc) =	sbr.rel @!p0 .LBB2_9-.Ltmp7, $4  }
0x96: {  	s6 =	simm.s32 $0x10  }
0x97: {  	v6 =	vld [tilespmem:s6+$0xFFFFFFF0]  }
0x98: {  	v8 =	vmov s3;
	v9 =	vmov s4;
	v5 =	vimm.f32 $-Inf;
	s7 =	sadd.s32 $0x30, s8;
	v7 =	vld [tilespmem:s6+$0x0]  }
0x99: {  	v13 =	vor.u32 s8, v1;
	s5 =	sadd.s32 $0x10, s8;
	s4 =	sadd.s32 $0xFFFFFFFF, s14;
	s14 =	smov.u32 s8;
	v10 =	vimm.f32 $-Inf;
	v11 =	vimm.f32 $-Inf;
	v12 =	vld [tilespmem:s6+$0x10]  }
.LBB2_8:
0x9a: {  	v17 =	vor.u32 s7, v1;
	vm0 =	vge.s32 v13, v8;
	v15 =	vor.u32 s5, v1;
	s5 =	sadd.s32 $0x20, s14;
	s14 =	smov.u32 s7;
	p0 =	sne.s32 s4, $0x1  }
.Ltmp8:
0x9b: {  	vm1 =	vlt.s32 v13, v9;
	vm2 =	vge.s32 v15, v8;
	v16 =	vor.u32 s5, v1;
	v13 =	vmovc v17;
	(pc) =	sbr.rel @p0 .LBB2_8-.Ltmp8, $4  }
0x9c: {  	s6 =	sadd.s32 $0x30, s6;
	vm3 =	vlt.s32 v15, v9;
	vm4 =	vge.s32 v16, v8;
	vm5 =	vlt.s32 v16, v9;
	v14 =	vmovc v6  }
0x9d: {  	vm0 =	vmand vm0, vm1;
	vm1 =	vmand vm2, vm3;
	v6 =	vld [tilespmem:s6+$0xFFFFFFF0];
	vm2 =	vmand vm4, vm5  }
0x9e: {  	s7 =	sadd.s32 $0x30, s7;
	v14 =	vmax.f32 v5, v14;
	v15 =	vmax.f32 v10, v7;
	v7 =	vld [tilespmem:s6+$0x0];
	v16 =	vmax.f32 v11, v12  }
0x9f: {  	s4 =	sadd.s32 $0xFFFFFFFF, s4;
	s5 =	sadd.s32 $0x10, s14;
	v5 =	vsel vm0, v14, v5;
	v10 =	vsel vm1, v15, v10;
	v12 =	vld [tilespmem:s6+$0x10];
	v11 =	vsel vm2, v16, v11  }
.LBB2_9:
0xa0: {  	vm0 =	vge.s32 v13, v8;
	v14 =	vor.u32 s5, v1;
	s4 =	sadd.s32 $0x20, s14  }
.Ltmp9:
0xa1: {  	vm1 =	vlt.s32 v13, v9;
	vm2 =	vge.s32 v14, v8;
	v63 =	vor.u32 s4, v1;
	(pc) =	sbr.rel .LBB2_10-.Ltmp9, $4  }
0xa2: {  	vm3 =	vlt.s32 v14, v9;
	vm0 =	vmand vm0, vm1;
	vm4 =	vge.s32 v63, v8  }
0xa3: {  	vm5 =	vlt.s32 v63, v9;
	vm14 =	vmand vm2, vm3;
	v6 =	vmax.f32 v5, v6  }
0xa4: {  	vm15 =	vmand vm4, vm5;
	v7 =	vmax.f32 v10, v7;
	v8 =	vmax.f32 v11, v12  }
0xa5: {  	v5 =	vsel vm0, v6, v5;
	v6 =	vsel vm14, v7, v10;
	v7 =	vsel vm15, v8, v11  }
.LBB2_6:
0xa6: {  	v5 =	vimm.f32 $-Inf;
	v6 =	vimm.f32 $-Inf;
	v7 =	vimm.f32 $-Inf  }
.LBB2_10:
0xa7: {  	v8 =	vld [tilespmem:$0xEA80]  }
0xa8: {  	v9 =	vld [tilespmem:$0xEB00]  }
0xa9: {  	v10 =	vld [tilespmem:$0xEB80];
	_ =	sdelay $0x2  }
0xaa: {  	v5 =	vmax.f32 v8, v5  }
0xab: {  	[tilespmem:$0xEA80] =	vst v5;
	v5 =	vmax.f32 v9, v6  }
0xac: {  	[tilespmem:$0xEB00] =	vst v5;
	v5 =	vmax.f32 v10, v7  }
0xad: {  	s5 =	rddreg [dreg:$0x9];
	[tilespmem:$0xEB80] =	vst v5  }
.LBB2_11:
0xae: {  	p0 =	sgt.s32 s5, s3;
	s1 =	rddreg [dreg:$0xa]  }
0xaf: {  	s7 =	smov.u32 s3;
	s6 =	smov.u32 s15;
	p1 =	slt.s32 s1, s15  }
0xb0: {  	s7 =	smov.u32 @p0 s5;
	s6 =	smov.u32 @p1 s1  }
0xb1: {  	p1 =	sge.s32 s7, s6  }
.Ltmp10:
0xb2: {  	_ = 	snop;
	(pc) =	sbr.rel @p1 .LBB2_20-.Ltmp10, $1  }
0xb3: {  	_ =	sdelay $0x3  }
0xb4: {  	s4 =	ssub.s32 s7, s3  }
0xb5: {  	s13 =	ssub.s32 s6, s3;
	s5 =	smulhi.u32 $0x2AAAAAAB, s4;
	s14 =	sshra.s32 s4, $0x1F  }
0xb6: {  	s16 =	sadd.s32 $0x2F, s13;
	s1 =	smul.u32 $0x2AAAAAAB, s14  }
0xb7: {  	s17 =	smulhi.u32 $0x2AAAAAAB, s16;
	s18 =	sshra.s32 s16, $0x1F  }
0xb8: {  	s1 =	sadd.s32 s1, s5;
	s5 =	smul.u32 $0x2AAAAAAB, s18  }
0xb9: {  	s18 =	sshrl.u32 s1, $0x1F;
	s1 =	sshra.s32 s1, $0x3  }
0xba: {  	s1 =	sadd.s32 s18, s1;
	s5 =	sadd.s32 s5, s17  }
0xbb: {  	s17 =	simm.s32 $0x1;
	s18 =	sshrl.u32 s5, $0x1F;
	s5 =	sshra.s32 s5, $0x3  }
0xbc: {  	s17 =	simm.s32 @!p0 $0x0;
	s5 =	sadd.s32 s18, s5;
	s18 =	smul.u32 $0xFFFFFFD0, s1  }
0xbd: {  	s4 =	ssub.s32 $0x0, s4;
	s14 =	sor.u32 s17, s14;
	s17 =	smul.u32 $0xFFFFFFD0, s5  }
0xbe: {  	p5 =	sne.s32 s18, s4;
	s18 =	ssub.s32 $0xFFFFFFD1, s13  }
0xbf: {  	p6 =	slt.s32 s16, $0x1;
	p1 =	sne.s32 s14, $0x1;
	p2 =	sne.s32 s17, s18  }
0xc0: {  	s4 =	simm.s32 $0x1;
	p0 =	por !p5, !p1;
	p1 =	por !p6, !p2  }
0xc1: {  	s13 =	simm.s32 $0x1;
	p0 =	por !p0, !p0;
	p1 =	por !p1, !p1  }
0xc2: {  	s4 =	simm.s32 @!p0 $0x0;
	s13 =	simm.s32 @!p1 $0x0  }
0xc3: {  	s4 =	ssub.s32 s1, s4;
	s14 =	ssub.s32 s5, s13  }
0xc4: {  	p0 =	sge.s32 s4, s14  }
.Ltmp11:
0xc5: {  	_ = 	snop;
	(pc) =	sbr.rel @p0 .LBB2_19-.Ltmp11, $2  }
0xc6: {  	_ =	sdelay $0x2  }
0xc7: {  	v6 =	vimm.f32 $-Inf;
	v7 =	vimm.f32 $-Inf;
	v5 =	vimm.f32 $-Inf  }
0xc8: {  	s1 =	smul.u32 $0xC0, s4;
	_ =	sdelay $0x1  }
0xc9: {  	s5 =	smul.u32 $0x30, s4;
	s1 =	sshra.s32 s1, $0x2  }
0xca: {  	s4 =	sadd.s32 $0x1, s4;
	s1 =	sadd.s32 $0x10, s1  }
0xcb: {  	v6 =	vmov s7;
	p1 =	slt.s32 s4, s14;
	s17 =	sadd.s32 s5, s8;
	v8 =	vld [tilespmem:s1+$0xFFFFFFF0]  }
.Ltmp12:
0xcc: {  	v7 =	vmov s6;
	v5 =	vimm.f32 $-Inf;
	v10 =	vor.u32 s17, v1;
	s18 =	sadd.s32 $0x10, s17;
	s7 =	sadd.s32 $0x20, s17;
	(pc) =	sbr.rel @!p1 .LBB2_14-.Ltmp12, $4  }
0xcd: {  	vm0 =	vlt.s32 v10, v7;
	v9 =	vor.u32 s18, v1;
	v11 =	vor.u32 s7, v1  }
0xce: {  	vm3 =	vge.s32 v10, v6;
	vm1 =	vge.s32 v9, v6;
	vm2 =	vlt.s32 v9, v7  }
0xcf: {  	vm4 =	vge.s32 v11, v6;
	v9 =	vld [tilespmem:s1+$0x10];
	vm1 =	vmand vm1, vm2;
	vm2 =	vlt.s32 v11, v7  }
0xd0: {  	p0 =	por $0x0, $0x0;
	s7 =	sadd.s32 $0x30, s5;
	s5 =	sadd.s32 $0x30, s1;
	vm3 =	vmand vm3, vm0;
	v11 =	vld [tilespmem:s1+$0x0];
	vm2 =	vmand vm4, vm2;
	v14 =	vmax.f32 v5, v8  }
0xd1: {  	_ =	sdelay $0x1  }
0xd2: {  	s1 =	sadd.s32 s7, s8  }
0xd3: {  	s6 =	sadd.s32 $0x10, s1;
	v9 =	vmax.f32 v5, v9  }
0xd4: {  	v13 =	vld [tilespmem:s5+$0xFFFFFFF0];
	v10 =	vsel vm2, v9, v5;
	v9 =	vor.u32 s6, v1;
	s6 =	sadd.s32 $0x1, s4  }
0xd5: {  	v8 =	vsel vm3, v14, v5;
	p1 =	slt.s32 s6, s14  }
.Ltmp13:
0xd6: {  	vm0 =	vmmov vm1;
	v14 =	vor.u32 s1, v1;
	s1 =	sadd.s32 $0x20, s1;
	v12 =	vmax.f32 v5, v11;
	(pc) =	sbr.rel @!p1 .LBB2_16-.Ltmp13, $4  }
0xd7: {  	v11 =	vor.u32 s1, v1;
	vm1 =	vge.s32 v9, v6;
	vm3 =	vlt.s32 v9, v7;
	v9 =	vld [tilespmem:s5+$0x10]  }
0xd8: {  	vm5 =	vge.s32 v14, v6;
	vm4 =	vge.s32 v11, v6;
	vm6 =	vlt.s32 v11, v7;
	v11 =	vld [tilespmem:s5+$0x0]  }
0xd9: {  	vm2 =	vlt.s32 v14, v7;
	v14 =	vmax.f32 v8, v13;
	v13 =	vimm.f32 $-Inf  }
0xda: {  	p0 =	por $0x1, $0x1;
	s4 =	sadd.s32 $0x30, s7;
	s7 =	sadd.s32 $0x30, s5;
	vm1 =	vmand vm1, vm3;
	vm3 =	vmand vm5, vm2;
	vm2 =	vmand vm4, vm6  }
.LBB2_17:
0xdb: {  	s6 =	sadd.s32 $0x1, s6;
	v8 =	vsel vm3, v14, v8  }
0xdc: {  	s1 =	sadd.s32 s4, s8;
	v15 =	vld [tilespmem:s7+$0xFFFFFFF0];
	v14 =	vmax.f32 v10, v9;
	v13 =	vsel vm0, v12, v13;
	vm0 =	vmmov vm1;
	p1 =	slt.s32 s6, s14  }
.Ltmp14:
0xdd: {  	v16 =	vor.u32 s1, v1;
	s5 =	sadd.s32 $0x10, s1;
	v9 =	vld [tilespmem:s7+$0x10];
	s1 =	sadd.s32 $0x20, s1;
	v12 =	vmax.f32 v13, v11;
	v10 =	vsel vm2, v14, v10;
	(pc) =	sbr.rel @p1 .LBB2_17-.Ltmp14, $4  }
0xde: {  	vm2 =	vlt.s32 v16, v7;
	v11 =	vld [tilespmem:s7+$0x0];
	v14 =	vor.u32 s5, v1;
	v17 =	vor.u32 s1, v1  }
0xdf: {  	vm1 =	vge.s32 v14, v6;
	vm3 =	vlt.s32 v14, v7;
	vm4 =	vge.s32 v17, v6  }
0xe0: {  	vm5 =	vge.s32 v16, v6;
	vm6 =	vlt.s32 v17, v7;
	vm1 =	vmand vm1, vm3  }
0xe1: {  	s4 =	sadd.s32 $0x30, s4;
	s7 =	sadd.s32 $0x30, s7;
	vm3 =	vmand vm5, vm2;
	vm2 =	vmand vm4, vm6;
	v14 =	vmax.f32 v8, v15  }
.LBB2_18:
0xe2: {  	v6 =	vsel @p0 vm0, v12, v13  }
0xe3: {  	v7 =	vpsel p0, v6, v5  }
0xe4: {  	vm15 =	vmmov vm1;
	v5 =	vmax.f32 v10, v9;
	v63 =	vmax.f32 v7, v11  }
0xe5: {  	v6 =	vsel vm3, v14, v8;
	v5 =	vsel vm2, v5, v10;
	v7 =	vsel vm15, v63, v7  }
.LBB2_19:
0xe6: {  	v8 =	vld [tilespmem:$0xEC00]  }
0xe7: {  	v10 =	vld [tilespmem:$0xED00]  }
0xe8: {  	v9 =	vld [tilespmem:$0xEC80];
	_ =	sdelay $0x2  }
0xe9: {  	v6 =	vmax.f32 v8, v6  }
0xea: {  	v5 =	vmax.f32 v10, v5;
	[tilespmem:$0xEC00] =	vst v6  }
0xeb: {  	v6 =	vmax.f32 v9, v7;
	[tilespmem:$0xED00] =	vst v5  }
0xec: {  	[tilespmem:$0xEC80] =	vst v6  }
.LBB2_20:
0xed: {  	s1 =	rddreg [dreg:$0xa]  }
0xee: {  	s7 =	smov.u32 s3;
	s4 =	rddreg [dreg:$0xb]  }
0xef: {  	s6 =	smov.u32 s15;
	p0 =	sgt.s32 s1, s3;
	p1 =	slt.s32 s4, s15  }
0xf0: {  	s7 =	smov.u32 @p0 s1;
	s6 =	smov.u32 @p1 s4  }
0xf1: {  	p0 =	sge.s32 s7, s6  }
.Ltmp15:
0xf2: {  	_ = 	snop;
	(pc) =	sbr.rel @p0 .LBB2_29-.Ltmp15, $1  }
0xf3: {  	_ =	sdelay $0x3  }
0xf4: {  	s1 =	ssub.s32 s7, s3  }
0xf5: {  	s4 =	smulhi.u32 $0x2AAAAAAB, s1;
	s5 =	sshra.s32 s1, $0x1F  }
0xf6: {  	s13 =	ssub.s32 s6, s3;
	s14 =	smul.u32 $0x2AAAAAAB, s5  }
0xf7: {  	s16 =	sadd.s32 $0x2F, s13  }
0xf8: {  	s17 =	smulhi.u32 $0x2AAAAAAB, s16;
	s18 =	sshra.s32 s16, $0x1F;
	s4 =	sadd.s32 s14, s4  }
0xf9: {  	s14 =	smul.u32 $0x2AAAAAAB, s18;
	s18 =	sshrl.u32 s4, $0x1F;
	s4 =	sshra.s32 s4, $0x3  }
0xfa: {  	s4 =	sadd.s32 s18, s4  }
0xfb: {  	s18 =	rddreg [dreg:$0xa];
	s14 =	sadd.s32 s14, s17;
	s17 =	simm.s32 $0x1  }
0xfc: {  	p0 =	slt.s32 s3, s18;
	s18 =	sshrl.u32 s14, $0x1F;
	s14 =	sshra.s32 s14, $0x3  }
0xfd: {  	s17 =	simm.s32 @!p0 $0x0;
	s14 =	sadd.s32 s18, s14;
	s18 =	smul.u32 $0xFFFFFFD0, s4  }
0xfe: {  	s1 =	ssub.s32 $0x0, s1;
	s5 =	sor.u32 s17, s5;
	s17 =	smul.u32 $0xFFFFFFD0, s14  }
0xff: {  	p5 =	sne.s32 s18, s1;
	s18 =	ssub.s32 $0xFFFFFFD1, s13  }
0x100: {  	p6 =	slt.s32 s16, $0x1;
	p1 =	sne.s32 s5, $0x1;
	p2 =	sne.s32 s17, s18  }
0x101: {  	s1 =	simm.s32 $0x1;
	p0 =	por !p5, !p1;
	p1 =	por !p6, !p2  }
0x102: {  	s5 =	simm.s32 $0x1;
	p0 =	por !p0, !p0;
	p1 =	por !p1, !p1  }
0x103: {  	s1 =	simm.s32 @!p0 $0x0;
	s5 =	simm.s32 @!p1 $0x0  }
0x104: {  	s4 =	ssub.s32 s4, s1;
	s14 =	ssub.s32 s14, s5  }
0x105: {  	p0 =	sge.s32 s4, s14  }
.Ltmp16:
0x106: {  	_ = 	snop;
	(pc) =	sbr.rel @p0 .LBB2_28-.Ltmp16, $2  }
0x107: {  	_ =	sdelay $0x2  }
0x108: {  	v6 =	vimm.f32 $-Inf;
	v7 =	vimm.f32 $-Inf;
	v5 =	vimm.f32 $-Inf  }
0x109: {  	s1 =	smul.u32 $0xC0, s4;
	_ =	sdelay $0x1  }
0x10a: {  	s5 =	smul.u32 $0x30, s4;
	s1 =	sshra.s32 s1, $0x2  }
0x10b: {  	s4 =	sadd.s32 $0x1, s4;
	s1 =	sadd.s32 $0x10, s1  }
0x10c: {  	v6 =	vmov s7;
	p1 =	slt.s32 s4, s14;
	s17 =	sadd.s32 s5, s8;
	v8 =	vld [tilespmem:s1+$0xFFFFFFF0]  }
.Ltmp17:
0x10d: {  	v7 =	vmov s6;
	v5 =	vimm.f32 $-Inf;
	v10 =	vor.u32 s17, v1;
	s18 =	sadd.s32 $0x10, s17;
	s7 =	sadd.s32 $0x20, s17;
	(pc) =	sbr.rel @!p1 .LBB2_23-.Ltmp17, $4  }
0x10e: {  	vm0 =	vlt.s32 v10, v7;
	v9 =	vor.u32 s18, v1;
	v11 =	vor.u32 s7, v1  }
0x10f: {  	vm3 =	vge.s32 v10, v6;
	vm1 =	vge.s32 v9, v6;
	vm2 =	vlt.s32 v9, v7  }
0x110: {  	vm4 =	vge.s32 v11, v6;
	v9 =	vld [tilespmem:s1+$0x10];
	vm1 =	vmand vm1, vm2;
	vm2 =	vlt.s32 v11, v7  }
0x111: {  	p0 =	por $0x0, $0x0;
	s5 =	sadd.s32 $0x30, s5;
	s7 =	sadd.s32 $0x30, s1;
	vm3 =	vmand vm3, vm0;
	v11 =	vld [tilespmem:s1+$0x0];
	vm2 =	vmand vm4, vm2;
	v14 =	vmax.f32 v5, v8  }
0x112: {  	_ =	sdelay $0x1  }
0x113: {  	s1 =	sadd.s32 s5, s8  }
0x114: {  	s6 =	sadd.s32 $0x10, s1;
	v9 =	vmax.f32 v5, v9  }
0x115: {  	v13 =	vld [tilespmem:s7+$0xFFFFFFF0];
	v10 =	vsel vm2, v9, v5;
	v9 =	vor.u32 s6, v1;
	s6 =	sadd.s32 $0x1, s4  }
0x116: {  	v8 =	vsel vm3, v14, v5;
	p1 =	slt.s32 s6, s14  }
.Ltmp18:
0x117: {  	vm0 =	vmmov vm1;
	v14 =	vor.u32 s1, v1;
	s1 =	sadd.s32 $0x20, s1;
	v12 =	vmax.f32 v5, v11;
	(pc) =	sbr.rel @!p1 .LBB2_25-.Ltmp18, $4  }
0x118: {  	v11 =	vor.u32 s1, v1;
	vm1 =	vge.s32 v9, v6;
	vm3 =	vlt.s32 v9, v7;
	v9 =	vld [tilespmem:s7+$0x10]  }
0x119: {  	vm5 =	vge.s32 v14, v6;
	vm4 =	vge.s32 v11, v6;
	vm6 =	vlt.s32 v11, v7;
	v11 =	vld [tilespmem:s7+$0x0]  }
0x11a: {  	vm2 =	vlt.s32 v14, v7;
	v14 =	vmax.f32 v8, v13;
	v13 =	vimm.f32 $-Inf  }
0x11b: {  	p0 =	por $0x1, $0x1;
	s4 =	sadd.s32 $0x30, s5;
	s7 =	sadd.s32 $0x30, s7;
	vm1 =	vmand vm1, vm3;
	vm3 =	vmand vm5, vm2;
	vm2 =	vmand vm4, vm6  }
.LBB2_26:
0x11c: {  	s6 =	sadd.s32 $0x1, s6;
	v8 =	vsel vm3, v14, v8  }
0x11d: {  	s1 =	sadd.s32 s4, s8;
	v15 =	vld [tilespmem:s7+$0xFFFFFFF0];
	v14 =	vmax.f32 v10, v9;
	v13 =	vsel vm0, v12, v13;
	vm0 =	vmmov vm1;
	p1 =	slt.s32 s6, s14  }
.Ltmp19:
0x11e: {  	v16 =	vor.u32 s1, v1;
	s5 =	sadd.s32 $0x10, s1;
	v9 =	vld [tilespmem:s7+$0x10];
	s1 =	sadd.s32 $0x20, s1;
	v12 =	vmax.f32 v13, v11;
	v10 =	vsel vm2, v14, v10;
	(pc) =	sbr.rel @p1 .LBB2_26-.Ltmp19, $4  }
0x11f: {  	vm2 =	vlt.s32 v16, v7;
	v11 =	vld [tilespmem:s7+$0x0];
	v14 =	vor.u32 s5, v1;
	v17 =	vor.u32 s1, v1  }
0x120: {  	vm1 =	vge.s32 v14, v6;
	vm3 =	vlt.s32 v14, v7;
	vm4 =	vge.s32 v17, v6  }
0x121: {  	vm5 =	vge.s32 v16, v6;
	vm6 =	vlt.s32 v17, v7;
	vm1 =	vmand vm1, vm3  }
0x122: {  	s4 =	sadd.s32 $0x30, s4;
	s7 =	sadd.s32 $0x30, s7;
	vm3 =	vmand vm5, vm2;
	vm2 =	vmand vm4, vm6;
	v14 =	vmax.f32 v8, v15  }
.LBB2_27:
0x123: {  	v6 =	vsel @p0 vm0, v12, v13  }
0x124: {  	v7 =	vpsel p0, v6, v5  }
0x125: {  	vm15 =	vmmov vm1;
	v5 =	vmax.f32 v10, v9;
	v63 =	vmax.f32 v7, v11  }
0x126: {  	v6 =	vsel vm3, v14, v8;
	v5 =	vsel vm2, v5, v10;
	v7 =	vsel vm15, v63, v7  }
.LBB2_28:
0x127: {  	v8 =	vld [tilespmem:$0xED80]  }
0x128: {  	v10 =	vld [tilespmem:$0xEE80]  }
0x129: {  	v9 =	vld [tilespmem:$0xEE00];
	_ =	sdelay $0x2  }
0x12a: {  	v6 =	vmax.f32 v8, v6  }
0x12b: {  	v5 =	vmax.f32 v10, v5;
	[tilespmem:$0xED80] =	vst v6  }
0x12c: {  	v6 =	vmax.f32 v9, v7;
	[tilespmem:$0xEE80] =	vst v5  }
0x12d: {  	[tilespmem:$0xEE00] =	vst v6  }
.LBB2_29:
0x12e: {  	s1 =	rddreg [dreg:$0xb];
	s7 =	smov.u32 s3  }
0x12f: {  	p1 =	slt.s32 s19, s15;
	s6 =	smov.u32 s15;
	p0 =	sgt.s32 s1, s3  }
0x130: {  	s6 =	smov.u32 @p1 s19;
	s7 =	smov.u32 @p0 s1  }
0x131: {  	p0 =	sge.s32 s7, s6  }
.Ltmp20:
0x132: {  	_ = 	snop;
	(pc) =	sbr.rel @p0 .LBB2_38-.Ltmp20, $1  }
0x133: {  	_ =	sdelay $0x3  }
0x134: {  	s1 =	ssub.s32 s7, s3  }
0x135: {  	s4 =	smulhi.u32 $0x2AAAAAAB, s1;
	s5 =	sshra.s32 s1, $0x1F  }
0x136: {  	s13 =	ssub.s32 s6, s3;
	s14 =	smul.u32 $0x2AAAAAAB, s5  }
0x137: {  	s16 =	sadd.s32 $0x2F, s13  }
0x138: {  	s17 =	smulhi.u32 $0x2AAAAAAB, s16;
	s18 =	sshra.s32 s16, $0x1F;
	s4 =	sadd.s32 s14, s4  }
0x139: {  	s14 =	smul.u32 $0x2AAAAAAB, s18;
	s18 =	sshrl.u32 s4, $0x1F;
	s4 =	sshra.s32 s4, $0x3  }
0x13a: {  	s4 =	sadd.s32 s18, s4  }
0x13b: {  	s18 =	rddreg [dreg:$0xb];
	s14 =	sadd.s32 s14, s17;
	s17 =	simm.s32 $0x1  }
0x13c: {  	p0 =	slt.s32 s3, s18;
	s18 =	sshrl.u32 s14, $0x1F;
	s14 =	sshra.s32 s14, $0x3  }
0x13d: {  	s17 =	simm.s32 @!p0 $0x0;
	s14 =	sadd.s32 s18, s14;
	s18 =	smul.u32 $0xFFFFFFD0, s4  }
0x13e: {  	s1 =	ssub.s32 $0x0, s1;
	s5 =	sor.u32 s17, s5;
	s17 =	smul.u32 $0xFFFFFFD0, s14  }
0x13f: {  	p5 =	sne.s32 s18, s1;
	s18 =	ssub.s32 $0xFFFFFFD1, s13  }
0x140: {  	p6 =	slt.s32 s16, $0x1;
	p1 =	sne.s32 s5, $0x1;
	p2 =	sne.s32 s17, s18  }
0x141: {  	s1 =	simm.s32 $0x1;
	p0 =	por !p5, !p1;
	p1 =	por !p6, !p2  }
0x142: {  	s5 =	simm.s32 $0x1;
	p0 =	por !p0, !p0;
	p1 =	por !p1, !p1  }
0x143: {  	s1 =	simm.s32 @!p0 $0x0;
	s5 =	simm.s32 @!p1 $0x0  }
0x144: {  	s4 =	ssub.s32 s4, s1;
	s14 =	ssub.s32 s14, s5  }
0x145: {  	p0 =	sge.s32 s4, s14  }
.Ltmp21:
0x146: {  	_ = 	snop;
	(pc) =	sbr.rel @p0 .LBB2_37-.Ltmp21, $2  }
0x147: {  	_ =	sdelay $0x2  }
0x148: {  	v6 =	vimm.f32 $-Inf;
	v7 =	vimm.f32 $-Inf;
	v5 =	vimm.f32 $-Inf  }
0x149: {  	s1 =	smul.u32 $0xC0, s4;
	_ =	sdelay $0x1  }
0x14a: {  	s5 =	smul.u32 $0x30, s4;
	s1 =	sshra.s32 s1, $0x2  }
0x14b: {  	s4 =	sadd.s32 $0x1, s4;
	s1 =	sadd.s32 $0x10, s1  }
0x14c: {  	v6 =	vmov s7;
	p1 =	slt.s32 s4, s14;
	s17 =	sadd.s32 s5, s8;
	v8 =	vld [tilespmem:s1+$0xFFFFFFF0]  }
.Ltmp22:
0x14d: {  	v7 =	vmov s6;
	v5 =	vimm.f32 $-Inf;
	v10 =	vor.u32 s17, v1;
	s18 =	sadd.s32 $0x10, s17;
	s7 =	sadd.s32 $0x20, s17;
	(pc) =	sbr.rel @!p1 .LBB2_32-.Ltmp22, $4  }
0x14e: {  	vm0 =	vlt.s32 v10, v7;
	v9 =	vor.u32 s18, v1;
	v11 =	vor.u32 s7, v1  }
0x14f: {  	vm3 =	vge.s32 v10, v6;
	vm1 =	vge.s32 v9, v6;
	vm2 =	vlt.s32 v9, v7  }
0x150: {  	vm4 =	vge.s32 v11, v6;
	v9 =	vld [tilespmem:s1+$0x10];
	vm1 =	vmand vm1, vm2;
	vm2 =	vlt.s32 v11, v7  }
0x151: {  	p0 =	por $0x0, $0x0;
	s5 =	sadd.s32 $0x30, s5;
	s7 =	sadd.s32 $0x30, s1;
	vm3 =	vmand vm3, vm0;
	v11 =	vld [tilespmem:s1+$0x0];
	vm2 =	vmand vm4, vm2;
	v14 =	vmax.f32 v5, v8  }
0x152: {  	_ =	sdelay $0x1  }
0x153: {  	s1 =	sadd.s32 s5, s8  }
0x154: {  	s6 =	sadd.s32 $0x10, s1;
	v9 =	vmax.f32 v5, v9  }
0x155: {  	v13 =	vld [tilespmem:s7+$0xFFFFFFF0];
	v10 =	vsel vm2, v9, v5;
	v9 =	vor.u32 s6, v1;
	s6 =	sadd.s32 $0x1, s4  }
0x156: {  	v8 =	vsel vm3, v14, v5;
	p1 =	slt.s32 s6, s14  }
.Ltmp23:
0x157: {  	vm0 =	vmmov vm1;
	v14 =	vor.u32 s1, v1;
	s1 =	sadd.s32 $0x20, s1;
	v12 =	vmax.f32 v5, v11;
	(pc) =	sbr.rel @!p1 .LBB2_34-.Ltmp23, $4  }
0x158: {  	v11 =	vor.u32 s1, v1;
	vm1 =	vge.s32 v9, v6;
	vm3 =	vlt.s32 v9, v7;
	v9 =	vld [tilespmem:s7+$0x10]  }
0x159: {  	vm5 =	vge.s32 v14, v6;
	vm4 =	vge.s32 v11, v6;
	vm6 =	vlt.s32 v11, v7;
	v11 =	vld [tilespmem:s7+$0x0]  }
0x15a: {  	vm2 =	vlt.s32 v14, v7;
	v14 =	vmax.f32 v8, v13;
	v13 =	vimm.f32 $-Inf  }
0x15b: {  	p0 =	por $0x1, $0x1;
	s4 =	sadd.s32 $0x30, s5;
	s7 =	sadd.s32 $0x30, s7;
	vm1 =	vmand vm1, vm3;
	vm3 =	vmand vm5, vm2;
	vm2 =	vmand vm4, vm6  }
.LBB2_35:
0x15c: {  	s6 =	sadd.s32 $0x1, s6;
	v8 =	vsel vm3, v14, v8  }
0x15d: {  	s1 =	sadd.s32 s4, s8;
	v15 =	vld [tilespmem:s7+$0xFFFFFFF0];
	v14 =	vmax.f32 v10, v9;
	v13 =	vsel vm0, v12, v13;
	vm0 =	vmmov vm1;
	p1 =	slt.s32 s6, s14  }
.Ltmp24:
0x15e: {  	v16 =	vor.u32 s1, v1;
	s5 =	sadd.s32 $0x10, s1;
	v9 =	vld [tilespmem:s7+$0x10];
	s1 =	sadd.s32 $0x20, s1;
	v12 =	vmax.f32 v13, v11;
	v10 =	vsel vm2, v14, v10;
	(pc) =	sbr.rel @p1 .LBB2_35-.Ltmp24, $4  }
0x15f: {  	vm2 =	vlt.s32 v16, v7;
	v11 =	vld [tilespmem:s7+$0x0];
	v14 =	vor.u32 s5, v1;
	v17 =	vor.u32 s1, v1  }
0x160: {  	vm1 =	vge.s32 v14, v6;
	vm3 =	vlt.s32 v14, v7;
	vm4 =	vge.s32 v17, v6  }
0x161: {  	vm5 =	vge.s32 v16, v6;
	vm6 =	vlt.s32 v17, v7;
	vm1 =	vmand vm1, vm3  }
0x162: {  	s4 =	sadd.s32 $0x30, s4;
	s7 =	sadd.s32 $0x30, s7;
	vm3 =	vmand vm5, vm2;
	vm2 =	vmand vm4, vm6;
	v14 =	vmax.f32 v8, v15  }
.LBB2_36:
0x163: {  	v6 =	vsel @p0 vm0, v12, v13  }
0x164: {  	v7 =	vpsel p0, v6, v5  }
0x165: {  	vm15 =	vmmov vm1;
	v5 =	vmax.f32 v10, v9;
	v63 =	vmax.f32 v7, v11  }
0x166: {  	v6 =	vsel vm3, v14, v8;
	v5 =	vsel vm2, v5, v10;
	v7 =	vsel vm15, v63, v7  }
.LBB2_37:
0x167: {  	v8 =	vld [tilespmem:$0xEF00]  }
0x168: {  	v10 =	vld [tilespmem:$0xF000]  }
0x169: {  	v9 =	vld [tilespmem:$0xEF80];
	_ =	sdelay $0x2  }
0x16a: {  	v6 =	vmax.f32 v8, v6  }
0x16b: {  	v5 =	vmax.f32 v10, v5;
	[tilespmem:$0xEF00] =	vst v6  }
0x16c: {  	v6 =	vmax.f32 v9, v7;
	[tilespmem:$0xF000] =	vst v5  }
0x16d: {  	[tilespmem:$0xEF80] =	vst v6  }
.LBB2_38:
0x16e: {  	p0 =	sgt.s32 s19, s3  }
0x16f: {  	s7 =	smov.u32 s3;
	p1 =	slt.s32 s20, s15;
	s6 =	smov.u32 s15  }
0x170: {  	s7 =	smov.u32 @p0 s19;
	s6 =	smov.u32 @p1 s20  }
0x171: {  	p0 =	sge.s32 s7, s6  }
.Ltmp25:
0x172: {  	_ = 	snop;
	(pc) =	sbr.rel @p0 .LBB2_47-.Ltmp25, $1  }
0x173: {  	_ =	sdelay $0x3  }
0x174: {  	s1 =	ssub.s32 s7, s3  }
0x175: {  	s13 =	ssub.s32 s6, s3;
	s4 =	smulhi.u32 $0x2AAAAAAB, s1;
	s5 =	sshra.s32 s1, $0x1F  }
0x176: {  	s16 =	sadd.s32 $0x2F, s13;
	s14 =	smul.u32 $0x2AAAAAAB, s5  }
0x177: {  	s17 =	smulhi.u32 $0x2AAAAAAB, s16;
	s18 =	sshra.s32 s16, $0x1F  }
0x178: {  	s4 =	sadd.s32 s14, s4;
	s14 =	smul.u32 $0x2AAAAAAB, s18  }
0x179: {  	s18 =	sshrl.u32 s4, $0x1F;
	s4 =	sshra.s32 s4, $0x3  }
0x17a: {  	p0 =	slt.s32 s3, s19;
	s4 =	sadd.s32 s18, s4;
	s14 =	sadd.s32 s14, s17  }
0x17b: {  	s17 =	simm.s32 $0x1;
	s18 =	sshrl.u32 s14, $0x1F;
	s14 =	sshra.s32 s14, $0x3  }
0x17c: {  	s17 =	simm.s32 @!p0 $0x0;
	s14 =	sadd.s32 s18, s14;
	s18 =	smul.u32 $0xFFFFFFD0, s4  }
0x17d: {  	s1 =	ssub.s32 $0x0, s1;
	s5 =	sor.u32 s17, s5;
	s17 =	smul.u32 $0xFFFFFFD0, s14  }
0x17e: {  	p5 =	sne.s32 s18, s1;
	s18 =	ssub.s32 $0xFFFFFFD1, s13  }
0x17f: {  	p6 =	slt.s32 s16, $0x1;
	p1 =	sne.s32 s5, $0x1;
	p2 =	sne.s32 s17, s18  }
0x180: {  	s5 =	simm.s32 $0x1;
	p0 =	por !p5, !p1;
	p1 =	por !p6, !p2  }
0x181: {  	s1 =	simm.s32 $0x1;
	p0 =	por !p0, !p0;
	p1 =	por !p1, !p1  }
0x182: {  	s1 =	simm.s32 @!p0 $0x0;
	s5 =	simm.s32 @!p1 $0x0  }
0x183: {  	s4 =	ssub.s32 s4, s1;
	s14 =	ssub.s32 s14, s5  }
0x184: {  	p0 =	sge.s32 s4, s14  }
.Ltmp26:
0x185: {  	_ = 	snop;
	(pc) =	sbr.rel @p0 .LBB2_46-.Ltmp26, $2  }
0x186: {  	_ =	sdelay $0x2  }
0x187: {  	v6 =	vimm.f32 $-Inf;
	v7 =	vimm.f32 $-Inf;
	v5 =	vimm.f32 $-Inf  }
0x188: {  	s1 =	smul.u32 $0xC0, s4;
	_ =	sdelay $0x1  }
0x189: {  	s5 =	smul.u32 $0x30, s4;
	s1 =	sshra.s32 s1, $0x2  }
0x18a: {  	s4 =	sadd.s32 $0x1, s4;
	s1 =	sadd.s32 $0x10, s1  }
0x18b: {  	v6 =	vmov s7;
	p1 =	slt.s32 s4, s14;
	s17 =	sadd.s32 s5, s8;
	v8 =	vld [tilespmem:s1+$0xFFFFFFF0]  }
.Ltmp27:
0x18c: {  	v7 =	vmov s6;
	v5 =	vimm.f32 $-Inf;
	v10 =	vor.u32 s17, v1;
	s18 =	sadd.s32 $0x10, s17;
	s7 =	sadd.s32 $0x20, s17;
	(pc) =	sbr.rel @!p1 .LBB2_41-.Ltmp27, $4  }
0x18d: {  	vm0 =	vlt.s32 v10, v7;
	v9 =	vor.u32 s18, v1;
	v11 =	vor.u32 s7, v1  }
0x18e: {  	vm3 =	vge.s32 v10, v6;
	vm1 =	vge.s32 v9, v6;
	vm2 =	vlt.s32 v9, v7  }
0x18f: {  	vm4 =	vge.s32 v11, v6;
	v9 =	vld [tilespmem:s1+$0x10];
	vm1 =	vmand vm1, vm2;
	vm2 =	vlt.s32 v11, v7  }
0x190: {  	p0 =	por $0x0, $0x0;
	s5 =	sadd.s32 $0x30, s5;
	s7 =	sadd.s32 $0x30, s1;
	vm3 =	vmand vm3, vm0;
	v11 =	vld [tilespmem:s1+$0x0];
	vm2 =	vmand vm4, vm2;
	v14 =	vmax.f32 v5, v8  }
0x191: {  	_ =	sdelay $0x1  }
0x192: {  	s1 =	sadd.s32 s5, s8  }
0x193: {  	s6 =	sadd.s32 $0x10, s1;
	v9 =	vmax.f32 v5, v9  }
0x194: {  	v13 =	vld [tilespmem:s7+$0xFFFFFFF0];
	v10 =	vsel vm2, v9, v5;
	v9 =	vor.u32 s6, v1;
	s6 =	sadd.s32 $0x1, s4  }
0x195: {  	v8 =	vsel vm3, v14, v5;
	p1 =	slt.s32 s6, s14  }
.Ltmp28:
0x196: {  	vm0 =	vmmov vm1;
	v14 =	vor.u32 s1, v1;
	s1 =	sadd.s32 $0x20, s1;
	v12 =	vmax.f32 v5, v11;
	(pc) =	sbr.rel @!p1 .LBB2_43-.Ltmp28, $4  }
0x197: {  	v11 =	vor.u32 s1, v1;
	vm1 =	vge.s32 v9, v6;
	vm3 =	vlt.s32 v9, v7;
	v9 =	vld [tilespmem:s7+$0x10]  }
0x198: {  	vm5 =	vge.s32 v14, v6;
	vm4 =	vge.s32 v11, v6;
	vm6 =	vlt.s32 v11, v7;
	v11 =	vld [tilespmem:s7+$0x0]  }
0x199: {  	vm2 =	vlt.s32 v14, v7;
	v14 =	vmax.f32 v8, v13;
	v13 =	vimm.f32 $-Inf  }
0x19a: {  	p0 =	por $0x1, $0x1;
	s4 =	sadd.s32 $0x30, s5;
	s7 =	sadd.s32 $0x30, s7;
	vm1 =	vmand vm1, vm3;
	vm3 =	vmand vm5, vm2;
	vm2 =	vmand vm4, vm6  }
.LBB2_44:
0x19b: {  	s6 =	sadd.s32 $0x1, s6;
	v8 =	vsel vm3, v14, v8  }
0x19c: {  	s1 =	sadd.s32 s4, s8;
	v15 =	vld [tilespmem:s7+$0xFFFFFFF0];
	v14 =	vmax.f32 v10, v9;
	v13 =	vsel vm0, v12, v13;
	vm0 =	vmmov vm1;
	p1 =	slt.s32 s6, s14  }
.Ltmp29:
0x19d: {  	v16 =	vor.u32 s1, v1;
	s5 =	sadd.s32 $0x10, s1;
	v9 =	vld [tilespmem:s7+$0x10];
	s1 =	sadd.s32 $0x20, s1;
	v12 =	vmax.f32 v13, v11;
	v10 =	vsel vm2, v14, v10;
	(pc) =	sbr.rel @p1 .LBB2_44-.Ltmp29, $4  }
0x19e: {  	vm2 =	vlt.s32 v16, v7;
	v11 =	vld [tilespmem:s7+$0x0];
	v14 =	vor.u32 s5, v1;
	v17 =	vor.u32 s1, v1  }
0x19f: {  	vm1 =	vge.s32 v14, v6;
	vm3 =	vlt.s32 v14, v7;
	vm4 =	vge.s32 v17, v6  }
0x1a0: {  	vm5 =	vge.s32 v16, v6;
	vm6 =	vlt.s32 v17, v7;
	vm1 =	vmand vm1, vm3  }
0x1a1: {  	s4 =	sadd.s32 $0x30, s4;
	s7 =	sadd.s32 $0x30, s7;
	vm3 =	vmand vm5, vm2;
	vm2 =	vmand vm4, vm6;
	v14 =	vmax.f32 v8, v15  }
.LBB2_45:
0x1a2: {  	v6 =	vsel @p0 vm0, v12, v13  }
0x1a3: {  	v7 =	vpsel p0, v6, v5  }
0x1a4: {  	vm15 =	vmmov vm1;
	v5 =	vmax.f32 v10, v9;
	v63 =	vmax.f32 v7, v11  }
0x1a5: {  	v6 =	vsel vm3, v14, v8;
	v5 =	vsel vm2, v5, v10;
	v7 =	vsel vm15, v63, v7  }
.LBB2_46:
0x1a6: {  	v8 =	vld [tilespmem:$0xF080]  }
0x1a7: {  	v10 =	vld [tilespmem:$0xF180]  }
0x1a8: {  	v9 =	vld [tilespmem:$0xF100];
	_ =	sdelay $0x2  }
0x1a9: {  	v6 =	vmax.f32 v8, v6  }
0x1aa: {  	v5 =	vmax.f32 v10, v5;
	[tilespmem:$0xF080] =	vst v6  }
0x1ab: {  	v6 =	vmax.f32 v9, v7;
	[tilespmem:$0xF180] =	vst v5  }
0x1ac: {  	[tilespmem:$0xF100] =	vst v6  }
.LBB2_47:
0x1ad: {  	p0 =	sgt.s32 s20, s3  }
0x1ae: {  	s7 =	smov.u32 s3;
	p1 =	slt.s32 s21, s15;
	s6 =	smov.u32 s15  }
0x1af: {  	s7 =	smov.u32 @p0 s20;
	s6 =	smov.u32 @p1 s21  }
0x1b0: {  	p0 =	sge.s32 s7, s6  }
.Ltmp30:
0x1b1: {  	_ = 	snop;
	(pc) =	sbr.rel @p0 .LBB2_56-.Ltmp30, $1  }
0x1b2: {  	_ =	sdelay $0x3  }
0x1b3: {  	s1 =	ssub.s32 s7, s3  }
0x1b4: {  	s13 =	ssub.s32 s6, s3;
	s4 =	smulhi.u32 $0x2AAAAAAB, s1;
	s5 =	sshra.s32 s1, $0x1F  }
0x1b5: {  	s16 =	sadd.s32 $0x2F, s13;
	s14 =	smul.u32 $0x2AAAAAAB, s5  }
0x1b6: {  	s17 =	smulhi.u32 $0x2AAAAAAB, s16;
	s18 =	sshra.s32 s16, $0x1F  }
0x1b7: {  	s4 =	sadd.s32 s14, s4;
	s14 =	smul.u32 $0x2AAAAAAB, s18  }
0x1b8: {  	s18 =	sshrl.u32 s4, $0x1F;
	s4 =	sshra.s32 s4, $0x3  }
0x1b9: {  	p0 =	slt.s32 s3, s20;
	s4 =	sadd.s32 s18, s4;
	s14 =	sadd.s32 s14, s17  }
0x1ba: {  	s17 =	simm.s32 $0x1;
	s18 =	sshrl.u32 s14, $0x1F;
	s14 =	sshra.s32 s14, $0x3  }
0x1bb: {  	s17 =	simm.s32 @!p0 $0x0;
	s14 =	sadd.s32 s18, s14;
	s18 =	smul.u32 $0xFFFFFFD0, s4  }
0x1bc: {  	s1 =	ssub.s32 $0x0, s1;
	s5 =	sor.u32 s17, s5;
	s17 =	smul.u32 $0xFFFFFFD0, s14  }
0x1bd: {  	p5 =	sne.s32 s18, s1;
	s18 =	ssub.s32 $0xFFFFFFD1, s13  }
0x1be: {  	p6 =	slt.s32 s16, $0x1;
	p1 =	sne.s32 s5, $0x1;
	p2 =	sne.s32 s17, s18  }
0x1bf: {  	s5 =	simm.s32 $0x1;
	p0 =	por !p5, !p1;
	p1 =	por !p6, !p2  }
0x1c0: {  	s1 =	simm.s32 $0x1;
	p0 =	por !p0, !p0;
	p1 =	por !p1, !p1  }
0x1c1: {  	s1 =	simm.s32 @!p0 $0x0;
	s5 =	simm.s32 @!p1 $0x0  }
0x1c2: {  	s4 =	ssub.s32 s4, s1;
	s14 =	ssub.s32 s14, s5  }
0x1c3: {  	p0 =	sge.s32 s4, s14  }
.Ltmp31:
0x1c4: {  	_ = 	snop;
	(pc) =	sbr.rel @p0 .LBB2_55-.Ltmp31, $2  }
0x1c5: {  	_ =	sdelay $0x2  }
0x1c6: {  	v6 =	vimm.f32 $-Inf;
	v7 =	vimm.f32 $-Inf;
	v5 =	vimm.f32 $-Inf  }
0x1c7: {  	s1 =	smul.u32 $0xC0, s4;
	_ =	sdelay $0x1  }
0x1c8: {  	s5 =	smul.u32 $0x30, s4;
	s1 =	sshra.s32 s1, $0x2  }
0x1c9: {  	s4 =	sadd.s32 $0x1, s4;
	s1 =	sadd.s32 $0x10, s1  }
0x1ca: {  	v6 =	vmov s7;
	p1 =	slt.s32 s4, s14;
	s17 =	sadd.s32 s5, s8;
	v8 =	vld [tilespmem:s1+$0xFFFFFFF0]  }
.Ltmp32:
0x1cb: {  	v7 =	vmov s6;
	v5 =	vimm.f32 $-Inf;
	v10 =	vor.u32 s17, v1;
	s18 =	sadd.s32 $0x10, s17;
	s7 =	sadd.s32 $0x20, s17;
	(pc) =	sbr.rel @!p1 .LBB2_50-.Ltmp32, $4  }
0x1cc: {  	vm0 =	vlt.s32 v10, v7;
	v9 =	vor.u32 s18, v1;
	v11 =	vor.u32 s7, v1  }
0x1cd: {  	vm3 =	vge.s32 v10, v6;
	vm1 =	vge.s32 v9, v6;
	vm2 =	vlt.s32 v9, v7  }
0x1ce: {  	vm4 =	vge.s32 v11, v6;
	v9 =	vld [tilespmem:s1+$0x10];
	vm1 =	vmand vm1, vm2;
	vm2 =	vlt.s32 v11, v7  }
0x1cf: {  	p0 =	por $0x0, $0x0;
	s5 =	sadd.s32 $0x30, s5;
	s7 =	sadd.s32 $0x30, s1;
	vm3 =	vmand vm3, vm0;
	v11 =	vld [tilespmem:s1+$0x0];
	vm2 =	vmand vm4, vm2;
	v14 =	vmax.f32 v5, v8  }
0x1d0: {  	_ =	sdelay $0x1  }
0x1d1: {  	s1 =	sadd.s32 s5, s8  }
0x1d2: {  	s6 =	sadd.s32 $0x10, s1;
	v9 =	vmax.f32 v5, v9  }
0x1d3: {  	v13 =	vld [tilespmem:s7+$0xFFFFFFF0];
	v10 =	vsel vm2, v9, v5;
	v9 =	vor.u32 s6, v1;
	s6 =	sadd.s32 $0x1, s4  }
0x1d4: {  	v8 =	vsel vm3, v14, v5;
	p1 =	slt.s32 s6, s14  }
.Ltmp33:
0x1d5: {  	vm0 =	vmmov vm1;
	v14 =	vor.u32 s1, v1;
	s1 =	sadd.s32 $0x20, s1;
	v12 =	vmax.f32 v5, v11;
	(pc) =	sbr.rel @!p1 .LBB2_52-.Ltmp33, $4  }
0x1d6: {  	v11 =	vor.u32 s1, v1;
	vm1 =	vge.s32 v9, v6;
	vm3 =	vlt.s32 v9, v7;
	v9 =	vld [tilespmem:s7+$0x10]  }
0x1d7: {  	vm5 =	vge.s32 v14, v6;
	vm4 =	vge.s32 v11, v6;
	vm6 =	vlt.s32 v11, v7;
	v11 =	vld [tilespmem:s7+$0x0]  }
0x1d8: {  	vm2 =	vlt.s32 v14, v7;
	v14 =	vmax.f32 v8, v13;
	v13 =	vimm.f32 $-Inf  }
0x1d9: {  	p0 =	por $0x1, $0x1;
	s4 =	sadd.s32 $0x30, s5;
	s7 =	sadd.s32 $0x30, s7;
	vm1 =	vmand vm1, vm3;
	vm3 =	vmand vm5, vm2;
	vm2 =	vmand vm4, vm6  }
.LBB2_53:
0x1da: {  	s6 =	sadd.s32 $0x1, s6;
	v8 =	vsel vm3, v14, v8  }
0x1db: {  	s1 =	sadd.s32 s4, s8;
	v15 =	vld [tilespmem:s7+$0xFFFFFFF0];
	v14 =	vmax.f32 v10, v9;
	v13 =	vsel vm0, v12, v13;
	vm0 =	vmmov vm1;
	p1 =	slt.s32 s6, s14  }
.Ltmp34:
0x1dc: {  	v16 =	vor.u32 s1, v1;
	s5 =	sadd.s32 $0x10, s1;
	v9 =	vld [tilespmem:s7+$0x10];
	s1 =	sadd.s32 $0x20, s1;
	v12 =	vmax.f32 v13, v11;
	v10 =	vsel vm2, v14, v10;
	(pc) =	sbr.rel @p1 .LBB2_53-.Ltmp34, $4  }
0x1dd: {  	vm2 =	vlt.s32 v16, v7;
	v11 =	vld [tilespmem:s7+$0x0];
	v14 =	vor.u32 s5, v1;
	v17 =	vor.u32 s1, v1  }
0x1de: {  	vm1 =	vge.s32 v14, v6;
	vm3 =	vlt.s32 v14, v7;
	vm4 =	vge.s32 v17, v6  }
0x1df: {  	vm5 =	vge.s32 v16, v6;
	vm6 =	vlt.s32 v17, v7;
	vm1 =	vmand vm1, vm3  }
0x1e0: {  	s4 =	sadd.s32 $0x30, s4;
	s7 =	sadd.s32 $0x30, s7;
	vm3 =	vmand vm5, vm2;
	vm2 =	vmand vm4, vm6;
	v14 =	vmax.f32 v8, v15  }
.LBB2_54:
0x1e1: {  	v6 =	vsel @p0 vm0, v12, v13  }
0x1e2: {  	v7 =	vpsel p0, v6, v5  }
0x1e3: {  	vm15 =	vmmov vm1;
	v5 =	vmax.f32 v10, v9;
	v63 =	vmax.f32 v7, v11  }
0x1e4: {  	v6 =	vsel vm3, v14, v8;
	v5 =	vsel vm2, v5, v10;
	v7 =	vsel vm15, v63, v7  }
.LBB2_55:
0x1e5: {  	v8 =	vld [tilespmem:$0xF200]  }
0x1e6: {  	v10 =	vld [tilespmem:$0xF300]  }
0x1e7: {  	v9 =	vld [tilespmem:$0xF280];
	_ =	sdelay $0x2  }
0x1e8: {  	v6 =	vmax.f32 v8, v6  }
0x1e9: {  	v5 =	vmax.f32 v10, v5;
	[tilespmem:$0xF200] =	vst v6  }
0x1ea: {  	v6 =	vmax.f32 v9, v7;
	[tilespmem:$0xF300] =	vst v5  }
0x1eb: {  	[tilespmem:$0xF280] =	vst v6  }
.LBB2_56:
0x1ec: {  	p0 =	sgt.s32 s21, s3  }
0x1ed: {  	s7 =	smov.u32 s3;
	p1 =	slt.s32 s22, s15;
	s6 =	smov.u32 s15  }
0x1ee: {  	s7 =	smov.u32 @p0 s21;
	s6 =	smov.u32 @p1 s22  }
0x1ef: {  	p0 =	sge.s32 s7, s6  }
.Ltmp35:
0x1f0: {  	_ = 	snop;
	(pc) =	sbr.rel @p0 .LBB2_65-.Ltmp35, $1  }
0x1f1: {  	_ =	sdelay $0x3  }
0x1f2: {  	s1 =	ssub.s32 s7, s3  }
0x1f3: {  	s13 =	ssub.s32 s6, s3;
	s4 =	smulhi.u32 $0x2AAAAAAB, s1;
	s5 =	sshra.s32 s1, $0x1F  }
0x1f4: {  	s16 =	sadd.s32 $0x2F, s13;
	s14 =	smul.u32 $0x2AAAAAAB, s5  }
0x1f5: {  	s17 =	smulhi.u32 $0x2AAAAAAB, s16;
	s18 =	sshra.s32 s16, $0x1F  }
0x1f6: {  	s4 =	sadd.s32 s14, s4;
	s14 =	smul.u32 $0x2AAAAAAB, s18  }
0x1f7: {  	s18 =	sshrl.u32 s4, $0x1F;
	s4 =	sshra.s32 s4, $0x3  }
0x1f8: {  	p0 =	slt.s32 s3, s21;
	s4 =	sadd.s32 s18, s4;
	s14 =	sadd.s32 s14, s17  }
0x1f9: {  	s17 =	simm.s32 $0x1;
	s18 =	sshrl.u32 s14, $0x1F;
	s14 =	sshra.s32 s14, $0x3  }
0x1fa: {  	s17 =	simm.s32 @!p0 $0x0;
	s14 =	sadd.s32 s18, s14;
	s18 =	smul.u32 $0xFFFFFFD0, s4  }
0x1fb: {  	s1 =	ssub.s32 $0x0, s1;
	s5 =	sor.u32 s17, s5;
	s17 =	smul.u32 $0xFFFFFFD0, s14  }
0x1fc: {  	p5 =	sne.s32 s18, s1;
	s18 =	ssub.s32 $0xFFFFFFD1, s13  }
0x1fd: {  	p6 =	slt.s32 s16, $0x1;
	p1 =	sne.s32 s5, $0x1;
	p2 =	sne.s32 s17, s18  }
0x1fe: {  	s5 =	simm.s32 $0x1;
	p0 =	por !p5, !p1;
	p1 =	por !p6, !p2  }
0x1ff: {  	s1 =	simm.s32 $0x1;
	p0 =	por !p0, !p0;
	p1 =	por !p1, !p1  }
0x200: {  	s1 =	simm.s32 @!p0 $0x0;
	s5 =	simm.s32 @!p1 $0x0  }
0x201: {  	s4 =	ssub.s32 s4, s1;
	s14 =	ssub.s32 s14, s5  }
0x202: {  	p0 =	sge.s32 s4, s14  }
.Ltmp36:
0x203: {  	_ = 	snop;
	(pc) =	sbr.rel @p0 .LBB2_64-.Ltmp36, $2  }
0x204: {  	_ =	sdelay $0x2  }
0x205: {  	v6 =	vimm.f32 $-Inf;
	v7 =	vimm.f32 $-Inf;
	v5 =	vimm.f32 $-Inf  }
0x206: {  	s1 =	smul.u32 $0xC0, s4;
	_ =	sdelay $0x1  }
0x207: {  	s5 =	smul.u32 $0x30, s4;
	s1 =	sshra.s32 s1, $0x2  }
0x208: {  	s4 =	sadd.s32 $0x1, s4;
	s1 =	sadd.s32 $0x10, s1  }
0x209: {  	v6 =	vmov s7;
	p1 =	slt.s32 s4, s14;
	s17 =	sadd.s32 s5, s8;
	v8 =	vld [tilespmem:s1+$0xFFFFFFF0]  }
.Ltmp37:
0x20a: {  	v7 =	vmov s6;
	v5 =	vimm.f32 $-Inf;
	v10 =	vor.u32 s17, v1;
	s18 =	sadd.s32 $0x10, s17;
	s7 =	sadd.s32 $0x20, s17;
	(pc) =	sbr.rel @!p1 .LBB2_59-.Ltmp37, $4  }
0x20b: {  	vm0 =	vlt.s32 v10, v7;
	v9 =	vor.u32 s18, v1;
	v11 =	vor.u32 s7, v1  }
0x20c: {  	vm3 =	vge.s32 v10, v6;
	vm1 =	vge.s32 v9, v6;
	vm2 =	vlt.s32 v9, v7  }
0x20d: {  	vm4 =	vge.s32 v11, v6;
	v9 =	vld [tilespmem:s1+$0x10];
	vm1 =	vmand vm1, vm2;
	vm2 =	vlt.s32 v11, v7  }
0x20e: {  	p0 =	por $0x0, $0x0;
	s5 =	sadd.s32 $0x30, s5;
	s7 =	sadd.s32 $0x30, s1;
	vm3 =	vmand vm3, vm0;
	v11 =	vld [tilespmem:s1+$0x0];
	vm2 =	vmand vm4, vm2;
	v14 =	vmax.f32 v5, v8  }
0x20f: {  	_ =	sdelay $0x1  }
0x210: {  	s1 =	sadd.s32 s5, s8  }
0x211: {  	s6 =	sadd.s32 $0x10, s1;
	v9 =	vmax.f32 v5, v9  }
0x212: {  	v13 =	vld [tilespmem:s7+$0xFFFFFFF0];
	v10 =	vsel vm2, v9, v5;
	v9 =	vor.u32 s6, v1;
	s6 =	sadd.s32 $0x1, s4  }
0x213: {  	v8 =	vsel vm3, v14, v5;
	p1 =	slt.s32 s6, s14  }
.Ltmp38:
0x214: {  	vm0 =	vmmov vm1;
	v14 =	vor.u32 s1, v1;
	s1 =	sadd.s32 $0x20, s1;
	v12 =	vmax.f32 v5, v11;
	(pc) =	sbr.rel @!p1 .LBB2_61-.Ltmp38, $4  }
0x215: {  	v11 =	vor.u32 s1, v1;
	vm1 =	vge.s32 v9, v6;
	vm3 =	vlt.s32 v9, v7;
	v9 =	vld [tilespmem:s7+$0x10]  }
0x216: {  	vm5 =	vge.s32 v14, v6;
	vm4 =	vge.s32 v11, v6;
	vm6 =	vlt.s32 v11, v7;
	v11 =	vld [tilespmem:s7+$0x0]  }
0x217: {  	vm2 =	vlt.s32 v14, v7;
	v14 =	vmax.f32 v8, v13;
	v13 =	vimm.f32 $-Inf  }
0x218: {  	p0 =	por $0x1, $0x1;
	s4 =	sadd.s32 $0x30, s5;
	s7 =	sadd.s32 $0x30, s7;
	vm1 =	vmand vm1, vm3;
	vm3 =	vmand vm5, vm2;
	vm2 =	vmand vm4, vm6  }
.LBB2_62:
0x219: {  	s6 =	sadd.s32 $0x1, s6;
	v8 =	vsel vm3, v14, v8  }
0x21a: {  	s1 =	sadd.s32 s4, s8;
	v15 =	vld [tilespmem:s7+$0xFFFFFFF0];
	v14 =	vmax.f32 v10, v9;
	v13 =	vsel vm0, v12, v13;
	vm0 =	vmmov vm1;
	p1 =	slt.s32 s6, s14  }
.Ltmp39:
0x21b: {  	v16 =	vor.u32 s1, v1;
	s5 =	sadd.s32 $0x10, s1;
	v9 =	vld [tilespmem:s7+$0x10];
	s1 =	sadd.s32 $0x20, s1;
	v12 =	vmax.f32 v13, v11;
	v10 =	vsel vm2, v14, v10;
	(pc) =	sbr.rel @p1 .LBB2_62-.Ltmp39, $4  }
0x21c: {  	vm2 =	vlt.s32 v16, v7;
	v11 =	vld [tilespmem:s7+$0x0];
	v14 =	vor.u32 s5, v1;
	v17 =	vor.u32 s1, v1  }
0x21d: {  	vm1 =	vge.s32 v14, v6;
	vm3 =	vlt.s32 v14, v7;
	vm4 =	vge.s32 v17, v6  }
0x21e: {  	vm5 =	vge.s32 v16, v6;
	vm6 =	vlt.s32 v17, v7;
	vm1 =	vmand vm1, vm3  }
0x21f: {  	s4 =	sadd.s32 $0x30, s4;
	s7 =	sadd.s32 $0x30, s7;
	vm3 =	vmand vm5, vm2;
	vm2 =	vmand vm4, vm6;
	v14 =	vmax.f32 v8, v15  }
.LBB2_63:
0x220: {  	v6 =	vsel @p0 vm0, v12, v13  }
0x221: {  	v7 =	vpsel p0, v6, v5  }
0x222: {  	vm15 =	vmmov vm1;
	v5 =	vmax.f32 v10, v9;
	v63 =	vmax.f32 v7, v11  }
0x223: {  	v6 =	vsel vm3, v14, v8;
	v5 =	vsel vm2, v5, v10;
	v7 =	vsel vm15, v63, v7  }
.LBB2_64:
0x224: {  	v8 =	vld [tilespmem:$0xF380]  }
0x225: {  	v10 =	vld [tilespmem:$0xF480]  }
0x226: {  	v9 =	vld [tilespmem:$0xF400];
	_ =	sdelay $0x2  }
0x227: {  	v6 =	vmax.f32 v8, v6  }
0x228: {  	v5 =	vmax.f32 v10, v5;
	[tilespmem:$0xF380] =	vst v6  }
0x229: {  	v6 =	vmax.f32 v9, v7;
	[tilespmem:$0xF480] =	vst v5  }
0x22a: {  	[tilespmem:$0xF400] =	vst v6  }
.LBB2_65:
0x22b: {  	p0 =	sgt.s32 s22, s3  }
0x22c: {  	s7 =	smov.u32 s3;
	p1 =	slt.s32 s23, s15;
	s6 =	smov.u32 s15  }
0x22d: {  	s7 =	smov.u32 @p0 s22;
	s6 =	smov.u32 @p1 s23  }
0x22e: {  	p0 =	sge.s32 s7, s6  }
.Ltmp40:
0x22f: {  	_ = 	snop;
	(pc) =	sbr.rel @p0 .LBB2_74-.Ltmp40, $1  }
0x230: {  	_ =	sdelay $0x3  }
0x231: {  	s1 =	ssub.s32 s7, s3  }
0x232: {  	s13 =	ssub.s32 s6, s3;
	s4 =	smulhi.u32 $0x2AAAAAAB, s1;
	s5 =	sshra.s32 s1, $0x1F  }
0x233: {  	s16 =	sadd.s32 $0x2F, s13;
	s14 =	smul.u32 $0x2AAAAAAB, s5  }
0x234: {  	s17 =	smulhi.u32 $0x2AAAAAAB, s16;
	s18 =	sshra.s32 s16, $0x1F  }
0x235: {  	s4 =	sadd.s32 s14, s4;
	s14 =	smul.u32 $0x2AAAAAAB, s18  }
0x236: {  	s18 =	sshrl.u32 s4, $0x1F;
	s4 =	sshra.s32 s4, $0x3  }
0x237: {  	p0 =	slt.s32 s3, s22;
	s4 =	sadd.s32 s18, s4;
	s14 =	sadd.s32 s14, s17  }
0x238: {  	s17 =	simm.s32 $0x1;
	s18 =	sshrl.u32 s14, $0x1F;
	s14 =	sshra.s32 s14, $0x3  }
0x239: {  	s17 =	simm.s32 @!p0 $0x0;
	s14 =	sadd.s32 s18, s14;
	s18 =	smul.u32 $0xFFFFFFD0, s4  }
0x23a: {  	s1 =	ssub.s32 $0x0, s1;
	s5 =	sor.u32 s17, s5;
	s17 =	smul.u32 $0xFFFFFFD0, s14  }
0x23b: {  	p5 =	sne.s32 s18, s1;
	s18 =	ssub.s32 $0xFFFFFFD1, s13  }
0x23c: {  	p6 =	slt.s32 s16, $0x1;
	p1 =	sne.s32 s5, $0x1;
	p2 =	sne.s32 s17, s18  }
0x23d: {  	s5 =	simm.s32 $0x1;
	p0 =	por !p5, !p1;
	p1 =	por !p6, !p2  }
0x23e: {  	s1 =	simm.s32 $0x1;
	p0 =	por !p0, !p0;
	p1 =	por !p1, !p1  }
0x23f: {  	s1 =	simm.s32 @!p0 $0x0;
	s5 =	simm.s32 @!p1 $0x0  }
0x240: {  	s4 =	ssub.s32 s4, s1;
	s14 =	ssub.s32 s14, s5  }
0x241: {  	p0 =	sge.s32 s4, s14  }
.Ltmp41:
0x242: {  	_ = 	snop;
	(pc) =	sbr.rel @p0 .LBB2_73-.Ltmp41, $2  }
0x243: {  	_ =	sdelay $0x2  }
0x244: {  	v6 =	vimm.f32 $-Inf;
	v7 =	vimm.f32 $-Inf;
	v5 =	vimm.f32 $-Inf  }
0x245: {  	s1 =	smul.u32 $0xC0, s4;
	_ =	sdelay $0x1  }
0x246: {  	s5 =	smul.u32 $0x30, s4;
	s1 =	sshra.s32 s1, $0x2  }
0x247: {  	s4 =	sadd.s32 $0x1, s4;
	s1 =	sadd.s32 $0x10, s1  }
0x248: {  	v6 =	vmov s7;
	p1 =	slt.s32 s4, s14;
	s17 =	sadd.s32 s5, s8;
	v8 =	vld [tilespmem:s1+$0xFFFFFFF0]  }
.Ltmp42:
0x249: {  	v7 =	vmov s6;
	v5 =	vimm.f32 $-Inf;
	v10 =	vor.u32 s17, v1;
	s18 =	sadd.s32 $0x10, s17;
	s7 =	sadd.s32 $0x20, s17;
	(pc) =	sbr.rel @!p1 .LBB2_68-.Ltmp42, $4  }
0x24a: {  	vm0 =	vlt.s32 v10, v7;
	v9 =	vor.u32 s18, v1;
	v11 =	vor.u32 s7, v1  }
0x24b: {  	vm3 =	vge.s32 v10, v6;
	vm1 =	vge.s32 v9, v6;
	vm2 =	vlt.s32 v9, v7  }
0x24c: {  	vm4 =	vge.s32 v11, v6;
	v9 =	vld [tilespmem:s1+$0x10];
	vm1 =	vmand vm1, vm2;
	vm2 =	vlt.s32 v11, v7  }
0x24d: {  	p0 =	por $0x0, $0x0;
	s5 =	sadd.s32 $0x30, s5;
	s7 =	sadd.s32 $0x30, s1;
	vm3 =	vmand vm3, vm0;
	v11 =	vld [tilespmem:s1+$0x0];
	vm2 =	vmand vm4, vm2;
	v14 =	vmax.f32 v5, v8  }
0x24e: {  	_ =	sdelay $0x1  }
0x24f: {  	s1 =	sadd.s32 s5, s8  }
0x250: {  	s6 =	sadd.s32 $0x10, s1;
	v9 =	vmax.f32 v5, v9  }
0x251: {  	v13 =	vld [tilespmem:s7+$0xFFFFFFF0];
	v10 =	vsel vm2, v9, v5;
	v9 =	vor.u32 s6, v1;
	s6 =	sadd.s32 $0x1, s4  }
0x252: {  	v8 =	vsel vm3, v14, v5;
	p1 =	slt.s32 s6, s14  }
.Ltmp43:
0x253: {  	vm0 =	vmmov vm1;
	v14 =	vor.u32 s1, v1;
	s1 =	sadd.s32 $0x20, s1;
	v12 =	vmax.f32 v5, v11;
	(pc) =	sbr.rel @!p1 .LBB2_70-.Ltmp43, $4  }
0x254: {  	v11 =	vor.u32 s1, v1;
	vm1 =	vge.s32 v9, v6;
	vm3 =	vlt.s32 v9, v7;
	v9 =	vld [tilespmem:s7+$0x10]  }
0x255: {  	vm5 =	vge.s32 v14, v6;
	vm4 =	vge.s32 v11, v6;
	vm6 =	vlt.s32 v11, v7;
	v11 =	vld [tilespmem:s7+$0x0]  }
0x256: {  	vm2 =	vlt.s32 v14, v7;
	v14 =	vmax.f32 v8, v13;
	v13 =	vimm.f32 $-Inf  }
0x257: {  	p0 =	por $0x1, $0x1;
	s4 =	sadd.s32 $0x30, s5;
	s7 =	sadd.s32 $0x30, s7;
	vm1 =	vmand vm1, vm3;
	vm3 =	vmand vm5, vm2;
	vm2 =	vmand vm4, vm6  }
.LBB2_71:
0x258: {  	s6 =	sadd.s32 $0x1, s6;
	v8 =	vsel vm3, v14, v8  }
0x259: {  	s1 =	sadd.s32 s4, s8;
	v15 =	vld [tilespmem:s7+$0xFFFFFFF0];
	v14 =	vmax.f32 v10, v9;
	v13 =	vsel vm0, v12, v13;
	vm0 =	vmmov vm1;
	p1 =	slt.s32 s6, s14  }
.Ltmp44:
0x25a: {  	v16 =	vor.u32 s1, v1;
	s5 =	sadd.s32 $0x10, s1;
	v9 =	vld [tilespmem:s7+$0x10];
	s1 =	sadd.s32 $0x20, s1;
	v12 =	vmax.f32 v13, v11;
	v10 =	vsel vm2, v14, v10;
	(pc) =	sbr.rel @p1 .LBB2_71-.Ltmp44, $4  }
0x25b: {  	vm2 =	vlt.s32 v16, v7;
	v11 =	vld [tilespmem:s7+$0x0];
	v14 =	vor.u32 s5, v1;
	v17 =	vor.u32 s1, v1  }
0x25c: {  	vm1 =	vge.s32 v14, v6;
	vm3 =	vlt.s32 v14, v7;
	vm4 =	vge.s32 v17, v6  }
0x25d: {  	vm5 =	vge.s32 v16, v6;
	vm6 =	vlt.s32 v17, v7;
	vm1 =	vmand vm1, vm3  }
0x25e: {  	s4 =	sadd.s32 $0x30, s4;
	s7 =	sadd.s32 $0x30, s7;
	vm3 =	vmand vm5, vm2;
	vm2 =	vmand vm4, vm6;
	v14 =	vmax.f32 v8, v15  }
.LBB2_72:
0x25f: {  	v6 =	vsel @p0 vm0, v12, v13  }
0x260: {  	v7 =	vpsel p0, v6, v5  }
0x261: {  	vm15 =	vmmov vm1;
	v5 =	vmax.f32 v10, v9;
	v63 =	vmax.f32 v7, v11  }
0x262: {  	v6 =	vsel vm3, v14, v8;
	v5 =	vsel vm2, v5, v10;
	v7 =	vsel vm15, v63, v7  }
.LBB2_73:
0x263: {  	v8 =	vld [tilespmem:$0xF500]  }
0x264: {  	v10 =	vld [tilespmem:$0xF600]  }
0x265: {  	v9 =	vld [tilespmem:$0xF580];
	_ =	sdelay $0x2  }
0x266: {  	v6 =	vmax.f32 v8, v6  }
0x267: {  	v5 =	vmax.f32 v10, v5;
	[tilespmem:$0xF500] =	vst v6  }
0x268: {  	v6 =	vmax.f32 v9, v7;
	[tilespmem:$0xF600] =	vst v5  }
0x269: {  	[tilespmem:$0xF580] =	vst v6  }
.LBB2_74:
0x26a: {  	p0 =	sgt.s32 s23, s3  }
0x26b: {  	s7 =	smov.u32 s3;
	p1 =	slt.s32 s24, s15;
	s6 =	smov.u32 s15  }
0x26c: {  	s7 =	smov.u32 @p0 s23;
	s6 =	smov.u32 @p1 s24  }
0x26d: {  	p0 =	sge.s32 s7, s6  }
.Ltmp45:
0x26e: {  	_ = 	snop;
	(pc) =	sbr.rel @p0 .LBB2_83-.Ltmp45, $1  }
0x26f: {  	_ =	sdelay $0x3  }
0x270: {  	s1 =	ssub.s32 s7, s3  }
0x271: {  	s13 =	ssub.s32 s6, s3;
	s4 =	smulhi.u32 $0x2AAAAAAB, s1;
	s5 =	sshra.s32 s1, $0x1F  }
0x272: {  	s16 =	sadd.s32 $0x2F, s13;
	s14 =	smul.u32 $0x2AAAAAAB, s5  }
0x273: {  	s17 =	smulhi.u32 $0x2AAAAAAB, s16;
	s18 =	sshra.s32 s16, $0x1F  }
0x274: {  	s4 =	sadd.s32 s14, s4;
	s14 =	smul.u32 $0x2AAAAAAB, s18  }
0x275: {  	s18 =	sshrl.u32 s4, $0x1F;
	s4 =	sshra.s32 s4, $0x3  }
0x276: {  	p0 =	slt.s32 s3, s23;
	s4 =	sadd.s32 s18, s4;
	s14 =	sadd.s32 s14, s17  }
0x277: {  	s17 =	simm.s32 $0x1;
	s18 =	sshrl.u32 s14, $0x1F;
	s14 =	sshra.s32 s14, $0x3  }
0x278: {  	s17 =	simm.s32 @!p0 $0x0;
	s14 =	sadd.s32 s18, s14;
	s18 =	smul.u32 $0xFFFFFFD0, s4  }
0x279: {  	s1 =	ssub.s32 $0x0, s1;
	s5 =	sor.u32 s17, s5;
	s17 =	smul.u32 $0xFFFFFFD0, s14  }
0x27a: {  	p5 =	sne.s32 s18, s1;
	s18 =	ssub.s32 $0xFFFFFFD1, s13  }
0x27b: {  	p6 =	slt.s32 s16, $0x1;
	p1 =	sne.s32 s5, $0x1;
	p2 =	sne.s32 s17, s18  }
0x27c: {  	s5 =	simm.s32 $0x1;
	p0 =	por !p5, !p1;
	p1 =	por !p6, !p2  }
0x27d: {  	s1 =	simm.s32 $0x1;
	p0 =	por !p0, !p0;
	p1 =	por !p1, !p1  }
0x27e: {  	s1 =	simm.s32 @!p0 $0x0;
	s5 =	simm.s32 @!p1 $0x0  }
0x27f: {  	s4 =	ssub.s32 s4, s1;
	s14 =	ssub.s32 s14, s5  }
0x280: {  	p0 =	sge.s32 s4, s14  }
.Ltmp46:
0x281: {  	_ = 	snop;
	(pc) =	sbr.rel @p0 .LBB2_82-.Ltmp46, $2  }
0x282: {  	_ =	sdelay $0x2  }
0x283: {  	v6 =	vimm.f32 $-Inf;
	v7 =	vimm.f32 $-Inf;
	v5 =	vimm.f32 $-Inf  }
0x284: {  	s1 =	smul.u32 $0xC0, s4;
	_ =	sdelay $0x1  }
0x285: {  	s5 =	smul.u32 $0x30, s4;
	s1 =	sshra.s32 s1, $0x2  }
0x286: {  	s4 =	sadd.s32 $0x1, s4;
	s1 =	sadd.s32 $0x10, s1  }
0x287: {  	v6 =	vmov s7;
	p1 =	slt.s32 s4, s14;
	s17 =	sadd.s32 s5, s8;
	v8 =	vld [tilespmem:s1+$0xFFFFFFF0]  }
.Ltmp47:
0x288: {  	v7 =	vmov s6;
	v5 =	vimm.f32 $-Inf;
	v10 =	vor.u32 s17, v1;
	s18 =	sadd.s32 $0x10, s17;
	s7 =	sadd.s32 $0x20, s17;
	(pc) =	sbr.rel @!p1 .LBB2_77-.Ltmp47, $4  }
0x289: {  	vm0 =	vlt.s32 v10, v7;
	v9 =	vor.u32 s18, v1;
	v11 =	vor.u32 s7, v1  }
0x28a: {  	vm3 =	vge.s32 v10, v6;
	vm1 =	vge.s32 v9, v6;
	vm2 =	vlt.s32 v9, v7  }
0x28b: {  	vm4 =	vge.s32 v11, v6;
	v9 =	vld [tilespmem:s1+$0x10];
	vm1 =	vmand vm1, vm2;
	vm2 =	vlt.s32 v11, v7  }
0x28c: {  	p0 =	por $0x0, $0x0;
	s5 =	sadd.s32 $0x30, s5;
	s7 =	sadd.s32 $0x30, s1;
	vm3 =	vmand vm3, vm0;
	v11 =	vld [tilespmem:s1+$0x0];
	vm2 =	vmand vm4, vm2;
	v14 =	vmax.f32 v5, v8  }
0x28d: {  	_ =	sdelay $0x1  }
0x28e: {  	s1 =	sadd.s32 s5, s8  }
0x28f: {  	s6 =	sadd.s32 $0x10, s1;
	v9 =	vmax.f32 v5, v9  }
0x290: {  	v13 =	vld [tilespmem:s7+$0xFFFFFFF0];
	v10 =	vsel vm2, v9, v5;
	v9 =	vor.u32 s6, v1;
	s6 =	sadd.s32 $0x1, s4  }
0x291: {  	v8 =	vsel vm3, v14, v5;
	p1 =	slt.s32 s6, s14  }
.Ltmp48:
0x292: {  	vm0 =	vmmov vm1;
	v14 =	vor.u32 s1, v1;
	s1 =	sadd.s32 $0x20, s1;
	v12 =	vmax.f32 v5, v11;
	(pc) =	sbr.rel @!p1 .LBB2_79-.Ltmp48, $4  }
0x293: {  	v11 =	vor.u32 s1, v1;
	vm1 =	vge.s32 v9, v6;
	vm3 =	vlt.s32 v9, v7;
	v9 =	vld [tilespmem:s7+$0x10]  }
0x294: {  	vm5 =	vge.s32 v14, v6;
	vm4 =	vge.s32 v11, v6;
	vm6 =	vlt.s32 v11, v7;
	v11 =	vld [tilespmem:s7+$0x0]  }
0x295: {  	vm2 =	vlt.s32 v14, v7;
	v14 =	vmax.f32 v8, v13;
	v13 =	vimm.f32 $-Inf  }
0x296: {  	p0 =	por $0x1, $0x1;
	s4 =	sadd.s32 $0x30, s5;
	s7 =	sadd.s32 $0x30, s7;
	vm1 =	vmand vm1, vm3;
	vm3 =	vmand vm5, vm2;
	vm2 =	vmand vm4, vm6  }
.LBB2_80:
0x297: {  	s6 =	sadd.s32 $0x1, s6;
	v8 =	vsel vm3, v14, v8  }
0x298: {  	s1 =	sadd.s32 s4, s8;
	v15 =	vld [tilespmem:s7+$0xFFFFFFF0];
	v14 =	vmax.f32 v10, v9;
	v13 =	vsel vm0, v12, v13;
	vm0 =	vmmov vm1;
	p1 =	slt.s32 s6, s14  }
.Ltmp49:
0x299: {  	v16 =	vor.u32 s1, v1;
	s5 =	sadd.s32 $0x10, s1;
	v9 =	vld [tilespmem:s7+$0x10];
	s1 =	sadd.s32 $0x20, s1;
	v12 =	vmax.f32 v13, v11;
	v10 =	vsel vm2, v14, v10;
	(pc) =	sbr.rel @p1 .LBB2_80-.Ltmp49, $4  }
0x29a: {  	vm2 =	vlt.s32 v16, v7;
	v11 =	vld [tilespmem:s7+$0x0];
	v14 =	vor.u32 s5, v1;
	v17 =	vor.u32 s1, v1  }
0x29b: {  	vm1 =	vge.s32 v14, v6;
	vm3 =	vlt.s32 v14, v7;
	vm4 =	vge.s32 v17, v6  }
0x29c: {  	vm5 =	vge.s32 v16, v6;
	vm6 =	vlt.s32 v17, v7;
	vm1 =	vmand vm1, vm3  }
0x29d: {  	s4 =	sadd.s32 $0x30, s4;
	s7 =	sadd.s32 $0x30, s7;
	vm3 =	vmand vm5, vm2;
	vm2 =	vmand vm4, vm6;
	v14 =	vmax.f32 v8, v15  }
.LBB2_81:
0x29e: {  	v6 =	vsel @p0 vm0, v12, v13  }
0x29f: {  	v7 =	vpsel p0, v6, v5  }
0x2a0: {  	vm15 =	vmmov vm1;
	v5 =	vmax.f32 v10, v9;
	v63 =	vmax.f32 v7, v11  }
0x2a1: {  	v6 =	vsel vm3, v14, v8;
	v5 =	vsel vm2, v5, v10;
	v7 =	vsel vm15, v63, v7  }
.LBB2_82:
0x2a2: {  	v8 =	vld [tilespmem:$0xF680]  }
0x2a3: {  	v10 =	vld [tilespmem:$0xF780]  }
0x2a4: {  	v9 =	vld [tilespmem:$0xF700];
	_ =	sdelay $0x2  }
0x2a5: {  	v6 =	vmax.f32 v8, v6  }
0x2a6: {  	v5 =	vmax.f32 v10, v5;
	[tilespmem:$0xF680] =	vst v6  }
0x2a7: {  	v6 =	vmax.f32 v9, v7;
	[tilespmem:$0xF780] =	vst v5  }
0x2a8: {  	[tilespmem:$0xF700] =	vst v6  }
.LBB2_83:
0x2a9: {  	p0 =	sgt.s32 s24, s3  }
0x2aa: {  	s7 =	smov.u32 s3;
	p1 =	slt.s32 s25, s15;
	s6 =	smov.u32 s15  }
0x2ab: {  	s7 =	smov.u32 @p0 s24;
	s6 =	smov.u32 @p1 s25  }
0x2ac: {  	p0 =	sge.s32 s7, s6  }
.Ltmp50:
0x2ad: {  	_ = 	snop;
	(pc) =	sbr.rel @p0 .LBB2_92-.Ltmp50, $1  }
0x2ae: {  	_ =	sdelay $0x3  }
0x2af: {  	s1 =	ssub.s32 s7, s3  }
0x2b0: {  	s13 =	ssub.s32 s6, s3;
	s4 =	smulhi.u32 $0x2AAAAAAB, s1;
	s5 =	sshra.s32 s1, $0x1F  }
0x2b1: {  	s16 =	sadd.s32 $0x2F, s13;
	s14 =	smul.u32 $0x2AAAAAAB, s5  }
0x2b2: {  	s17 =	smulhi.u32 $0x2AAAAAAB, s16;
	s18 =	sshra.s32 s16, $0x1F  }
0x2b3: {  	s4 =	sadd.s32 s14, s4;
	s14 =	smul.u32 $0x2AAAAAAB, s18  }
0x2b4: {  	s18 =	sshrl.u32 s4, $0x1F;
	s4 =	sshra.s32 s4, $0x3  }
0x2b5: {  	p0 =	slt.s32 s3, s24;
	s4 =	sadd.s32 s18, s4;
	s14 =	sadd.s32 s14, s17  }
0x2b6: {  	s17 =	simm.s32 $0x1;
	s18 =	sshrl.u32 s14, $0x1F;
	s14 =	sshra.s32 s14, $0x3  }
0x2b7: {  	s17 =	simm.s32 @!p0 $0x0;
	s14 =	sadd.s32 s18, s14;
	s18 =	smul.u32 $0xFFFFFFD0, s4  }
0x2b8: {  	s1 =	ssub.s32 $0x0, s1;
	s5 =	sor.u32 s17, s5;
	s17 =	smul.u32 $0xFFFFFFD0, s14  }
0x2b9: {  	p5 =	sne.s32 s18, s1;
	s18 =	ssub.s32 $0xFFFFFFD1, s13  }
0x2ba: {  	p6 =	slt.s32 s16, $0x1;
	p1 =	sne.s32 s5, $0x1;
	p2 =	sne.s32 s17, s18  }
0x2bb: {  	s5 =	simm.s32 $0x1;
	p0 =	por !p5, !p1;
	p1 =	por !p6, !p2  }
0x2bc: {  	s1 =	simm.s32 $0x1;
	p0 =	por !p0, !p0;
	p1 =	por !p1, !p1  }
0x2bd: {  	s1 =	simm.s32 @!p0 $0x0;
	s5 =	simm.s32 @!p1 $0x0  }
0x2be: {  	s4 =	ssub.s32 s4, s1;
	s14 =	ssub.s32 s14, s5  }
0x2bf: {  	p0 =	sge.s32 s4, s14  }
.Ltmp51:
0x2c0: {  	_ = 	snop;
	(pc) =	sbr.rel @p0 .LBB2_91-.Ltmp51, $2  }
0x2c1: {  	_ =	sdelay $0x2  }
0x2c2: {  	v6 =	vimm.f32 $-Inf;
	v7 =	vimm.f32 $-Inf;
	v5 =	vimm.f32 $-Inf  }
0x2c3: {  	s1 =	smul.u32 $0xC0, s4;
	_ =	sdelay $0x1  }
0x2c4: {  	s5 =	smul.u32 $0x30, s4;
	s1 =	sshra.s32 s1, $0x2  }
0x2c5: {  	s4 =	sadd.s32 $0x1, s4;
	s1 =	sadd.s32 $0x10, s1  }
0x2c6: {  	v6 =	vmov s7;
	p1 =	slt.s32 s4, s14;
	s17 =	sadd.s32 s5, s8;
	v8 =	vld [tilespmem:s1+$0xFFFFFFF0]  }
.Ltmp52:
0x2c7: {  	v7 =	vmov s6;
	v5 =	vimm.f32 $-Inf;
	v10 =	vor.u32 s17, v1;
	s18 =	sadd.s32 $0x10, s17;
	s7 =	sadd.s32 $0x20, s17;
	(pc) =	sbr.rel @!p1 .LBB2_86-.Ltmp52, $4  }
0x2c8: {  	vm0 =	vlt.s32 v10, v7;
	v9 =	vor.u32 s18, v1;
	v11 =	vor.u32 s7, v1  }
0x2c9: {  	vm3 =	vge.s32 v10, v6;
	vm1 =	vge.s32 v9, v6;
	vm2 =	vlt.s32 v9, v7  }
0x2ca: {  	vm4 =	vge.s32 v11, v6;
	v9 =	vld [tilespmem:s1+$0x10];
	vm1 =	vmand vm1, vm2;
	vm2 =	vlt.s32 v11, v7  }
0x2cb: {  	p0 =	por $0x0, $0x0;
	s5 =	sadd.s32 $0x30, s5;
	s7 =	sadd.s32 $0x30, s1;
	vm3 =	vmand vm3, vm0;
	v11 =	vld [tilespmem:s1+$0x0];
	vm2 =	vmand vm4, vm2;
	v14 =	vmax.f32 v5, v8  }
0x2cc: {  	_ =	sdelay $0x1  }
0x2cd: {  	s1 =	sadd.s32 s5, s8  }
0x2ce: {  	s6 =	sadd.s32 $0x10, s1;
	v9 =	vmax.f32 v5, v9  }
0x2cf: {  	v13 =	vld [tilespmem:s7+$0xFFFFFFF0];
	v10 =	vsel vm2, v9, v5;
	v9 =	vor.u32 s6, v1;
	s6 =	sadd.s32 $0x1, s4  }
0x2d0: {  	v8 =	vsel vm3, v14, v5;
	p1 =	slt.s32 s6, s14  }
.Ltmp53:
0x2d1: {  	vm0 =	vmmov vm1;
	v14 =	vor.u32 s1, v1;
	s1 =	sadd.s32 $0x20, s1;
	v12 =	vmax.f32 v5, v11;
	(pc) =	sbr.rel @!p1 .LBB2_88-.Ltmp53, $4  }
0x2d2: {  	v11 =	vor.u32 s1, v1;
	vm1 =	vge.s32 v9, v6;
	vm3 =	vlt.s32 v9, v7;
	v9 =	vld [tilespmem:s7+$0x10]  }
0x2d3: {  	vm5 =	vge.s32 v14, v6;
	vm4 =	vge.s32 v11, v6;
	vm6 =	vlt.s32 v11, v7;
	v11 =	vld [tilespmem:s7+$0x0]  }
0x2d4: {  	vm2 =	vlt.s32 v14, v7;
	v14 =	vmax.f32 v8, v13;
	v13 =	vimm.f32 $-Inf  }
0x2d5: {  	p0 =	por $0x1, $0x1;
	s4 =	sadd.s32 $0x30, s5;
	s7 =	sadd.s32 $0x30, s7;
	vm1 =	vmand vm1, vm3;
	vm3 =	vmand vm5, vm2;
	vm2 =	vmand vm4, vm6  }
.LBB2_89:
0x2d6: {  	s6 =	sadd.s32 $0x1, s6;
	v8 =	vsel vm3, v14, v8  }
0x2d7: {  	s1 =	sadd.s32 s4, s8;
	v15 =	vld [tilespmem:s7+$0xFFFFFFF0];
	v14 =	vmax.f32 v10, v9;
	v13 =	vsel vm0, v12, v13;
	vm0 =	vmmov vm1;
	p1 =	slt.s32 s6, s14  }
.Ltmp54:
0x2d8: {  	v16 =	vor.u32 s1, v1;
	s5 =	sadd.s32 $0x10, s1;
	v9 =	vld [tilespmem:s7+$0x10];
	s1 =	sadd.s32 $0x20, s1;
	v12 =	vmax.f32 v13, v11;
	v10 =	vsel vm2, v14, v10;
	(pc) =	sbr.rel @p1 .LBB2_89-.Ltmp54, $4  }
0x2d9: {  	vm2 =	vlt.s32 v16, v7;
	v11 =	vld [tilespmem:s7+$0x0];
	v14 =	vor.u32 s5, v1;
	v17 =	vor.u32 s1, v1  }
0x2da: {  	vm1 =	vge.s32 v14, v6;
	vm3 =	vlt.s32 v14, v7;
	vm4 =	vge.s32 v17, v6  }
0x2db: {  	vm5 =	vge.s32 v16, v6;
	vm6 =	vlt.s32 v17, v7;
	vm1 =	vmand vm1, vm3  }
0x2dc: {  	s4 =	sadd.s32 $0x30, s4;
	s7 =	sadd.s32 $0x30, s7;
	vm3 =	vmand vm5, vm2;
	vm2 =	vmand vm4, vm6;
	v14 =	vmax.f32 v8, v15  }
.LBB2_90:
0x2dd: {  	v6 =	vsel @p0 vm0, v12, v13  }
0x2de: {  	v7 =	vpsel p0, v6, v5  }
0x2df: {  	vm15 =	vmmov vm1;
	v5 =	vmax.f32 v10, v9;
	v63 =	vmax.f32 v7, v11  }
0x2e0: {  	v6 =	vsel vm3, v14, v8;
	v5 =	vsel vm2, v5, v10;
	v7 =	vsel vm15, v63, v7  }
.LBB2_91:
0x2e1: {  	v8 =	vld [tilespmem:$0xF800]  }
0x2e2: {  	v10 =	vld [tilespmem:$0xF900]  }
0x2e3: {  	v9 =	vld [tilespmem:$0xF880];
	_ =	sdelay $0x2  }
0x2e4: {  	v6 =	vmax.f32 v8, v6  }
0x2e5: {  	v5 =	vmax.f32 v10, v5;
	[tilespmem:$0xF800] =	vst v6  }
0x2e6: {  	v6 =	vmax.f32 v9, v7;
	[tilespmem:$0xF900] =	vst v5  }
0x2e7: {  	[tilespmem:$0xF880] =	vst v6  }
.LBB2_92:
0x2e8: {  	p0 =	sgt.s32 s25, s3  }
0x2e9: {  	s7 =	smov.u32 s3;
	p1 =	slt.s32 s26, s15;
	s6 =	smov.u32 s15  }
0x2ea: {  	s7 =	smov.u32 @p0 s25;
	s6 =	smov.u32 @p1 s26  }
0x2eb: {  	p0 =	sge.s32 s7, s6  }
.Ltmp55:
0x2ec: {  	_ = 	snop;
	(pc) =	sbr.rel @p0 .LBB2_101-.Ltmp55, $1  }
0x2ed: {  	_ =	sdelay $0x3  }
0x2ee: {  	s1 =	ssub.s32 s7, s3  }
0x2ef: {  	s13 =	ssub.s32 s6, s3;
	s4 =	smulhi.u32 $0x2AAAAAAB, s1;
	s5 =	sshra.s32 s1, $0x1F  }
0x2f0: {  	s16 =	sadd.s32 $0x2F, s13;
	s14 =	smul.u32 $0x2AAAAAAB, s5  }
0x2f1: {  	s17 =	smulhi.u32 $0x2AAAAAAB, s16;
	s18 =	sshra.s32 s16, $0x1F  }
0x2f2: {  	s4 =	sadd.s32 s14, s4;
	s14 =	smul.u32 $0x2AAAAAAB, s18  }
0x2f3: {  	s18 =	sshrl.u32 s4, $0x1F;
	s4 =	sshra.s32 s4, $0x3  }
0x2f4: {  	p0 =	slt.s32 s3, s25;
	s4 =	sadd.s32 s18, s4;
	s14 =	sadd.s32 s14, s17  }
0x2f5: {  	s17 =	simm.s32 $0x1;
	s18 =	sshrl.u32 s14, $0x1F;
	s14 =	sshra.s32 s14, $0x3  }
0x2f6: {  	s17 =	simm.s32 @!p0 $0x0;
	s14 =	sadd.s32 s18, s14;
	s18 =	smul.u32 $0xFFFFFFD0, s4  }
0x2f7: {  	s1 =	ssub.s32 $0x0, s1;
	s5 =	sor.u32 s17, s5;
	s17 =	smul.u32 $0xFFFFFFD0, s14  }
0x2f8: {  	p5 =	sne.s32 s18, s1;
	s18 =	ssub.s32 $0xFFFFFFD1, s13  }
0x2f9: {  	p6 =	slt.s32 s16, $0x1;
	p1 =	sne.s32 s5, $0x1;
	p2 =	sne.s32 s17, s18  }
0x2fa: {  	s5 =	simm.s32 $0x1;
	p0 =	por !p5, !p1;
	p1 =	por !p6, !p2  }
0x2fb: {  	s1 =	simm.s32 $0x1;
	p0 =	por !p0, !p0;
	p1 =	por !p1, !p1  }
0x2fc: {  	s1 =	simm.s32 @!p0 $0x0;
	s5 =	simm.s32 @!p1 $0x0  }
0x2fd: {  	s4 =	ssub.s32 s4, s1;
	s14 =	ssub.s32 s14, s5  }
0x2fe: {  	p0 =	sge.s32 s4, s14  }
.Ltmp56:
0x2ff: {  	_ = 	snop;
	(pc) =	sbr.rel @p0 .LBB2_100-.Ltmp56, $2  }
0x300: {  	_ =	sdelay $0x2  }
0x301: {  	v6 =	vimm.f32 $-Inf;
	v7 =	vimm.f32 $-Inf;
	v5 =	vimm.f32 $-Inf  }
0x302: {  	s1 =	smul.u32 $0xC0, s4;
	_ =	sdelay $0x1  }
0x303: {  	s5 =	smul.u32 $0x30, s4;
	s1 =	sshra.s32 s1, $0x2  }
0x304: {  	s4 =	sadd.s32 $0x1, s4;
	s1 =	sadd.s32 $0x10, s1  }
0x305: {  	v6 =	vmov s7;
	p1 =	slt.s32 s4, s14;
	s17 =	sadd.s32 s5, s8;
	v8 =	vld [tilespmem:s1+$0xFFFFFFF0]  }
.Ltmp57:
0x306: {  	v7 =	vmov s6;
	v5 =	vimm.f32 $-Inf;
	v10 =	vor.u32 s17, v1;
	s18 =	sadd.s32 $0x10, s17;
	s7 =	sadd.s32 $0x20, s17;
	(pc) =	sbr.rel @!p1 .LBB2_95-.Ltmp57, $4  }
0x307: {  	vm0 =	vlt.s32 v10, v7;
	v9 =	vor.u32 s18, v1;
	v11 =	vor.u32 s7, v1  }
0x308: {  	vm3 =	vge.s32 v10, v6;
	vm1 =	vge.s32 v9, v6;
	vm2 =	vlt.s32 v9, v7  }
0x309: {  	vm4 =	vge.s32 v11, v6;
	v9 =	vld [tilespmem:s1+$0x10];
	vm1 =	vmand vm1, vm2;
	vm2 =	vlt.s32 v11, v7  }
0x30a: {  	p0 =	por $0x0, $0x0;
	s5 =	sadd.s32 $0x30, s5;
	s7 =	sadd.s32 $0x30, s1;
	vm3 =	vmand vm3, vm0;
	v11 =	vld [tilespmem:s1+$0x0];
	vm2 =	vmand vm4, vm2;
	v14 =	vmax.f32 v5, v8  }
0x30b: {  	_ =	sdelay $0x1  }
0x30c: {  	s1 =	sadd.s32 s5, s8  }
0x30d: {  	s6 =	sadd.s32 $0x10, s1;
	v9 =	vmax.f32 v5, v9  }
0x30e: {  	v13 =	vld [tilespmem:s7+$0xFFFFFFF0];
	v10 =	vsel vm2, v9, v5;
	v9 =	vor.u32 s6, v1;
	s6 =	sadd.s32 $0x1, s4  }
0x30f: {  	v8 =	vsel vm3, v14, v5;
	p1 =	slt.s32 s6, s14  }
.Ltmp58:
0x310: {  	vm0 =	vmmov vm1;
	v14 =	vor.u32 s1, v1;
	s1 =	sadd.s32 $0x20, s1;
	v12 =	vmax.f32 v5, v11;
	(pc) =	sbr.rel @!p1 .LBB2_97-.Ltmp58, $4  }
0x311: {  	v11 =	vor.u32 s1, v1;
	vm1 =	vge.s32 v9, v6;
	vm3 =	vlt.s32 v9, v7;
	v9 =	vld [tilespmem:s7+$0x10]  }
0x312: {  	vm5 =	vge.s32 v14, v6;
	vm4 =	vge.s32 v11, v6;
	vm6 =	vlt.s32 v11, v7;
	v11 =	vld [tilespmem:s7+$0x0]  }
0x313: {  	vm2 =	vlt.s32 v14, v7;
	v14 =	vmax.f32 v8, v13;
	v13 =	vimm.f32 $-Inf  }
0x314: {  	p0 =	por $0x1, $0x1;
	s4 =	sadd.s32 $0x30, s5;
	s7 =	sadd.s32 $0x30, s7;
	vm1 =	vmand vm1, vm3;
	vm3 =	vmand vm5, vm2;
	vm2 =	vmand vm4, vm6  }
.LBB2_98:
0x315: {  	s6 =	sadd.s32 $0x1, s6;
	v8 =	vsel vm3, v14, v8  }
0x316: {  	s1 =	sadd.s32 s4, s8;
	v15 =	vld [tilespmem:s7+$0xFFFFFFF0];
	v14 =	vmax.f32 v10, v9;
	v13 =	vsel vm0, v12, v13;
	vm0 =	vmmov vm1;
	p1 =	slt.s32 s6, s14  }
.Ltmp59:
0x317: {  	v16 =	vor.u32 s1, v1;
	s5 =	sadd.s32 $0x10, s1;
	v9 =	vld [tilespmem:s7+$0x10];
	s1 =	sadd.s32 $0x20, s1;
	v12 =	vmax.f32 v13, v11;
	v10 =	vsel vm2, v14, v10;
	(pc) =	sbr.rel @p1 .LBB2_98-.Ltmp59, $4  }
0x318: {  	vm2 =	vlt.s32 v16, v7;
	v11 =	vld [tilespmem:s7+$0x0];
	v14 =	vor.u32 s5, v1;
	v17 =	vor.u32 s1, v1  }
0x319: {  	vm1 =	vge.s32 v14, v6;
	vm3 =	vlt.s32 v14, v7;
	vm4 =	vge.s32 v17, v6  }
0x31a: {  	vm5 =	vge.s32 v16, v6;
	vm6 =	vlt.s32 v17, v7;
	vm1 =	vmand vm1, vm3  }
0x31b: {  	s4 =	sadd.s32 $0x30, s4;
	s7 =	sadd.s32 $0x30, s7;
	vm3 =	vmand vm5, vm2;
	vm2 =	vmand vm4, vm6;
	v14 =	vmax.f32 v8, v15  }
.LBB2_99:
0x31c: {  	v6 =	vsel @p0 vm0, v12, v13  }
0x31d: {  	v7 =	vpsel p0, v6, v5  }
0x31e: {  	vm15 =	vmmov vm1;
	v5 =	vmax.f32 v10, v9;
	v63 =	vmax.f32 v7, v11  }
0x31f: {  	v6 =	vsel vm3, v14, v8;
	v5 =	vsel vm2, v5, v10;
	v7 =	vsel vm15, v63, v7  }
.LBB2_100:
0x320: {  	v8 =	vld [tilespmem:$0xF980]  }
0x321: {  	v10 =	vld [tilespmem:$0xFA80]  }
0x322: {  	v9 =	vld [tilespmem:$0xFA00];
	_ =	sdelay $0x2  }
0x323: {  	v6 =	vmax.f32 v8, v6  }
0x324: {  	v5 =	vmax.f32 v10, v5;
	[tilespmem:$0xF980] =	vst v6  }
0x325: {  	v6 =	vmax.f32 v9, v7;
	[tilespmem:$0xFA80] =	vst v5  }
0x326: {  	[tilespmem:$0xFA00] =	vst v6  }
.LBB2_101:
0x327: {  	p0 =	sgt.s32 s26, s3  }
0x328: {  	s7 =	smov.u32 s3;
	p1 =	slt.s32 s28, s15;
	s6 =	smov.u32 s15  }
0x329: {  	s7 =	smov.u32 @p0 s26;
	s6 =	smov.u32 @p1 s28  }
0x32a: {  	p0 =	sge.s32 s7, s6  }
.Ltmp60:
0x32b: {  	_ = 	snop;
	(pc) =	sbr.rel @p0 .LBB2_110-.Ltmp60, $1  }
0x32c: {  	_ =	sdelay $0x3  }
0x32d: {  	s1 =	ssub.s32 s7, s3  }
0x32e: {  	s13 =	ssub.s32 s6, s3;
	s4 =	smulhi.u32 $0x2AAAAAAB, s1;
	s5 =	sshra.s32 s1, $0x1F  }
0x32f: {  	s16 =	sadd.s32 $0x2F, s13;
	s14 =	smul.u32 $0x2AAAAAAB, s5  }
0x330: {  	s17 =	smulhi.u32 $0x2AAAAAAB, s16;
	s18 =	sshra.s32 s16, $0x1F  }
0x331: {  	s4 =	sadd.s32 s14, s4;
	s14 =	smul.u32 $0x2AAAAAAB, s18  }
0x332: {  	s18 =	sshrl.u32 s4, $0x1F;
	s4 =	sshra.s32 s4, $0x3  }
0x333: {  	p0 =	slt.s32 s3, s26;
	s4 =	sadd.s32 s18, s4;
	s14 =	sadd.s32 s14, s17  }
0x334: {  	s17 =	simm.s32 $0x1;
	s18 =	sshrl.u32 s14, $0x1F;
	s14 =	sshra.s32 s14, $0x3  }
0x335: {  	s17 =	simm.s32 @!p0 $0x0;
	s14 =	sadd.s32 s18, s14;
	s18 =	smul.u32 $0xFFFFFFD0, s4  }
0x336: {  	s1 =	ssub.s32 $0x0, s1;
	s5 =	sor.u32 s17, s5;
	s17 =	smul.u32 $0xFFFFFFD0, s14  }
0x337: {  	p5 =	sne.s32 s18, s1;
	s18 =	ssub.s32 $0xFFFFFFD1, s13  }
0x338: {  	p6 =	slt.s32 s16, $0x1;
	p1 =	sne.s32 s5, $0x1;
	p2 =	sne.s32 s17, s18  }
0x339: {  	s5 =	simm.s32 $0x1;
	p0 =	por !p5, !p1;
	p1 =	por !p6, !p2  }
0x33a: {  	s1 =	simm.s32 $0x1;
	p0 =	por !p0, !p0;
	p1 =	por !p1, !p1  }
0x33b: {  	s1 =	simm.s32 @!p0 $0x0;
	s5 =	simm.s32 @!p1 $0x0  }
0x33c: {  	s4 =	ssub.s32 s4, s1;
	s14 =	ssub.s32 s14, s5  }
0x33d: {  	p0 =	sge.s32 s4, s14  }
.Ltmp61:
0x33e: {  	_ = 	snop;
	(pc) =	sbr.rel @p0 .LBB2_109-.Ltmp61, $2  }
0x33f: {  	_ =	sdelay $0x2  }
0x340: {  	v6 =	vimm.f32 $-Inf;
	v7 =	vimm.f32 $-Inf;
	v5 =	vimm.f32 $-Inf  }
0x341: {  	s1 =	smul.u32 $0xC0, s4;
	_ =	sdelay $0x1  }
0x342: {  	s5 =	smul.u32 $0x30, s4;
	s1 =	sshra.s32 s1, $0x2  }
0x343: {  	s4 =	sadd.s32 $0x1, s4;
	s1 =	sadd.s32 $0x10, s1  }
0x344: {  	v6 =	vmov s7;
	p1 =	slt.s32 s4, s14;
	s17 =	sadd.s32 s5, s8;
	v8 =	vld [tilespmem:s1+$0xFFFFFFF0]  }
.Ltmp62:
0x345: {  	v7 =	vmov s6;
	v5 =	vimm.f32 $-Inf;
	v10 =	vor.u32 s17, v1;
	s18 =	sadd.s32 $0x10, s17;
	s7 =	sadd.s32 $0x20, s17;
	(pc) =	sbr.rel @!p1 .LBB2_104-.Ltmp62, $4  }
0x346: {  	vm0 =	vlt.s32 v10, v7;
	v9 =	vor.u32 s18, v1;
	v11 =	vor.u32 s7, v1  }
0x347: {  	vm3 =	vge.s32 v10, v6;
	vm1 =	vge.s32 v9, v6;
	vm2 =	vlt.s32 v9, v7  }
0x348: {  	vm4 =	vge.s32 v11, v6;
	v9 =	vld [tilespmem:s1+$0x10];
	vm1 =	vmand vm1, vm2;
	vm2 =	vlt.s32 v11, v7  }
0x349: {  	p0 =	por $0x0, $0x0;
	s5 =	sadd.s32 $0x30, s5;
	s7 =	sadd.s32 $0x30, s1;
	vm3 =	vmand vm3, vm0;
	v11 =	vld [tilespmem:s1+$0x0];
	vm2 =	vmand vm4, vm2;
	v14 =	vmax.f32 v5, v8  }
0x34a: {  	_ =	sdelay $0x1  }
0x34b: {  	s1 =	sadd.s32 s5, s8  }
0x34c: {  	s6 =	sadd.s32 $0x10, s1;
	v9 =	vmax.f32 v5, v9  }
0x34d: {  	v13 =	vld [tilespmem:s7+$0xFFFFFFF0];
	v10 =	vsel vm2, v9, v5;
	v9 =	vor.u32 s6, v1;
	s6 =	sadd.s32 $0x1, s4  }
0x34e: {  	v8 =	vsel vm3, v14, v5;
	p1 =	slt.s32 s6, s14  }
.Ltmp63:
0x34f: {  	vm0 =	vmmov vm1;
	v14 =	vor.u32 s1, v1;
	s1 =	sadd.s32 $0x20, s1;
	v12 =	vmax.f32 v5, v11;
	(pc) =	sbr.rel @!p1 .LBB2_106-.Ltmp63, $4  }
0x350: {  	v11 =	vor.u32 s1, v1;
	vm1 =	vge.s32 v9, v6;
	vm3 =	vlt.s32 v9, v7;
	v9 =	vld [tilespmem:s7+$0x10]  }
0x351: {  	vm5 =	vge.s32 v14, v6;
	vm4 =	vge.s32 v11, v6;
	vm6 =	vlt.s32 v11, v7;
	v11 =	vld [tilespmem:s7+$0x0]  }
0x352: {  	vm2 =	vlt.s32 v14, v7;
	v14 =	vmax.f32 v8, v13;
	v13 =	vimm.f32 $-Inf  }
0x353: {  	p0 =	por $0x1, $0x1;
	s4 =	sadd.s32 $0x30, s5;
	s7 =	sadd.s32 $0x30, s7;
	vm1 =	vmand vm1, vm3;
	vm3 =	vmand vm5, vm2;
	vm2 =	vmand vm4, vm6  }
.LBB2_107:
0x354: {  	s6 =	sadd.s32 $0x1, s6;
	v8 =	vsel vm3, v14, v8  }
0x355: {  	s1 =	sadd.s32 s4, s8;
	v15 =	vld [tilespmem:s7+$0xFFFFFFF0];
	v14 =	vmax.f32 v10, v9;
	v13 =	vsel vm0, v12, v13;
	vm0 =	vmmov vm1;
	p1 =	slt.s32 s6, s14  }
.Ltmp64:
0x356: {  	v16 =	vor.u32 s1, v1;
	s5 =	sadd.s32 $0x10, s1;
	v9 =	vld [tilespmem:s7+$0x10];
	s1 =	sadd.s32 $0x20, s1;
	v12 =	vmax.f32 v13, v11;
	v10 =	vsel vm2, v14, v10;
	(pc) =	sbr.rel @p1 .LBB2_107-.Ltmp64, $4  }
0x357: {  	vm2 =	vlt.s32 v16, v7;
	v11 =	vld [tilespmem:s7+$0x0];
	v14 =	vor.u32 s5, v1;
	v17 =	vor.u32 s1, v1  }
0x358: {  	vm1 =	vge.s32 v14, v6;
	vm3 =	vlt.s32 v14, v7;
	vm4 =	vge.s32 v17, v6  }
0x359: {  	vm5 =	vge.s32 v16, v6;
	vm6 =	vlt.s32 v17, v7;
	vm1 =	vmand vm1, vm3  }
0x35a: {  	s4 =	sadd.s32 $0x30, s4;
	s7 =	sadd.s32 $0x30, s7;
	vm3 =	vmand vm5, vm2;
	vm2 =	vmand vm4, vm6;
	v14 =	vmax.f32 v8, v15  }
.LBB2_108:
0x35b: {  	v6 =	vsel @p0 vm0, v12, v13  }
0x35c: {  	v7 =	vpsel p0, v6, v5  }
0x35d: {  	vm15 =	vmmov vm1;
	v5 =	vmax.f32 v10, v9;
	v63 =	vmax.f32 v7, v11  }
0x35e: {  	v6 =	vsel vm3, v14, v8;
	v5 =	vsel vm2, v5, v10;
	v7 =	vsel vm15, v63, v7  }
.LBB2_109:
0x35f: {  	v8 =	vld [tilespmem:$0xFB00]  }
0x360: {  	v10 =	vld [tilespmem:$0xFC00]  }
0x361: {  	v9 =	vld [tilespmem:$0xFB80];
	_ =	sdelay $0x2  }
0x362: {  	v6 =	vmax.f32 v8, v6  }
0x363: {  	v5 =	vmax.f32 v10, v5;
	[tilespmem:$0xFB00] =	vst v6  }
0x364: {  	v6 =	vmax.f32 v9, v7;
	[tilespmem:$0xFC00] =	vst v5  }
0x365: {  	[tilespmem:$0xFB80] =	vst v6  }
.LBB2_110:
0x366: {  	p0 =	sgt.s32 s28, s3  }
0x367: {  	s7 =	smov.u32 s3;
	p1 =	slt.s32 s29, s15;
	s6 =	smov.u32 s15  }
0x368: {  	s7 =	smov.u32 @p0 s28;
	s6 =	smov.u32 @p1 s29  }
0x369: {  	p0 =	sge.s32 s7, s6  }
.Ltmp65:
0x36a: {  	_ = 	snop;
	(pc) =	sbr.rel @p0 .LBB2_119-.Ltmp65, $1  }
0x36b: {  	_ =	sdelay $0x3  }
0x36c: {  	s1 =	ssub.s32 s7, s3  }
0x36d: {  	s13 =	ssub.s32 s6, s3;
	s4 =	smulhi.u32 $0x2AAAAAAB, s1;
	s5 =	sshra.s32 s1, $0x1F  }
0x36e: {  	s16 =	sadd.s32 $0x2F, s13;
	s14 =	smul.u32 $0x2AAAAAAB, s5  }
0x36f: {  	s17 =	smulhi.u32 $0x2AAAAAAB, s16;
	s18 =	sshra.s32 s16, $0x1F  }
0x370: {  	s4 =	sadd.s32 s14, s4;
	s14 =	smul.u32 $0x2AAAAAAB, s18  }
0x371: {  	s18 =	sshrl.u32 s4, $0x1F;
	s4 =	sshra.s32 s4, $0x3  }
0x372: {  	p0 =	slt.s32 s3, s28;
	s4 =	sadd.s32 s18, s4;
	s14 =	sadd.s32 s14, s17  }
0x373: {  	s17 =	simm.s32 $0x1;
	s18 =	sshrl.u32 s14, $0x1F;
	s14 =	sshra.s32 s14, $0x3  }
0x374: {  	s17 =	simm.s32 @!p0 $0x0;
	s14 =	sadd.s32 s18, s14;
	s18 =	smul.u32 $0xFFFFFFD0, s4  }
0x375: {  	s1 =	ssub.s32 $0x0, s1;
	s5 =	sor.u32 s17, s5;
	s17 =	smul.u32 $0xFFFFFFD0, s14  }
0x376: {  	p5 =	sne.s32 s18, s1;
	s18 =	ssub.s32 $0xFFFFFFD1, s13  }
0x377: {  	p6 =	slt.s32 s16, $0x1;
	p1 =	sne.s32 s5, $0x1;
	p2 =	sne.s32 s17, s18  }
0x378: {  	s5 =	simm.s32 $0x1;
	p0 =	por !p5, !p1;
	p1 =	por !p6, !p2  }
0x379: {  	s1 =	simm.s32 $0x1;
	p0 =	por !p0, !p0;
	p1 =	por !p1, !p1  }
0x37a: {  	s1 =	simm.s32 @!p0 $0x0;
	s5 =	simm.s32 @!p1 $0x0  }
0x37b: {  	s4 =	ssub.s32 s4, s1;
	s14 =	ssub.s32 s14, s5  }
0x37c: {  	p0 =	sge.s32 s4, s14  }
.Ltmp66:
0x37d: {  	_ = 	snop;
	(pc) =	sbr.rel @p0 .LBB2_118-.Ltmp66, $2  }
0x37e: {  	_ =	sdelay $0x2  }
0x37f: {  	v6 =	vimm.f32 $-Inf;
	v7 =	vimm.f32 $-Inf;
	v5 =	vimm.f32 $-Inf  }
0x380: {  	s1 =	smul.u32 $0xC0, s4;
	_ =	sdelay $0x1  }
0x381: {  	s5 =	smul.u32 $0x30, s4;
	s1 =	sshra.s32 s1, $0x2  }
0x382: {  	s4 =	sadd.s32 $0x1, s4;
	s1 =	sadd.s32 $0x10, s1  }
0x383: {  	v6 =	vmov s7;
	p1 =	slt.s32 s4, s14;
	s17 =	sadd.s32 s5, s8;
	v8 =	vld [tilespmem:s1+$0xFFFFFFF0]  }
.Ltmp67:
0x384: {  	v7 =	vmov s6;
	v5 =	vimm.f32 $-Inf;
	v10 =	vor.u32 s17, v1;
	s18 =	sadd.s32 $0x10, s17;
	s7 =	sadd.s32 $0x20, s17;
	(pc) =	sbr.rel @!p1 .LBB2_113-.Ltmp67, $4  }
0x385: {  	vm0 =	vlt.s32 v10, v7;
	v9 =	vor.u32 s18, v1;
	v11 =	vor.u32 s7, v1  }
0x386: {  	vm3 =	vge.s32 v10, v6;
	vm1 =	vge.s32 v9, v6;
	vm2 =	vlt.s32 v9, v7  }
0x387: {  	vm4 =	vge.s32 v11, v6;
	v9 =	vld [tilespmem:s1+$0x10];
	vm1 =	vmand vm1, vm2;
	vm2 =	vlt.s32 v11, v7  }
0x388: {  	p0 =	por $0x0, $0x0;
	s5 =	sadd.s32 $0x30, s5;
	s7 =	sadd.s32 $0x30, s1;
	vm3 =	vmand vm3, vm0;
	v11 =	vld [tilespmem:s1+$0x0];
	vm2 =	vmand vm4, vm2;
	v14 =	vmax.f32 v5, v8  }
0x389: {  	_ =	sdelay $0x1  }
0x38a: {  	s1 =	sadd.s32 s5, s8  }
0x38b: {  	s6 =	sadd.s32 $0x10, s1;
	v9 =	vmax.f32 v5, v9  }
0x38c: {  	v13 =	vld [tilespmem:s7+$0xFFFFFFF0];
	v10 =	vsel vm2, v9, v5;
	v9 =	vor.u32 s6, v1;
	s6 =	sadd.s32 $0x1, s4  }
0x38d: {  	v8 =	vsel vm3, v14, v5;
	p1 =	slt.s32 s6, s14  }
.Ltmp68:
0x38e: {  	vm0 =	vmmov vm1;
	v14 =	vor.u32 s1, v1;
	s1 =	sadd.s32 $0x20, s1;
	v12 =	vmax.f32 v5, v11;
	(pc) =	sbr.rel @!p1 .LBB2_115-.Ltmp68, $4  }
0x38f: {  	v11 =	vor.u32 s1, v1;
	vm1 =	vge.s32 v9, v6;
	vm3 =	vlt.s32 v9, v7;
	v9 =	vld [tilespmem:s7+$0x10]  }
0x390: {  	vm5 =	vge.s32 v14, v6;
	vm4 =	vge.s32 v11, v6;
	vm6 =	vlt.s32 v11, v7;
	v11 =	vld [tilespmem:s7+$0x0]  }
0x391: {  	vm2 =	vlt.s32 v14, v7;
	v14 =	vmax.f32 v8, v13;
	v13 =	vimm.f32 $-Inf  }
0x392: {  	p0 =	por $0x1, $0x1;
	s4 =	sadd.s32 $0x30, s5;
	s7 =	sadd.s32 $0x30, s7;
	vm1 =	vmand vm1, vm3;
	vm3 =	vmand vm5, vm2;
	vm2 =	vmand vm4, vm6  }
.LBB2_116:
0x393: {  	s6 =	sadd.s32 $0x1, s6;
	v8 =	vsel vm3, v14, v8  }
0x394: {  	s1 =	sadd.s32 s4, s8;
	v15 =	vld [tilespmem:s7+$0xFFFFFFF0];
	v14 =	vmax.f32 v10, v9;
	v13 =	vsel vm0, v12, v13;
	vm0 =	vmmov vm1;
	p1 =	slt.s32 s6, s14  }
.Ltmp69:
0x395: {  	v16 =	vor.u32 s1, v1;
	s5 =	sadd.s32 $0x10, s1;
	v9 =	vld [tilespmem:s7+$0x10];
	s1 =	sadd.s32 $0x20, s1;
	v12 =	vmax.f32 v13, v11;
	v10 =	vsel vm2, v14, v10;
	(pc) =	sbr.rel @p1 .LBB2_116-.Ltmp69, $4  }
0x396: {  	vm2 =	vlt.s32 v16, v7;
	v11 =	vld [tilespmem:s7+$0x0];
	v14 =	vor.u32 s5, v1;
	v17 =	vor.u32 s1, v1  }
0x397: {  	vm1 =	vge.s32 v14, v6;
	vm3 =	vlt.s32 v14, v7;
	vm4 =	vge.s32 v17, v6  }
0x398: {  	vm5 =	vge.s32 v16, v6;
	vm6 =	vlt.s32 v17, v7;
	vm1 =	vmand vm1, vm3  }
0x399: {  	s4 =	sadd.s32 $0x30, s4;
	s7 =	sadd.s32 $0x30, s7;
	vm3 =	vmand vm5, vm2;
	vm2 =	vmand vm4, vm6;
	v14 =	vmax.f32 v8, v15  }
.LBB2_117:
0x39a: {  	v6 =	vsel @p0 vm0, v12, v13  }
0x39b: {  	v7 =	vpsel p0, v6, v5  }
0x39c: {  	vm15 =	vmmov vm1;
	v5 =	vmax.f32 v10, v9;
	v63 =	vmax.f32 v7, v11  }
0x39d: {  	v6 =	vsel vm3, v14, v8;
	v5 =	vsel vm2, v5, v10;
	v7 =	vsel vm15, v63, v7  }
.LBB2_118:
0x39e: {  	v8 =	vld [tilespmem:$0xFC80]  }
0x39f: {  	v10 =	vld [tilespmem:$0xFD80]  }
0x3a0: {  	v9 =	vld [tilespmem:$0xFD00];
	_ =	sdelay $0x2  }
0x3a1: {  	v6 =	vmax.f32 v8, v6  }
0x3a2: {  	v5 =	vmax.f32 v10, v5;
	[tilespmem:$0xFC80] =	vst v6  }
0x3a3: {  	v6 =	vmax.f32 v9, v7;
	[tilespmem:$0xFD80] =	vst v5  }
0x3a4: {  	[tilespmem:$0xFD00] =	vst v6  }
.LBB2_119:
0x3a5: {  	p0 =	sgt.s32 s29, s3  }
0x3a6: {  	s7 =	smov.u32 s3;
	p1 =	slt.s32 s30, s15;
	s6 =	smov.u32 s15  }
0x3a7: {  	s7 =	smov.u32 @p0 s29;
	s6 =	smov.u32 @p1 s30  }
0x3a8: {  	p0 =	sge.s32 s7, s6  }
.Ltmp70:
0x3a9: {  	_ = 	snop;
	(pc) =	sbr.rel @p0 .LBB2_128-.Ltmp70, $1  }
0x3aa: {  	_ =	sdelay $0x3  }
0x3ab: {  	s1 =	ssub.s32 s7, s3  }
0x3ac: {  	s13 =	ssub.s32 s6, s3;
	s4 =	smulhi.u32 $0x2AAAAAAB, s1;
	s5 =	sshra.s32 s1, $0x1F  }
0x3ad: {  	s16 =	sadd.s32 $0x2F, s13;
	s14 =	smul.u32 $0x2AAAAAAB, s5  }
0x3ae: {  	s17 =	smulhi.u32 $0x2AAAAAAB, s16;
	s18 =	sshra.s32 s16, $0x1F  }
0x3af: {  	s4 =	sadd.s32 s14, s4;
	s14 =	smul.u32 $0x2AAAAAAB, s18  }
0x3b0: {  	s18 =	sshrl.u32 s4, $0x1F;
	s4 =	sshra.s32 s4, $0x3  }
0x3b1: {  	p0 =	slt.s32 s3, s29;
	s4 =	sadd.s32 s18, s4;
	s14 =	sadd.s32 s14, s17  }
0x3b2: {  	s17 =	simm.s32 $0x1;
	s18 =	sshrl.u32 s14, $0x1F;
	s14 =	sshra.s32 s14, $0x3  }
0x3b3: {  	s17 =	simm.s32 @!p0 $0x0;
	s14 =	sadd.s32 s18, s14;
	s18 =	smul.u32 $0xFFFFFFD0, s4  }
0x3b4: {  	s1 =	ssub.s32 $0x0, s1;
	s5 =	sor.u32 s17, s5;
	s17 =	smul.u32 $0xFFFFFFD0, s14  }
0x3b5: {  	p5 =	sne.s32 s18, s1;
	s18 =	ssub.s32 $0xFFFFFFD1, s13  }
0x3b6: {  	p6 =	slt.s32 s16, $0x1;
	p1 =	sne.s32 s5, $0x1;
	p2 =	sne.s32 s17, s18  }
0x3b7: {  	s5 =	simm.s32 $0x1;
	p0 =	por !p5, !p1;
	p1 =	por !p6, !p2  }
0x3b8: {  	s1 =	simm.s32 $0x1;
	p0 =	por !p0, !p0;
	p1 =	por !p1, !p1  }
0x3b9: {  	s1 =	simm.s32 @!p0 $0x0;
	s5 =	simm.s32 @!p1 $0x0  }
0x3ba: {  	s4 =	ssub.s32 s4, s1;
	s14 =	ssub.s32 s14, s5  }
0x3bb: {  	p0 =	sge.s32 s4, s14  }
.Ltmp71:
0x3bc: {  	_ = 	snop;
	(pc) =	sbr.rel @p0 .LBB2_127-.Ltmp71, $2  }
0x3bd: {  	_ =	sdelay $0x2  }
0x3be: {  	v6 =	vimm.f32 $-Inf;
	v7 =	vimm.f32 $-Inf;
	v5 =	vimm.f32 $-Inf  }
0x3bf: {  	s1 =	smul.u32 $0xC0, s4;
	_ =	sdelay $0x1  }
0x3c0: {  	s5 =	smul.u32 $0x30, s4;
	s1 =	sshra.s32 s1, $0x2  }
0x3c1: {  	s4 =	sadd.s32 $0x1, s4;
	s1 =	sadd.s32 $0x10, s1  }
0x3c2: {  	v6 =	vmov s7;
	p1 =	slt.s32 s4, s14;
	s17 =	sadd.s32 s5, s8;
	v8 =	vld [tilespmem:s1+$0xFFFFFFF0]  }
.Ltmp72:
0x3c3: {  	v7 =	vmov s6;
	v5 =	vimm.f32 $-Inf;
	v10 =	vor.u32 s17, v1;
	s18 =	sadd.s32 $0x10, s17;
	s7 =	sadd.s32 $0x20, s17;
	(pc) =	sbr.rel @!p1 .LBB2_122-.Ltmp72, $4  }
0x3c4: {  	vm0 =	vlt.s32 v10, v7;
	v9 =	vor.u32 s18, v1;
	v11 =	vor.u32 s7, v1  }
0x3c5: {  	vm3 =	vge.s32 v10, v6;
	vm1 =	vge.s32 v9, v6;
	vm2 =	vlt.s32 v9, v7  }
0x3c6: {  	vm4 =	vge.s32 v11, v6;
	v9 =	vld [tilespmem:s1+$0x10];
	vm1 =	vmand vm1, vm2;
	vm2 =	vlt.s32 v11, v7  }
0x3c7: {  	p0 =	por $0x0, $0x0;
	s5 =	sadd.s32 $0x30, s5;
	s7 =	sadd.s32 $0x30, s1;
	vm3 =	vmand vm3, vm0;
	v11 =	vld [tilespmem:s1+$0x0];
	vm2 =	vmand vm4, vm2;
	v14 =	vmax.f32 v5, v8  }
0x3c8: {  	_ =	sdelay $0x1  }
0x3c9: {  	s1 =	sadd.s32 s5, s8  }
0x3ca: {  	s6 =	sadd.s32 $0x10, s1;
	v9 =	vmax.f32 v5, v9  }
0x3cb: {  	v13 =	vld [tilespmem:s7+$0xFFFFFFF0];
	v10 =	vsel vm2, v9, v5;
	v9 =	vor.u32 s6, v1;
	s6 =	sadd.s32 $0x1, s4  }
0x3cc: {  	v8 =	vsel vm3, v14, v5;
	p1 =	slt.s32 s6, s14  }
.Ltmp73:
0x3cd: {  	vm0 =	vmmov vm1;
	v14 =	vor.u32 s1, v1;
	s1 =	sadd.s32 $0x20, s1;
	v12 =	vmax.f32 v5, v11;
	(pc) =	sbr.rel @!p1 .LBB2_124-.Ltmp73, $4  }
0x3ce: {  	v11 =	vor.u32 s1, v1;
	vm1 =	vge.s32 v9, v6;
	vm3 =	vlt.s32 v9, v7;
	v9 =	vld [tilespmem:s7+$0x10]  }
0x3cf: {  	vm5 =	vge.s32 v14, v6;
	vm4 =	vge.s32 v11, v6;
	vm6 =	vlt.s32 v11, v7;
	v11 =	vld [tilespmem:s7+$0x0]  }
0x3d0: {  	vm2 =	vlt.s32 v14, v7;
	v14 =	vmax.f32 v8, v13;
	v13 =	vimm.f32 $-Inf  }
0x3d1: {  	p0 =	por $0x1, $0x1;
	s4 =	sadd.s32 $0x30, s5;
	s7 =	sadd.s32 $0x30, s7;
	vm1 =	vmand vm1, vm3;
	vm3 =	vmand vm5, vm2;
	vm2 =	vmand vm4, vm6  }
.LBB2_125:
0x3d2: {  	s6 =	sadd.s32 $0x1, s6;
	v8 =	vsel vm3, v14, v8  }
0x3d3: {  	s1 =	sadd.s32 s4, s8;
	v15 =	vld [tilespmem:s7+$0xFFFFFFF0];
	v14 =	vmax.f32 v10, v9;
	v13 =	vsel vm0, v12, v13;
	vm0 =	vmmov vm1;
	p1 =	slt.s32 s6, s14  }
.Ltmp74:
0x3d4: {  	v16 =	vor.u32 s1, v1;
	s5 =	sadd.s32 $0x10, s1;
	v9 =	vld [tilespmem:s7+$0x10];
	s1 =	sadd.s32 $0x20, s1;
	v12 =	vmax.f32 v13, v11;
	v10 =	vsel vm2, v14, v10;
	(pc) =	sbr.rel @p1 .LBB2_125-.Ltmp74, $4  }
0x3d5: {  	vm2 =	vlt.s32 v16, v7;
	v11 =	vld [tilespmem:s7+$0x0];
	v14 =	vor.u32 s5, v1;
	v17 =	vor.u32 s1, v1  }
0x3d6: {  	vm1 =	vge.s32 v14, v6;
	vm3 =	vlt.s32 v14, v7;
	vm4 =	vge.s32 v17, v6  }
0x3d7: {  	vm5 =	vge.s32 v16, v6;
	vm6 =	vlt.s32 v17, v7;
	vm1 =	vmand vm1, vm3  }
0x3d8: {  	s4 =	sadd.s32 $0x30, s4;
	s7 =	sadd.s32 $0x30, s7;
	vm3 =	vmand vm5, vm2;
	vm2 =	vmand vm4, vm6;
	v14 =	vmax.f32 v8, v15  }
.LBB2_126:
0x3d9: {  	v6 =	vsel @p0 vm0, v12, v13  }
0x3da: {  	v7 =	vpsel p0, v6, v5  }
0x3db: {  	vm15 =	vmmov vm1;
	v5 =	vmax.f32 v10, v9;
	v63 =	vmax.f32 v7, v11  }
0x3dc: {  	v6 =	vsel vm3, v14, v8;
	v5 =	vsel vm2, v5, v10;
	v7 =	vsel vm15, v63, v7  }
.LBB2_127:
0x3dd: {  	v8 =	vld [tilespmem:$0xFE00]  }
0x3de: {  	v10 =	vld [tilespmem:$0xFF00]  }
0x3df: {  	v9 =	vld [tilespmem:$0xFE80];
	_ =	sdelay $0x2  }
0x3e0: {  	v6 =	vmax.f32 v8, v6  }
0x3e1: {  	v5 =	vmax.f32 v10, v5;
	[tilespmem:$0xFE00] =	vst v6  }
0x3e2: {  	v6 =	vmax.f32 v9, v7;
	[tilespmem:$0xFF00] =	vst v5  }
0x3e3: {  	[tilespmem:$0xFE80] =	vst v6  }
.LBB2_128:
0x3e4: {  	p0 =	sgt.s32 s30, s3  }
0x3e5: {  	s7 =	smov.u32 s3;
	p1 =	slt.s32 s31, s15;
	s6 =	smov.u32 s15  }
0x3e6: {  	s7 =	smov.u32 @p0 s30;
	s6 =	smov.u32 @p1 s31  }
0x3e7: {  	p0 =	sge.s32 s7, s6  }
.Ltmp75:
0x3e8: {  	_ = 	snop;
	(pc) =	sbr.rel @p0 .LBB2_137-.Ltmp75, $1  }
0x3e9: {  	_ =	sdelay $0x3  }
0x3ea: {  	s1 =	ssub.s32 s7, s3  }
0x3eb: {  	s13 =	ssub.s32 s6, s3;
	s4 =	smulhi.u32 $0x2AAAAAAB, s1;
	s5 =	sshra.s32 s1, $0x1F  }
0x3ec: {  	s16 =	sadd.s32 $0x2F, s13;
	s14 =	smul.u32 $0x2AAAAAAB, s5  }
0x3ed: {  	s17 =	smulhi.u32 $0x2AAAAAAB, s16;
	s18 =	sshra.s32 s16, $0x1F  }
0x3ee: {  	s4 =	sadd.s32 s14, s4;
	s14 =	smul.u32 $0x2AAAAAAB, s18  }
0x3ef: {  	s18 =	sshrl.u32 s4, $0x1F;
	s4 =	sshra.s32 s4, $0x3  }
0x3f0: {  	p0 =	slt.s32 s3, s30;
	s4 =	sadd.s32 s18, s4;
	s14 =	sadd.s32 s14, s17  }
0x3f1: {  	s17 =	simm.s32 $0x1;
	s18 =	sshrl.u32 s14, $0x1F;
	s14 =	sshra.s32 s14, $0x3  }
0x3f2: {  	s17 =	simm.s32 @!p0 $0x0;
	s14 =	sadd.s32 s18, s14;
	s18 =	smul.u32 $0xFFFFFFD0, s4  }
0x3f3: {  	s1 =	ssub.s32 $0x0, s1;
	s5 =	sor.u32 s17, s5;
	s17 =	smul.u32 $0xFFFFFFD0, s14  }
0x3f4: {  	p5 =	sne.s32 s18, s1;
	s18 =	ssub.s32 $0xFFFFFFD1, s13  }
0x3f5: {  	p6 =	slt.s32 s16, $0x1;
	p1 =	sne.s32 s5, $0x1;
	p2 =	sne.s32 s17, s18  }
0x3f6: {  	s5 =	simm.s32 $0x1;
	p0 =	por !p5, !p1;
	p1 =	por !p6, !p2  }
0x3f7: {  	s1 =	simm.s32 $0x1;
	p0 =	por !p0, !p0;
	p1 =	por !p1, !p1  }
0x3f8: {  	s1 =	simm.s32 @!p0 $0x0;
	s5 =	simm.s32 @!p1 $0x0  }
0x3f9: {  	s4 =	ssub.s32 s4, s1;
	s14 =	ssub.s32 s14, s5  }
0x3fa: {  	p0 =	sge.s32 s4, s14  }
.Ltmp76:
0x3fb: {  	_ = 	snop;
	(pc) =	sbr.rel @p0 .LBB2_136-.Ltmp76, $2  }
0x3fc: {  	_ =	sdelay $0x2  }
0x3fd: {  	v6 =	vimm.f32 $-Inf;
	v7 =	vimm.f32 $-Inf;
	v5 =	vimm.f32 $-Inf  }
0x3fe: {  	s1 =	smul.u32 $0xC0, s4;
	_ =	sdelay $0x1  }
0x3ff: {  	s5 =	smul.u32 $0x30, s4;
	s1 =	sshra.s32 s1, $0x2  }
0x400: {  	s4 =	sadd.s32 $0x1, s4;
	s1 =	sadd.s32 $0x10, s1  }
0x401: {  	v6 =	vmov s7;
	p1 =	slt.s32 s4, s14;
	s17 =	sadd.s32 s5, s8;
	v8 =	vld [tilespmem:s1+$0xFFFFFFF0]  }
.Ltmp77:
0x402: {  	v7 =	vmov s6;
	v5 =	vimm.f32 $-Inf;
	v10 =	vor.u32 s17, v1;
	s18 =	sadd.s32 $0x10, s17;
	s7 =	sadd.s32 $0x20, s17;
	(pc) =	sbr.rel @!p1 .LBB2_131-.Ltmp77, $4  }
0x403: {  	vm0 =	vlt.s32 v10, v7;
	v9 =	vor.u32 s18, v1;
	v11 =	vor.u32 s7, v1  }
0x404: {  	vm3 =	vge.s32 v10, v6;
	vm1 =	vge.s32 v9, v6;
	vm2 =	vlt.s32 v9, v7  }
0x405: {  	vm4 =	vge.s32 v11, v6;
	v9 =	vld [tilespmem:s1+$0x10];
	vm1 =	vmand vm1, vm2;
	vm2 =	vlt.s32 v11, v7  }
0x406: {  	p0 =	por $0x0, $0x0;
	s5 =	sadd.s32 $0x30, s5;
	s7 =	sadd.s32 $0x30, s1;
	vm3 =	vmand vm3, vm0;
	v11 =	vld [tilespmem:s1+$0x0];
	vm2 =	vmand vm4, vm2;
	v14 =	vmax.f32 v5, v8  }
0x407: {  	_ =	sdelay $0x1  }
0x408: {  	s1 =	sadd.s32 s5, s8  }
0x409: {  	s6 =	sadd.s32 $0x10, s1;
	v9 =	vmax.f32 v5, v9  }
0x40a: {  	v13 =	vld [tilespmem:s7+$0xFFFFFFF0];
	v10 =	vsel vm2, v9, v5;
	v9 =	vor.u32 s6, v1;
	s6 =	sadd.s32 $0x1, s4  }
0x40b: {  	v8 =	vsel vm3, v14, v5;
	p1 =	slt.s32 s6, s14  }
.Ltmp78:
0x40c: {  	vm0 =	vmmov vm1;
	v14 =	vor.u32 s1, v1;
	s1 =	sadd.s32 $0x20, s1;
	v12 =	vmax.f32 v5, v11;
	(pc) =	sbr.rel @!p1 .LBB2_133-.Ltmp78, $4  }
0x40d: {  	v11 =	vor.u32 s1, v1;
	vm1 =	vge.s32 v9, v6;
	vm3 =	vlt.s32 v9, v7;
	v9 =	vld [tilespmem:s7+$0x10]  }
0x40e: {  	vm5 =	vge.s32 v14, v6;
	vm4 =	vge.s32 v11, v6;
	vm6 =	vlt.s32 v11, v7;
	v11 =	vld [tilespmem:s7+$0x0]  }
0x40f: {  	vm2 =	vlt.s32 v14, v7;
	v14 =	vmax.f32 v8, v13;
	v13 =	vimm.f32 $-Inf  }
0x410: {  	p0 =	por $0x1, $0x1;
	s4 =	sadd.s32 $0x30, s5;
	s7 =	sadd.s32 $0x30, s7;
	vm1 =	vmand vm1, vm3;
	vm3 =	vmand vm5, vm2;
	vm2 =	vmand vm4, vm6  }
.LBB2_134:
0x411: {  	s6 =	sadd.s32 $0x1, s6;
	v8 =	vsel vm3, v14, v8  }
0x412: {  	s1 =	sadd.s32 s4, s8;
	v15 =	vld [tilespmem:s7+$0xFFFFFFF0];
	v14 =	vmax.f32 v10, v9;
	v13 =	vsel vm0, v12, v13;
	vm0 =	vmmov vm1;
	p1 =	slt.s32 s6, s14  }
.Ltmp79:
0x413: {  	v16 =	vor.u32 s1, v1;
	s5 =	sadd.s32 $0x10, s1;
	v9 =	vld [tilespmem:s7+$0x10];
	s1 =	sadd.s32 $0x20, s1;
	v12 =	vmax.f32 v13, v11;
	v10 =	vsel vm2, v14, v10;
	(pc) =	sbr.rel @p1 .LBB2_134-.Ltmp79, $4  }
0x414: {  	vm2 =	vlt.s32 v16, v7;
	v11 =	vld [tilespmem:s7+$0x0];
	v14 =	vor.u32 s5, v1;
	v17 =	vor.u32 s1, v1  }
0x415: {  	vm1 =	vge.s32 v14, v6;
	vm3 =	vlt.s32 v14, v7;
	vm4 =	vge.s32 v17, v6  }
0x416: {  	vm5 =	vge.s32 v16, v6;
	vm6 =	vlt.s32 v17, v7;
	vm1 =	vmand vm1, vm3  }
0x417: {  	s4 =	sadd.s32 $0x30, s4;
	s7 =	sadd.s32 $0x30, s7;
	vm3 =	vmand vm5, vm2;
	vm2 =	vmand vm4, vm6;
	v14 =	vmax.f32 v8, v15  }
.LBB2_135:
0x418: {  	v6 =	vsel @p0 vm0, v12, v13  }
0x419: {  	v7 =	vpsel p0, v6, v5  }
0x41a: {  	vm15 =	vmmov vm1;
	v5 =	vmax.f32 v10, v9;
	v63 =	vmax.f32 v7, v11  }
0x41b: {  	v6 =	vsel vm3, v14, v8;
	v5 =	vsel vm2, v5, v10;
	v7 =	vsel vm15, v63, v7  }
.LBB2_136:
0x41c: {  	v8 =	vld [tilespmem:$0xFF80]  }
0x41d: {  	v10 =	vld [tilespmem:$0x10080]  }
0x41e: {  	v9 =	vld [tilespmem:$0x10000];
	_ =	sdelay $0x2  }
0x41f: {  	v6 =	vmax.f32 v8, v6  }
0x420: {  	v5 =	vmax.f32 v10, v5;
	[tilespmem:$0xFF80] =	vst v6  }
0x421: {  	v6 =	vmax.f32 v9, v7;
	[tilespmem:$0x10080] =	vst v5  }
0x422: {  	[tilespmem:$0x10000] =	vst v6  }
.LBB2_137:
0x423: {  	s1 =	rddreg [dreg:$0xc]  }
0x424: {  	p0 =	sgt.s32 s31, s3;
	s6 =	smov.u32 s3;
	p1 =	slt.s32 s1, s15  }
0x425: {  	s6 =	smov.u32 @p0 s31;
	s15 =	smov.u32 @p1 s1  }
0x426: {  	p0 =	sge.s32 s6, s15  }
.Ltmp80:
0x427: {  	_ = 	snop;
	(pc) =	sbr.rel @p0 .LBB2_146-.Ltmp80, $1  }
0x428: {  	_ =	sdelay $0x3  }
0x429: {  	s1 =	ssub.s32 s6, s3  }
0x42a: {  	s7 =	ssub.s32 s15, s3;
	s4 =	smulhi.u32 $0x2AAAAAAB, s1;
	s5 =	sshra.s32 s1, $0x1F  }
0x42b: {  	s14 =	sadd.s32 $0x2F, s7;
	s13 =	smul.u32 $0x2AAAAAAB, s5  }
0x42c: {  	s16 =	smulhi.u32 $0x2AAAAAAB, s14;
	s17 =	sshra.s32 s14, $0x1F  }
0x42d: {  	s4 =	sadd.s32 s13, s4;
	s13 =	smul.u32 $0x2AAAAAAB, s17  }
0x42e: {  	p0 =	slt.s32 s3, s31  }
0x42f: {  	s18 =	sshrl.u32 s4, $0x1F;
	s4 =	sshra.s32 s4, $0x3;
	s17 =	sadd.s32 s13, s16  }
0x430: {  	s4 =	sadd.s32 s18, s4;
	s16 =	sshrl.u32 s17, $0x1F;
	s3 =	sshra.s32 s17, $0x3  }
0x431: {  	s13 =	simm.s32 $0x1;
	s18 =	smul.u32 $0xFFFFFFD0, s4;
	s16 =	sadd.s32 s16, s3  }
0x432: {  	s1 =	ssub.s32 $0x0, s1;
	s13 =	simm.s32 @!p0 $0x0;
	s17 =	smul.u32 $0xFFFFFFD0, s16  }
0x433: {  	s5 =	sor.u32 s13, s5;
	p5 =	sne.s32 s18, s1;
	s18 =	ssub.s32 $0xFFFFFFD1, s7  }
0x434: {  	p6 =	slt.s32 s14, $0x1;
	p1 =	sne.s32 s5, $0x1;
	p2 =	sne.s32 s17, s18  }
0x435: {  	s1 =	simm.s32 $0x1;
	p0 =	por !p5, !p1;
	p1 =	por !p6, !p2  }
0x436: {  	s5 =	simm.s32 $0x1;
	p0 =	por !p0, !p0;
	p1 =	por !p1, !p1  }
0x437: {  	s1 =	simm.s32 @!p0 $0x0;
	s5 =	simm.s32 @!p1 $0x0  }
0x438: {  	s3 =	ssub.s32 s4, s1;
	s7 =	ssub.s32 s16, s5  }
0x439: {  	p0 =	sge.s32 s3, s7  }
.Ltmp81:
0x43a: {  	_ = 	snop;
	(pc) =	sbr.rel @p0 .LBB2_145-.Ltmp81, $2  }
0x43b: {  	_ =	sdelay $0x2  }
0x43c: {  	v6 =	vimm.f32 $-Inf;
	v7 =	vimm.f32 $-Inf;
	v5 =	vimm.f32 $-Inf  }
0x43d: {  	s1 =	smul.u32 $0xC0, s3  }
0x43e: {  	s4 =	smul.u32 $0x30, s3  }
0x43f: {  	s1 =	sshra.s32 s1, $0x2  }
0x440: {  	s3 =	sadd.s32 $0x1, s3;
	s5 =	sadd.s32 s4, s8;
	s1 =	sadd.s32 $0x10, s1  }
0x441: {  	v6 =	vmov s6;
	p1 =	slt.s32 s3, s7;
	s18 =	sadd.s32 $0x10, s5;
	v8 =	vld [tilespmem:s1+$0xFFFFFFF0]  }
.Ltmp82:
0x442: {  	v7 =	vmov s15;
	v10 =	vor.u32 s5, v1;
	s5 =	sadd.s32 $0x20, s5;
	v9 =	vor.u32 s18, v1;
	(pc) =	sbr.rel @!p1 .LBB2_140-.Ltmp82, $4  }
0x443: {  	v11 =	vor.u32 s5, v1;
	vm1 =	vge.s32 v9, v6;
	vm2 =	vlt.s32 v9, v7;
	v9 =	vld [tilespmem:s1+$0x10]  }
0x444: {  	vm4 =	vge.s32 v11, v6;
	vm1 =	vmand vm1, vm2;
	vm2 =	vlt.s32 v11, v7;
	v11 =	vld [tilespmem:s1+$0x0]  }
0x445: {  	v5 =	vimm.f32 $-Inf;
	vm0 =	vlt.s32 v10, v7;
	vm3 =	vge.s32 v10, v6  }
0x446: {  	p0 =	por $0x0, $0x0;
	s4 =	sadd.s32 $0x30, s4;
	s5 =	sadd.s32 $0x30, s1;
	vm3 =	vmand vm3, vm0;
	vm2 =	vmand vm4, vm2;
	v14 =	vmax.f32 v5, v8  }
0x447: {  	_ = 	snop  }
0x448: {  	s1 =	sadd.s32 s4, s8;
	v8 =	vsel vm3, v14, v5;
	vm0 =	vmmov vm1;
	s3 =	sadd.s32 $0x1, s3  }
0x449: {  	v13 =	vld [tilespmem:s5+$0xFFFFFFF0];
	v9 =	vmax.f32 v5, v9;
	v14 =	vor.u32 s1, v1;
	s6 =	sadd.s32 $0x10, s1;
	p1 =	slt.s32 s3, s7;
	v12 =	vmax.f32 v5, v11  }
.Ltmp83:
0x44a: {  	s1 =	sadd.s32 $0x20, s1;
	v10 =	vsel vm2, v9, v5;
	v9 =	vor.u32 s6, v1;
	vm2 =	vlt.s32 v14, v7;
	(pc) =	sbr.rel @!p1 .LBB2_142-.Ltmp83, $4  }
0x44b: {  	v11 =	vor.u32 s1, v1;
	vm1 =	vge.s32 v9, v6;
	vm3 =	vlt.s32 v9, v7;
	v9 =	vld [tilespmem:s5+$0x10]  }
0x44c: {  	vm5 =	vge.s32 v14, v6;
	vm4 =	vge.s32 v11, v6;
	vm6 =	vlt.s32 v11, v7;
	v11 =	vld [tilespmem:s5+$0x0]  }
0x44d: {  	vm1 =	vmand vm1, vm3;
	vm3 =	vmand vm5, vm2  }
0x44e: {  	s4 =	sadd.s32 $0x30, s4;
	p0 =	por $0x1, $0x1;
	s6 =	sadd.s32 $0x30, s5;
	vm2 =	vmand vm4, vm6;
	v14 =	vmax.f32 v8, v13;
	v13 =	vimm.f32 $-Inf  }
.LBB2_143:
0x44f: {  	s3 =	sadd.s32 $0x1, s3;
	v8 =	vsel vm3, v14, v8  }
0x450: {  	s1 =	sadd.s32 s4, s8;
	v15 =	vld [tilespmem:s6+$0xFFFFFFF0];
	v14 =	vmax.f32 v10, v9;
	v13 =	vsel vm0, v12, v13;
	vm0 =	vmmov vm1;
	p1 =	slt.s32 s3, s7  }
.Ltmp84:
0x451: {  	v16 =	vor.u32 s1, v1;
	s5 =	sadd.s32 $0x10, s1;
	v9 =	vld [tilespmem:s6+$0x10];
	s1 =	sadd.s32 $0x20, s1;
	v12 =	vmax.f32 v13, v11;
	v10 =	vsel vm2, v14, v10;
	(pc) =	sbr.rel @p1 .LBB2_143-.Ltmp84, $4  }
0x452: {  	vm2 =	vlt.s32 v16, v7;
	v11 =	vld [tilespmem:s6+$0x0];
	v14 =	vor.u32 s5, v1;
	v17 =	vor.u32 s1, v1  }
0x453: {  	vm1 =	vge.s32 v14, v6;
	vm3 =	vlt.s32 v14, v7;
	vm4 =	vge.s32 v17, v6  }
0x454: {  	vm5 =	vge.s32 v16, v6;
	vm6 =	vlt.s32 v17, v7;
	vm1 =	vmand vm1, vm3  }
0x455: {  	s4 =	sadd.s32 $0x30, s4;
	s6 =	sadd.s32 $0x30, s6;
	vm3 =	vmand vm5, vm2;
	vm2 =	vmand vm4, vm6;
	v14 =	vmax.f32 v8, v15  }
.Ltmp85:
0x456: {  	_ = 	snop;
	(pc) =	sbr.rel .LBB2_144-.Ltmp85, $1  }
0x457: {  	_ =	sdelay $0x3  }
.LBB2_14:
.Ltmp86:
0x458: {  	(pc) =	sbr.rel .LBB2_18-.Ltmp86, $2  }
0x459: {  	_ =	sdelay $0x2  }
0x45a: {  	v8 =	vimm.f32 $-Inf;
	v10 =	vimm.f32 $-Inf;
	v13 =	vimm.f32 $-Inf  }
.LBB2_23:
.Ltmp87:
0x45b: {  	(pc) =	sbr.rel .LBB2_27-.Ltmp87, $2  }
0x45c: {  	_ =	sdelay $0x2  }
0x45d: {  	v8 =	vimm.f32 $-Inf;
	v10 =	vimm.f32 $-Inf;
	v13 =	vimm.f32 $-Inf  }
.LBB2_32:
.Ltmp88:
0x45e: {  	(pc) =	sbr.rel .LBB2_36-.Ltmp88, $2  }
0x45f: {  	_ =	sdelay $0x2  }
0x460: {  	v8 =	vimm.f32 $-Inf;
	v10 =	vimm.f32 $-Inf;
	v13 =	vimm.f32 $-Inf  }
.LBB2_41:
.Ltmp89:
0x461: {  	(pc) =	sbr.rel .LBB2_45-.Ltmp89, $2  }
0x462: {  	_ =	sdelay $0x2  }
0x463: {  	v8 =	vimm.f32 $-Inf;
	v10 =	vimm.f32 $-Inf;
	v13 =	vimm.f32 $-Inf  }
.LBB2_50:
.Ltmp90:
0x464: {  	(pc) =	sbr.rel .LBB2_54-.Ltmp90, $2  }
0x465: {  	_ =	sdelay $0x2  }
0x466: {  	v8 =	vimm.f32 $-Inf;
	v10 =	vimm.f32 $-Inf;
	v13 =	vimm.f32 $-Inf  }
.LBB2_59:
.Ltmp91:
0x467: {  	(pc) =	sbr.rel .LBB2_63-.Ltmp91, $2  }
0x468: {  	_ =	sdelay $0x2  }
0x469: {  	v8 =	vimm.f32 $-Inf;
	v10 =	vimm.f32 $-Inf;
	v13 =	vimm.f32 $-Inf  }
.LBB2_68:
.Ltmp92:
0x46a: {  	(pc) =	sbr.rel .LBB2_72-.Ltmp92, $2  }
0x46b: {  	_ =	sdelay $0x2  }
0x46c: {  	v8 =	vimm.f32 $-Inf;
	v10 =	vimm.f32 $-Inf;
	v13 =	vimm.f32 $-Inf  }
.LBB2_77:
.Ltmp93:
0x46d: {  	(pc) =	sbr.rel .LBB2_81-.Ltmp93, $2  }
0x46e: {  	_ =	sdelay $0x2  }
0x46f: {  	v8 =	vimm.f32 $-Inf;
	v10 =	vimm.f32 $-Inf;
	v13 =	vimm.f32 $-Inf  }
.LBB2_86:
.Ltmp94:
0x470: {  	(pc) =	sbr.rel .LBB2_90-.Ltmp94, $2  }
0x471: {  	_ =	sdelay $0x2  }
0x472: {  	v8 =	vimm.f32 $-Inf;
	v10 =	vimm.f32 $-Inf;
	v13 =	vimm.f32 $-Inf  }
.LBB2_95:
.Ltmp95:
0x473: {  	(pc) =	sbr.rel .LBB2_99-.Ltmp95, $2  }
0x474: {  	_ =	sdelay $0x2  }
0x475: {  	v8 =	vimm.f32 $-Inf;
	v10 =	vimm.f32 $-Inf;
	v13 =	vimm.f32 $-Inf  }
.LBB2_104:
.Ltmp96:
0x476: {  	(pc) =	sbr.rel .LBB2_108-.Ltmp96, $2  }
0x477: {  	_ =	sdelay $0x2  }
0x478: {  	v8 =	vimm.f32 $-Inf;
	v10 =	vimm.f32 $-Inf;
	v13 =	vimm.f32 $-Inf  }
.LBB2_113:
.Ltmp97:
0x479: {  	(pc) =	sbr.rel .LBB2_117-.Ltmp97, $2  }
0x47a: {  	_ =	sdelay $0x2  }
0x47b: {  	v8 =	vimm.f32 $-Inf;
	v10 =	vimm.f32 $-Inf;
	v13 =	vimm.f32 $-Inf  }
.LBB2_122:
.Ltmp98:
0x47c: {  	(pc) =	sbr.rel .LBB2_126-.Ltmp98, $2  }
0x47d: {  	_ =	sdelay $0x2  }
0x47e: {  	v8 =	vimm.f32 $-Inf;
	v10 =	vimm.f32 $-Inf;
	v13 =	vimm.f32 $-Inf  }
.LBB2_131:
.Ltmp99:
0x47f: {  	(pc) =	sbr.rel .LBB2_135-.Ltmp99, $2  }
0x480: {  	_ =	sdelay $0x2  }
0x481: {  	v8 =	vimm.f32 $-Inf;
	v10 =	vimm.f32 $-Inf;
	v13 =	vimm.f32 $-Inf  }
.LBB2_16:
.Ltmp100:
0x482: {  	(pc) =	sbr.rel .LBB2_18-.Ltmp100, $2  }
0x483: {  	_ =	sdelay $0x2  }
0x484: {  	v13 =	vimm.f32 $-Inf  }
.LBB2_25:
.Ltmp101:
0x485: {  	(pc) =	sbr.rel .LBB2_27-.Ltmp101, $2  }
0x486: {  	_ =	sdelay $0x2  }
0x487: {  	v13 =	vimm.f32 $-Inf  }
.LBB2_34:
.Ltmp102:
0x488: {  	(pc) =	sbr.rel .LBB2_36-.Ltmp102, $2  }
0x489: {  	_ =	sdelay $0x2  }
0x48a: {  	v13 =	vimm.f32 $-Inf  }
.LBB2_43:
.Ltmp103:
0x48b: {  	(pc) =	sbr.rel .LBB2_45-.Ltmp103, $2  }
0x48c: {  	_ =	sdelay $0x2  }
0x48d: {  	v13 =	vimm.f32 $-Inf  }
.LBB2_52:
.Ltmp104:
0x48e: {  	(pc) =	sbr.rel .LBB2_54-.Ltmp104, $2  }
0x48f: {  	_ =	sdelay $0x2  }
0x490: {  	v13 =	vimm.f32 $-Inf  }
.LBB2_61:
.Ltmp105:
0x491: {  	(pc) =	sbr.rel .LBB2_63-.Ltmp105, $2  }
0x492: {  	_ =	sdelay $0x2  }
0x493: {  	v13 =	vimm.f32 $-Inf  }
.LBB2_70:
.Ltmp106:
0x494: {  	(pc) =	sbr.rel .LBB2_72-.Ltmp106, $2  }
0x495: {  	_ =	sdelay $0x2  }
0x496: {  	v13 =	vimm.f32 $-Inf  }
.LBB2_79:
.Ltmp107:
0x497: {  	(pc) =	sbr.rel .LBB2_81-.Ltmp107, $2  }
0x498: {  	_ =	sdelay $0x2  }
0x499: {  	v13 =	vimm.f32 $-Inf  }
.LBB2_88:
.Ltmp108:
0x49a: {  	(pc) =	sbr.rel .LBB2_90-.Ltmp108, $2  }
0x49b: {  	_ =	sdelay $0x2  }
0x49c: {  	v13 =	vimm.f32 $-Inf  }
.LBB2_97:
.Ltmp109:
0x49d: {  	(pc) =	sbr.rel .LBB2_99-.Ltmp109, $2  }
0x49e: {  	_ =	sdelay $0x2  }
0x49f: {  	v13 =	vimm.f32 $-Inf  }
.LBB2_106:
.Ltmp110:
0x4a0: {  	(pc) =	sbr.rel .LBB2_108-.Ltmp110, $2  }
0x4a1: {  	_ =	sdelay $0x2  }
0x4a2: {  	v13 =	vimm.f32 $-Inf  }
.LBB2_115:
.Ltmp111:
0x4a3: {  	(pc) =	sbr.rel .LBB2_117-.Ltmp111, $2  }
0x4a4: {  	_ =	sdelay $0x2  }
0x4a5: {  	v13 =	vimm.f32 $-Inf  }
.LBB2_124:
.Ltmp112:
0x4a6: {  	(pc) =	sbr.rel .LBB2_126-.Ltmp112, $2  }
0x4a7: {  	_ =	sdelay $0x2  }
0x4a8: {  	v13 =	vimm.f32 $-Inf  }
.LBB2_133:
.Ltmp113:
0x4a9: {  	(pc) =	sbr.rel .LBB2_135-.Ltmp113, $2  }
0x4aa: {  	_ =	sdelay $0x2  }
0x4ab: {  	v13 =	vimm.f32 $-Inf  }
.LBB2_142:
.Ltmp114:
0x4ac: {  	(pc) =	sbr.rel .LBB2_144-.Ltmp114, $2  }
0x4ad: {  	_ =	sdelay $0x2  }
0x4ae: {  	v13 =	vimm.f32 $-Inf  }
.LBB2_148:
0x4af: {  	_ =	sfence.sel $0x180000  }
0x4b0: {  	[bflag:$0x0] =	sbarrier.arrive $0xFFFF  }
0x4b1: {  	_ =	strace $0x90000047  }
0x4b2: {  	s0 =	stileid.u32;
	[bflag:$0x2] =	sbarrier.arrive $0xFFFF  }
0x4b3: {  	p0 =	sne.s32 s0, $0x0;
	s0 =	rddreg [dreg:$0x2]  }
0x4b4: {  	s0 =	sadd.s32 @!p0 $0x100000, s0  }
0x4b5: {  	[sflag:s0] =	ssyncadd.tile.s32 @!p0 $0x1;
	_ =	shalt  }
.Lfunc_end2:
_tile_overlayer_lowered:
.L_overlay_start_2:
0x4b6: {  	(tag) =	ssettag $0x2  }
0x4b7: {  	s0 =	rddreg [dreg:$0x0];
	s2 =	stileid.u32  }
0x4b8: {  	s1 =	rddreg [dreg:$0x1];
	p0 =	sne.s32 s2, $0x0  }
0x4b9: {  	s3 =	rddreg [dreg:$0x2];
	[bflag:$0x3] =	sbarrier.arrive $0xFFFF;
	s2 =	simm.s32 @!p0 $0x1C02  }
0x4ba: {  	[timem:s3], [sflag:s2] =	dma.local @!p0 [hbm:s0], s1  }
0x4bb: {  	s0 =	simm.s32 @!p0 $0x2  }
0x4bc: {  	_ =	swait.ge @!p0 [sflag:s0], s1  }
0x4bd: {  	s1 =	ssub.s32 @!p0 $0x0, s1;
	[sflag:s0] =	ssyncset.done @!p0 $0x0  }
0x4be: {  	[sflag:s0] =	ssyncadd.s32 @!p0 s1  }
0x4bf: {  	[bflag:$0x3] =	sbarrier.arrive $0xFFFF  }
0x4c0: {  	_ =	shalt  }

</sc_bundles>
